<compile_context>
chip_gen: v7x
topology: tpu7x:2x2x1
jax: 0.10.2.dev20260603
libtpu: 0.0.44.dev20260713+nightly
codegen_flags: <defaults>
</compile_context>

<pallas_src>
import functools

import jax
import jax.numpy as jnp
from jax import lax
from jax.experimental import pallas as pl
from jax.experimental.pallas import tpu as pltpu
from jax.experimental.pallas import tpu_sc as plsc

_N_HIDDEN = 16
_N_SRC = 26
_N_OBS = 100000
_BATCH = 4096
_L = 16
_NC = 2
_NS = 16
_NW = _NC * _NS
_S_PER_W = _N_SRC // 2
_BATCH_VECS = _BATCH // _L

_NCH = 5
_CHUNK = 9984
_HALF = _NCH * _CHUNK
_TAIL = _N_OBS - 2 * _HALF
_TAIL_PAD = 256
_B_LEN = _HALF + _TAIL_PAD
_CHUNK_VECS = _CHUNK // _L
_TAIL_VECS = _TAIL_PAD // _L
_K = 24
_SE_ITERS = _CHUNK_VECS // _K


def _sc_body(o_t_hbm, emis_hbm, tail_hbm, acc_hbm, se_hbm, idx_v, row_a,
             row_b, acc_v, se_v, sem_idx, *sems):
    sems_a = sems[:_NCH]
    sems_b = sems[_NCH:2 * _NCH]
    sem_tail = sems[2 * _NCH]
    wid = lax.axis_index("s") * _NC + lax.axis_index("c")
    h = wid % _N_HIDDEN
    grp = wid // _N_HIDDEN
    zero = jnp.zeros((_L,), jnp.float32)

    def _half_a_copies(s):
        return [
            pltpu.make_async_copy(
                emis_hbm.at[s, h, pl.ds(c * _CHUNK, _CHUNK)],
                row_a.at[pl.ds(c * _CHUNK, _CHUNK)],
                sems_a[c],
            )
            for c in range(_NCH)
        ]

    def _half_b_copies(s):
        cps = [
            pltpu.make_async_copy(
                emis_hbm.at[s, h, pl.ds(_HALF + c * _CHUNK, _CHUNK)],
                row_b.at[pl.ds(c * _CHUNK, _CHUNK)],
                sems_b[c],
            )
            for c in range(_NCH)
        ]
        cps.append(
            pltpu.make_async_copy(
                tail_hbm.at[s, h],
                row_b.at[pl.ds(_HALF, _TAIL_PAD)],
                sem_tail,
            )
        )
        return cps

    def _idx_copy(s):
        return pltpu.make_async_copy(o_t_hbm.at[s], idx_v, sem_idx)

    @plsc.parallel_loop(0, _BATCH_VECS, unroll=8)
    def _zero(i):
        acc_v[pl.ds(i * _L, _L)] = zero

    s0 = grp * _S_PER_W
    for cp in _half_a_copies(s0):
        cp.start()
    for cp in _half_b_copies(s0):
        cp.start()
    _idx_copy(s0).start()

    def _sum_exp(row_v, c, se_parts):
        base = c * _CHUNK_VECS

        @plsc.parallel_loop(0, _SE_ITERS, carry=(zero,) * _K)
        def _se(i, accs, base=base):
            off = (base + i * _K) * _L
            return tuple(
                a + jnp.exp(row_v[pl.ds(off + k * _L, _L)])
                for k, a in enumerate(accs)
            )

        se_parts.extend(_se)

    def _task(t, c0):
        s = grp * _S_PER_W + t
        s_next = s + 1
        se_parts = []

        cps_a = _half_a_copies(s)
        for c in range(_NCH):
            cps_a[c].wait()
            _sum_exp(row_a, c, se_parts)

        _idx_copy(s).wait()

        @plsc.parallel_loop(0, _BATCH_VECS, unroll=8)
        def _gather_a(i):
            idx16 = idx_v[pl.ds(i * _L, _L)]
            in_a = idx16 < _HALF
            g = plsc.load_gather(row_a, [idx16], mask=in_a)
            acc_v[pl.ds(i * _L, _L)] = acc_v[pl.ds(i * _L, _L)] + jnp.where(
                in_a, g, 0.0
            )

        @pl.when(t + 1 < _S_PER_W)
        def _():
            for cp in _half_a_copies(s_next):
                cp.start()

        cps_b = _half_b_copies(s)
        for c in range(_NCH):
            cps_b[c].wait()
            _sum_exp(row_b, c, se_parts)

        cps_b[_NCH].wait()
        tail_base = _NCH * _CHUNK_VECS

        @plsc.parallel_loop(0, _TAIL_VECS, carry=zero)
        def _se_tail(i, a):
            return a + jnp.exp(row_b[pl.ds((tail_base + i) * _L, _L)])

        se_parts.append(_se_tail)

        @plsc.parallel_loop(0, _BATCH_VECS, unroll=8)
        def _gather_b(i):
            idx16 = idx_v[pl.ds(i * _L, _L)]
            in_b = idx16 >= _HALF
            g = plsc.load_gather(row_b, [idx16 - _HALF], mask=in_b)
            acc_v[pl.ds(i * _L, _L)] = acc_v[pl.ds(i * _L, _L)] + jnp.where(
                in_b, g, 0.0
            )

        @pl.when(t + 1 < _S_PER_W)
        def _():
            for cp in _half_b_copies(s_next):
                cp.start()
            _idx_copy(s_next).start()

        tot = se_parts[0]
        for p in se_parts[1:]:
            tot = tot + p
        se_v[pl.ds(t * _L, _L)] = tot

        return c0

    lax.fori_loop(0, _S_PER_W, _task, 0)

    pltpu.sync_copy(acc_v, acc_hbm.at[wid])
    pltpu.sync_copy(se_v, se_hbm.at[wid])


@functools.partial(
    pl.kernel,
    out_type=[
        jax.ShapeDtypeStruct((_NW, _BATCH), jnp.float32),
        jax.ShapeDtypeStruct((_NW, _S_PER_W * _L), jnp.float32),
    ],
    mesh=plsc.VectorSubcoreMesh(core_axis_name="c", subcore_axis_name="s"),
    compiler_params=pltpu.CompilerParams(needs_layout_passes=False),
    scratch_types=[
        pltpu.VMEM((_BATCH,), jnp.int32),
        pltpu.VMEM((_HALF,), jnp.float32),
        pltpu.VMEM((_B_LEN,), jnp.float32),
        pltpu.VMEM((_BATCH,), jnp.float32),
        pltpu.VMEM((_S_PER_W * _L,), jnp.float32),
    ] + [pltpu.SemaphoreType.DMA] * (2 * _NCH + 2),
)
def _emission_sc(*refs):
    _sc_body(*refs)


@jax.jit
def kernel(o_t, unnormalized_emis):
    o_tT = o_t.T
    tail = jnp.pad(
        unnormalized_emis[:, :, 2 * _HALF:],
        ((0, 0), (0, 0), (0, _TAIL_PAD - _TAIL)),
        constant_values=-1e30,
    )
    acc, se = _emission_sc(o_tT, unnormalized_emis, tail)
    acc_bh = (acc[:_N_HIDDEN] + acc[_N_HIDDEN:]).T
    sumexp = se.reshape(2, _N_HIDDEN, _S_PER_W, _L).sum(-1)
    lse_sum = jnp.log(sumexp).sum(axis=(0, 2))
    return (acc_bh - lse_sum[None, :]) / _N_SRC

# --- scband reference (transcript-rebuilt; emitter-appended) ---
"""Pipeline reference for scband-neural-emission-8186207666598 (READ-ONLY COPY).

The authoritative reference and input builder live on the scoring server;
editing this copy changes nothing except your own understanding.
"""

import jax, jax.numpy as jnp
import numpy as np

N_HIDDEN = 16
N_SRC = 26
N_OBS = 100000
BATCH = 4096


def setup_inputs(seed: int = 0) -> dict:
    key = jax.random.key(seed)
    k1, k2 = jax.random.split(key)
    o_t = jax.random.randint(k1, (BATCH, N_SRC), 0, N_OBS, dtype=jnp.int32)
    unnormalized_emis = jax.random.normal(k2, (N_SRC, N_HIDDEN, N_OBS), dtype=jnp.float32)
    return {"o_t": o_t, "unnormalized_emis": unnormalized_emis}


def reference(o_t, unnormalized_emis):
    # log-softmax over observation (vocab) dim: (n_src, n_hidden, n_obs)
    emission_matrices = jax.nn.log_softmax(unnormalized_emis, axis=-1)
    # o_t: (batch, n_src) -> cols: (n_src, batch)
    cols = o_t.T
    # per-src gather along vocab axis: emission_matrices[i, :, cols[i, :]] for each i
    # -> (n_src, n_hidden, batch)
    gathered = jnp.take_along_axis(emission_matrices, cols[:, None, :], axis=2)
    # permute to (batch, n_src, n_hidden) then mean over n_src -> (batch, n_hidden)
    out = jnp.transpose(gathered, (2, 0, 1)).mean(axis=1)
    return out

if __name__ == "__main__":
    import jax
    _d = setup_inputs()
    print(jax.jit(kernel)(*tuple(_d.values())))

</pallas_src>

<mosaic_0001>
#map = affine_map<(d0, d1) -> (0, 0)>
#map1 = affine_map<(d0, d1) -> (0, 0, 0)>
module attributes {stable_mosaic.version = 14 : i64} {
  func.func @_emission_sc(%arg0: i32, %arg1: i32, %arg2: memref<26x4096xi32, #tpu.memory_space<hbm>>, %arg3: memref<26x16x100000xf32, #tpu.memory_space<hbm>>, %arg4: memref<26x16x256xf32, #tpu.memory_space<hbm>>, %arg5: memref<32x4096xf32, #tpu.memory_space<hbm>>, %arg6: memref<32x208xf32, #tpu.memory_space<hbm>>, %arg7: memref<4096xi32, #tpu.memory_space<vmem>>, %arg8: memref<49920xf32, #tpu.memory_space<vmem>>, %arg9: memref<50176xf32, #tpu.memory_space<vmem>>, %arg10: memref<4096xf32, #tpu.memory_space<vmem>>, %arg11: memref<208xf32, #tpu.memory_space<vmem>>, %arg12: memref<!tpu.dma_semaphore, #tpu.memory_space<semaphore_mem>>, %arg13: memref<!tpu.dma_semaphore, #tpu.memory_space<semaphore_mem>>, %arg14: memref<!tpu.dma_semaphore, #tpu.memory_space<semaphore_mem>>, %arg15: memref<!tpu.dma_semaphore, #tpu.memory_space<semaphore_mem>>, %arg16: memref<!tpu.dma_semaphore, #tpu.memory_space<semaphore_mem>>, %arg17: memref<!tpu.dma_semaphore, #tpu.memory_space<semaphore_mem>>, %arg18: memref<!tpu.dma_semaphore, #tpu.memory_space<semaphore_mem>>, %arg19: memref<!tpu.dma_semaphore, #tpu.memory_space<semaphore_mem>>, %arg20: memref<!tpu.dma_semaphore, #tpu.memory_space<semaphore_mem>>, %arg21: memref<!tpu.dma_semaphore, #tpu.memory_space<semaphore_mem>>, %arg22: memref<!tpu.dma_semaphore, #tpu.memory_space<semaphore_mem>>, %arg23: memref<!tpu.dma_semaphore, #tpu.memory_space<semaphore_mem>>) attributes {dimension_semantics = [#tpu.dimension_semantics<core_parallel>, #tpu.dimension_semantics<subcore_parallel>], iteration_bounds = array<i64: 2, 16>, scalar_prefetch = 0 : i64, scratch_operands = 17 : i64, tpu.core_type = #tpu.core_type<sc_vector_subcore>, window_params = [{transform_indices = #map}, {transform_indices = #map1}, {transform_indices = #map1}, {transform_indices = #map}, {transform_indices = #map}]} {
    %mul3A = arith.constant 2 : i32
    %mul3A_0 = arith.muli %arg1, %mul3A : i32
    %add3A = arith.addi %mul3A_0, %arg0 : i32
    %jit3A = arith.constant 16 : i32
    %eq3A = arith.constant 0 : i32
    %eq3A_1 = arith.cmpi eq, %jit3A, %eq3A : i32
    %jit3A_2 = arith.constant 1 : i32
    %select_n3A = arith.select %eq3A_1, %jit3A_2, %jit3A : i32
    %rem3A = arith.remsi %add3A, %select_n3A : i32
    %ne3A = arith.constant 0 : i32
    %ne3A_3 = arith.cmpi ne, %rem3A, %ne3A : i32
    %lt3A = arith.constant 0 : i32
    %lt3A_4 = arith.cmpi slt, %rem3A, %lt3A : i32
    %lt3A_5 = arith.constant 0 : i32
    %lt3A_6 = arith.cmpi slt, %select_n3A, %lt3A_5 : i32
    %ne3A_7 = arith.xori %lt3A_4, %lt3A_6 : i1
    %and3A = arith.andi %ne3A_7, %ne3A_3 : i1
    %add3A_8 = arith.addi %rem3A, %select_n3A : i32
    %select_n3A_9 = arith.select %and3A, %add3A_8, %rem3A : i32
    %jit3A_10 = arith.constant 16 : i32
    %div3A = arith.divsi %add3A, %jit3A_10 : i32
    %sign3A = arith.constant 0 : i32
    %sign3A_11 = arith.cmpi sgt, %add3A, %sign3A : i32
    %sign3A_12 = arith.extui %sign3A_11 : i1 to i32
    %sign3A_13 = arith.constant 0 : i32
    %sign3A_14 = arith.cmpi slt, %add3A, %sign3A_13 : i32
    %sign3A_15 = arith.extui %sign3A_14 : i1 to i32
    %sign3A_16 = arith.subi %sign3A_12, %sign3A_15 : i32
    %sign3A_17 = arith.constant 0 : i32
    %sign3A_18 = arith.cmpi sgt, %jit3A_10, %sign3A_17 : i32
    %sign3A_19 = arith.extui %sign3A_18 : i1 to i32
    %sign3A_20 = arith.constant 0 : i32
    %sign3A_21 = arith.cmpi slt, %jit3A_10, %sign3A_20 : i32
    %sign3A_22 = arith.extui %sign3A_21 : i1 to i32
    %sign3A_23 = arith.subi %sign3A_19, %sign3A_22 : i32
    %ne3A_24 = arith.cmpi ne, %sign3A_16, %sign3A_23 : i32
    %rem3A_25 = arith.remsi %add3A, %jit3A_10 : i32
    %ne3A_26 = arith.constant 0 : i32
    %ne3A_27 = arith.cmpi ne, %rem3A_25, %ne3A_26 : i32
    %and3A_28 = arith.andi %ne3A_24, %ne3A_27 : i1
    %sub3A = arith.constant 1 : i32
    %sub3A_29 = arith.subi %div3A, %sub3A : i32
    %select_n3A_30 = arith.select %and3A_28, %sub3A_29, %div3A : i32
    %broadcast_in_dim3A = arith.constant 0.000000e+00 : f32
    %broadcast_in_dim3A_31 = vector.broadcast %broadcast_in_dim3A : f32 to vector<16xf32>
    %parallel_loop3A = arith.constant 0 : i32
    %parallel_loop3A_32 = arith.constant 256 : i32
    %parallel_loop3A_33 = arith.constant 1 : i32
    scf.for %parallel_loop3A_156 = %parallel_loop3A to %parallel_loop3A_32 step %parallel_loop3A_33  : i32 {
      %parallel_loop3A_157 = arith.constant 16 : i32
      %parallel_loop3A_158 = arith.muli %parallel_loop3A_156, %parallel_loop3A_157 : i32
      %parallel_loop3A_159 = arith.index_cast %parallel_loop3A_158 : i32 to index
      %parallel_loop3A_160 = tpu.vector_load %arg10[%parallel_loop3A_159] {strides = array<i32>} : memref<4096xf32, #tpu.memory_space<vmem>>, vector<16xf32>,
      tpu.vector_store %arg10[%parallel_loop3A_159], %broadcast_in_dim3A_31 {strides = array<i32>} : memref<4096xf32, #tpu.memory_space<vmem>>, vector<16xf32>,
    } {sc.loop_unroll_factor = 8 : i64, sc.parallel_access}
    %mul3A_34 = arith.constant 13 : i32
    %mul3A_35 = arith.muli %select_n3A_30, %mul3A_34 : i32
    %dma_start3A = arith.constant 0 : i32
    %dma_start3A_36 = tpu.memref_slice %arg8[%dma_start3A] : memref<49920xf32, #tpu.memory_space<vmem>> -> memref<9984xf32, #tpu.memory_space<vmem>>
    %dma_start3A_37 = arith.constant 0 : i32
    %dma_start3A_38 = tpu.memref_slice %arg3[%mul3A_35, %select_n3A_9, %dma_start3A_37] : memref<26x16x100000xf32, #tpu.memory_space<hbm>> -> memref<1x1x9984xf32, #tpu.memory_space<hbm>>
    %dma_start3A_39 = tpu.memref_squeeze %dma_start3A_38 : memref<1x1x9984xf32, #tpu.memory_space<hbm>> -> memref<9984xf32, #tpu.memory_space<hbm>>
    %dma_start3A_40 = arith.constant 0 : i32
    %dma_start3A_41 = tpu.memref_slice %arg8[%dma_start3A_40] : memref<49920xf32, #tpu.memory_space<vmem>> -> memref<9984xf32, #tpu.memory_space<vmem>>
    %dma_start3A_42 = arith.constant 0 : i32
    %dma_start3A_43 = tpu.memref_slice %arg3[%mul3A_35, %select_n3A_9, %dma_start3A_42] : memref<26x16x100000xf32, #tpu.memory_space<hbm>> -> memref<1x1x9984xf32, #tpu.memory_space<hbm>>
    %dma_start3A_44 = tpu.memref_squeeze %dma_start3A_43 : memref<1x1x9984xf32, #tpu.memory_space<hbm>> -> memref<9984xf32, #tpu.memory_space<hbm>>
    tpu.enqueue_dma source(%dma_start3A_44 : memref<9984xf32, #tpu.memory_space<hbm>>) target(%dma_start3A_41 : memref<9984xf32, #tpu.memory_space<vmem>>) target_semaphore(%arg13 : memref<!tpu.dma_semaphore, #tpu.memory_space<semaphore_mem>>)
    %dma_start3A_45 = arith.constant 9984 : i32
    %dma_start3A_46 = tpu.memref_slice %arg8[%dma_start3A_45] : memref<49920xf32, #tpu.memory_space<vmem>> -> memref<9984xf32, #tpu.memory_space<vmem>>
    %dma_start3A_47 = arith.constant 9984 : i32
    %dma_start3A_48 = tpu.memref_slice %arg3[%mul3A_35, %select_n3A_9, %dma_start3A_47] : memref<26x16x100000xf32, #tpu.memory_space<hbm>> -> memref<1x1x9984xf32, #tpu.memory_space<hbm>>
    %dma_start3A_49 = tpu.memref_squeeze %dma_start3A_48 : memref<1x1x9984xf32, #tpu.memory_space<hbm>> -> memref<9984xf32, #tpu.memory_space<hbm>>
    %dma_start3A_50 = arith.constant 9984 : i32
    %dma_start3A_51 = tpu.memref_slice %arg8[%dma_start3A_50] : memref<49920xf32, #tpu.memory_space<vmem>> -> memref<9984xf32, #tpu.memory_space<vmem>>
    %dma_start3A_52 = arith.constant 9984 : i32
    %dma_start3A_53 = tpu.memref_slice %arg3[%mul3A_35, %select_n3A_9, %dma_start3A_52] : memref<26x16x100000xf32, #tpu.memory_space<hbm>> -> memref<1x1x9984xf32, #tpu.memory_space<hbm>>
    %dma_start3A_54 = tpu.memref_squeeze %dma_start3A_53 : memref<1x1x9984xf32, #tpu.memory_space<hbm>> -> memref<9984xf32, #tpu.memory_space<hbm>>
    tpu.enqueue_dma source(%dma_start3A_54 : memref<9984xf32, #tpu.memory_space<hbm>>) target(%dma_start3A_51 : memref<9984xf32, #tpu.memory_space<vmem>>) target_semaphore(%arg14 : memref<!tpu.dma_semaphore, #tpu.memory_space<semaphore_mem>>)
    %dma_start3A_55 = arith.constant 19968 : i32
    %dma_start3A_56 = tpu.memref_slice %arg8[%dma_start3A_55] : memref<49920xf32, #tpu.memory_space<vmem>> -> memref<9984xf32, #tpu.memory_space<vmem>>
    %dma_start3A_57 = arith.constant 19968 : i32
    %dma_start3A_58 = tpu.memref_slice %arg3[%mul3A_35, %select_n3A_9, %dma_start3A_57] : memref<26x16x100000xf32, #tpu.memory_space<hbm>> -> memref<1x1x9984xf32, #tpu.memory_space<hbm>>
    %dma_start3A_59 = tpu.memref_squeeze %dma_start3A_58 : memref<1x1x9984xf32, #tpu.memory_space<hbm>> -> memref<9984xf32, #tpu.memory_space<hbm>>
    %dma_start3A_60 = arith.constant 19968 : i32
    %dma_start3A_61 = tpu.memref_slice %arg8[%dma_start3A_60] : memref<49920xf32, #tpu.memory_space<vmem>> -> memref<9984xf32, #tpu.memory_space<vmem>>
    %dma_start3A_62 = arith.constant 19968 : i32
    %dma_start3A_63 = tpu.memref_slice %arg3[%mul3A_35, %select_n3A_9, %dma_start3A_62] : memref<26x16x100000xf32, #tpu.memory_space<hbm>> -> memref<1x1x9984xf32, #tpu.memory_space<hbm>>
    %dma_start3A_64 = tpu.memref_squeeze %dma_start3A_63 : memref<1x1x9984xf32, #tpu.memory_space<hbm>> -> memref<9984xf32, #tpu.memory_space<hbm>>
    tpu.enqueue_dma source(%dma_start3A_64 : memref<9984xf32, #tpu.memory_space<hbm>>) target(%dma_start3A_61 : memref<9984xf32, #tpu.memory_space<vmem>>) target_semaphore(%arg15 : memref<!tpu.dma_semaphore, #tpu.memory_space<semaphore_mem>>)
    %dma_start3A_65 = arith.constant 29952 : i32
    %dma_start3A_66 = tpu.memref_slice %arg8[%dma_start3A_65] : memref<49920xf32, #tpu.memory_space<vmem>> -> memref<9984xf32, #tpu.memory_space<vmem>>
    %dma_start3A_67 = arith.constant 29952 : i32
    %dma_start3A_68 = tpu.memref_slice %arg3[%mul3A_35, %select_n3A_9, %dma_start3A_67] : memref<26x16x100000xf32, #tpu.memory_space<hbm>> -> memref<1x1x9984xf32, #tpu.memory_space<hbm>>
    %dma_start3A_69 = tpu.memref_squeeze %dma_start3A_68 : memref<1x1x9984xf32, #tpu.memory_space<hbm>> -> memref<9984xf32, #tpu.memory_space<hbm>>
    %dma_start3A_70 = arith.constant 29952 : i32
    %dma_start3A_71 = tpu.memref_slice %arg8[%dma_start3A_70] : memref<49920xf32, #tpu.memory_space<vmem>> -> memref<9984xf32, #tpu.memory_space<vmem>>
    %dma_start3A_72 = arith.constant 29952 : i32
    %dma_start3A_73 = tpu.memref_slice %arg3[%mul3A_35, %select_n3A_9, %dma_start3A_72] : memref<26x16x100000xf32, #tpu.memory_space<hbm>> -> memref<1x1x9984xf32, #tpu.memory_space<hbm>>
    %dma_start3A_74 = tpu.memref_squeeze %dma_start3A_73 : memref<1x1x9984xf32, #tpu.memory_space<hbm>> -> memref<9984xf32, #tpu.memory_space<hbm>>
    tpu.enqueue_dma source(%dma_start3A_74 : memref<9984xf32, #tpu.memory_space<hbm>>) target(%dma_start3A_71 : memref<9984xf32, #tpu.memory_space<vmem>>) target_semaphore(%arg16 : memref<!tpu.dma_semaphore, #tpu.memory_space<semaphore_mem>>)
    %dma_start3A_75 = arith.constant 39936 : i32
    %dma_start3A_76 = tpu.memref_slice %arg8[%dma_start3A_75] : memref<49920xf32, #tpu.memory_space<vmem>> -> memref<9984xf32, #tpu.memory_space<vmem>>
    %dma_start3A_77 = arith.constant 39936 : i32
    %dma_start3A_78 = tpu.memref_slice %arg3[%mul3A_35, %select_n3A_9, %dma_start3A_77] : memref<26x16x100000xf32, #tpu.memory_space<hbm>> -> memref<1x1x9984xf32, #tpu.memory_space<hbm>>
    %dma_start3A_79 = tpu.memref_squeeze %dma_start3A_78 : memref<1x1x9984xf32, #tpu.memory_space<hbm>> -> memref<9984xf32, #tpu.memory_space<hbm>>
    %dma_start3A_80 = arith.constant 39936 : i32
    %dma_start3A_81 = tpu.memref_slice %arg8[%dma_start3A_80] : memref<49920xf32, #tpu.memory_space<vmem>> -> memref<9984xf32, #tpu.memory_space<vmem>>
    %dma_start3A_82 = arith.constant 39936 : i32
    %dma_start3A_83 = tpu.memref_slice %arg3[%mul3A_35, %select_n3A_9, %dma_start3A_82] : memref<26x16x100000xf32, #tpu.memory_space<hbm>> -> memref<1x1x9984xf32, #tpu.memory_space<hbm>>
    %dma_start3A_84 = tpu.memref_squeeze %dma_start3A_83 : memref<1x1x9984xf32, #tpu.memory_space<hbm>> -> memref<9984xf32, #tpu.memory_space<hbm>>
    tpu.enqueue_dma source(%dma_start3A_84 : memref<9984xf32, #tpu.memory_space<hbm>>) target(%dma_start3A_81 : memref<9984xf32, #tpu.memory_space<vmem>>) target_semaphore(%arg17 : memref<!tpu.dma_semaphore, #tpu.memory_space<semaphore_mem>>)
    %dma_start3A_85 = arith.constant 0 : i32
    %dma_start3A_86 = tpu.memref_slice %arg9[%dma_start3A_85] : memref<50176xf32, #tpu.memory_space<vmem>> -> memref<9984xf32, #tpu.memory_space<vmem>>
    %dma_start3A_87 = arith.constant 49920 : i32
    %dma_start3A_88 = tpu.memref_slice %arg3[%mul3A_35, %select_n3A_9, %dma_start3A_87] : memref<26x16x100000xf32, #tpu.memory_space<hbm>> -> memref<1x1x9984xf32, #tpu.memory_space<hbm>>
    %dma_start3A_89 = tpu.memref_squeeze %dma_start3A_88 : memref<1x1x9984xf32, #tpu.memory_space<hbm>> -> memref<9984xf32, #tpu.memory_space<hbm>>
    %dma_start3A_90 = arith.constant 0 : i32
    %dma_start3A_91 = tpu.memref_slice %arg9[%dma_start3A_90] : memref<50176xf32, #tpu.memory_space<vmem>> -> memref<9984xf32, #tpu.memory_space<vmem>>
    %dma_start3A_92 = arith.constant 49920 : i32
    %dma_start3A_93 = tpu.memref_slice %arg3[%mul3A_35, %select_n3A_9, %dma_start3A_92] : memref<26x16x100000xf32, #tpu.memory_space<hbm>> -> memref<1x1x9984xf32, #tpu.memory_space<hbm>>
    %dma_start3A_94 = tpu.memref_squeeze %dma_start3A_93 : memref<1x1x9984xf32, #tpu.memory_space<hbm>> -> memref<9984xf32, #tpu.memory_space<hbm>>
    tpu.enqueue_dma source(%dma_start3A_94 : memref<9984xf32, #tpu.memory_space<hbm>>) target(%dma_start3A_91 : memref<9984xf32, #tpu.memory_space<vmem>>) target_semaphore(%arg18 : memref<!tpu.dma_semaphore, #tpu.memory_space<semaphore_mem>>)
    %dma_start3A_95 = arith.constant 9984 : i32
    %dma_start3A_96 = tpu.memref_slice %arg9[%dma_start3A_95] : memref<50176xf32, #tpu.memory_space<vmem>> -> memref<9984xf32, #tpu.memory_space<vmem>>
    %dma_start3A_97 = arith.constant 59904 : i32
    %dma_start3A_98 = tpu.memref_slice %arg3[%mul3A_35, %select_n3A_9, %dma_start3A_97] : memref<26x16x100000xf32, #tpu.memory_space<hbm>> -> memref<1x1x9984xf32, #tpu.memory_space<hbm>>
    %dma_start3A_99 = tpu.memref_squeeze %dma_start3A_98 : memref<1x1x9984xf32, #tpu.memory_space<hbm>> -> memref<9984xf32, #tpu.memory_space<hbm>>
    %dma_start3A_100 = arith.constant 9984 : i32
    %dma_start3A_101 = tpu.memref_slice %arg9[%dma_start3A_100] : memref<50176xf32, #tpu.memory_space<vmem>> -> memref<9984xf32, #tpu.memory_space<vmem>>
    %dma_start3A_102 = arith.constant 59904 : i32
    %dma_start3A_103 = tpu.memref_slice %arg3[%mul3A_35, %select_n3A_9, %dma_start3A_102] : memref<26x16x100000xf32, #tpu.memory_space<hbm>> -> memref<1x1x9984xf32, #tpu.memory_space<hbm>>
    %dma_start3A_104 = tpu.memref_squeeze %dma_start3A_103 : memref<1x1x9984xf32, #tpu.memory_space<hbm>> -> memref<9984xf32, #tpu.memory_space<hbm>>
    tpu.enqueue_dma source(%dma_start3A_104 : memref<9984xf32, #tpu.memory_space<hbm>>) target(%dma_start3A_101 : memref<9984xf32, #tpu.memory_space<vmem>>) target_semaphore(%arg19 : memref<!tpu.dma_semaphore, #tpu.memory_space<semaphore_mem>>)
    %dma_start3A_105 = arith.constant 19968 : i32
    %dma_start3A_106 = tpu.memref_slice %arg9[%dma_start3A_105] : memref<50176xf32, #tpu.memory_space<vmem>> -> memref<9984xf32, #tpu.memory_space<vmem>>
    %dma_start3A_107 = arith.constant 69888 : i32
    %dma_start3A_108 = tpu.memref_slice %arg3[%mul3A_35, %select_n3A_9, %dma_start3A_107] : memref<26x16x100000xf32, #tpu.memory_space<hbm>> -> memref<1x1x9984xf32, #tpu.memory_space<hbm>>
    %dma_start3A_109 = tpu.memref_squeeze %dma_start3A_108 : memref<1x1x9984xf32, #tpu.memory_space<hbm>> -> memref<9984xf32, #tpu.memory_space<hbm>>
    %dma_start3A_110 = arith.constant 19968 : i32
    %dma_start3A_111 = tpu.memref_slice %arg9[%dma_start3A_110] : memref<50176xf32, #tpu.memory_space<vmem>> -> memref<9984xf32, #tpu.memory_space<vmem>>
    %dma_start3A_112 = arith.constant 69888 : i32
    %dma_start3A_113 = tpu.memref_slice %arg3[%mul3A_35, %select_n3A_9, %dma_start3A_112] : memref<26x16x100000xf32, #tpu.memory_space<hbm>> -> memref<1x1x9984xf32, #tpu.memory_space<hbm>>
    %dma_start3A_114 = tpu.memref_squeeze %dma_start3A_113 : memref<1x1x9984xf32, #tpu.memory_space<hbm>> -> memref<9984xf32, #tpu.memory_space<hbm>>
    tpu.enqueue_dma source(%dma_start3A_114 : memref<9984xf32, #tpu.memory_space<hbm>>) target(%dma_start3A_111 : memref<9984xf32, #tpu.memory_space<vmem>>) target_semaphore(%arg20 : memref<!tpu.dma_semaphore, #tpu.memory_space<semaphore_mem>>)
    %dma_start3A_115 = arith.constant 29952 : i32
    %dma_start3A_116 = tpu.memref_slice %arg9[%dma_start3A_115] : memref<50176xf32, #tpu.memory_space<vmem>> -> memref<9984xf32, #tpu.memory_space<vmem>>
    %dma_start3A_117 = arith.constant 79872 : i32
    %dma_start3A_118 = tpu.memref_slice %arg3[%mul3A_35, %select_n3A_9, %dma_start3A_117] : memref<26x16x100000xf32, #tpu.memory_space<hbm>> -> memref<1x1x9984xf32, #tpu.memory_space<hbm>>
    %dma_start3A_119 = tpu.memref_squeeze %dma_start3A_118 : memref<1x1x9984xf32, #tpu.memory_space<hbm>> -> memref<9984xf32, #tpu.memory_space<hbm>>
    %dma_start3A_120 = arith.constant 29952 : i32
    %dma_start3A_121 = tpu.memref_slice %arg9[%dma_start3A_120] : memref<50176xf32, #tpu.memory_space<vmem>> -> memref<9984xf32, #tpu.memory_space<vmem>>
    %dma_start3A_122 = arith.constant 79872 : i32
    %dma_start3A_123 = tpu.memref_slice %arg3[%mul3A_35, %select_n3A_9, %dma_start3A_122] : memref<26x16x100000xf32, #tpu.memory_space<hbm>> -> memref<1x1x9984xf32, #tpu.memory_space<hbm>>
    %dma_start3A_124 = tpu.memref_squeeze %dma_start3A_123 : memref<1x1x9984xf32, #tpu.memory_space<hbm>> -> memref<9984xf32, #tpu.memory_space<hbm>>
    tpu.enqueue_dma source(%dma_start3A_124 : memref<9984xf32, #tpu.memory_space<hbm>>) target(%dma_start3A_121 : memref<9984xf32, #tpu.memory_space<vmem>>) target_semaphore(%arg21 : memref<!tpu.dma_semaphore, #tpu.memory_space<semaphore_mem>>)
    %dma_start3A_125 = arith.constant 39936 : i32
    %dma_start3A_126 = tpu.memref_slice %arg9[%dma_start3A_125] : memref<50176xf32, #tpu.memory_space<vmem>> -> memref<9984xf32, #tpu.memory_space<vmem>>
    %dma_start3A_127 = arith.constant 89856 : i32
    %dma_start3A_128 = tpu.memref_slice %arg3[%mul3A_35, %select_n3A_9, %dma_start3A_127] : memref<26x16x100000xf32, #tpu.memory_space<hbm>> -> memref<1x1x9984xf32, #tpu.memory_space<hbm>>
    %dma_start3A_129 = tpu.memref_squeeze %dma_start3A_128 : memref<1x1x9984xf32, #tpu.memory_space<hbm>> -> memref<9984xf32, #tpu.memory_space<hbm>>
    %dma_start3A_130 = arith.constant 39936 : i32
    %dma_start3A_131 = tpu.memref_slice %arg9[%dma_start3A_130] : memref<50176xf32, #tpu.memory_space<vmem>> -> memref<9984xf32, #tpu.memory_space<vmem>>
    %dma_start3A_132 = arith.constant 89856 : i32
    %dma_start3A_133 = tpu.memref_slice %arg3[%mul3A_35, %select_n3A_9, %dma_start3A_132] : memref<26x16x100000xf32, #tpu.memory_space<hbm>> -> memref<1x1x9984xf32, #tpu.memory_space<hbm>>
    %dma_start3A_134 = tpu.memref_squeeze %dma_start3A_133 : memref<1x1x9984xf32, #tpu.memory_space<hbm>> -> memref<9984xf32, #tpu.memory_space<hbm>>
    tpu.enqueue_dma source(%dma_start3A_134 : memref<9984xf32, #tpu.memory_space<hbm>>) target(%dma_start3A_131 : memref<9984xf32, #tpu.memory_space<vmem>>) target_semaphore(%arg22 : memref<!tpu.dma_semaphore, #tpu.memory_space<semaphore_mem>>)
    %dma_start3A_135 = arith.constant 49920 : i32
    %dma_start3A_136 = tpu.memref_slice %arg9[%dma_start3A_135] : memref<50176xf32, #tpu.memory_space<vmem>> -> memref<256xf32, #tpu.memory_space<vmem>>
    %dma_start3A_137 = arith.constant 0 : i32
    %dma_start3A_138 = tpu.memref_slice %arg4[%mul3A_35, %select_n3A_9, %dma_start3A_137] : memref<26x16x256xf32, #tpu.memory_space<hbm>> -> memref<1x1x256xf32, #tpu.memory_space<hbm>>
    %dma_start3A_139 = tpu.memref_squeeze %dma_start3A_138 : memref<1x1x256xf32, #tpu.memory_space<hbm>> -> memref<256xf32, #tpu.memory_space<hbm>>
    %dma_start3A_140 = arith.constant 49920 : i32
    %dma_start3A_141 = tpu.memref_slice %arg9[%dma_start3A_140] : memref<50176xf32, #tpu.memory_space<vmem>> -> memref<256xf32, #tpu.memory_space<vmem>>
    %dma_start3A_142 = arith.constant 0 : i32
    %dma_start3A_143 = tpu.memref_slice %arg4[%mul3A_35, %select_n3A_9, %dma_start3A_142] : memref<26x16x256xf32, #tpu.memory_space<hbm>> -> memref<1x1x256xf32, #tpu.memory_space<hbm>>
    %dma_start3A_144 = tpu.memref_squeeze %dma_start3A_143 : memref<1x1x256xf32, #tpu.memory_space<hbm>> -> memref<256xf32, #tpu.memory_space<hbm>>
    tpu.enqueue_dma source(%dma_start3A_144 : memref<256xf32, #tpu.memory_space<hbm>>) target(%dma_start3A_141 : memref<256xf32, #tpu.memory_space<vmem>>) target_semaphore(%arg23 : memref<!tpu.dma_semaphore, #tpu.memory_space<semaphore_mem>>)
    %dma_start3A_145 = arith.constant 0 : i32
    %dma_start3A_146 = tpu.memref_slice %arg2[%mul3A_35, %dma_start3A_145] : memref<26x4096xi32, #tpu.memory_space<hbm>> -> memref<1x4096xi32, #tpu.memory_space<hbm>>
    %dma_start3A_147 = tpu.memref_squeeze %dma_start3A_146 : memref<1x4096xi32, #tpu.memory_space<hbm>> -> memref<4096xi32, #tpu.memory_space<hbm>>
    %dma_start3A_148 = arith.constant 0 : i32
    %dma_start3A_149 = tpu.memref_slice %arg2[%mul3A_35, %dma_start3A_148] : memref<26x4096xi32, #tpu.memory_space<hbm>> -> memref<1x4096xi32, #tpu.memory_space<hbm>>
    %dma_start3A_150 = tpu.memref_squeeze %dma_start3A_149 : memref<1x4096xi32, #tpu.memory_space<hbm>> -> memref<4096xi32, #tpu.memory_space<hbm>>
    tpu.enqueue_dma source(%dma_start3A_150 : memref<4096xi32, #tpu.memory_space<hbm>>) target(%arg7 : memref<4096xi32, #tpu.memory_space<vmem>>) target_semaphore(%arg12 : memref<!tpu.dma_semaphore, #tpu.memory_space<semaphore_mem>>)
    %scan3A = arith.constant 0 : i32
    %scan3A_151 = arith.constant 0 : i32
    %scan3A_152 = arith.constant 13 : i32
    %scan3A_153 = arith.addi %scan3A_151, %scan3A_152 : i32
    %scan3A_154 = arith.constant 1 : i32
    scf.for %scan3A_156 = %scan3A_151 to %scan3A_153 step %scan3A_154  : i32 {
      %mul3A_157 = arith.constant 13 : i32
      %mul3A_158 = arith.muli %select_n3A_30, %mul3A_157 : i32
      %add3A_159 = arith.addi %mul3A_158, %scan3A_156 : i32
      %add3A_160 = arith.constant 1 : i32
      %add3A_161 = arith.addi %add3A_159, %add3A_160 : i32
      %dma_wait3A = arith.constant 0 : i32
      %dma_wait3A_162 = tpu.memref_slice %arg8[%dma_wait3A] : memref<49920xf32, #tpu.memory_space<vmem>> -> memref<9984xf32, #tpu.memory_space<vmem>>
      %dma_wait3A_163 = arith.constant 0 : i32
      %dma_wait3A_164 = tpu.memref_slice %arg3[%add3A_159, %select_n3A_9, %dma_wait3A_163] : memref<26x16x100000xf32, #tpu.memory_space<hbm>> -> memref<1x1x9984xf32, #tpu.memory_space<hbm>>
      %dma_wait3A_165 = tpu.memref_squeeze %dma_wait3A_164 : memref<1x1x9984xf32, #tpu.memory_space<hbm>> -> memref<9984xf32, #tpu.memory_space<hbm>>
      %dma_wait3A_166 = arith.constant 0 : i32
      %dma_wait3A_167 = tpu.memref_slice %arg8[%dma_wait3A_166] : memref<49920xf32, #tpu.memory_space<vmem>> -> memref<9984xf32, #tpu.memory_space<vmem>>
      %dma_wait3A_168 = arith.constant 0 : i32
      %dma_wait3A_169 = tpu.memref_slice %arg3[%add3A_159, %select_n3A_9, %dma_wait3A_168] : memref<26x16x100000xf32, #tpu.memory_space<hbm>> -> memref<1x1x9984xf32, #tpu.memory_space<hbm>>
      %dma_wait3A_170 = tpu.memref_squeeze %dma_wait3A_169 : memref<1x1x9984xf32, #tpu.memory_space<hbm>> -> memref<9984xf32, #tpu.memory_space<hbm>>
      tpu.wait_dma2 semaphore(%arg13 : memref<!tpu.dma_semaphore, #tpu.memory_space<semaphore_mem>>) src(%dma_wait3A_170 : memref<9984xf32, #tpu.memory_space<hbm>>) dst(%dma_wait3A_167 : memref<9984xf32, #tpu.memory_space<vmem>>)
      %parallel_loop3A_171 = arith.constant 0 : i32
      %parallel_loop3A_172 = arith.constant 26 : i32
      %parallel_loop3A_173 = arith.constant 1 : i32
      %parallel_loop3A_174:24 = scf.for %parallel_loop3A_582 = %parallel_loop3A_171 to %parallel_loop3A_172 step %parallel_loop3A_173 iter_args(%parallel_loop3A_583 = %broadcast_in_dim3A_31, %parallel_loop3A_584 = %broadcast_in_dim3A_31, %parallel_loop3A_585 = %broadcast_in_dim3A_31, %parallel_loop3A_586 = %broadcast_in_dim3A_31, %parallel_loop3A_587 = %broadcast_in_dim3A_31, %parallel_loop3A_588 = %broadcast_in_dim3A_31, %parallel_loop3A_589 = %broadcast_in_dim3A_31, %parallel_loop3A_590 = %broadcast_in_dim3A_31, %parallel_loop3A_591 = %broadcast_in_dim3A_31, %parallel_loop3A_592 = %broadcast_in_dim3A_31, %parallel_loop3A_593 = %broadcast_in_dim3A_31, %parallel_loop3A_594 = %broadcast_in_dim3A_31, %parallel_loop3A_595 = %broadcast_in_dim3A_31, %parallel_loop3A_596 = %broadcast_in_dim3A_31, %parallel_loop3A_597 = %broadcast_in_dim3A_31, %parallel_loop3A_598 = %broadcast_in_dim3A_31, %parallel_loop3A_599 = %broadcast_in_dim3A_31, %parallel_loop3A_600 = %broadcast_in_dim3A_31, %parallel_loop3A_601 = %broadcast_in_dim3A_31, %parallel_loop3A_602 = %broadcast_in_dim3A_31, %parallel_loop3A_603 = %broadcast_in_dim3A_31, %parallel_loop3A_604 = %broadcast_in_dim3A_31, %parallel_loop3A_605 = %broadcast_in_dim3A_31, %parallel_loop3A_606 = %broadcast_in_dim3A_31) -> (vector<16xf32>, vector<16xf32>, vector<16xf32>, vector<16xf32>, vector<16xf32>, vector<16xf32>, vector<16xf32>, vector<16xf32>, vector<16xf32>, vector<16xf32>, vector<16xf32>, vector<16xf32>, vector<16xf32>, vector<16xf32>, vector<16xf32>, vector<16xf32>, vector<16xf32>, vector<16xf32>, vector<16xf32>, vector<16xf32>, vector<16xf32>, vector<16xf32>, vector<16xf32>, vector<16xf32>)  : i32 {
        %parallel_loop3A_607 = arith.constant 24 : i32
        %parallel_loop3A_608 = arith.muli %parallel_loop3A_582, %parallel_loop3A_607 : i32
        %parallel_loop3A_609 = arith.constant 0 : i32
        %parallel_loop3A_610 = arith.addi %parallel_loop3A_609, %parallel_loop3A_608 : i32
        %parallel_loop3A_611 = arith.constant 16 : i32
        %parallel_loop3A_612 = arith.muli %parallel_loop3A_610, %parallel_loop3A_611 : i32
        %parallel_loop3A_613 = arith.constant 0 : i32
        %parallel_loop3A_614 = arith.addi %parallel_loop3A_612, %parallel_loop3A_613 : i32
        %parallel_loop3A_615 = arith.index_cast %parallel_loop3A_614 : i32 to index
        %parallel_loop3A_616 = tpu.vector_load %arg8[%parallel_loop3A_615] {strides = array<i32>} : memref<49920xf32, #tpu.memory_space<vmem>>, vector<16xf32>,
        %parallel_loop3A_617 = math.exp %parallel_loop3A_616 : vector<16xf32>
        %parallel_loop3A_618 = arith.addf %parallel_loop3A_583, %parallel_loop3A_617 : vector<16xf32>
        %parallel_loop3A_619 = arith.constant 16 : i32
        %parallel_loop3A_620 = arith.addi %parallel_loop3A_612, %parallel_loop3A_619 : i32
        %parallel_loop3A_621 = arith.index_cast %parallel_loop3A_620 : i32 to index
        %parallel_loop3A_622 = tpu.vector_load %arg8[%parallel_loop3A_621] {strides = array<i32>} : memref<49920xf32, #tpu.memory_space<vmem>>, vector<16xf32>,
        %parallel_loop3A_623 = math.exp %parallel_loop3A_622 : vector<16xf32>
        %parallel_loop3A_624 = arith.addf %parallel_loop3A_584, %parallel_loop3A_623 : vector<16xf32>
        %parallel_loop3A_625 = arith.constant 32 : i32
        %parallel_loop3A_626 = arith.addi %parallel_loop3A_612, %parallel_loop3A_625 : i32
        %parallel_loop3A_627 = arith.index_cast %parallel_loop3A_626 : i32 to index
        %parallel_loop3A_628 = tpu.vector_load %arg8[%parallel_loop3A_627] {strides = array<i32>} : memref<49920xf32, #tpu.memory_space<vmem>>, vector<16xf32>,
        %parallel_loop3A_629 = math.exp %parallel_loop3A_628 : vector<16xf32>
        %parallel_loop3A_630 = arith.addf %parallel_loop3A_585, %parallel_loop3A_629 : vector<16xf32>
        %parallel_loop3A_631 = arith.constant 48 : i32
        %parallel_loop3A_632 = arith.addi %parallel_loop3A_612, %parallel_loop3A_631 : i32
        %parallel_loop3A_633 = arith.index_cast %parallel_loop3A_632 : i32 to index
        %parallel_loop3A_634 = tpu.vector_load %arg8[%parallel_loop3A_633] {strides = array<i32>} : memref<49920xf32, #tpu.memory_space<vmem>>, vector<16xf32>,
        %parallel_loop3A_635 = math.exp %parallel_loop3A_634 : vector<16xf32>
        %parallel_loop3A_636 = arith.addf %parallel_loop3A_586, %parallel_loop3A_635 : vector<16xf32>
        %parallel_loop3A_637 = arith.constant 64 : i32
        %parallel_loop3A_638 = arith.addi %parallel_loop3A_612, %parallel_loop3A_637 : i32
        %parallel_loop3A_639 = arith.index_cast %parallel_loop3A_638 : i32 to index
        %parallel_loop3A_640 = tpu.vector_load %arg8[%parallel_loop3A_639] {strides = array<i32>} : memref<49920xf32, #tpu.memory_space<vmem>>, vector<16xf32>,
        %parallel_loop3A_641 = math.exp %parallel_loop3A_640 : vector<16xf32>
        %parallel_loop3A_642 = arith.addf %parallel_loop3A_587, %parallel_loop3A_641 : vector<16xf32>
        %parallel_loop3A_643 = arith.constant 80 : i32
        %parallel_loop3A_644 = arith.addi %parallel_loop3A_612, %parallel_loop3A_643 : i32
        %parallel_loop3A_645 = arith.index_cast %parallel_loop3A_644 : i32 to index
        %parallel_loop3A_646 = tpu.vector_load %arg8[%parallel_loop3A_645] {strides = array<i32>} : memref<49920xf32, #tpu.memory_space<vmem>>, vector<16xf32>,
        %parallel_loop3A_647 = math.exp %parallel_loop3A_646 : vector<16xf32>
        %parallel_loop3A_648 = arith.addf %parallel_loop3A_588, %parallel_loop3A_647 : vector<16xf32>
        %parallel_loop3A_649 = arith.constant 96 : i32
        %parallel_loop3A_650 = arith.addi %parallel_loop3A_612, %parallel_loop3A_649 : i32
        %parallel_loop3A_651 = arith.index_cast %parallel_loop3A_650 : i32 to index
        %parallel_loop3A_652 = tpu.vector_load %arg8[%parallel_loop3A_651] {strides = array<i32>} : memref<49920xf32, #tpu.memory_space<vmem>>, vector<16xf32>,
        %parallel_loop3A_653 = math.exp %parallel_loop3A_652 : vector<16xf32>
        %parallel_loop3A_654 = arith.addf %parallel_loop3A_589, %parallel_loop3A_653 : vector<16xf32>
        %parallel_loop3A_655 = arith.constant 112 : i32
        %parallel_loop3A_656 = arith.addi %parallel_loop3A_612, %parallel_loop3A_655 : i32
        %parallel_loop3A_657 = arith.index_cast %parallel_loop3A_656 : i32 to index
        %parallel_loop3A_658 = tpu.vector_load %arg8[%parallel_loop3A_657] {strides = array<i32>} : memref<49920xf32, #tpu.memory_space<vmem>>, vector<16xf32>,
        %parallel_loop3A_659 = math.exp %parallel_loop3A_658 : vector<16xf32>
        %parallel_loop3A_660 = arith.addf %parallel_loop3A_590, %parallel_loop3A_659 : vector<16xf32>
        %parallel_loop3A_661 = arith.constant 128 : i32
        %parallel_loop3A_662 = arith.addi %parallel_loop3A_612, %parallel_loop3A_661 : i32
        %parallel_loop3A_663 = arith.index_cast %parallel_loop3A_662 : i32 to index
        %parallel_loop3A_664 = tpu.vector_load %arg8[%parallel_loop3A_663] {strides = array<i32>} : memref<49920xf32, #tpu.memory_space<vmem>>, vector<16xf32>,
        %parallel_loop3A_665 = math.exp %parallel_loop3A_664 : vector<16xf32>
        %parallel_loop3A_666 = arith.addf %parallel_loop3A_591, %parallel_loop3A_665 : vector<16xf32>
        %parallel_loop3A_667 = arith.constant 144 : i32
        %parallel_loop3A_668 = arith.addi %parallel_loop3A_612, %parallel_loop3A_667 : i32
        %parallel_loop3A_669 = arith.index_cast %parallel_loop3A_668 : i32 to index
        %parallel_loop3A_670 = tpu.vector_load %arg8[%parallel_loop3A_669] {strides = array<i32>} : memref<49920xf32, #tpu.memory_space<vmem>>, vector<16xf32>,
        %parallel_loop3A_671 = math.exp %parallel_loop3A_670 : vector<16xf32>
        %parallel_loop3A_672 = arith.addf %parallel_loop3A_592, %parallel_loop3A_671 : vector<16xf32>
        %parallel_loop3A_673 = arith.constant 160 : i32
        %parallel_loop3A_674 = arith.addi %parallel_loop3A_612, %parallel_loop3A_673 : i32
        %parallel_loop3A_675 = arith.index_cast %parallel_loop3A_674 : i32 to index
        %parallel_loop3A_676 = tpu.vector_load %arg8[%parallel_loop3A_675] {strides = array<i32>} : memref<49920xf32, #tpu.memory_space<vmem>>, vector<16xf32>,
        %parallel_loop3A_677 = math.exp %parallel_loop3A_676 : vector<16xf32>
        %parallel_loop3A_678 = arith.addf %parallel_loop3A_593, %parallel_loop3A_677 : vector<16xf32>
        %parallel_loop3A_679 = arith.constant 176 : i32
        %parallel_loop3A_680 = arith.addi %parallel_loop3A_612, %parallel_loop3A_679 : i32
        %parallel_loop3A_681 = arith.index_cast %parallel_loop3A_680 : i32 to index
        %parallel_loop3A_682 = tpu.vector_load %arg8[%parallel_loop3A_681] {strides = array<i32>} : memref<49920xf32, #tpu.memory_space<vmem>>, vector<16xf32>,
        %parallel_loop3A_683 = math.exp %parallel_loop3A_682 : vector<16xf32>
        %parallel_loop3A_684 = arith.addf %parallel_loop3A_594, %parallel_loop3A_683 : vector<16xf32>
        %parallel_loop3A_685 = arith.constant 192 : i32
        %parallel_loop3A_686 = arith.addi %parallel_loop3A_612, %parallel_loop3A_685 : i32
        %parallel_loop3A_687 = arith.index_cast %parallel_loop3A_686 : i32 to index
        %parallel_loop3A_688 = tpu.vector_load %arg8[%parallel_loop3A_687] {strides = array<i32>} : memref<49920xf32, #tpu.memory_space<vmem>>, vector<16xf32>,
        %parallel_loop3A_689 = math.exp %parallel_loop3A_688 : vector<16xf32>
        %parallel_loop3A_690 = arith.addf %parallel_loop3A_595, %parallel_loop3A_689 : vector<16xf32>
        %parallel_loop3A_691 = arith.constant 208 : i32
        %parallel_loop3A_692 = arith.addi %parallel_loop3A_612, %parallel_loop3A_691 : i32
        %parallel_loop3A_693 = arith.index_cast %parallel_loop3A_692 : i32 to index
        %parallel_loop3A_694 = tpu.vector_load %arg8[%parallel_loop3A_693] {strides = array<i32>} : memref<49920xf32, #tpu.memory_space<vmem>>, vector<16xf32>,
        %parallel_loop3A_695 = math.exp %parallel_loop3A_694 : vector<16xf32>
        %parallel_loop3A_696 = arith.addf %parallel_loop3A_596, %parallel_loop3A_695 : vector<16xf32>
        %parallel_loop3A_697 = arith.constant 224 : i32
        %parallel_loop3A_698 = arith.addi %parallel_loop3A_612, %parallel_loop3A_697 : i32
        %parallel_loop3A_699 = arith.index_cast %parallel_loop3A_698 : i32 to index
        %parallel_loop3A_700 = tpu.vector_load %arg8[%parallel_loop3A_699] {strides = array<i32>} : memref<49920xf32, #tpu.memory_space<vmem>>, vector<16xf32>,
        %parallel_loop3A_701 = math.exp %parallel_loop3A_700 : vector<16xf32>
        %parallel_loop3A_702 = arith.addf %parallel_loop3A_597, %parallel_loop3A_701 : vector<16xf32>
        %parallel_loop3A_703 = arith.constant 240 : i32
        %parallel_loop3A_704 = arith.addi %parallel_loop3A_612, %parallel_loop3A_703 : i32
        %parallel_loop3A_705 = arith.index_cast %parallel_loop3A_704 : i32 to index
        %parallel_loop3A_706 = tpu.vector_load %arg8[%parallel_loop3A_705] {strides = array<i32>} : memref<49920xf32, #tpu.memory_space<vmem>>, vector<16xf32>,
        %parallel_loop3A_707 = math.exp %parallel_loop3A_706 : vector<16xf32>
        %parallel_loop3A_708 = arith.addf %parallel_loop3A_598, %parallel_loop3A_707 : vector<16xf32>
        %parallel_loop3A_709 = arith.constant 256 : i32
        %parallel_loop3A_710 = arith.addi %parallel_loop3A_612, %parallel_loop3A_709 : i32
        %parallel_loop3A_711 = arith.index_cast %parallel_loop3A_710 : i32 to index
        %parallel_loop3A_712 = tpu.vector_load %arg8[%parallel_loop3A_711] {strides = array<i32>} : memref<49920xf32, #tpu.memory_space<vmem>>, vector<16xf32>,
        %parallel_loop3A_713 = math.exp %parallel_loop3A_712 : vector<16xf32>
        %parallel_loop3A_714 = arith.addf %parallel_loop3A_599, %parallel_loop3A_713 : vector<16xf32>
        %parallel_loop3A_715 = arith.constant 272 : i32
        %parallel_loop3A_716 = arith.addi %parallel_loop3A_612, %parallel_loop3A_715 : i32
        %parallel_loop3A_717 = arith.index_cast %parallel_loop3A_716 : i32 to index
        %parallel_loop3A_718 = tpu.vector_load %arg8[%parallel_loop3A_717] {strides = array<i32>} : memref<49920xf32, #tpu.memory_space<vmem>>, vector<16xf32>,
        %parallel_loop3A_719 = math.exp %parallel_loop3A_718 : vector<16xf32>
        %parallel_loop3A_720 = arith.addf %parallel_loop3A_600, %parallel_loop3A_719 : vector<16xf32>
        %parallel_loop3A_721 = arith.constant 288 : i32
        %parallel_loop3A_722 = arith.addi %parallel_loop3A_612, %parallel_loop3A_721 : i32
        %parallel_loop3A_723 = arith.index_cast %parallel_loop3A_722 : i32 to index
        %parallel_loop3A_724 = tpu.vector_load %arg8[%parallel_loop3A_723] {strides = array<i32>} : memref<49920xf32, #tpu.memory_space<vmem>>, vector<16xf32>,
        %parallel_loop3A_725 = math.exp %parallel_loop3A_724 : vector<16xf32>
        %parallel_loop3A_726 = arith.addf %parallel_loop3A_601, %parallel_loop3A_725 : vector<16xf32>
        %parallel_loop3A_727 = arith.constant 304 : i32
        %parallel_loop3A_728 = arith.addi %parallel_loop3A_612, %parallel_loop3A_727 : i32
        %parallel_loop3A_729 = arith.index_cast %parallel_loop3A_728 : i32 to index
        %parallel_loop3A_730 = tpu.vector_load %arg8[%parallel_loop3A_729] {strides = array<i32>} : memref<49920xf32, #tpu.memory_space<vmem>>, vector<16xf32>,
        %parallel_loop3A_731 = math.exp %parallel_loop3A_730 : vector<16xf32>
        %parallel_loop3A_732 = arith.addf %parallel_loop3A_602, %parallel_loop3A_731 : vector<16xf32>
        %parallel_loop3A_733 = arith.constant 320 : i32
        %parallel_loop3A_734 = arith.addi %parallel_loop3A_612, %parallel_loop3A_733 : i32
        %parallel_loop3A_735 = arith.index_cast %parallel_loop3A_734 : i32 to index
        %parallel_loop3A_736 = tpu.vector_load %arg8[%parallel_loop3A_735] {strides = array<i32>} : memref<49920xf32, #tpu.memory_space<vmem>>, vector<16xf32>,
        %parallel_loop3A_737 = math.exp %parallel_loop3A_736 : vector<16xf32>
        %parallel_loop3A_738 = arith.addf %parallel_loop3A_603, %parallel_loop3A_737 : vector<16xf32>
        %parallel_loop3A_739 = arith.constant 336 : i32
        %parallel_loop3A_740 = arith.addi %parallel_loop3A_612, %parallel_loop3A_739 : i32
        %parallel_loop3A_741 = arith.index_cast %parallel_loop3A_740 : i32 to index
        %parallel_loop3A_742 = tpu.vector_load %arg8[%parallel_loop3A_741] {strides = array<i32>} : memref<49920xf32, #tpu.memory_space<vmem>>, vector<16xf32>,
        %parallel_loop3A_743 = math.exp %parallel_loop3A_742 : vector<16xf32>
        %parallel_loop3A_744 = arith.addf %parallel_loop3A_604, %parallel_loop3A_743 : vector<16xf32>
        %parallel_loop3A_745 = arith.constant 352 : i32
        %parallel_loop3A_746 = arith.addi %parallel_loop3A_612, %parallel_loop3A_745 : i32
        %parallel_loop3A_747 = arith.index_cast %parallel_loop3A_746 : i32 to index
        %parallel_loop3A_748 = tpu.vector_load %arg8[%parallel_loop3A_747] {strides = array<i32>} : memref<49920xf32, #tpu.memory_space<vmem>>, vector<16xf32>,
        %parallel_loop3A_749 = math.exp %parallel_loop3A_748 : vector<16xf32>
        %parallel_loop3A_750 = arith.addf %parallel_loop3A_605, %parallel_loop3A_749 : vector<16xf32>
        %parallel_loop3A_751 = arith.constant 368 : i32
        %parallel_loop3A_752 = arith.addi %parallel_loop3A_612, %parallel_loop3A_751 : i32
        %parallel_loop3A_753 = arith.index_cast %parallel_loop3A_752 : i32 to index
        %parallel_loop3A_754 = tpu.vector_load %arg8[%parallel_loop3A_753] {strides = array<i32>} : memref<49920xf32, #tpu.memory_space<vmem>>, vector<16xf32>,
        %parallel_loop3A_755 = math.exp %parallel_loop3A_754 : vector<16xf32>
        %parallel_loop3A_756 = arith.addf %parallel_loop3A_606, %parallel_loop3A_755 : vector<16xf32>
        scf.yield %parallel_loop3A_618, %parallel_loop3A_624, %parallel_loop3A_630, %parallel_loop3A_636, %parallel_loop3A_642, %parallel_loop3A_648, %parallel_loop3A_654, %parallel_loop3A_660, %parallel_loop3A_666, %parallel_loop3A_672, %parallel_loop3A_678, %parallel_loop3A_684, %parallel_loop3A_690, %parallel_loop3A_696, %parallel_loop3A_702, %parallel_loop3A_708, %parallel_loop3A_714, %parallel_loop3A_720, %parallel_loop3A_726, %parallel_loop3A_732, %parallel_loop3A_738, %parallel_loop3A_744, %parallel_loop3A_750, %parallel_loop3A_756 : vector<16xf32>, vector<16xf32>, vector<16xf32>, vector<16xf32>, vector<16xf32>, vector<16xf32>, vector<16xf32>, vector<16xf32>, vector<16xf32>, vector<16xf32>, vector<16xf32>, vector<16xf32>, vector<16xf32>, vector<16xf32>, vector<16xf32>, vector<16xf32>, vector<16xf32>, vector<16xf32>, vector<16xf32>, vector<16xf32>, vector<16xf32>, vector<16xf32>, vector<16xf32>, vector<16xf32>
      } {sc.loop_unroll_factor = 1 : i64, sc.parallel_access}
      %dma_wait3A_175 = arith.constant 9984 : i32
      %dma_wait3A_176 = tpu.memref_slice %arg8[%dma_wait3A_175] : memref<49920xf32, #tpu.memory_space<vmem>> -> memref<9984xf32, #tpu.memory_space<vmem>>
      %dma_wait3A_177 = arith.constant 9984 : i32
      %dma_wait3A_178 = tpu.memref_slice %arg3[%add3A_159, %select_n3A_9, %dma_wait3A_177] : memref<26x16x100000xf32, #tpu.memory_space<hbm>> -> memref<1x1x9984xf32, #tpu.memory_space<hbm>>
      %dma_wait3A_179 = tpu.memref_squeeze %dma_wait3A_178 : memref<1x1x9984xf32, #tpu.memory_space<hbm>> -> memref<9984xf32, #tpu.memory_space<hbm>>
      %dma_wait3A_180 = arith.constant 9984 : i32
      %dma_wait3A_181 = tpu.memref_slice %arg8[%dma_wait3A_180] : memref<49920xf32, #tpu.memory_space<vmem>> -> memref<9984xf32, #tpu.memory_space<vmem>>
      %dma_wait3A_182 = arith.constant 9984 : i32
      %dma_wait3A_183 = tpu.memref_slice %arg3[%add3A_159, %select_n3A_9, %dma_wait3A_182] : memref<26x16x100000xf32, #tpu.memory_space<hbm>> -> memref<1x1x9984xf32, #tpu.memory_space<hbm>>
      %dma_wait3A_184 = tpu.memref_squeeze %dma_wait3A_183 : memref<1x1x9984xf32, #tpu.memory_space<hbm>> -> memref<9984xf32, #tpu.memory_space<hbm>>
      tpu.wait_dma2 semaphore(%arg14 : memref<!tpu.dma_semaphore, #tpu.memory_space<semaphore_mem>>) src(%dma_wait3A_184 : memref<9984xf32, #tpu.memory_space<hbm>>) dst(%dma_wait3A_181 : memref<9984xf32, #tpu.memory_space<vmem>>)
      %parallel_loop3A_185 = arith.constant 0 : i32
      %parallel_loop3A_186 = arith.constant 26 : i32
      %parallel_loop3A_187 = arith.constant 1 : i32
      %parallel_loop3A_188:24 = scf.for %parallel_loop3A_582 = %parallel_loop3A_185 to %parallel_loop3A_186 step %parallel_loop3A_187 iter_args(%parallel_loop3A_583 = %broadcast_in_dim3A_31, %parallel_loop3A_584 = %broadcast_in_dim3A_31, %parallel_loop3A_585 = %broadcast_in_dim3A_31, %parallel_loop3A_586 = %broadcast_in_dim3A_31, %parallel_loop3A_587 = %broadcast_in_dim3A_31, %parallel_loop3A_588 = %broadcast_in_dim3A_31, %parallel_loop3A_589 = %broadcast_in_dim3A_31, %parallel_loop3A_590 = %broadcast_in_dim3A_31, %parallel_loop3A_591 = %broadcast_in_dim3A_31, %parallel_loop3A_592 = %broadcast_in_dim3A_31, %parallel_loop3A_593 = %broadcast_in_dim3A_31, %parallel_loop3A_594 = %broadcast_in_dim3A_31, %parallel_loop3A_595 = %broadcast_in_dim3A_31, %parallel_loop3A_596 = %broadcast_in_dim3A_31, %parallel_loop3A_597 = %broadcast_in_dim3A_31, %parallel_loop3A_598 = %broadcast_in_dim3A_31, %parallel_loop3A_599 = %broadcast_in_dim3A_31, %parallel_loop3A_600 = %broadcast_in_dim3A_31, %parallel_loop3A_601 = %broadcast_in_dim3A_31, %parallel_loop3A_602 = %broadcast_in_dim3A_31, %parallel_loop3A_603 = %broadcast_in_dim3A_31, %parallel_loop3A_604 = %broadcast_in_dim3A_31, %parallel_loop3A_605 = %broadcast_in_dim3A_31, %parallel_loop3A_606 = %broadcast_in_dim3A_31) -> (vector<16xf32>, vector<16xf32>, vector<16xf32>, vector<16xf32>, vector<16xf32>, vector<16xf32>, vector<16xf32>, vector<16xf32>, vector<16xf32>, vector<16xf32>, vector<16xf32>, vector<16xf32>, vector<16xf32>, vector<16xf32>, vector<16xf32>, vector<16xf32>, vector<16xf32>, vector<16xf32>, vector<16xf32>, vector<16xf32>, vector<16xf32>, vector<16xf32>, vector<16xf32>, vector<16xf32>)  : i32 {
        %parallel_loop3A_607 = arith.constant 24 : i32
        %parallel_loop3A_608 = arith.muli %parallel_loop3A_582, %parallel_loop3A_607 : i32
        %parallel_loop3A_609 = arith.constant 624 : i32
        %parallel_loop3A_610 = arith.addi %parallel_loop3A_609, %parallel_loop3A_608 : i32
        %parallel_loop3A_611 = arith.constant 16 : i32
        %parallel_loop3A_612 = arith.muli %parallel_loop3A_610, %parallel_loop3A_611 : i32
        %parallel_loop3A_613 = arith.constant 0 : i32
        %parallel_loop3A_614 = arith.addi %parallel_loop3A_612, %parallel_loop3A_613 : i32
        %parallel_loop3A_615 = arith.index_cast %parallel_loop3A_614 : i32 to index
        %parallel_loop3A_616 = tpu.vector_load %arg8[%parallel_loop3A_615] {strides = array<i32>} : memref<49920xf32, #tpu.memory_space<vmem>>, vector<16xf32>,
        %parallel_loop3A_617 = math.exp %parallel_loop3A_616 : vector<16xf32>
        %parallel_loop3A_618 = arith.addf %parallel_loop3A_583, %parallel_loop3A_617 : vector<16xf32>
        %parallel_loop3A_619 = arith.constant 16 : i32
        %parallel_loop3A_620 = arith.addi %parallel_loop3A_612, %parallel_loop3A_619 : i32
        %parallel_loop3A_621 = arith.index_cast %parallel_loop3A_620 : i32 to index
        %parallel_loop3A_622 = tpu.vector_load %arg8[%parallel_loop3A_621] {strides = array<i32>} : memref<49920xf32, #tpu.memory_space<vmem>>, vector<16xf32>,
        %parallel_loop3A_623 = math.exp %parallel_loop3A_622 : vector<16xf32>
        %parallel_loop3A_624 = arith.addf %parallel_loop3A_584, %parallel_loop3A_623 : vector<16xf32>
        %parallel_loop3A_625 = arith.constant 32 : i32
        %parallel_loop3A_626 = arith.addi %parallel_loop3A_612, %parallel_loop3A_625 : i32
        %parallel_loop3A_627 = arith.index_cast %parallel_loop3A_626 : i32 to index
        %parallel_loop3A_628 = tpu.vector_load %arg8[%parallel_loop3A_627] {strides = array<i32>} : memref<49920xf32, #tpu.memory_space<vmem>>, vector<16xf32>,
        %parallel_loop3A_629 = math.exp %parallel_loop3A_628 : vector<16xf32>
        %parallel_loop3A_630 = arith.addf %parallel_loop3A_585, %parallel_loop3A_629 : vector<16xf32>
        %parallel_loop3A_631 = arith.constant 48 : i32
        %parallel_loop3A_632 = arith.addi %parallel_loop3A_612, %parallel_loop3A_631 : i32
        %parallel_loop3A_633 = arith.index_cast %parallel_loop3A_632 : i32 to index
        %parallel_loop3A_634 = tpu.vector_load %arg8[%parallel_loop3A_633] {strides = array<i32>} : memref<49920xf32, #tpu.memory_space<vmem>>, vector<16xf32>,
        %parallel_loop3A_635 = math.exp %parallel_loop3A_634 : vector<16xf32>
        %parallel_loop3A_636 = arith.addf %parallel_loop3A_586, %parallel_loop3A_635 : vector<16xf32>
        %parallel_loop3A_637 = arith.constant 64 : i32
        %parallel_loop3A_638 = arith.addi %parallel_loop3A_612, %parallel_loop3A_637 : i32
        %parallel_loop3A_639 = arith.index_cast %parallel_loop3A_638 : i32 to index
        %parallel_loop3A_640 = tpu.vector_load %arg8[%parallel_loop3A_639] {strides = array<i32>} : memref<49920xf32, #tpu.memory_space<vmem>>, vector<16xf32>,
        %parallel_loop3A_641 = math.exp %parallel_loop3A_640 : vector<16xf32>
        %parallel_loop3A_642 = arith.addf %parallel_loop3A_587, %parallel_loop3A_641 : vector<16xf32>
        %parallel_loop3A_643 = arith.constant 80 : i32
        %parallel_loop3A_644 = arith.addi %parallel_loop3A_612, %parallel_loop3A_643 : i32
        %parallel_loop3A_645 = arith.index_cast %parallel_loop3A_644 : i32 to index
        %parallel_loop3A_646 = tpu.vector_load %arg8[%parallel_loop3A_645] {strides = array<i32>} : memref<49920xf32, #tpu.memory_space<vmem>>, vector<16xf32>,
        %parallel_loop3A_647 = math.exp %parallel_loop3A_646 : vector<16xf32>
        %parallel_loop3A_648 = arith.addf %parallel_loop3A_588, %parallel_loop3A_647 : vector<16xf32>
        %parallel_loop3A_649 = arith.constant 96 : i32
        %parallel_loop3A_650 = arith.addi %parallel_loop3A_612, %parallel_loop3A_649 : i32
        %parallel_loop3A_651 = arith.index_cast %parallel_loop3A_650 : i32 to index
        %parallel_loop3A_652 = tpu.vector_load %arg8[%parallel_loop3A_651] {strides = array<i32>} : memref<49920xf32, #tpu.memory_space<vmem>>, vector<16xf32>,
        %parallel_loop3A_653 = math.exp %parallel_loop3A_652 : vector<16xf32>
        %parallel_loop3A_654 = arith.addf %parallel_loop3A_589, %parallel_loop3A_653 : vector<16xf32>
        %parallel_loop3A_655 = arith.constant 112 : i32
        %parallel_loop3A_656 = arith.addi %parallel_loop3A_612, %parallel_loop3A_655 : i32
        %parallel_loop3A_657 = arith.index_cast %parallel_loop3A_656 : i32 to index
        %parallel_loop3A_658 = tpu.vector_load %arg8[%parallel_loop3A_657] {strides = array<i32>} : memref<49920xf32, #tpu.memory_space<vmem>>, vector<16xf32>,
        %parallel_loop3A_659 = math.exp %parallel_loop3A_658 : vector<16xf32>
        %parallel_loop3A_660 = arith.addf %parallel_loop3A_590, %parallel_loop3A_659 : vector<16xf32>
        %parallel_loop3A_661 = arith.constant 128 : i32
        %parallel_loop3A_662 = arith.addi %parallel_loop3A_612, %parallel_loop3A_661 : i32
        %parallel_loop3A_663 = arith.index_cast %parallel_loop3A_662 : i32 to index
        %parallel_loop3A_664 = tpu.vector_load %arg8[%parallel_loop3A_663] {strides = array<i32>} : memref<49920xf32, #tpu.memory_space<vmem>>, vector<16xf32>,
        %parallel_loop3A_665 = math.exp %parallel_loop3A_664 : vector<16xf32>
        %parallel_loop3A_666 = arith.addf %parallel_loop3A_591, %parallel_loop3A_665 : vector<16xf32>
        %parallel_loop3A_667 = arith.constant 144 : i32
        %parallel_loop3A_668 = arith.addi %parallel_loop3A_612, %parallel_loop3A_667 : i32
        %parallel_loop3A_669 = arith.index_cast %parallel_loop3A_668 : i32 to index
        %parallel_loop3A_670 = tpu.vector_load %arg8[%parallel_loop3A_669] {strides = array<i32>} : memref<49920xf32, #tpu.memory_space<vmem>>, vector<16xf32>,
        %parallel_loop3A_671 = math.exp %parallel_loop3A_670 : vector<16xf32>
        %parallel_loop3A_672 = arith.addf %parallel_loop3A_592, %parallel_loop3A_671 : vector<16xf32>
        %parallel_loop3A_673 = arith.constant 160 : i32
        %parallel_loop3A_674 = arith.addi %parallel_loop3A_612, %parallel_loop3A_673 : i32
        %parallel_loop3A_675 = arith.index_cast %parallel_loop3A_674 : i32 to index
        %parallel_loop3A_676 = tpu.vector_load %arg8[%parallel_loop3A_675] {strides = array<i32>} : memref<49920xf32, #tpu.memory_space<vmem>>, vector<16xf32>,
        %parallel_loop3A_677 = math.exp %parallel_loop3A_676 : vector<16xf32>
        %parallel_loop3A_678 = arith.addf %parallel_loop3A_593, %parallel_loop3A_677 : vector<16xf32>
        %parallel_loop3A_679 = arith.constant 176 : i32
        %parallel_loop3A_680 = arith.addi %parallel_loop3A_612, %parallel_loop3A_679 : i32
        %parallel_loop3A_681 = arith.index_cast %parallel_loop3A_680 : i32 to index
        %parallel_loop3A_682 = tpu.vector_load %arg8[%parallel_loop3A_681] {strides = array<i32>} : memref<49920xf32, #tpu.memory_space<vmem>>, vector<16xf32>,
        %parallel_loop3A_683 = math.exp %parallel_loop3A_682 : vector<16xf32>
        %parallel_loop3A_684 = arith.addf %parallel_loop3A_594, %parallel_loop3A_683 : vector<16xf32>
        %parallel_loop3A_685 = arith.constant 192 : i32
        %parallel_loop3A_686 = arith.addi %parallel_loop3A_612, %parallel_loop3A_685 : i32
        %parallel_loop3A_687 = arith.index_cast %parallel_loop3A_686 : i32 to index
        %parallel_loop3A_688 = tpu.vector_load %arg8[%parallel_loop3A_687] {strides = array<i32>} : memref<49920xf32, #tpu.memory_space<vmem>>, vector<16xf32>,
        %parallel_loop3A_689 = math.exp %parallel_loop3A_688 : vector<16xf32>
        %parallel_loop3A_690 = arith.addf %parallel_loop3A_595, %parallel_loop3A_689 : vector<16xf32>
        %parallel_loop3A_691 = arith.constant 208 : i32
        %parallel_loop3A_692 = arith.addi %parallel_loop3A_612, %parallel_loop3A_691 : i32
        %parallel_loop3A_693 = arith.index_cast %parallel_loop3A_692 : i32 to index
        %parallel_loop3A_694 = tpu.vector_load %arg8[%parallel_loop3A_693] {strides = array<i32>} : memref<49920xf32, #tpu.memory_space<vmem>>, vector<16xf32>,
        %parallel_loop3A_695 = math.exp %parallel_loop3A_694 : vector<16xf32>
        %parallel_loop3A_696 = arith.addf %parallel_loop3A_596, %parallel_loop3A_695 : vector<16xf32>
        %parallel_loop3A_697 = arith.constant 224 : i32
        %parallel_loop3A_698 = arith.addi %parallel_loop3A_612, %parallel_loop3A_697 : i32
        %parallel_loop3A_699 = arith.index_cast %parallel_loop3A_698 : i32 to index
        %parallel_loop3A_700 = tpu.vector_load %arg8[%parallel_loop3A_699] {strides = array<i32>} : memref<49920xf32, #tpu.memory_space<vmem>>, vector<16xf32>,
        %parallel_loop3A_701 = math.exp %parallel_loop3A_700 : vector<16xf32>
        %parallel_loop3A_702 = arith.addf %parallel_loop3A_597, %parallel_loop3A_701 : vector<16xf32>
        %parallel_loop3A_703 = arith.constant 240 : i32
        %parallel_loop3A_704 = arith.addi %parallel_loop3A_612, %parallel_loop3A_703 : i32
        %parallel_loop3A_705 = arith.index_cast %parallel_loop3A_704 : i32 to index
        %parallel_loop3A_706 = tpu.vector_load %arg8[%parallel_loop3A_705] {strides = array<i32>} : memref<49920xf32, #tpu.memory_space<vmem>>, vector<16xf32>,
        %parallel_loop3A_707 = math.exp %parallel_loop3A_706 : vector<16xf32>
        %parallel_loop3A_708 = arith.addf %parallel_loop3A_598, %parallel_loop3A_707 : vector<16xf32>
        %parallel_loop3A_709 = arith.constant 256 : i32
        %parallel_loop3A_710 = arith.addi %parallel_loop3A_612, %parallel_loop3A_709 : i32
        %parallel_loop3A_711 = arith.index_cast %parallel_loop3A_710 : i32 to index
        %parallel_loop3A_712 = tpu.vector_load %arg8[%parallel_loop3A_711] {strides = array<i32>} : memref<49920xf32, #tpu.memory_space<vmem>>, vector<16xf32>,
        %parallel_loop3A_713 = math.exp %parallel_loop3A_712 : vector<16xf32>
        %parallel_loop3A_714 = arith.addf %parallel_loop3A_599, %parallel_loop3A_713 : vector<16xf32>
        %parallel_loop3A_715 = arith.constant 272 : i32
        %parallel_loop3A_716 = arith.addi %parallel_loop3A_612, %parallel_loop3A_715 : i32
        %parallel_loop3A_717 = arith.index_cast %parallel_loop3A_716 : i32 to index
        %parallel_loop3A_718 = tpu.vector_load %arg8[%parallel_loop3A_717] {strides = array<i32>} : memref<49920xf32, #tpu.memory_space<vmem>>, vector<16xf32>,
        %parallel_loop3A_719 = math.exp %parallel_loop3A_718 : vector<16xf32>
        %parallel_loop3A_720 = arith.addf %parallel_loop3A_600, %parallel_loop3A_719 : vector<16xf32>
        %parallel_loop3A_721 = arith.constant 288 : i32
        %parallel_loop3A_722 = arith.addi %parallel_loop3A_612, %parallel_loop3A_721 : i32
        %parallel_loop3A_723 = arith.index_cast %parallel_loop3A_722 : i32 to index
        %parallel_loop3A_724 = tpu.vector_load %arg8[%parallel_loop3A_723] {strides = array<i32>} : memref<49920xf32, #tpu.memory_space<vmem>>, vector<16xf32>,
        %parallel_loop3A_725 = math.exp %parallel_loop3A_724 : vector<16xf32>
        %parallel_loop3A_726 = arith.addf %parallel_loop3A_601, %parallel_loop3A_725 : vector<16xf32>
        %parallel_loop3A_727 = arith.constant 304 : i32
        %parallel_loop3A_728 = arith.addi %parallel_loop3A_612, %parallel_loop3A_727 : i32
        %parallel_loop3A_729 = arith.index_cast %parallel_loop3A_728 : i32 to index
        %parallel_loop3A_730 = tpu.vector_load %arg8[%parallel_loop3A_729] {strides = array<i32>} : memref<49920xf32, #tpu.memory_space<vmem>>, vector<16xf32>,
        %parallel_loop3A_731 = math.exp %parallel_loop3A_730 : vector<16xf32>
        %parallel_loop3A_732 = arith.addf %parallel_loop3A_602, %parallel_loop3A_731 : vector<16xf32>
        %parallel_loop3A_733 = arith.constant 320 : i32
        %parallel_loop3A_734 = arith.addi %parallel_loop3A_612, %parallel_loop3A_733 : i32
        %parallel_loop3A_735 = arith.index_cast %parallel_loop3A_734 : i32 to index
        %parallel_loop3A_736 = tpu.vector_load %arg8[%parallel_loop3A_735] {strides = array<i32>} : memref<49920xf32, #tpu.memory_space<vmem>>, vector<16xf32>,
        %parallel_loop3A_737 = math.exp %parallel_loop3A_736 : vector<16xf32>
        %parallel_loop3A_738 = arith.addf %parallel_loop3A_603, %parallel_loop3A_737 : vector<16xf32>
        %parallel_loop3A_739 = arith.constant 336 : i32
        %parallel_loop3A_740 = arith.addi %parallel_loop3A_612, %parallel_loop3A_739 : i32
        %parallel_loop3A_741 = arith.index_cast %parallel_loop3A_740 : i32 to index
        %parallel_loop3A_742 = tpu.vector_load %arg8[%parallel_loop3A_741] {strides = array<i32>} : memref<49920xf32, #tpu.memory_space<vmem>>, vector<16xf32>,
        %parallel_loop3A_743 = math.exp %parallel_loop3A_742 : vector<16xf32>
        %parallel_loop3A_744 = arith.addf %parallel_loop3A_604, %parallel_loop3A_743 : vector<16xf32>
        %parallel_loop3A_745 = arith.constant 352 : i32
        %parallel_loop3A_746 = arith.addi %parallel_loop3A_612, %parallel_loop3A_745 : i32
        %parallel_loop3A_747 = arith.index_cast %parallel_loop3A_746 : i32 to index
        %parallel_loop3A_748 = tpu.vector_load %arg8[%parallel_loop3A_747] {strides = array<i32>} : memref<49920xf32, #tpu.memory_space<vmem>>, vector<16xf32>,
        %parallel_loop3A_749 = math.exp %parallel_loop3A_748 : vector<16xf32>
        %parallel_loop3A_750 = arith.addf %parallel_loop3A_605, %parallel_loop3A_749 : vector<16xf32>
        %parallel_loop3A_751 = arith.constant 368 : i32
        %parallel_loop3A_752 = arith.addi %parallel_loop3A_612, %parallel_loop3A_751 : i32
        %parallel_loop3A_753 = arith.index_cast %parallel_loop3A_752 : i32 to index
        %parallel_loop3A_754 = tpu.vector_load %arg8[%parallel_loop3A_753] {strides = array<i32>} : memref<49920xf32, #tpu.memory_space<vmem>>, vector<16xf32>,
        %parallel_loop3A_755 = math.exp %parallel_loop3A_754 : vector<16xf32>
        %parallel_loop3A_756 = arith.addf %parallel_loop3A_606, %parallel_loop3A_755 : vector<16xf32>
        scf.yield %parallel_loop3A_618, %parallel_loop3A_624, %parallel_loop3A_630, %parallel_loop3A_636, %parallel_loop3A_642, %parallel_loop3A_648, %parallel_loop3A_654, %parallel_loop3A_660, %parallel_loop3A_666, %parallel_loop3A_672, %parallel_loop3A_678, %parallel_loop3A_684, %parallel_loop3A_690, %parallel_loop3A_696, %parallel_loop3A_702, %parallel_loop3A_708, %parallel_loop3A_714, %parallel_loop3A_720, %parallel_loop3A_726, %parallel_loop3A_732, %parallel_loop3A_738, %parallel_loop3A_744, %parallel_loop3A_750, %parallel_loop3A_756 : vector<16xf32>, vector<16xf32>, vector<16xf32>, vector<16xf32>, vector<16xf32>, vector<16xf32>, vector<16xf32>, vector<16xf32>, vector<16xf32>, vector<16xf32>, vector<16xf32>, vector<16xf32>, vector<16xf32>, vector<16xf32>, vector<16xf32>, vector<16xf32>, vector<16xf32>, vector<16xf32>, vector<16xf32>, vector<16xf32>, vector<16xf32>, vector<16xf32>, vector<16xf32>, vector<16xf32>
      } {sc.loop_unroll_factor = 1 : i64, sc.parallel_access}
      %dma_wait3A_189 = arith.constant 19968 : i32
      %dma_wait3A_190 = tpu.memref_slice %arg8[%dma_wait3A_189] : memref<49920xf32, #tpu.memory_space<vmem>> -> memref<9984xf32, #tpu.memory_space<vmem>>
      %dma_wait3A_191 = arith.constant 19968 : i32
      %dma_wait3A_192 = tpu.memref_slice %arg3[%add3A_159, %select_n3A_9, %dma_wait3A_191] : memref<26x16x100000xf32, #tpu.memory_space<hbm>> -> memref<1x1x9984xf32, #tpu.memory_space<hbm>>
      %dma_wait3A_193 = tpu.memref_squeeze %dma_wait3A_192 : memref<1x1x9984xf32, #tpu.memory_space<hbm>> -> memref<9984xf32, #tpu.memory_space<hbm>>
      %dma_wait3A_194 = arith.constant 19968 : i32
      %dma_wait3A_195 = tpu.memref_slice %arg8[%dma_wait3A_194] : memref<49920xf32, #tpu.memory_space<vmem>> -> memref<9984xf32, #tpu.memory_space<vmem>>
      %dma_wait3A_196 = arith.constant 19968 : i32
      %dma_wait3A_197 = tpu.memref_slice %arg3[%add3A_159, %select_n3A_9, %dma_wait3A_196] : memref<26x16x100000xf32, #tpu.memory_space<hbm>> -> memref<1x1x9984xf32, #tpu.memory_space<hbm>>
      %dma_wait3A_198 = tpu.memref_squeeze %dma_wait3A_197 : memref<1x1x9984xf32, #tpu.memory_space<hbm>> -> memref<9984xf32, #tpu.memory_space<hbm>>
      tpu.wait_dma2 semaphore(%arg15 : memref<!tpu.dma_semaphore, #tpu.memory_space<semaphore_mem>>) src(%dma_wait3A_198 : memref<9984xf32, #tpu.memory_space<hbm>>) dst(%dma_wait3A_195 : memref<9984xf32, #tpu.memory_space<vmem>>)
      %parallel_loop3A_199 = arith.constant 0 : i32
      %parallel_loop3A_200 = arith.constant 26 : i32
      %parallel_loop3A_201 = arith.constant 1 : i32
      %parallel_loop3A_202:24 = scf.for %parallel_loop3A_582 = %parallel_loop3A_199 to %parallel_loop3A_200 step %parallel_loop3A_201 iter_args(%parallel_loop3A_583 = %broadcast_in_dim3A_31, %parallel_loop3A_584 = %broadcast_in_dim3A_31, %parallel_loop3A_585 = %broadcast_in_dim3A_31, %parallel_loop3A_586 = %broadcast_in_dim3A_31, %parallel_loop3A_587 = %broadcast_in_dim3A_31, %parallel_loop3A_588 = %broadcast_in_dim3A_31, %parallel_loop3A_589 = %broadcast_in_dim3A_31, %parallel_loop3A_590 = %broadcast_in_dim3A_31, %parallel_loop3A_591 = %broadcast_in_dim3A_31, %parallel_loop3A_592 = %broadcast_in_dim3A_31, %parallel_loop3A_593 = %broadcast_in_dim3A_31, %parallel_loop3A_594 = %broadcast_in_dim3A_31, %parallel_loop3A_595 = %broadcast_in_dim3A_31, %parallel_loop3A_596 = %broadcast_in_dim3A_31, %parallel_loop3A_597 = %broadcast_in_dim3A_31, %parallel_loop3A_598 = %broadcast_in_dim3A_31, %parallel_loop3A_599 = %broadcast_in_dim3A_31, %parallel_loop3A_600 = %broadcast_in_dim3A_31, %parallel_loop3A_601 = %broadcast_in_dim3A_31, %parallel_loop3A_602 = %broadcast_in_dim3A_31, %parallel_loop3A_603 = %broadcast_in_dim3A_31, %parallel_loop3A_604 = %broadcast_in_dim3A_31, %parallel_loop3A_605 = %broadcast_in_dim3A_31, %parallel_loop3A_606 = %broadcast_in_dim3A_31) -> (vector<16xf32>, vector<16xf32>, vector<16xf32>, vector<16xf32>, vector<16xf32>, vector<16xf32>, vector<16xf32>, vector<16xf32>, vector<16xf32>, vector<16xf32>, vector<16xf32>, vector<16xf32>, vector<16xf32>, vector<16xf32>, vector<16xf32>, vector<16xf32>, vector<16xf32>, vector<16xf32>, vector<16xf32>, vector<16xf32>, vector<16xf32>, vector<16xf32>, vector<16xf32>, vector<16xf32>)  : i32 {
        %parallel_loop3A_607 = arith.constant 24 : i32
        %parallel_loop3A_608 = arith.muli %parallel_loop3A_582, %parallel_loop3A_607 : i32
        %parallel_loop3A_609 = arith.constant 1248 : i32
        %parallel_loop3A_610 = arith.addi %parallel_loop3A_609, %parallel_loop3A_608 : i32
        %parallel_loop3A_611 = arith.constant 16 : i32
        %parallel_loop3A_612 = arith.muli %parallel_loop3A_610, %parallel_loop3A_611 : i32
        %parallel_loop3A_613 = arith.constant 0 : i32
        %parallel_loop3A_614 = arith.addi %parallel_loop3A_612, %parallel_loop3A_613 : i32
        %parallel_loop3A_615 = arith.index_cast %parallel_loop3A_614 : i32 to index
        %parallel_loop3A_616 = tpu.vector_load %arg8[%parallel_loop3A_615] {strides = array<i32>} : memref<49920xf32, #tpu.memory_space<vmem>>, vector<16xf32>,
        %parallel_loop3A_617 = math.exp %parallel_loop3A_616 : vector<16xf32>
        %parallel_loop3A_618 = arith.addf %parallel_loop3A_583, %parallel_loop3A_617 : vector<16xf32>
        %parallel_loop3A_619 = arith.constant 16 : i32
        %parallel_loop3A_620 = arith.addi %parallel_loop3A_612, %parallel_loop3A_619 : i32
        %parallel_loop3A_621 = arith.index_cast %parallel_loop3A_620 : i32 to index
        %parallel_loop3A_622 = tpu.vector_load %arg8[%parallel_loop3A_621] {strides = array<i32>} : memref<49920xf32, #tpu.memory_space<vmem>>, vector<16xf32>,
        %parallel_loop3A_623 = math.exp %parallel_loop3A_622 : vector<16xf32>
        %parallel_loop3A_624 = arith.addf %parallel_loop3A_584, %parallel_loop3A_623 : vector<16xf32>
        %parallel_loop3A_625 = arith.constant 32 : i32
        %parallel_loop3A_626 = arith.addi %parallel_loop3A_612, %parallel_loop3A_625 : i32
        %parallel_loop3A_627 = arith.index_cast %parallel_loop3A_626 : i32 to index
        %parallel_loop3A_628 = tpu.vector_load %arg8[%parallel_loop3A_627] {strides = array<i32>} : memref<49920xf32, #tpu.memory_space<vmem>>, vector<16xf32>,
        %parallel_loop3A_629 = math.exp %parallel_loop3A_628 : vector<16xf32>
        %parallel_loop3A_630 = arith.addf %parallel_loop3A_585, %parallel_loop3A_629 : vector<16xf32>
        %parallel_loop3A_631 = arith.constant 48 : i32
        %parallel_loop3A_632 = arith.addi %parallel_loop3A_612, %parallel_loop3A_631 : i32
        %parallel_loop3A_633 = arith.index_cast %parallel_loop3A_632 : i32 to index
        %parallel_loop3A_634 = tpu.vector_load %arg8[%parallel_loop3A_633] {strides = array<i32>} : memref<49920xf32, #tpu.memory_space<vmem>>, vector<16xf32>,
        %parallel_loop3A_635 = math.exp %parallel_loop3A_634 : vector<16xf32>
        %parallel_loop3A_636 = arith.addf %parallel_loop3A_586, %parallel_loop3A_635 : vector<16xf32>
        %parallel_loop3A_637 = arith.constant 64 : i32
        %parallel_loop3A_638 = arith.addi %parallel_loop3A_612, %parallel_loop3A_637 : i32
        %parallel_loop3A_639 = arith.index_cast %parallel_loop3A_638 : i32 to index
        %parallel_loop3A_640 = tpu.vector_load %arg8[%parallel_loop3A_639] {strides = array<i32>} : memref<49920xf32, #tpu.memory_space<vmem>>, vector<16xf32>,
        %parallel_loop3A_641 = math.exp %parallel_loop3A_640 : vector<16xf32>
        %parallel_loop3A_642 = arith.addf %parallel_loop3A_587, %parallel_loop3A_641 : vector<16xf32>
        %parallel_loop3A_643 = arith.constant 80 : i32
        %parallel_loop3A_644 = arith.addi %parallel_loop3A_612, %parallel_loop3A_643 : i32
        %parallel_loop3A_645 = arith.index_cast %parallel_loop3A_644 : i32 to index
        %parallel_loop3A_646 = tpu.vector_load %arg8[%parallel_loop3A_645] {strides = array<i32>} : memref<49920xf32, #tpu.memory_space<vmem>>, vector<16xf32>,
        %parallel_loop3A_647 = math.exp %parallel_loop3A_646 : vector<16xf32>
        %parallel_loop3A_648 = arith.addf %parallel_loop3A_588, %parallel_loop3A_647 : vector<16xf32>
        %parallel_loop3A_649 = arith.constant 96 : i32
        %parallel_loop3A_650 = arith.addi %parallel_loop3A_612, %parallel_loop3A_649 : i32
        %parallel_loop3A_651 = arith.index_cast %parallel_loop3A_650 : i32 to index
        %parallel_loop3A_652 = tpu.vector_load %arg8[%parallel_loop3A_651] {strides = array<i32>} : memref<49920xf32, #tpu.memory_space<vmem>>, vector<16xf32>,
        %parallel_loop3A_653 = math.exp %parallel_loop3A_652 : vector<16xf32>
        %parallel_loop3A_654 = arith.addf %parallel_loop3A_589, %parallel_loop3A_653 : vector<16xf32>
        %parallel_loop3A_655 = arith.constant 112 : i32
        %parallel_loop3A_656 = arith.addi %parallel_loop3A_612, %parallel_loop3A_655 : i32
        %parallel_loop3A_657 = arith.index_cast %parallel_loop3A_656 : i32 to index
        %parallel_loop3A_658 = tpu.vector_load %arg8[%parallel_loop3A_657] {strides = array<i32>} : memref<49920xf32, #tpu.memory_space<vmem>>, vector<16xf32>,
        %parallel_loop3A_659 = math.exp %parallel_loop3A_658 : vector<16xf32>
        %parallel_loop3A_660 = arith.addf %parallel_loop3A_590, %parallel_loop3A_659 : vector<16xf32>
        %parallel_loop3A_661 = arith.constant 128 : i32
        %parallel_loop3A_662 = arith.addi %parallel_loop3A_612, %parallel_loop3A_661 : i32
        %parallel_loop3A_663 = arith.index_cast %parallel_loop3A_662 : i32 to index
        %parallel_loop3A_664 = tpu.vector_load %arg8[%parallel_loop3A_663] {strides = array<i32>} : memref<49920xf32, #tpu.memory_space<vmem>>, vector<16xf32>,
        %parallel_loop3A_665 = math.exp %parallel_loop3A_664 : vector<16xf32>
        %parallel_loop3A_666 = arith.addf %parallel_loop3A_591, %parallel_loop3A_665 : vector<16xf32>
        %parallel_loop3A_667 = arith.constant 144 : i32
        %parallel_loop3A_668 = arith.addi %parallel_loop3A_612, %parallel_loop3A_667 : i32
        %parallel_loop3A_669 = arith.index_cast %parallel_loop3A_668 : i32 to index
        %parallel_loop3A_670 = tpu.vector_load %arg8[%parallel_loop3A_669] {strides = array<i32>} : memref<49920xf32, #tpu.memory_space<vmem>>, vector<16xf32>,
        %parallel_loop3A_671 = math.exp %parallel_loop3A_670 : vector<16xf32>
        %parallel_loop3A_672 = arith.addf %parallel_loop3A_592, %parallel_loop3A_671 : vector<16xf32>
        %parallel_loop3A_673 = arith.constant 160 : i32
        %parallel_loop3A_674 = arith.addi %parallel_loop3A_612, %parallel_loop3A_673 : i32
        %parallel_loop3A_675 = arith.index_cast %parallel_loop3A_674 : i32 to index
        %parallel_loop3A_676 = tpu.vector_load %arg8[%parallel_loop3A_675] {strides = array<i32>} : memref<49920xf32, #tpu.memory_space<vmem>>, vector<16xf32>,
        %parallel_loop3A_677 = math.exp %parallel_loop3A_676 : vector<16xf32>
        %parallel_loop3A_678 = arith.addf %parallel_loop3A_593, %parallel_loop3A_677 : vector<16xf32>
        %parallel_loop3A_679 = arith.constant 176 : i32
        %parallel_loop3A_680 = arith.addi %parallel_loop3A_612, %parallel_loop3A_679 : i32
        %parallel_loop3A_681 = arith.index_cast %parallel_loop3A_680 : i32 to index
        %parallel_loop3A_682 = tpu.vector_load %arg8[%parallel_loop3A_681] {strides = array<i32>} : memref<49920xf32, #tpu.memory_space<vmem>>, vector<16xf32>,
        %parallel_loop3A_683 = math.exp %parallel_loop3A_682 : vector<16xf32>
        %parallel_loop3A_684 = arith.addf %parallel_loop3A_594, %parallel_loop3A_683 : vector<16xf32>
        %parallel_loop3A_685 = arith.constant 192 : i32
        %parallel_loop3A_686 = arith.addi %parallel_loop3A_612, %parallel_loop3A_685 : i32
        %parallel_loop3A_687 = arith.index_cast %parallel_loop3A_686 : i32 to index
        %parallel_loop3A_688 = tpu.vector_load %arg8[%parallel_loop3A_687] {strides = array<i32>} : memref<49920xf32, #tpu.memory_space<vmem>>, vector<16xf32>,
        %parallel_loop3A_689 = math.exp %parallel_loop3A_688 : vector<16xf32>
        %parallel_loop3A_690 = arith.addf %parallel_loop3A_595, %parallel_loop3A_689 : vector<16xf32>
        %parallel_loop3A_691 = arith.constant 208 : i32
        %parallel_loop3A_692 = arith.addi %parallel_loop3A_612, %parallel_loop3A_691 : i32
        %parallel_loop3A_693 = arith.index_cast %parallel_loop3A_692 : i32 to index
        %parallel_loop3A_694 = tpu.vector_load %arg8[%parallel_loop3A_693] {strides = array<i32>} : memref<49920xf32, #tpu.memory_space<vmem>>, vector<16xf32>,
        %parallel_loop3A_695 = math.exp %parallel_loop3A_694 : vector<16xf32>
        %parallel_loop3A_696 = arith.addf %parallel_loop3A_596, %parallel_loop3A_695 : vector<16xf32>
        %parallel_loop3A_697 = arith.constant 224 : i32
        %parallel_loop3A_698 = arith.addi %parallel_loop3A_612, %parallel_loop3A_697 : i32
        %parallel_loop3A_699 = arith.index_cast %parallel_loop3A_698 : i32 to index
        %parallel_loop3A_700 = tpu.vector_load %arg8[%parallel_loop3A_699] {strides = array<i32>} : memref<49920xf32, #tpu.memory_space<vmem>>, vector<16xf32>,
        %parallel_loop3A_701 = math.exp %parallel_loop3A_700 : vector<16xf32>
        %parallel_loop3A_702 = arith.addf %parallel_loop3A_597, %parallel_loop3A_701 : vector<16xf32>
        %parallel_loop3A_703 = arith.constant 240 : i32
        %parallel_loop3A_704 = arith.addi %parallel_loop3A_612, %parallel_loop3A_703 : i32
        %parallel_loop3A_705 = arith.index_cast %parallel_loop3A_704 : i32 to index
        %parallel_loop3A_706 = tpu.vector_load %arg8[%parallel_loop3A_705] {strides = array<i32>} : memref<49920xf32, #tpu.memory_space<vmem>>, vector<16xf32>,
        %parallel_loop3A_707 = math.exp %parallel_loop3A_706 : vector<16xf32>
        %parallel_loop3A_708 = arith.addf %parallel_loop3A_598, %parallel_loop3A_707 : vector<16xf32>
        %parallel_loop3A_709 = arith.constant 256 : i32
        %parallel_loop3A_710 = arith.addi %parallel_loop3A_612, %parallel_loop3A_709 : i32
        %parallel_loop3A_711 = arith.index_cast %parallel_loop3A_710 : i32 to index
        %parallel_loop3A_712 = tpu.vector_load %arg8[%parallel_loop3A_711] {strides = array<i32>} : memref<49920xf32, #tpu.memory_space<vmem>>, vector<16xf32>,
        %parallel_loop3A_713 = math.exp %parallel_loop3A_712 : vector<16xf32>
        %parallel_loop3A_714 = arith.addf %parallel_loop3A_599, %parallel_loop3A_713 : vector<16xf32>
        %parallel_loop3A_715 = arith.constant 272 : i32
        %parallel_loop3A_716 = arith.addi %parallel_loop3A_612, %parallel_loop3A_715 : i32
        %parallel_loop3A_717 = arith.index_cast %parallel_loop3A_716 : i32 to index
        %parallel_loop3A_718 = tpu.vector_load %arg8[%parallel_loop3A_717] {strides = array<i32>} : memref<49920xf32, #tpu.memory_space<vmem>>, vector<16xf32>,
        %parallel_loop3A_719 = math.exp %parallel_loop3A_718 : vector<16xf32>
        %parallel_loop3A_720 = arith.addf %parallel_loop3A_600, %parallel_loop3A_719 : vector<16xf32>
        %parallel_loop3A_721 = arith.constant 288 : i32
        %parallel_loop3A_722 = arith.addi %parallel_loop3A_612, %parallel_loop3A_721 : i32
        %parallel_loop3A_723 = arith.index_cast %parallel_loop3A_722 : i32 to index
        %parallel_loop3A_724 = tpu.vector_load %arg8[%parallel_loop3A_723] {strides = array<i32>} : memref<49920xf32, #tpu.memory_space<vmem>>, vector<16xf32>,
        %parallel_loop3A_725 = math.exp %parallel_loop3A_724 : vector<16xf32>
        %parallel_loop3A_726 = arith.addf %parallel_loop3A_601, %parallel_loop3A_725 : vector<16xf32>
        %parallel_loop3A_727 = arith.constant 304 : i32
        %parallel_loop3A_728 = arith.addi %parallel_loop3A_612, %parallel_loop3A_727 : i32
        %parallel_loop3A_729 = arith.index_cast %parallel_loop3A_728 : i32 to index
        %parallel_loop3A_730 = tpu.vector_load %arg8[%parallel_loop3A_729] {strides = array<i32>} : memref<49920xf32, #tpu.memory_space<vmem>>, vector<16xf32>,
        %parallel_loop3A_731 = math.exp %parallel_loop3A_730 : vector<16xf32>
        %parallel_loop3A_732 = arith.addf %parallel_loop3A_602, %parallel_loop3A_731 : vector<16xf32>
        %parallel_loop3A_733 = arith.constant 320 : i32
        %parallel_loop3A_734 = arith.addi %parallel_loop3A_612, %parallel_loop3A_733 : i32
        %parallel_loop3A_735 = arith.index_cast %parallel_loop3A_734 : i32 to index
        %parallel_loop3A_736 = tpu.vector_load %arg8[%parallel_loop3A_735] {strides = array<i32>} : memref<49920xf32, #tpu.memory_space<vmem>>, vector<16xf32>,
        %parallel_loop3A_737 = math.exp %parallel_loop3A_736 : vector<16xf32>
        %parallel_loop3A_738 = arith.addf %parallel_loop3A_603, %parallel_loop3A_737 : vector<16xf32>
        %parallel_loop3A_739 = arith.constant 336 : i32
        %parallel_loop3A_740 = arith.addi %parallel_loop3A_612, %parallel_loop3A_739 : i32
        %parallel_loop3A_741 = arith.index_cast %parallel_loop3A_740 : i32 to index
        %parallel_loop3A_742 = tpu.vector_load %arg8[%parallel_loop3A_741] {strides = array<i32>} : memref<49920xf32, #tpu.memory_space<vmem>>, vector<16xf32>,
        %parallel_loop3A_743 = math.exp %parallel_loop3A_742 : vector<16xf32>
        %parallel_loop3A_744 = arith.addf %parallel_loop3A_604, %parallel_loop3A_743 : vector<16xf32>
        %parallel_loop3A_745 = arith.constant 352 : i32
        %parallel_loop3A_746 = arith.addi %parallel_loop3A_612, %parallel_loop3A_745 : i32
        %parallel_loop3A_747 = arith.index_cast %parallel_loop3A_746 : i32 to index
        %parallel_loop3A_748 = tpu.vector_load %arg8[%parallel_loop3A_747] {strides = array<i32>} : memref<49920xf32, #tpu.memory_space<vmem>>, vector<16xf32>,
        %parallel_loop3A_749 = math.exp %parallel_loop3A_748 : vector<16xf32>
        %parallel_loop3A_750 = arith.addf %parallel_loop3A_605, %parallel_loop3A_749 : vector<16xf32>
        %parallel_loop3A_751 = arith.constant 368 : i32
        %parallel_loop3A_752 = arith.addi %parallel_loop3A_612, %parallel_loop3A_751 : i32
        %parallel_loop3A_753 = arith.index_cast %parallel_loop3A_752 : i32 to index
        %parallel_loop3A_754 = tpu.vector_load %arg8[%parallel_loop3A_753] {strides = array<i32>} : memref<49920xf32, #tpu.memory_space<vmem>>, vector<16xf32>,
        %parallel_loop3A_755 = math.exp %parallel_loop3A_754 : vector<16xf32>
        %parallel_loop3A_756 = arith.addf %parallel_loop3A_606, %parallel_loop3A_755 : vector<16xf32>
        scf.yield %parallel_loop3A_618, %parallel_loop3A_624, %parallel_loop3A_630, %parallel_loop3A_636, %parallel_loop3A_642, %parallel_loop3A_648, %parallel_loop3A_654, %parallel_loop3A_660, %parallel_loop3A_666, %parallel_loop3A_672, %parallel_loop3A_678, %parallel_loop3A_684, %parallel_loop3A_690, %parallel_loop3A_696, %parallel_loop3A_702, %parallel_loop3A_708, %parallel_loop3A_714, %parallel_loop3A_720, %parallel_loop3A_726, %parallel_loop3A_732, %parallel_loop3A_738, %parallel_loop3A_744, %parallel_loop3A_750, %parallel_loop3A_756 : vector<16xf32>, vector<16xf32>, vector<16xf32>, vector<16xf32>, vector<16xf32>, vector<16xf32>, vector<16xf32>, vector<16xf32>, vector<16xf32>, vector<16xf32>, vector<16xf32>, vector<16xf32>, vector<16xf32>, vector<16xf32>, vector<16xf32>, vector<16xf32>, vector<16xf32>, vector<16xf32>, vector<16xf32>, vector<16xf32>, vector<16xf32>, vector<16xf32>, vector<16xf32>, vector<16xf32>
      } {sc.loop_unroll_factor = 1 : i64, sc.parallel_access}
      %dma_wait3A_203 = arith.constant 29952 : i32
      %dma_wait3A_204 = tpu.memref_slice %arg8[%dma_wait3A_203] : memref<49920xf32, #tpu.memory_space<vmem>> -> memref<9984xf32, #tpu.memory_space<vmem>>
      %dma_wait3A_205 = arith.constant 29952 : i32
      %dma_wait3A_206 = tpu.memref_slice %arg3[%add3A_159, %select_n3A_9, %dma_wait3A_205] : memref<26x16x100000xf32, #tpu.memory_space<hbm>> -> memref<1x1x9984xf32, #tpu.memory_space<hbm>>
      %dma_wait3A_207 = tpu.memref_squeeze %dma_wait3A_206 : memref<1x1x9984xf32, #tpu.memory_space<hbm>> -> memref<9984xf32, #tpu.memory_space<hbm>>
      %dma_wait3A_208 = arith.constant 29952 : i32
      %dma_wait3A_209 = tpu.memref_slice %arg8[%dma_wait3A_208] : memref<49920xf32, #tpu.memory_space<vmem>> -> memref<9984xf32, #tpu.memory_space<vmem>>
      %dma_wait3A_210 = arith.constant 29952 : i32
      %dma_wait3A_211 = tpu.memref_slice %arg3[%add3A_159, %select_n3A_9, %dma_wait3A_210] : memref<26x16x100000xf32, #tpu.memory_space<hbm>> -> memref<1x1x9984xf32, #tpu.memory_space<hbm>>
      %dma_wait3A_212 = tpu.memref_squeeze %dma_wait3A_211 : memref<1x1x9984xf32, #tpu.memory_space<hbm>> -> memref<9984xf32, #tpu.memory_space<hbm>>
      tpu.wait_dma2 semaphore(%arg16 : memref<!tpu.dma_semaphore, #tpu.memory_space<semaphore_mem>>) src(%dma_wait3A_212 : memref<9984xf32, #tpu.memory_space<hbm>>) dst(%dma_wait3A_209 : memref<9984xf32, #tpu.memory_space<vmem>>)
      %parallel_loop3A_213 = arith.constant 0 : i32
      %parallel_loop3A_214 = arith.constant 26 : i32
      %parallel_loop3A_215 = arith.constant 1 : i32
      %parallel_loop3A_216:24 = scf.for %parallel_loop3A_582 = %parallel_loop3A_213 to %parallel_loop3A_214 step %parallel_loop3A_215 iter_args(%parallel_loop3A_583 = %broadcast_in_dim3A_31, %parallel_loop3A_584 = %broadcast_in_dim3A_31, %parallel_loop3A_585 = %broadcast_in_dim3A_31, %parallel_loop3A_586 = %broadcast_in_dim3A_31, %parallel_loop3A_587 = %broadcast_in_dim3A_31, %parallel_loop3A_588 = %broadcast_in_dim3A_31, %parallel_loop3A_589 = %broadcast_in_dim3A_31, %parallel_loop3A_590 = %broadcast_in_dim3A_31, %parallel_loop3A_591 = %broadcast_in_dim3A_31, %parallel_loop3A_592 = %broadcast_in_dim3A_31, %parallel_loop3A_593 = %broadcast_in_dim3A_31, %parallel_loop3A_594 = %broadcast_in_dim3A_31, %parallel_loop3A_595 = %broadcast_in_dim3A_31, %parallel_loop3A_596 = %broadcast_in_dim3A_31, %parallel_loop3A_597 = %broadcast_in_dim3A_31, %parallel_loop3A_598 = %broadcast_in_dim3A_31, %parallel_loop3A_599 = %broadcast_in_dim3A_31, %parallel_loop3A_600 = %broadcast_in_dim3A_31, %parallel_loop3A_601 = %broadcast_in_dim3A_31, %parallel_loop3A_602 = %broadcast_in_dim3A_31, %parallel_loop3A_603 = %broadcast_in_dim3A_31, %parallel_loop3A_604 = %broadcast_in_dim3A_31, %parallel_loop3A_605 = %broadcast_in_dim3A_31, %parallel_loop3A_606 = %broadcast_in_dim3A_31) -> (vector<16xf32>, vector<16xf32>, vector<16xf32>, vector<16xf32>, vector<16xf32>, vector<16xf32>, vector<16xf32>, vector<16xf32>, vector<16xf32>, vector<16xf32>, vector<16xf32>, vector<16xf32>, vector<16xf32>, vector<16xf32>, vector<16xf32>, vector<16xf32>, vector<16xf32>, vector<16xf32>, vector<16xf32>, vector<16xf32>, vector<16xf32>, vector<16xf32>, vector<16xf32>, vector<16xf32>)  : i32 {
        %parallel_loop3A_607 = arith.constant 24 : i32
        %parallel_loop3A_608 = arith.muli %parallel_loop3A_582, %parallel_loop3A_607 : i32
        %parallel_loop3A_609 = arith.constant 1872 : i32
        %parallel_loop3A_610 = arith.addi %parallel_loop3A_609, %parallel_loop3A_608 : i32
        %parallel_loop3A_611 = arith.constant 16 : i32
        %parallel_loop3A_612 = arith.muli %parallel_loop3A_610, %parallel_loop3A_611 : i32
        %parallel_loop3A_613 = arith.constant 0 : i32
        %parallel_loop3A_614 = arith.addi %parallel_loop3A_612, %parallel_loop3A_613 : i32
        %parallel_loop3A_615 = arith.index_cast %parallel_loop3A_614 : i32 to index
        %parallel_loop3A_616 = tpu.vector_load %arg8[%parallel_loop3A_615] {strides = array<i32>} : memref<49920xf32, #tpu.memory_space<vmem>>, vector<16xf32>,
        %parallel_loop3A_617 = math.exp %parallel_loop3A_616 : vector<16xf32>
        %parallel_loop3A_618 = arith.addf %parallel_loop3A_583, %parallel_loop3A_617 : vector<16xf32>
        %parallel_loop3A_619 = arith.constant 16 : i32
        %parallel_loop3A_620 = arith.addi %parallel_loop3A_612, %parallel_loop3A_619 : i32
        %parallel_loop3A_621 = arith.index_cast %parallel_loop3A_620 : i32 to index
        %parallel_loop3A_622 = tpu.vector_load %arg8[%parallel_loop3A_621] {strides = array<i32>} : memref<49920xf32, #tpu.memory_space<vmem>>, vector<16xf32>,
        %parallel_loop3A_623 = math.exp %parallel_loop3A_622 : vector<16xf32>
        %parallel_loop3A_624 = arith.addf %parallel_loop3A_584, %parallel_loop3A_623 : vector<16xf32>
        %parallel_loop3A_625 = arith.constant 32 : i32
        %parallel_loop3A_626 = arith.addi %parallel_loop3A_612, %parallel_loop3A_625 : i32
        %parallel_loop3A_627 = arith.index_cast %parallel_loop3A_626 : i32 to index
        %parallel_loop3A_628 = tpu.vector_load %arg8[%parallel_loop3A_627] {strides = array<i32>} : memref<49920xf32, #tpu.memory_space<vmem>>, vector<16xf32>,
        %parallel_loop3A_629 = math.exp %parallel_loop3A_628 : vector<16xf32>
        %parallel_loop3A_630 = arith.addf %parallel_loop3A_585, %parallel_loop3A_629 : vector<16xf32>
        %parallel_loop3A_631 = arith.constant 48 : i32
        %parallel_loop3A_632 = arith.addi %parallel_loop3A_612, %parallel_loop3A_631 : i32
        %parallel_loop3A_633 = arith.index_cast %parallel_loop3A_632 : i32 to index
        %parallel_loop3A_634 = tpu.vector_load %arg8[%parallel_loop3A_633] {strides = array<i32>} : memref<49920xf32, #tpu.memory_space<vmem>>, vector<16xf32>,
        %parallel_loop3A_635 = math.exp %parallel_loop3A_634 : vector<16xf32>
        %parallel_loop3A_636 = arith.addf %parallel_loop3A_586, %parallel_loop3A_635 : vector<16xf32>
        %parallel_loop3A_637 = arith.constant 64 : i32
        %parallel_loop3A_638 = arith.addi %parallel_loop3A_612, %parallel_loop3A_637 : i32
        %parallel_loop3A_639 = arith.index_cast %parallel_loop3A_638 : i32 to index
        %parallel_loop3A_640 = tpu.vector_load %arg8[%parallel_loop3A_639] {strides = array<i32>} : memref<49920xf32, #tpu.memory_space<vmem>>, vector<16xf32>,
        %parallel_loop3A_641 = math.exp %parallel_loop3A_640 : vector<16xf32>
        %parallel_loop3A_642 = arith.addf %parallel_loop3A_587, %parallel_loop3A_641 : vector<16xf32>
        %parallel_loop3A_643 = arith.constant 80 : i32
        %parallel_loop3A_644 = arith.addi %parallel_loop3A_612, %parallel_loop3A_643 : i32
        %parallel_loop3A_645 = arith.index_cast %parallel_loop3A_644 : i32 to index
        %parallel_loop3A_646 = tpu.vector_load %arg8[%parallel_loop3A_645] {strides = array<i32>} : memref<49920xf32, #tpu.memory_space<vmem>>, vector<16xf32>,
        %parallel_loop3A_647 = math.exp %parallel_loop3A_646 : vector<16xf32>
        %parallel_loop3A_648 = arith.addf %parallel_loop3A_588, %parallel_loop3A_647 : vector<16xf32>
        %parallel_loop3A_649 = arith.constant 96 : i32
        %parallel_loop3A_650 = arith.addi %parallel_loop3A_612, %parallel_loop3A_649 : i32
        %parallel_loop3A_651 = arith.index_cast %parallel_loop3A_650 : i32 to index
        %parallel_loop3A_652 = tpu.vector_load %arg8[%parallel_loop3A_651] {strides = array<i32>} : memref<49920xf32, #tpu.memory_space<vmem>>, vector<16xf32>,
        %parallel_loop3A_653 = math.exp %parallel_loop3A_652 : vector<16xf32>
        %parallel_loop3A_654 = arith.addf %parallel_loop3A_589, %parallel_loop3A_653 : vector<16xf32>
        %parallel_loop3A_655 = arith.constant 112 : i32
        %parallel_loop3A_656 = arith.addi %parallel_loop3A_612, %parallel_loop3A_655 : i32
        %parallel_loop3A_657 = arith.index_cast %parallel_loop3A_656 : i32 to index
        %parallel_loop3A_658 = tpu.vector_load %arg8[%parallel_loop3A_657] {strides = array<i32>} : memref<49920xf32, #tpu.memory_space<vmem>>, vector<16xf32>,
        %parallel_loop3A_659 = math.exp %parallel_loop3A_658 : vector<16xf32>
        %parallel_loop3A_660 = arith.addf %parallel_loop3A_590, %parallel_loop3A_659 : vector<16xf32>
        %parallel_loop3A_661 = arith.constant 128 : i32
        %parallel_loop3A_662 = arith.addi %parallel_loop3A_612, %parallel_loop3A_661 : i32
        %parallel_loop3A_663 = arith.index_cast %parallel_loop3A_662 : i32 to index
        %parallel_loop3A_664 = tpu.vector_load %arg8[%parallel_loop3A_663] {strides = array<i32>} : memref<49920xf32, #tpu.memory_space<vmem>>, vector<16xf32>,
        %parallel_loop3A_665 = math.exp %parallel_loop3A_664 : vector<16xf32>
        %parallel_loop3A_666 = arith.addf %parallel_loop3A_591, %parallel_loop3A_665 : vector<16xf32>
        %parallel_loop3A_667 = arith.constant 144 : i32
        %parallel_loop3A_668 = arith.addi %parallel_loop3A_612, %parallel_loop3A_667 : i32
        %parallel_loop3A_669 = arith.index_cast %parallel_loop3A_668 : i32 to index
        %parallel_loop3A_670 = tpu.vector_load %arg8[%parallel_loop3A_669] {strides = array<i32>} : memref<49920xf32, #tpu.memory_space<vmem>>, vector<16xf32>,
        %parallel_loop3A_671 = math.exp %parallel_loop3A_670 : vector<16xf32>
        %parallel_loop3A_672 = arith.addf %parallel_loop3A_592, %parallel_loop3A_671 : vector<16xf32>
        %parallel_loop3A_673 = arith.constant 160 : i32
        %parallel_loop3A_674 = arith.addi %parallel_loop3A_612, %parallel_loop3A_673 : i32
        %parallel_loop3A_675 = arith.index_cast %parallel_loop3A_674 : i32 to index
        %parallel_loop3A_676 = tpu.vector_load %arg8[%parallel_loop3A_675] {strides = array<i32>} : memref<49920xf32, #tpu.memory_space<vmem>>, vector<16xf32>,
        %parallel_loop3A_677 = math.exp %parallel_loop3A_676 : vector<16xf32>
        %parallel_loop3A_678 = arith.addf %parallel_loop3A_593, %parallel_loop3A_677 : vector<16xf32>
        %parallel_loop3A_679 = arith.constant 176 : i32
        %parallel_loop3A_680 = arith.addi %parallel_loop3A_612, %parallel_loop3A_679 : i32
        %parallel_loop3A_681 = arith.index_cast %parallel_loop3A_680 : i32 to index
        %parallel_loop3A_682 = tpu.vector_load %arg8[%parallel_loop3A_681] {strides = array<i32>} : memref<49920xf32, #tpu.memory_space<vmem>>, vector<16xf32>,
        %parallel_loop3A_683 = math.exp %parallel_loop3A_682 : vector<16xf32>
        %parallel_loop3A_684 = arith.addf %parallel_loop3A_594, %parallel_loop3A_683 : vector<16xf32>
        %parallel_loop3A_685 = arith.constant 192 : i32
        %parallel_loop3A_686 = arith.addi %parallel_loop3A_612, %parallel_loop3A_685 : i32
        %parallel_loop3A_687 = arith.index_cast %parallel_loop3A_686 : i32 to index
        %parallel_loop3A_688 = tpu.vector_load %arg8[%parallel_loop3A_687] {strides = array<i32>} : memref<49920xf32, #tpu.memory_space<vmem>>, vector<16xf32>,
        %parallel_loop3A_689 = math.exp %parallel_loop3A_688 : vector<16xf32>
        %parallel_loop3A_690 = arith.addf %parallel_loop3A_595, %parallel_loop3A_689 : vector<16xf32>
        %parallel_loop3A_691 = arith.constant 208 : i32
        %parallel_loop3A_692 = arith.addi %parallel_loop3A_612, %parallel_loop3A_691 : i32
        %parallel_loop3A_693 = arith.index_cast %parallel_loop3A_692 : i32 to index
        %parallel_loop3A_694 = tpu.vector_load %arg8[%parallel_loop3A_693] {strides = array<i32>} : memref<49920xf32, #tpu.memory_space<vmem>>, vector<16xf32>,
        %parallel_loop3A_695 = math.exp %parallel_loop3A_694 : vector<16xf32>
        %parallel_loop3A_696 = arith.addf %parallel_loop3A_596, %parallel_loop3A_695 : vector<16xf32>
        %parallel_loop3A_697 = arith.constant 224 : i32
        %parallel_loop3A_698 = arith.addi %parallel_loop3A_612, %parallel_loop3A_697 : i32
        %parallel_loop3A_699 = arith.index_cast %parallel_loop3A_698 : i32 to index
        %parallel_loop3A_700 = tpu.vector_load %arg8[%parallel_loop3A_699] {strides = array<i32>} : memref<49920xf32, #tpu.memory_space<vmem>>, vector<16xf32>,
        %parallel_loop3A_701 = math.exp %parallel_loop3A_700 : vector<16xf32>
        %parallel_loop3A_702 = arith.addf %parallel_loop3A_597, %parallel_loop3A_701 : vector<16xf32>
        %parallel_loop3A_703 = arith.constant 240 : i32
        %parallel_loop3A_704 = arith.addi %parallel_loop3A_612, %parallel_loop3A_703 : i32
        %parallel_loop3A_705 = arith.index_cast %parallel_loop3A_704 : i32 to index
        %parallel_loop3A_706 = tpu.vector_load %arg8[%parallel_loop3A_705] {strides = array<i32>} : memref<49920xf32, #tpu.memory_space<vmem>>, vector<16xf32>,
        %parallel_loop3A_707 = math.exp %parallel_loop3A_706 : vector<16xf32>
        %parallel_loop3A_708 = arith.addf %parallel_loop3A_598, %parallel_loop3A_707 : vector<16xf32>
        %parallel_loop3A_709 = arith.constant 256 : i32
        %parallel_loop3A_710 = arith.addi %parallel_loop3A_612, %parallel_loop3A_709 : i32
        %parallel_loop3A_711 = arith.index_cast %parallel_loop3A_710 : i32 to index
        %parallel_loop3A_712 = tpu.vector_load %arg8[%parallel_loop3A_711] {strides = array<i32>} : memref<49920xf32, #tpu.memory_space<vmem>>, vector<16xf32>,
        %parallel_loop3A_713 = math.exp %parallel_loop3A_712 : vector<16xf32>
        %parallel_loop3A_714 = arith.addf %parallel_loop3A_599, %parallel_loop3A_713 : vector<16xf32>
        %parallel_loop3A_715 = arith.constant 272 : i32
        %parallel_loop3A_716 = arith.addi %parallel_loop3A_612, %parallel_loop3A_715 : i32
        %parallel_loop3A_717 = arith.index_cast %parallel_loop3A_716 : i32 to index
        %parallel_loop3A_718 = tpu.vector_load %arg8[%parallel_loop3A_717] {strides = array<i32>} : memref<49920xf32, #tpu.memory_space<vmem>>, vector<16xf32>,
        %parallel_loop3A_719 = math.exp %parallel_loop3A_718 : vector<16xf32>
        %parallel_loop3A_720 = arith.addf %parallel_loop3A_600, %parallel_loop3A_719 : vector<16xf32>
        %parallel_loop3A_721 = arith.constant 288 : i32
        %parallel_loop3A_722 = arith.addi %parallel_loop3A_612, %parallel_loop3A_721 : i32
        %parallel_loop3A_723 = arith.index_cast %parallel_loop3A_722 : i32 to index
        %parallel_loop3A_724 = tpu.vector_load %arg8[%parallel_loop3A_723] {strides = array<i32>} : memref<49920xf32, #tpu.memory_space<vmem>>, vector<16xf32>,
        %parallel_loop3A_725 = math.exp %parallel_loop3A_724 : vector<16xf32>
        %parallel_loop3A_726 = arith.addf %parallel_loop3A_601, %parallel_loop3A_725 : vector<16xf32>
        %parallel_loop3A_727 = arith.constant 304 : i32
        %parallel_loop3A_728 = arith.addi %parallel_loop3A_612, %parallel_loop3A_727 : i32
        %parallel_loop3A_729 = arith.index_cast %parallel_loop3A_728 : i32 to index
        %parallel_loop3A_730 = tpu.vector_load %arg8[%parallel_loop3A_729] {strides = array<i32>} : memref<49920xf32, #tpu.memory_space<vmem>>, vector<16xf32>,
        %parallel_loop3A_731 = math.exp %parallel_loop3A_730 : vector<16xf32>
        %parallel_loop3A_732 = arith.addf %parallel_loop3A_602, %parallel_loop3A_731 : vector<16xf32>
        %parallel_loop3A_733 = arith.constant 320 : i32
        %parallel_loop3A_734 = arith.addi %parallel_loop3A_612, %parallel_loop3A_733 : i32
        %parallel_loop3A_735 = arith.index_cast %parallel_loop3A_734 : i32 to index
        %parallel_loop3A_736 = tpu.vector_load %arg8[%parallel_loop3A_735] {strides = array<i32>} : memref<49920xf32, #tpu.memory_space<vmem>>, vector<16xf32>,
        %parallel_loop3A_737 = math.exp %parallel_loop3A_736 : vector<16xf32>
        %parallel_loop3A_738 = arith.addf %parallel_loop3A_603, %parallel_loop3A_737 : vector<16xf32>
        %parallel_loop3A_739 = arith.constant 336 : i32
        %parallel_loop3A_740 = arith.addi %parallel_loop3A_612, %parallel_loop3A_739 : i32
        %parallel_loop3A_741 = arith.index_cast %parallel_loop3A_740 : i32 to index
        %parallel_loop3A_742 = tpu.vector_load %arg8[%parallel_loop3A_741] {strides = array<i32>} : memref<49920xf32, #tpu.memory_space<vmem>>, vector<16xf32>,
        %parallel_loop3A_743 = math.exp %parallel_loop3A_742 : vector<16xf32>
        %parallel_loop3A_744 = arith.addf %parallel_loop3A_604, %parallel_loop3A_743 : vector<16xf32>
        %parallel_loop3A_745 = arith.constant 352 : i32
        %parallel_loop3A_746 = arith.addi %parallel_loop3A_612, %parallel_loop3A_745 : i32
        %parallel_loop3A_747 = arith.index_cast %parallel_loop3A_746 : i32 to index
        %parallel_loop3A_748 = tpu.vector_load %arg8[%parallel_loop3A_747] {strides = array<i32>} : memref<49920xf32, #tpu.memory_space<vmem>>, vector<16xf32>,
        %parallel_loop3A_749 = math.exp %parallel_loop3A_748 : vector<16xf32>
        %parallel_loop3A_750 = arith.addf %parallel_loop3A_605, %parallel_loop3A_749 : vector<16xf32>
        %parallel_loop3A_751 = arith.constant 368 : i32
        %parallel_loop3A_752 = arith.addi %parallel_loop3A_612, %parallel_loop3A_751 : i32
        %parallel_loop3A_753 = arith.index_cast %parallel_loop3A_752 : i32 to index
        %parallel_loop3A_754 = tpu.vector_load %arg8[%parallel_loop3A_753] {strides = array<i32>} : memref<49920xf32, #tpu.memory_space<vmem>>, vector<16xf32>,
        %parallel_loop3A_755 = math.exp %parallel_loop3A_754 : vector<16xf32>
        %parallel_loop3A_756 = arith.addf %parallel_loop3A_606, %parallel_loop3A_755 : vector<16xf32>
        scf.yield %parallel_loop3A_618, %parallel_loop3A_624, %parallel_loop3A_630, %parallel_loop3A_636, %parallel_loop3A_642, %parallel_loop3A_648, %parallel_loop3A_654, %parallel_loop3A_660, %parallel_loop3A_666, %parallel_loop3A_672, %parallel_loop3A_678, %parallel_loop3A_684, %parallel_loop3A_690, %parallel_loop3A_696, %parallel_loop3A_702, %parallel_loop3A_708, %parallel_loop3A_714, %parallel_loop3A_720, %parallel_loop3A_726, %parallel_loop3A_732, %parallel_loop3A_738, %parallel_loop3A_744, %parallel_loop3A_750, %parallel_loop3A_756 : vector<16xf32>, vector<16xf32>, vector<16xf32>, vector<16xf32>, vector<16xf32>, vector<16xf32>, vector<16xf32>, vector<16xf32>, vector<16xf32>, vector<16xf32>, vector<16xf32>, vector<16xf32>, vector<16xf32>, vector<16xf32>, vector<16xf32>, vector<16xf32>, vector<16xf32>, vector<16xf32>, vector<16xf32>, vector<16xf32>, vector<16xf32>, vector<16xf32>, vector<16xf32>, vector<16xf32>
      } {sc.loop_unroll_factor = 1 : i64, sc.parallel_access}
      %dma_wait3A_217 = arith.constant 39936 : i32
      %dma_wait3A_218 = tpu.memref_slice %arg8[%dma_wait3A_217] : memref<49920xf32, #tpu.memory_space<vmem>> -> memref<9984xf32, #tpu.memory_space<vmem>>
      %dma_wait3A_219 = arith.constant 39936 : i32
      %dma_wait3A_220 = tpu.memref_slice %arg3[%add3A_159, %select_n3A_9, %dma_wait3A_219] : memref<26x16x100000xf32, #tpu.memory_space<hbm>> -> memref<1x1x9984xf32, #tpu.memory_space<hbm>>
      %dma_wait3A_221 = tpu.memref_squeeze %dma_wait3A_220 : memref<1x1x9984xf32, #tpu.memory_space<hbm>> -> memref<9984xf32, #tpu.memory_space<hbm>>
      %dma_wait3A_222 = arith.constant 39936 : i32
      %dma_wait3A_223 = tpu.memref_slice %arg8[%dma_wait3A_222] : memref<49920xf32, #tpu.memory_space<vmem>> -> memref<9984xf32, #tpu.memory_space<vmem>>
      %dma_wait3A_224 = arith.constant 39936 : i32
      %dma_wait3A_225 = tpu.memref_slice %arg3[%add3A_159, %select_n3A_9, %dma_wait3A_224] : memref<26x16x100000xf32, #tpu.memory_space<hbm>> -> memref<1x1x9984xf32, #tpu.memory_space<hbm>>
      %dma_wait3A_226 = tpu.memref_squeeze %dma_wait3A_225 : memref<1x1x9984xf32, #tpu.memory_space<hbm>> -> memref<9984xf32, #tpu.memory_space<hbm>>
      tpu.wait_dma2 semaphore(%arg17 : memref<!tpu.dma_semaphore, #tpu.memory_space<semaphore_mem>>) src(%dma_wait3A_226 : memref<9984xf32, #tpu.memory_space<hbm>>) dst(%dma_wait3A_223 : memref<9984xf32, #tpu.memory_space<vmem>>)
      %parallel_loop3A_227 = arith.constant 0 : i32
      %parallel_loop3A_228 = arith.constant 26 : i32
      %parallel_loop3A_229 = arith.constant 1 : i32
      %parallel_loop3A_230:24 = scf.for %parallel_loop3A_582 = %parallel_loop3A_227 to %parallel_loop3A_228 step %parallel_loop3A_229 iter_args(%parallel_loop3A_583 = %broadcast_in_dim3A_31, %parallel_loop3A_584 = %broadcast_in_dim3A_31, %parallel_loop3A_585 = %broadcast_in_dim3A_31, %parallel_loop3A_586 = %broadcast_in_dim3A_31, %parallel_loop3A_587 = %broadcast_in_dim3A_31, %parallel_loop3A_588 = %broadcast_in_dim3A_31, %parallel_loop3A_589 = %broadcast_in_dim3A_31, %parallel_loop3A_590 = %broadcast_in_dim3A_31, %parallel_loop3A_591 = %broadcast_in_dim3A_31, %parallel_loop3A_592 = %broadcast_in_dim3A_31, %parallel_loop3A_593 = %broadcast_in_dim3A_31, %parallel_loop3A_594 = %broadcast_in_dim3A_31, %parallel_loop3A_595 = %broadcast_in_dim3A_31, %parallel_loop3A_596 = %broadcast_in_dim3A_31, %parallel_loop3A_597 = %broadcast_in_dim3A_31, %parallel_loop3A_598 = %broadcast_in_dim3A_31, %parallel_loop3A_599 = %broadcast_in_dim3A_31, %parallel_loop3A_600 = %broadcast_in_dim3A_31, %parallel_loop3A_601 = %broadcast_in_dim3A_31, %parallel_loop3A_602 = %broadcast_in_dim3A_31, %parallel_loop3A_603 = %broadcast_in_dim3A_31, %parallel_loop3A_604 = %broadcast_in_dim3A_31, %parallel_loop3A_605 = %broadcast_in_dim3A_31, %parallel_loop3A_606 = %broadcast_in_dim3A_31) -> (vector<16xf32>, vector<16xf32>, vector<16xf32>, vector<16xf32>, vector<16xf32>, vector<16xf32>, vector<16xf32>, vector<16xf32>, vector<16xf32>, vector<16xf32>, vector<16xf32>, vector<16xf32>, vector<16xf32>, vector<16xf32>, vector<16xf32>, vector<16xf32>, vector<16xf32>, vector<16xf32>, vector<16xf32>, vector<16xf32>, vector<16xf32>, vector<16xf32>, vector<16xf32>, vector<16xf32>)  : i32 {
        %parallel_loop3A_607 = arith.constant 24 : i32
        %parallel_loop3A_608 = arith.muli %parallel_loop3A_582, %parallel_loop3A_607 : i32
        %parallel_loop3A_609 = arith.constant 2496 : i32
        %parallel_loop3A_610 = arith.addi %parallel_loop3A_609, %parallel_loop3A_608 : i32
        %parallel_loop3A_611 = arith.constant 16 : i32
        %parallel_loop3A_612 = arith.muli %parallel_loop3A_610, %parallel_loop3A_611 : i32
        %parallel_loop3A_613 = arith.constant 0 : i32
        %parallel_loop3A_614 = arith.addi %parallel_loop3A_612, %parallel_loop3A_613 : i32
        %parallel_loop3A_615 = arith.index_cast %parallel_loop3A_614 : i32 to index
        %parallel_loop3A_616 = tpu.vector_load %arg8[%parallel_loop3A_615] {strides = array<i32>} : memref<49920xf32, #tpu.memory_space<vmem>>, vector<16xf32>,
        %parallel_loop3A_617 = math.exp %parallel_loop3A_616 : vector<16xf32>
        %parallel_loop3A_618 = arith.addf %parallel_loop3A_583, %parallel_loop3A_617 : vector<16xf32>
        %parallel_loop3A_619 = arith.constant 16 : i32
        %parallel_loop3A_620 = arith.addi %parallel_loop3A_612, %parallel_loop3A_619 : i32
        %parallel_loop3A_621 = arith.index_cast %parallel_loop3A_620 : i32 to index
        %parallel_loop3A_622 = tpu.vector_load %arg8[%parallel_loop3A_621] {strides = array<i32>} : memref<49920xf32, #tpu.memory_space<vmem>>, vector<16xf32>,
        %parallel_loop3A_623 = math.exp %parallel_loop3A_622 : vector<16xf32>
        %parallel_loop3A_624 = arith.addf %parallel_loop3A_584, %parallel_loop3A_623 : vector<16xf32>
        %parallel_loop3A_625 = arith.constant 32 : i32
        %parallel_loop3A_626 = arith.addi %parallel_loop3A_612, %parallel_loop3A_625 : i32
        %parallel_loop3A_627 = arith.index_cast %parallel_loop3A_626 : i32 to index
        %parallel_loop3A_628 = tpu.vector_load %arg8[%parallel_loop3A_627] {strides = array<i32>} : memref<49920xf32, #tpu.memory_space<vmem>>, vector<16xf32>,
        %parallel_loop3A_629 = math.exp %parallel_loop3A_628 : vector<16xf32>
        %parallel_loop3A_630 = arith.addf %parallel_loop3A_585, %parallel_loop3A_629 : vector<16xf32>
        %parallel_loop3A_631 = arith.constant 48 : i32
        %parallel_loop3A_632 = arith.addi %parallel_loop3A_612, %parallel_loop3A_631 : i32
        %parallel_loop3A_633 = arith.index_cast %parallel_loop3A_632 : i32 to index
        %parallel_loop3A_634 = tpu.vector_load %arg8[%parallel_loop3A_633] {strides = array<i32>} : memref<49920xf32, #tpu.memory_space<vmem>>, vector<16xf32>,
        %parallel_loop3A_635 = math.exp %parallel_loop3A_634 : vector<16xf32>
        %parallel_loop3A_636 = arith.addf %parallel_loop3A_586, %parallel_loop3A_635 : vector<16xf32>
        %parallel_loop3A_637 = arith.constant 64 : i32
        %parallel_loop3A_638 = arith.addi %parallel_loop3A_612, %parallel_loop3A_637 : i32
        %parallel_loop3A_639 = arith.index_cast %parallel_loop3A_638 : i32 to index
        %parallel_loop3A_640 = tpu.vector_load %arg8[%parallel_loop3A_639] {strides = array<i32>} : memref<49920xf32, #tpu.memory_space<vmem>>, vector<16xf32>,
        %parallel_loop3A_641 = math.exp %parallel_loop3A_640 : vector<16xf32>
        %parallel_loop3A_642 = arith.addf %parallel_loop3A_587, %parallel_loop3A_641 : vector<16xf32>
        %parallel_loop3A_643 = arith.constant 80 : i32
        %parallel_loop3A_644 = arith.addi %parallel_loop3A_612, %parallel_loop3A_643 : i32
        %parallel_loop3A_645 = arith.index_cast %parallel_loop3A_644 : i32 to index
        %parallel_loop3A_646 = tpu.vector_load %arg8[%parallel_loop3A_645] {strides = array<i32>} : memref<49920xf32, #tpu.memory_space<vmem>>, vector<16xf32>,
        %parallel_loop3A_647 = math.exp %parallel_loop3A_646 : vector<16xf32>
        %parallel_loop3A_648 = arith.addf %parallel_loop3A_588, %parallel_loop3A_647 : vector<16xf32>
        %parallel_loop3A_649 = arith.constant 96 : i32
        %parallel_loop3A_650 = arith.addi %parallel_loop3A_612, %parallel_loop3A_649 : i32
        %parallel_loop3A_651 = arith.index_cast %parallel_loop3A_650 : i32 to index
        %parallel_loop3A_652 = tpu.vector_load %arg8[%parallel_loop3A_651] {strides = array<i32>} : memref<49920xf32, #tpu.memory_space<vmem>>, vector<16xf32>,
        %parallel_loop3A_653 = math.exp %parallel_loop3A_652 : vector<16xf32>
        %parallel_loop3A_654 = arith.addf %parallel_loop3A_589, %parallel_loop3A_653 : vector<16xf32>
        %parallel_loop3A_655 = arith.constant 112 : i32
        %parallel_loop3A_656 = arith.addi %parallel_loop3A_612, %parallel_loop3A_655 : i32
        %parallel_loop3A_657 = arith.index_cast %parallel_loop3A_656 : i32 to index
        %parallel_loop3A_658 = tpu.vector_load %arg8[%parallel_loop3A_657] {strides = array<i32>} : memref<49920xf32, #tpu.memory_space<vmem>>, vector<16xf32>,
        %parallel_loop3A_659 = math.exp %parallel_loop3A_658 : vector<16xf32>
        %parallel_loop3A_660 = arith.addf %parallel_loop3A_590, %parallel_loop3A_659 : vector<16xf32>
        %parallel_loop3A_661 = arith.constant 128 : i32
        %parallel_loop3A_662 = arith.addi %parallel_loop3A_612, %parallel_loop3A_661 : i32
        %parallel_loop3A_663 = arith.index_cast %parallel_loop3A_662 : i32 to index
        %parallel_loop3A_664 = tpu.vector_load %arg8[%parallel_loop3A_663] {strides = array<i32>} : memref<49920xf32, #tpu.memory_space<vmem>>, vector<16xf32>,
        %parallel_loop3A_665 = math.exp %parallel_loop3A_664 : vector<16xf32>
        %parallel_loop3A_666 = arith.addf %parallel_loop3A_591, %parallel_loop3A_665 : vector<16xf32>
        %parallel_loop3A_667 = arith.constant 144 : i32
        %parallel_loop3A_668 = arith.addi %parallel_loop3A_612, %parallel_loop3A_667 : i32
        %parallel_loop3A_669 = arith.index_cast %parallel_loop3A_668 : i32 to index
        %parallel_loop3A_670 = tpu.vector_load %arg8[%parallel_loop3A_669] {strides = array<i32>} : memref<49920xf32, #tpu.memory_space<vmem>>, vector<16xf32>,
        %parallel_loop3A_671 = math.exp %parallel_loop3A_670 : vector<16xf32>
        %parallel_loop3A_672 = arith.addf %parallel_loop3A_592, %parallel_loop3A_671 : vector<16xf32>
        %parallel_loop3A_673 = arith.constant 160 : i32
        %parallel_loop3A_674 = arith.addi %parallel_loop3A_612, %parallel_loop3A_673 : i32
        %parallel_loop3A_675 = arith.index_cast %parallel_loop3A_674 : i32 to index
        %parallel_loop3A_676 = tpu.vector_load %arg8[%parallel_loop3A_675] {strides = array<i32>} : memref<49920xf32, #tpu.memory_space<vmem>>, vector<16xf32>,
        %parallel_loop3A_677 = math.exp %parallel_loop3A_676 : vector<16xf32>
        %parallel_loop3A_678 = arith.addf %parallel_loop3A_593, %parallel_loop3A_677 : vector<16xf32>
        %parallel_loop3A_679 = arith.constant 176 : i32
        %parallel_loop3A_680 = arith.addi %parallel_loop3A_612, %parallel_loop3A_679 : i32
        %parallel_loop3A_681 = arith.index_cast %parallel_loop3A_680 : i32 to index
        %parallel_loop3A_682 = tpu.vector_load %arg8[%parallel_loop3A_681] {strides = array<i32>} : memref<49920xf32, #tpu.memory_space<vmem>>, vector<16xf32>,
        %parallel_loop3A_683 = math.exp %parallel_loop3A_682 : vector<16xf32>
        %parallel_loop3A_684 = arith.addf %parallel_loop3A_594, %parallel_loop3A_683 : vector<16xf32>
        %parallel_loop3A_685 = arith.constant 192 : i32
        %parallel_loop3A_686 = arith.addi %parallel_loop3A_612, %parallel_loop3A_685 : i32
        %parallel_loop3A_687 = arith.index_cast %parallel_loop3A_686 : i32 to index
        %parallel_loop3A_688 = tpu.vector_load %arg8[%parallel_loop3A_687] {strides = array<i32>} : memref<49920xf32, #tpu.memory_space<vmem>>, vector<16xf32>,
        %parallel_loop3A_689 = math.exp %parallel_loop3A_688 : vector<16xf32>
        %parallel_loop3A_690 = arith.addf %parallel_loop3A_595, %parallel_loop3A_689 : vector<16xf32>
        %parallel_loop3A_691 = arith.constant 208 : i32
        %parallel_loop3A_692 = arith.addi %parallel_loop3A_612, %parallel_loop3A_691 : i32
        %parallel_loop3A_693 = arith.index_cast %parallel_loop3A_692 : i32 to index
        %parallel_loop3A_694 = tpu.vector_load %arg8[%parallel_loop3A_693] {strides = array<i32>} : memref<49920xf32, #tpu.memory_space<vmem>>, vector<16xf32>,
        %parallel_loop3A_695 = math.exp %parallel_loop3A_694 : vector<16xf32>
        %parallel_loop3A_696 = arith.addf %parallel_loop3A_596, %parallel_loop3A_695 : vector<16xf32>
        %parallel_loop3A_697 = arith.constant 224 : i32
        %parallel_loop3A_698 = arith.addi %parallel_loop3A_612, %parallel_loop3A_697 : i32
        %parallel_loop3A_699 = arith.index_cast %parallel_loop3A_698 : i32 to index
        %parallel_loop3A_700 = tpu.vector_load %arg8[%parallel_loop3A_699] {strides = array<i32>} : memref<49920xf32, #tpu.memory_space<vmem>>, vector<16xf32>,
        %parallel_loop3A_701 = math.exp %parallel_loop3A_700 : vector<16xf32>
        %parallel_loop3A_702 = arith.addf %parallel_loop3A_597, %parallel_loop3A_701 : vector<16xf32>
        %parallel_loop3A_703 = arith.constant 240 : i32
        %parallel_loop3A_704 = arith.addi %parallel_loop3A_612, %parallel_loop3A_703 : i32
        %parallel_loop3A_705 = arith.index_cast %parallel_loop3A_704 : i32 to index
        %parallel_loop3A_706 = tpu.vector_load %arg8[%parallel_loop3A_705] {strides = array<i32>} : memref<49920xf32, #tpu.memory_space<vmem>>, vector<16xf32>,
        %parallel_loop3A_707 = math.exp %parallel_loop3A_706 : vector<16xf32>
        %parallel_loop3A_708 = arith.addf %parallel_loop3A_598, %parallel_loop3A_707 : vector<16xf32>
        %parallel_loop3A_709 = arith.constant 256 : i32
        %parallel_loop3A_710 = arith.addi %parallel_loop3A_612, %parallel_loop3A_709 : i32
        %parallel_loop3A_711 = arith.index_cast %parallel_loop3A_710 : i32 to index
        %parallel_loop3A_712 = tpu.vector_load %arg8[%parallel_loop3A_711] {strides = array<i32>} : memref<49920xf32, #tpu.memory_space<vmem>>, vector<16xf32>,
        %parallel_loop3A_713 = math.exp %parallel_loop3A_712 : vector<16xf32>
        %parallel_loop3A_714 = arith.addf %parallel_loop3A_599, %parallel_loop3A_713 : vector<16xf32>
        %parallel_loop3A_715 = arith.constant 272 : i32
        %parallel_loop3A_716 = arith.addi %parallel_loop3A_612, %parallel_loop3A_715 : i32
        %parallel_loop3A_717 = arith.index_cast %parallel_loop3A_716 : i32 to index
        %parallel_loop3A_718 = tpu.vector_load %arg8[%parallel_loop3A_717] {strides = array<i32>} : memref<49920xf32, #tpu.memory_space<vmem>>, vector<16xf32>,
        %parallel_loop3A_719 = math.exp %parallel_loop3A_718 : vector<16xf32>
        %parallel_loop3A_720 = arith.addf %parallel_loop3A_600, %parallel_loop3A_719 : vector<16xf32>
        %parallel_loop3A_721 = arith.constant 288 : i32
        %parallel_loop3A_722 = arith.addi %parallel_loop3A_612, %parallel_loop3A_721 : i32
        %parallel_loop3A_723 = arith.index_cast %parallel_loop3A_722 : i32 to index
        %parallel_loop3A_724 = tpu.vector_load %arg8[%parallel_loop3A_723] {strides = array<i32>} : memref<49920xf32, #tpu.memory_space<vmem>>, vector<16xf32>,
        %parallel_loop3A_725 = math.exp %parallel_loop3A_724 : vector<16xf32>
        %parallel_loop3A_726 = arith.addf %parallel_loop3A_601, %parallel_loop3A_725 : vector<16xf32>
        %parallel_loop3A_727 = arith.constant 304 : i32
        %parallel_loop3A_728 = arith.addi %parallel_loop3A_612, %parallel_loop3A_727 : i32
        %parallel_loop3A_729 = arith.index_cast %parallel_loop3A_728 : i32 to index
        %parallel_loop3A_730 = tpu.vector_load %arg8[%parallel_loop3A_729] {strides = array<i32>} : memref<49920xf32, #tpu.memory_space<vmem>>, vector<16xf32>,
        %parallel_loop3A_731 = math.exp %parallel_loop3A_730 : vector<16xf32>
        %parallel_loop3A_732 = arith.addf %parallel_loop3A_602, %parallel_loop3A_731 : vector<16xf32>
        %parallel_loop3A_733 = arith.constant 320 : i32
        %parallel_loop3A_734 = arith.addi %parallel_loop3A_612, %parallel_loop3A_733 : i32
        %parallel_loop3A_735 = arith.index_cast %parallel_loop3A_734 : i32 to index
        %parallel_loop3A_736 = tpu.vector_load %arg8[%parallel_loop3A_735] {strides = array<i32>} : memref<49920xf32, #tpu.memory_space<vmem>>, vector<16xf32>,
        %parallel_loop3A_737 = math.exp %parallel_loop3A_736 : vector<16xf32>
        %parallel_loop3A_738 = arith.addf %parallel_loop3A_603, %parallel_loop3A_737 : vector<16xf32>
        %parallel_loop3A_739 = arith.constant 336 : i32
        %parallel_loop3A_740 = arith.addi %parallel_loop3A_612, %parallel_loop3A_739 : i32
        %parallel_loop3A_741 = arith.index_cast %parallel_loop3A_740 : i32 to index
        %parallel_loop3A_742 = tpu.vector_load %arg8[%parallel_loop3A_741] {strides = array<i32>} : memref<49920xf32, #tpu.memory_space<vmem>>, vector<16xf32>,
        %parallel_loop3A_743 = math.exp %parallel_loop3A_742 : vector<16xf32>
        %parallel_loop3A_744 = arith.addf %parallel_loop3A_604, %parallel_loop3A_743 : vector<16xf32>
        %parallel_loop3A_745 = arith.constant 352 : i32
        %parallel_loop3A_746 = arith.addi %parallel_loop3A_612, %parallel_loop3A_745 : i32
        %parallel_loop3A_747 = arith.index_cast %parallel_loop3A_746 : i32 to index
        %parallel_loop3A_748 = tpu.vector_load %arg8[%parallel_loop3A_747] {strides = array<i32>} : memref<49920xf32, #tpu.memory_space<vmem>>, vector<16xf32>,
        %parallel_loop3A_749 = math.exp %parallel_loop3A_748 : vector<16xf32>
        %parallel_loop3A_750 = arith.addf %parallel_loop3A_605, %parallel_loop3A_749 : vector<16xf32>
        %parallel_loop3A_751 = arith.constant 368 : i32
        %parallel_loop3A_752 = arith.addi %parallel_loop3A_612, %parallel_loop3A_751 : i32
        %parallel_loop3A_753 = arith.index_cast %parallel_loop3A_752 : i32 to index
        %parallel_loop3A_754 = tpu.vector_load %arg8[%parallel_loop3A_753] {strides = array<i32>} : memref<49920xf32, #tpu.memory_space<vmem>>, vector<16xf32>,
        %parallel_loop3A_755 = math.exp %parallel_loop3A_754 : vector<16xf32>
        %parallel_loop3A_756 = arith.addf %parallel_loop3A_606, %parallel_loop3A_755 : vector<16xf32>
        scf.yield %parallel_loop3A_618, %parallel_loop3A_624, %parallel_loop3A_630, %parallel_loop3A_636, %parallel_loop3A_642, %parallel_loop3A_648, %parallel_loop3A_654, %parallel_loop3A_660, %parallel_loop3A_666, %parallel_loop3A_672, %parallel_loop3A_678, %parallel_loop3A_684, %parallel_loop3A_690, %parallel_loop3A_696, %parallel_loop3A_702, %parallel_loop3A_708, %parallel_loop3A_714, %parallel_loop3A_720, %parallel_loop3A_726, %parallel_loop3A_732, %parallel_loop3A_738, %parallel_loop3A_744, %parallel_loop3A_750, %parallel_loop3A_756 : vector<16xf32>, vector<16xf32>, vector<16xf32>, vector<16xf32>, vector<16xf32>, vector<16xf32>, vector<16xf32>, vector<16xf32>, vector<16xf32>, vector<16xf32>, vector<16xf32>, vector<16xf32>, vector<16xf32>, vector<16xf32>, vector<16xf32>, vector<16xf32>, vector<16xf32>, vector<16xf32>, vector<16xf32>, vector<16xf32>, vector<16xf32>, vector<16xf32>, vector<16xf32>, vector<16xf32>
      } {sc.loop_unroll_factor = 1 : i64, sc.parallel_access}
      %dma_wait3A_231 = arith.constant 0 : i32
      %dma_wait3A_232 = tpu.memref_slice %arg2[%add3A_159, %dma_wait3A_231] : memref<26x4096xi32, #tpu.memory_space<hbm>> -> memref<1x4096xi32, #tpu.memory_space<hbm>>
      %dma_wait3A_233 = tpu.memref_squeeze %dma_wait3A_232 : memref<1x4096xi32, #tpu.memory_space<hbm>> -> memref<4096xi32, #tpu.memory_space<hbm>>
      %dma_wait3A_234 = arith.constant 0 : i32
      %dma_wait3A_235 = tpu.memref_slice %arg2[%add3A_159, %dma_wait3A_234] : memref<26x4096xi32, #tpu.memory_space<hbm>> -> memref<1x4096xi32, #tpu.memory_space<hbm>>
      %dma_wait3A_236 = tpu.memref_squeeze %dma_wait3A_235 : memref<1x4096xi32, #tpu.memory_space<hbm>> -> memref<4096xi32, #tpu.memory_space<hbm>>
      tpu.wait_dma2 semaphore(%arg12 : memref<!tpu.dma_semaphore, #tpu.memory_space<semaphore_mem>>) src(%dma_wait3A_236 : memref<4096xi32, #tpu.memory_space<hbm>>) dst(%arg7 : memref<4096xi32, #tpu.memory_space<vmem>>)
      %parallel_loop3A_237 = arith.constant 0 : i32
      %parallel_loop3A_238 = arith.constant 256 : i32
      %parallel_loop3A_239 = arith.constant 1 : i32
      scf.for %parallel_loop3A_582 = %parallel_loop3A_237 to %parallel_loop3A_238 step %parallel_loop3A_239  : i32 {
        %parallel_loop3A_583 = arith.constant 16 : i32
        %parallel_loop3A_584 = arith.muli %parallel_loop3A_582, %parallel_loop3A_583 : i32
        %parallel_loop3A_585 = arith.index_cast %parallel_loop3A_584 : i32 to index
        %parallel_loop3A_586 = tpu.vector_load %arg7[%parallel_loop3A_585] {strides = array<i32>} : memref<4096xi32, #tpu.memory_space<vmem>>, vector<16xi32>,
        %parallel_loop3A_587 = arith.constant 49920 : i32
        %parallel_loop3A_588 = vector.broadcast %parallel_loop3A_587 : i32 to vector<16xi32>
        %parallel_loop3A_589 = arith.cmpi slt, %parallel_loop3A_586, %parallel_loop3A_588 : vector<16xi32>
        %parallel_loop3A_590 = tpu.vector_load_idx %arg8[%parallel_loop3A_586] masked %parallel_loop3A_589 : memref<49920xf32, #tpu.memory_space<vmem>>[vector<16xi32>], vector<16xf32>, vector<16xi1>
        %parallel_loop3A_591 = arith.constant 16 : i32
        %parallel_loop3A_592 = arith.muli %parallel_loop3A_582, %parallel_loop3A_591 : i32
        %parallel_loop3A_593 = arith.index_cast %parallel_loop3A_592 : i32 to index
        %parallel_loop3A_594 = tpu.vector_load %arg10[%parallel_loop3A_593] {strides = array<i32>} : memref<4096xf32, #tpu.memory_space<vmem>>, vector<16xf32>,
        %parallel_loop3A_595 = arith.constant 0.000000e+00 : f32
        %parallel_loop3A_596 = vector.broadcast %parallel_loop3A_595 : f32 to vector<16xf32>
        %parallel_loop3A_597 = arith.select %parallel_loop3A_589, %parallel_loop3A_590, %parallel_loop3A_596 : vector<16xi1>, vector<16xf32>
        %parallel_loop3A_598 = arith.addf %parallel_loop3A_594, %parallel_loop3A_597 : vector<16xf32>
        %parallel_loop3A_599 = arith.constant 16 : i32
        %parallel_loop3A_600 = arith.muli %parallel_loop3A_582, %parallel_loop3A_599 : i32
        %parallel_loop3A_601 = arith.index_cast %parallel_loop3A_600 : i32 to index
        %parallel_loop3A_602 = tpu.vector_load %arg10[%parallel_loop3A_601] {strides = array<i32>} : memref<4096xf32, #tpu.memory_space<vmem>>, vector<16xf32>,
        tpu.vector_store %arg10[%parallel_loop3A_601], %parallel_loop3A_598 {strides = array<i32>} : memref<4096xf32, #tpu.memory_space<vmem>>, vector<16xf32>,
      } {sc.loop_unroll_factor = 8 : i64, sc.parallel_access}
      %add3A_240 = arith.constant 1 : i32
      %add3A_241 = arith.addi %scan3A_156, %add3A_240 : i32
      %lt3A_242 = arith.constant 13 : i32
      %lt3A_243 = arith.cmpi slt, %add3A_241, %lt3A_242 : i32
      %convert_element_type3A = arith.extui %lt3A_243 : i1 to i32
      %cond3A = arith.constant 0 : i32
      %cond3A_244 = arith.cmpi ne, %convert_element_type3A, %cond3A : i32
      scf.if %cond3A_244 {
        %dma_start3A_582 = arith.constant 0 : i32
        %dma_start3A_583 = tpu.memref_slice %arg8[%dma_start3A_582] : memref<49920xf32, #tpu.memory_space<vmem>> -> memref<9984xf32, #tpu.memory_space<vmem>>
        %dma_start3A_584 = arith.constant 0 : i32
        %dma_start3A_585 = tpu.memref_slice %arg3[%add3A_161, %select_n3A_9, %dma_start3A_584] : memref<26x16x100000xf32, #tpu.memory_space<hbm>> -> memref<1x1x9984xf32, #tpu.memory_space<hbm>>
        %dma_start3A_586 = tpu.memref_squeeze %dma_start3A_585 : memref<1x1x9984xf32, #tpu.memory_space<hbm>> -> memref<9984xf32, #tpu.memory_space<hbm>>
        %dma_start3A_587 = arith.constant 0 : i32
        %dma_start3A_588 = tpu.memref_slice %arg8[%dma_start3A_587] : memref<49920xf32, #tpu.memory_space<vmem>> -> memref<9984xf32, #tpu.memory_space<vmem>>
        %dma_start3A_589 = arith.constant 0 : i32
        %dma_start3A_590 = tpu.memref_slice %arg3[%add3A_161, %select_n3A_9, %dma_start3A_589] : memref<26x16x100000xf32, #tpu.memory_space<hbm>> -> memref<1x1x9984xf32, #tpu.memory_space<hbm>>
        %dma_start3A_591 = tpu.memref_squeeze %dma_start3A_590 : memref<1x1x9984xf32, #tpu.memory_space<hbm>> -> memref<9984xf32, #tpu.memory_space<hbm>>
        tpu.enqueue_dma source(%dma_start3A_591 : memref<9984xf32, #tpu.memory_space<hbm>>) target(%dma_start3A_588 : memref<9984xf32, #tpu.memory_space<vmem>>) target_semaphore(%arg13 : memref<!tpu.dma_semaphore, #tpu.memory_space<semaphore_mem>>)
        %dma_start3A_592 = arith.constant 9984 : i32
        %dma_start3A_593 = tpu.memref_slice %arg8[%dma_start3A_592] : memref<49920xf32, #tpu.memory_space<vmem>> -> memref<9984xf32, #tpu.memory_space<vmem>>
        %dma_start3A_594 = arith.constant 9984 : i32
        %dma_start3A_595 = tpu.memref_slice %arg3[%add3A_161, %select_n3A_9, %dma_start3A_594] : memref<26x16x100000xf32, #tpu.memory_space<hbm>> -> memref<1x1x9984xf32, #tpu.memory_space<hbm>>
        %dma_start3A_596 = tpu.memref_squeeze %dma_start3A_595 : memref<1x1x9984xf32, #tpu.memory_space<hbm>> -> memref<9984xf32, #tpu.memory_space<hbm>>
        %dma_start3A_597 = arith.constant 9984 : i32
        %dma_start3A_598 = tpu.memref_slice %arg8[%dma_start3A_597] : memref<49920xf32, #tpu.memory_space<vmem>> -> memref<9984xf32, #tpu.memory_space<vmem>>
        %dma_start3A_599 = arith.constant 9984 : i32
        %dma_start3A_600 = tpu.memref_slice %arg3[%add3A_161, %select_n3A_9, %dma_start3A_599] : memref<26x16x100000xf32, #tpu.memory_space<hbm>> -> memref<1x1x9984xf32, #tpu.memory_space<hbm>>
        %dma_start3A_601 = tpu.memref_squeeze %dma_start3A_600 : memref<1x1x9984xf32, #tpu.memory_space<hbm>> -> memref<9984xf32, #tpu.memory_space<hbm>>
        tpu.enqueue_dma source(%dma_start3A_601 : memref<9984xf32, #tpu.memory_space<hbm>>) target(%dma_start3A_598 : memref<9984xf32, #tpu.memory_space<vmem>>) target_semaphore(%arg14 : memref<!tpu.dma_semaphore, #tpu.memory_space<semaphore_mem>>)
        %dma_start3A_602 = arith.constant 19968 : i32
        %dma_start3A_603 = tpu.memref_slice %arg8[%dma_start3A_602] : memref<49920xf32, #tpu.memory_space<vmem>> -> memref<9984xf32, #tpu.memory_space<vmem>>
        %dma_start3A_604 = arith.constant 19968 : i32
        %dma_start3A_605 = tpu.memref_slice %arg3[%add3A_161, %select_n3A_9, %dma_start3A_604] : memref<26x16x100000xf32, #tpu.memory_space<hbm>> -> memref<1x1x9984xf32, #tpu.memory_space<hbm>>
        %dma_start3A_606 = tpu.memref_squeeze %dma_start3A_605 : memref<1x1x9984xf32, #tpu.memory_space<hbm>> -> memref<9984xf32, #tpu.memory_space<hbm>>
        %dma_start3A_607 = arith.constant 19968 : i32
        %dma_start3A_608 = tpu.memref_slice %arg8[%dma_start3A_607] : memref<49920xf32, #tpu.memory_space<vmem>> -> memref<9984xf32, #tpu.memory_space<vmem>>
        %dma_start3A_609 = arith.constant 19968 : i32
        %dma_start3A_610 = tpu.memref_slice %arg3[%add3A_161, %select_n3A_9, %dma_start3A_609] : memref<26x16x100000xf32, #tpu.memory_space<hbm>> -> memref<1x1x9984xf32, #tpu.memory_space<hbm>>
        %dma_start3A_611 = tpu.memref_squeeze %dma_start3A_610 : memref<1x1x9984xf32, #tpu.memory_space<hbm>> -> memref<9984xf32, #tpu.memory_space<hbm>>
        tpu.enqueue_dma source(%dma_start3A_611 : memref<9984xf32, #tpu.memory_space<hbm>>) target(%dma_start3A_608 : memref<9984xf32, #tpu.memory_space<vmem>>) target_semaphore(%arg15 : memref<!tpu.dma_semaphore, #tpu.memory_space<semaphore_mem>>)
        %dma_start3A_612 = arith.constant 29952 : i32
        %dma_start3A_613 = tpu.memref_slice %arg8[%dma_start3A_612] : memref<49920xf32, #tpu.memory_space<vmem>> -> memref<9984xf32, #tpu.memory_space<vmem>>
        %dma_start3A_614 = arith.constant 29952 : i32
        %dma_start3A_615 = tpu.memref_slice %arg3[%add3A_161, %select_n3A_9, %dma_start3A_614] : memref<26x16x100000xf32, #tpu.memory_space<hbm>> -> memref<1x1x9984xf32, #tpu.memory_space<hbm>>
        %dma_start3A_616 = tpu.memref_squeeze %dma_start3A_615 : memref<1x1x9984xf32, #tpu.memory_space<hbm>> -> memref<9984xf32, #tpu.memory_space<hbm>>
        %dma_start3A_617 = arith.constant 29952 : i32
        %dma_start3A_618 = tpu.memref_slice %arg8[%dma_start3A_617] : memref<49920xf32, #tpu.memory_space<vmem>> -> memref<9984xf32, #tpu.memory_space<vmem>>
        %dma_start3A_619 = arith.constant 29952 : i32
        %dma_start3A_620 = tpu.memref_slice %arg3[%add3A_161, %select_n3A_9, %dma_start3A_619] : memref<26x16x100000xf32, #tpu.memory_space<hbm>> -> memref<1x1x9984xf32, #tpu.memory_space<hbm>>
        %dma_start3A_621 = tpu.memref_squeeze %dma_start3A_620 : memref<1x1x9984xf32, #tpu.memory_space<hbm>> -> memref<9984xf32, #tpu.memory_space<hbm>>
        tpu.enqueue_dma source(%dma_start3A_621 : memref<9984xf32, #tpu.memory_space<hbm>>) target(%dma_start3A_618 : memref<9984xf32, #tpu.memory_space<vmem>>) target_semaphore(%arg16 : memref<!tpu.dma_semaphore, #tpu.memory_space<semaphore_mem>>)
        %dma_start3A_622 = arith.constant 39936 : i32
        %dma_start3A_623 = tpu.memref_slice %arg8[%dma_start3A_622] : memref<49920xf32, #tpu.memory_space<vmem>> -> memref<9984xf32, #tpu.memory_space<vmem>>
        %dma_start3A_624 = arith.constant 39936 : i32
        %dma_start3A_625 = tpu.memref_slice %arg3[%add3A_161, %select_n3A_9, %dma_start3A_624] : memref<26x16x100000xf32, #tpu.memory_space<hbm>> -> memref<1x1x9984xf32, #tpu.memory_space<hbm>>
        %dma_start3A_626 = tpu.memref_squeeze %dma_start3A_625 : memref<1x1x9984xf32, #tpu.memory_space<hbm>> -> memref<9984xf32, #tpu.memory_space<hbm>>
        %dma_start3A_627 = arith.constant 39936 : i32
        %dma_start3A_628 = tpu.memref_slice %arg8[%dma_start3A_627] : memref<49920xf32, #tpu.memory_space<vmem>> -> memref<9984xf32, #tpu.memory_space<vmem>>
        %dma_start3A_629 = arith.constant 39936 : i32
        %dma_start3A_630 = tpu.memref_slice %arg3[%add3A_161, %select_n3A_9, %dma_start3A_629] : memref<26x16x100000xf32, #tpu.memory_space<hbm>> -> memref<1x1x9984xf32, #tpu.memory_space<hbm>>
        %dma_start3A_631 = tpu.memref_squeeze %dma_start3A_630 : memref<1x1x9984xf32, #tpu.memory_space<hbm>> -> memref<9984xf32, #tpu.memory_space<hbm>>
        tpu.enqueue_dma source(%dma_start3A_631 : memref<9984xf32, #tpu.memory_space<hbm>>) target(%dma_start3A_628 : memref<9984xf32, #tpu.memory_space<vmem>>) target_semaphore(%arg17 : memref<!tpu.dma_semaphore, #tpu.memory_space<semaphore_mem>>)
      } else {
      }
      %dma_wait3A_245 = arith.constant 0 : i32
      %dma_wait3A_246 = tpu.memref_slice %arg9[%dma_wait3A_245] : memref<50176xf32, #tpu.memory_space<vmem>> -> memref<9984xf32, #tpu.memory_space<vmem>>
      %dma_wait3A_247 = arith.constant 49920 : i32
      %dma_wait3A_248 = tpu.memref_slice %arg3[%add3A_159, %select_n3A_9, %dma_wait3A_247] : memref<26x16x100000xf32, #tpu.memory_space<hbm>> -> memref<1x1x9984xf32, #tpu.memory_space<hbm>>
      %dma_wait3A_249 = tpu.memref_squeeze %dma_wait3A_248 : memref<1x1x9984xf32, #tpu.memory_space<hbm>> -> memref<9984xf32, #tpu.memory_space<hbm>>
      %dma_wait3A_250 = arith.constant 0 : i32
      %dma_wait3A_251 = tpu.memref_slice %arg9[%dma_wait3A_250] : memref<50176xf32, #tpu.memory_space<vmem>> -> memref<9984xf32, #tpu.memory_space<vmem>>
      %dma_wait3A_252 = arith.constant 49920 : i32
      %dma_wait3A_253 = tpu.memref_slice %arg3[%add3A_159, %select_n3A_9, %dma_wait3A_252] : memref<26x16x100000xf32, #tpu.memory_space<hbm>> -> memref<1x1x9984xf32, #tpu.memory_space<hbm>>
      %dma_wait3A_254 = tpu.memref_squeeze %dma_wait3A_253 : memref<1x1x9984xf32, #tpu.memory_space<hbm>> -> memref<9984xf32, #tpu.memory_space<hbm>>
      tpu.wait_dma2 semaphore(%arg18 : memref<!tpu.dma_semaphore, #tpu.memory_space<semaphore_mem>>) src(%dma_wait3A_254 : memref<9984xf32, #tpu.memory_space<hbm>>) dst(%dma_wait3A_251 : memref<9984xf32, #tpu.memory_space<vmem>>)
      %parallel_loop3A_255 = arith.constant 0 : i32
      %parallel_loop3A_256 = arith.constant 26 : i32
      %parallel_loop3A_257 = arith.constant 1 : i32
      %parallel_loop3A_258:24 = scf.for %parallel_loop3A_582 = %parallel_loop3A_255 to %parallel_loop3A_256 step %parallel_loop3A_257 iter_args(%parallel_loop3A_583 = %broadcast_in_dim3A_31, %parallel_loop3A_584 = %broadcast_in_dim3A_31, %parallel_loop3A_585 = %broadcast_in_dim3A_31, %parallel_loop3A_586 = %broadcast_in_dim3A_31, %parallel_loop3A_587 = %broadcast_in_dim3A_31, %parallel_loop3A_588 = %broadcast_in_dim3A_31, %parallel_loop3A_589 = %broadcast_in_dim3A_31, %parallel_loop3A_590 = %broadcast_in_dim3A_31, %parallel_loop3A_591 = %broadcast_in_dim3A_31, %parallel_loop3A_592 = %broadcast_in_dim3A_31, %parallel_loop3A_593 = %broadcast_in_dim3A_31, %parallel_loop3A_594 = %broadcast_in_dim3A_31, %parallel_loop3A_595 = %broadcast_in_dim3A_31, %parallel_loop3A_596 = %broadcast_in_dim3A_31, %parallel_loop3A_597 = %broadcast_in_dim3A_31, %parallel_loop3A_598 = %broadcast_in_dim3A_31, %parallel_loop3A_599 = %broadcast_in_dim3A_31, %parallel_loop3A_600 = %broadcast_in_dim3A_31, %parallel_loop3A_601 = %broadcast_in_dim3A_31, %parallel_loop3A_602 = %broadcast_in_dim3A_31, %parallel_loop3A_603 = %broadcast_in_dim3A_31, %parallel_loop3A_604 = %broadcast_in_dim3A_31, %parallel_loop3A_605 = %broadcast_in_dim3A_31, %parallel_loop3A_606 = %broadcast_in_dim3A_31) -> (vector<16xf32>, vector<16xf32>, vector<16xf32>, vector<16xf32>, vector<16xf32>, vector<16xf32>, vector<16xf32>, vector<16xf32>, vector<16xf32>, vector<16xf32>, vector<16xf32>, vector<16xf32>, vector<16xf32>, vector<16xf32>, vector<16xf32>, vector<16xf32>, vector<16xf32>, vector<16xf32>, vector<16xf32>, vector<16xf32>, vector<16xf32>, vector<16xf32>, vector<16xf32>, vector<16xf32>)  : i32 {
        %parallel_loop3A_607 = arith.constant 24 : i32
        %parallel_loop3A_608 = arith.muli %parallel_loop3A_582, %parallel_loop3A_607 : i32
        %parallel_loop3A_609 = arith.constant 0 : i32
        %parallel_loop3A_610 = arith.addi %parallel_loop3A_609, %parallel_loop3A_608 : i32
        %parallel_loop3A_611 = arith.constant 16 : i32
        %parallel_loop3A_612 = arith.muli %parallel_loop3A_610, %parallel_loop3A_611 : i32
        %parallel_loop3A_613 = arith.constant 0 : i32
        %parallel_loop3A_614 = arith.addi %parallel_loop3A_612, %parallel_loop3A_613 : i32
        %parallel_loop3A_615 = arith.index_cast %parallel_loop3A_614 : i32 to index
        %parallel_loop3A_616 = tpu.vector_load %arg9[%parallel_loop3A_615] {strides = array<i32>} : memref<50176xf32, #tpu.memory_space<vmem>>, vector<16xf32>,
        %parallel_loop3A_617 = math.exp %parallel_loop3A_616 : vector<16xf32>
        %parallel_loop3A_618 = arith.addf %parallel_loop3A_583, %parallel_loop3A_617 : vector<16xf32>
        %parallel_loop3A_619 = arith.constant 16 : i32
        %parallel_loop3A_620 = arith.addi %parallel_loop3A_612, %parallel_loop3A_619 : i32
        %parallel_loop3A_621 = arith.index_cast %parallel_loop3A_620 : i32 to index
        %parallel_loop3A_622 = tpu.vector_load %arg9[%parallel_loop3A_621] {strides = array<i32>} : memref<50176xf32, #tpu.memory_space<vmem>>, vector<16xf32>,
        %parallel_loop3A_623 = math.exp %parallel_loop3A_622 : vector<16xf32>
        %parallel_loop3A_624 = arith.addf %parallel_loop3A_584, %parallel_loop3A_623 : vector<16xf32>
        %parallel_loop3A_625 = arith.constant 32 : i32
        %parallel_loop3A_626 = arith.addi %parallel_loop3A_612, %parallel_loop3A_625 : i32
        %parallel_loop3A_627 = arith.index_cast %parallel_loop3A_626 : i32 to index
        %parallel_loop3A_628 = tpu.vector_load %arg9[%parallel_loop3A_627] {strides = array<i32>} : memref<50176xf32, #tpu.memory_space<vmem>>, vector<16xf32>,
        %parallel_loop3A_629 = math.exp %parallel_loop3A_628 : vector<16xf32>
        %parallel_loop3A_630 = arith.addf %parallel_loop3A_585, %parallel_loop3A_629 : vector<16xf32>
        %parallel_loop3A_631 = arith.constant 48 : i32
        %parallel_loop3A_632 = arith.addi %parallel_loop3A_612, %parallel_loop3A_631 : i32
        %parallel_loop3A_633 = arith.index_cast %parallel_loop3A_632 : i32 to index
        %parallel_loop3A_634 = tpu.vector_load %arg9[%parallel_loop3A_633] {strides = array<i32>} : memref<50176xf32, #tpu.memory_space<vmem>>, vector<16xf32>,
        %parallel_loop3A_635 = math.exp %parallel_loop3A_634 : vector<16xf32>
        %parallel_loop3A_636 = arith.addf %parallel_loop3A_586, %parallel_loop3A_635 : vector<16xf32>
        %parallel_loop3A_637 = arith.constant 64 : i32
        %parallel_loop3A_638 = arith.addi %parallel_loop3A_612, %parallel_loop3A_637 : i32
        %parallel_loop3A_639 = arith.index_cast %parallel_loop3A_638 : i32 to index
        %parallel_loop3A_640 = tpu.vector_load %arg9[%parallel_loop3A_639] {strides = array<i32>} : memref<50176xf32, #tpu.memory_space<vmem>>, vector<16xf32>,
        %parallel_loop3A_641 = math.exp %parallel_loop3A_640 : vector<16xf32>
        %parallel_loop3A_642 = arith.addf %parallel_loop3A_587, %parallel_loop3A_641 : vector<16xf32>
        %parallel_loop3A_643 = arith.constant 80 : i32
        %parallel_loop3A_644 = arith.addi %parallel_loop3A_612, %parallel_loop3A_643 : i32
        %parallel_loop3A_645 = arith.index_cast %parallel_loop3A_644 : i32 to index
        %parallel_loop3A_646 = tpu.vector_load %arg9[%parallel_loop3A_645] {strides = array<i32>} : memref<50176xf32, #tpu.memory_space<vmem>>, vector<16xf32>,
        %parallel_loop3A_647 = math.exp %parallel_loop3A_646 : vector<16xf32>
        %parallel_loop3A_648 = arith.addf %parallel_loop3A_588, %parallel_loop3A_647 : vector<16xf32>
        %parallel_loop3A_649 = arith.constant 96 : i32
        %parallel_loop3A_650 = arith.addi %parallel_loop3A_612, %parallel_loop3A_649 : i32
        %parallel_loop3A_651 = arith.index_cast %parallel_loop3A_650 : i32 to index
        %parallel_loop3A_652 = tpu.vector_load %arg9[%parallel_loop3A_651] {strides = array<i32>} : memref<50176xf32, #tpu.memory_space<vmem>>, vector<16xf32>,
        %parallel_loop3A_653 = math.exp %parallel_loop3A_652 : vector<16xf32>
        %parallel_loop3A_654 = arith.addf %parallel_loop3A_589, %parallel_loop3A_653 : vector<16xf32>
        %parallel_loop3A_655 = arith.constant 112 : i32
        %parallel_loop3A_656 = arith.addi %parallel_loop3A_612, %parallel_loop3A_655 : i32
        %parallel_loop3A_657 = arith.index_cast %parallel_loop3A_656 : i32 to index
        %parallel_loop3A_658 = tpu.vector_load %arg9[%parallel_loop3A_657] {strides = array<i32>} : memref<50176xf32, #tpu.memory_space<vmem>>, vector<16xf32>,
        %parallel_loop3A_659 = math.exp %parallel_loop3A_658 : vector<16xf32>
        %parallel_loop3A_660 = arith.addf %parallel_loop3A_590, %parallel_loop3A_659 : vector<16xf32>
        %parallel_loop3A_661 = arith.constant 128 : i32
        %parallel_loop3A_662 = arith.addi %parallel_loop3A_612, %parallel_loop3A_661 : i32
        %parallel_loop3A_663 = arith.index_cast %parallel_loop3A_662 : i32 to index
        %parallel_loop3A_664 = tpu.vector_load %arg9[%parallel_loop3A_663] {strides = array<i32>} : memref<50176xf32, #tpu.memory_space<vmem>>, vector<16xf32>,
        %parallel_loop3A_665 = math.exp %parallel_loop3A_664 : vector<16xf32>
        %parallel_loop3A_666 = arith.addf %parallel_loop3A_591, %parallel_loop3A_665 : vector<16xf32>
        %parallel_loop3A_667 = arith.constant 144 : i32
        %parallel_loop3A_668 = arith.addi %parallel_loop3A_612, %parallel_loop3A_667 : i32
        %parallel_loop3A_669 = arith.index_cast %parallel_loop3A_668 : i32 to index
        %parallel_loop3A_670 = tpu.vector_load %arg9[%parallel_loop3A_669] {strides = array<i32>} : memref<50176xf32, #tpu.memory_space<vmem>>, vector<16xf32>,
        %parallel_loop3A_671 = math.exp %parallel_loop3A_670 : vector<16xf32>
        %parallel_loop3A_672 = arith.addf %parallel_loop3A_592, %parallel_loop3A_671 : vector<16xf32>
        %parallel_loop3A_673 = arith.constant 160 : i32
        %parallel_loop3A_674 = arith.addi %parallel_loop3A_612, %parallel_loop3A_673 : i32
        %parallel_loop3A_675 = arith.index_cast %parallel_loop3A_674 : i32 to index
        %parallel_loop3A_676 = tpu.vector_load %arg9[%parallel_loop3A_675] {strides = array<i32>} : memref<50176xf32, #tpu.memory_space<vmem>>, vector<16xf32>,
        %parallel_loop3A_677 = math.exp %parallel_loop3A_676 : vector<16xf32>
        %parallel_loop3A_678 = arith.addf %parallel_loop3A_593, %parallel_loop3A_677 : vector<16xf32>
        %parallel_loop3A_679 = arith.constant 176 : i32
        %parallel_loop3A_680 = arith.addi %parallel_loop3A_612, %parallel_loop3A_679 : i32
        %parallel_loop3A_681 = arith.index_cast %parallel_loop3A_680 : i32 to index
        %parallel_loop3A_682 = tpu.vector_load %arg9[%parallel_loop3A_681] {strides = array<i32>} : memref<50176xf32, #tpu.memory_space<vmem>>, vector<16xf32>,
        %parallel_loop3A_683 = math.exp %parallel_loop3A_682 : vector<16xf32>
        %parallel_loop3A_684 = arith.addf %parallel_loop3A_594, %parallel_loop3A_683 : vector<16xf32>
        %parallel_loop3A_685 = arith.constant 192 : i32
        %parallel_loop3A_686 = arith.addi %parallel_loop3A_612, %parallel_loop3A_685 : i32
        %parallel_loop3A_687 = arith.index_cast %parallel_loop3A_686 : i32 to index
        %parallel_loop3A_688 = tpu.vector_load %arg9[%parallel_loop3A_687] {strides = array<i32>} : memref<50176xf32, #tpu.memory_space<vmem>>, vector<16xf32>,
        %parallel_loop3A_689 = math.exp %parallel_loop3A_688 : vector<16xf32>
        %parallel_loop3A_690 = arith.addf %parallel_loop3A_595, %parallel_loop3A_689 : vector<16xf32>
        %parallel_loop3A_691 = arith.constant 208 : i32
        %parallel_loop3A_692 = arith.addi %parallel_loop3A_612, %parallel_loop3A_691 : i32
        %parallel_loop3A_693 = arith.index_cast %parallel_loop3A_692 : i32 to index
        %parallel_loop3A_694 = tpu.vector_load %arg9[%parallel_loop3A_693] {strides = array<i32>} : memref<50176xf32, #tpu.memory_space<vmem>>, vector<16xf32>,
        %parallel_loop3A_695 = math.exp %parallel_loop3A_694 : vector<16xf32>
        %parallel_loop3A_696 = arith.addf %parallel_loop3A_596, %parallel_loop3A_695 : vector<16xf32>
        %parallel_loop3A_697 = arith.constant 224 : i32
        %parallel_loop3A_698 = arith.addi %parallel_loop3A_612, %parallel_loop3A_697 : i32
        %parallel_loop3A_699 = arith.index_cast %parallel_loop3A_698 : i32 to index
        %parallel_loop3A_700 = tpu.vector_load %arg9[%parallel_loop3A_699] {strides = array<i32>} : memref<50176xf32, #tpu.memory_space<vmem>>, vector<16xf32>,
        %parallel_loop3A_701 = math.exp %parallel_loop3A_700 : vector<16xf32>
        %parallel_loop3A_702 = arith.addf %parallel_loop3A_597, %parallel_loop3A_701 : vector<16xf32>
        %parallel_loop3A_703 = arith.constant 240 : i32
        %parallel_loop3A_704 = arith.addi %parallel_loop3A_612, %parallel_loop3A_703 : i32
        %parallel_loop3A_705 = arith.index_cast %parallel_loop3A_704 : i32 to index
        %parallel_loop3A_706 = tpu.vector_load %arg9[%parallel_loop3A_705] {strides = array<i32>} : memref<50176xf32, #tpu.memory_space<vmem>>, vector<16xf32>,
        %parallel_loop3A_707 = math.exp %parallel_loop3A_706 : vector<16xf32>
        %parallel_loop3A_708 = arith.addf %parallel_loop3A_598, %parallel_loop3A_707 : vector<16xf32>
        %parallel_loop3A_709 = arith.constant 256 : i32
        %parallel_loop3A_710 = arith.addi %parallel_loop3A_612, %parallel_loop3A_709 : i32
        %parallel_loop3A_711 = arith.index_cast %parallel_loop3A_710 : i32 to index
        %parallel_loop3A_712 = tpu.vector_load %arg9[%parallel_loop3A_711] {strides = array<i32>} : memref<50176xf32, #tpu.memory_space<vmem>>, vector<16xf32>,
        %parallel_loop3A_713 = math.exp %parallel_loop3A_712 : vector<16xf32>
        %parallel_loop3A_714 = arith.addf %parallel_loop3A_599, %parallel_loop3A_713 : vector<16xf32>
        %parallel_loop3A_715 = arith.constant 272 : i32
        %parallel_loop3A_716 = arith.addi %parallel_loop3A_612, %parallel_loop3A_715 : i32
        %parallel_loop3A_717 = arith.index_cast %parallel_loop3A_716 : i32 to index
        %parallel_loop3A_718 = tpu.vector_load %arg9[%parallel_loop3A_717] {strides = array<i32>} : memref<50176xf32, #tpu.memory_space<vmem>>, vector<16xf32>,
        %parallel_loop3A_719 = math.exp %parallel_loop3A_718 : vector<16xf32>
        %parallel_loop3A_720 = arith.addf %parallel_loop3A_600, %parallel_loop3A_719 : vector<16xf32>
        %parallel_loop3A_721 = arith.constant 288 : i32
        %parallel_loop3A_722 = arith.addi %parallel_loop3A_612, %parallel_loop3A_721 : i32
        %parallel_loop3A_723 = arith.index_cast %parallel_loop3A_722 : i32 to index
        %parallel_loop3A_724 = tpu.vector_load %arg9[%parallel_loop3A_723] {strides = array<i32>} : memref<50176xf32, #tpu.memory_space<vmem>>, vector<16xf32>,
        %parallel_loop3A_725 = math.exp %parallel_loop3A_724 : vector<16xf32>
        %parallel_loop3A_726 = arith.addf %parallel_loop3A_601, %parallel_loop3A_725 : vector<16xf32>
        %parallel_loop3A_727 = arith.constant 304 : i32
        %parallel_loop3A_728 = arith.addi %parallel_loop3A_612, %parallel_loop3A_727 : i32
        %parallel_loop3A_729 = arith.index_cast %parallel_loop3A_728 : i32 to index
        %parallel_loop3A_730 = tpu.vector_load %arg9[%parallel_loop3A_729] {strides = array<i32>} : memref<50176xf32, #tpu.memory_space<vmem>>, vector<16xf32>,
        %parallel_loop3A_731 = math.exp %parallel_loop3A_730 : vector<16xf32>
        %parallel_loop3A_732 = arith.addf %parallel_loop3A_602, %parallel_loop3A_731 : vector<16xf32>
        %parallel_loop3A_733 = arith.constant 320 : i32
        %parallel_loop3A_734 = arith.addi %parallel_loop3A_612, %parallel_loop3A_733 : i32
        %parallel_loop3A_735 = arith.index_cast %parallel_loop3A_734 : i32 to index
        %parallel_loop3A_736 = tpu.vector_load %arg9[%parallel_loop3A_735] {strides = array<i32>} : memref<50176xf32, #tpu.memory_space<vmem>>, vector<16xf32>,
        %parallel_loop3A_737 = math.exp %parallel_loop3A_736 : vector<16xf32>
        %parallel_loop3A_738 = arith.addf %parallel_loop3A_603, %parallel_loop3A_737 : vector<16xf32>
        %parallel_loop3A_739 = arith.constant 336 : i32
        %parallel_loop3A_740 = arith.addi %parallel_loop3A_612, %parallel_loop3A_739 : i32
        %parallel_loop3A_741 = arith.index_cast %parallel_loop3A_740 : i32 to index
        %parallel_loop3A_742 = tpu.vector_load %arg9[%parallel_loop3A_741] {strides = array<i32>} : memref<50176xf32, #tpu.memory_space<vmem>>, vector<16xf32>,
        %parallel_loop3A_743 = math.exp %parallel_loop3A_742 : vector<16xf32>
        %parallel_loop3A_744 = arith.addf %parallel_loop3A_604, %parallel_loop3A_743 : vector<16xf32>
        %parallel_loop3A_745 = arith.constant 352 : i32
        %parallel_loop3A_746 = arith.addi %parallel_loop3A_612, %parallel_loop3A_745 : i32
        %parallel_loop3A_747 = arith.index_cast %parallel_loop3A_746 : i32 to index
        %parallel_loop3A_748 = tpu.vector_load %arg9[%parallel_loop3A_747] {strides = array<i32>} : memref<50176xf32, #tpu.memory_space<vmem>>, vector<16xf32>,
        %parallel_loop3A_749 = math.exp %parallel_loop3A_748 : vector<16xf32>
        %parallel_loop3A_750 = arith.addf %parallel_loop3A_605, %parallel_loop3A_749 : vector<16xf32>
        %parallel_loop3A_751 = arith.constant 368 : i32
        %parallel_loop3A_752 = arith.addi %parallel_loop3A_612, %parallel_loop3A_751 : i32
        %parallel_loop3A_753 = arith.index_cast %parallel_loop3A_752 : i32 to index
        %parallel_loop3A_754 = tpu.vector_load %arg9[%parallel_loop3A_753] {strides = array<i32>} : memref<50176xf32, #tpu.memory_space<vmem>>, vector<16xf32>,
        %parallel_loop3A_755 = math.exp %parallel_loop3A_754 : vector<16xf32>
        %parallel_loop3A_756 = arith.addf %parallel_loop3A_606, %parallel_loop3A_755 : vector<16xf32>
        scf.yield %parallel_loop3A_618, %parallel_loop3A_624, %parallel_loop3A_630, %parallel_loop3A_636, %parallel_loop3A_642, %parallel_loop3A_648, %parallel_loop3A_654, %parallel_loop3A_660, %parallel_loop3A_666, %parallel_loop3A_672, %parallel_loop3A_678, %parallel_loop3A_684, %parallel_loop3A_690, %parallel_loop3A_696, %parallel_loop3A_702, %parallel_loop3A_708, %parallel_loop3A_714, %parallel_loop3A_720, %parallel_loop3A_726, %parallel_loop3A_732, %parallel_loop3A_738, %parallel_loop3A_744, %parallel_loop3A_750, %parallel_loop3A_756 : vector<16xf32>, vector<16xf32>, vector<16xf32>, vector<16xf32>, vector<16xf32>, vector<16xf32>, vector<16xf32>, vector<16xf32>, vector<16xf32>, vector<16xf32>, vector<16xf32>, vector<16xf32>, vector<16xf32>, vector<16xf32>, vector<16xf32>, vector<16xf32>, vector<16xf32>, vector<16xf32>, vector<16xf32>, vector<16xf32>, vector<16xf32>, vector<16xf32>, vector<16xf32>, vector<16xf32>
      } {sc.loop_unroll_factor = 1 : i64, sc.parallel_access}
      %dma_wait3A_259 = arith.constant 9984 : i32
      %dma_wait3A_260 = tpu.memref_slice %arg9[%dma_wait3A_259] : memref<50176xf32, #tpu.memory_space<vmem>> -> memref<9984xf32, #tpu.memory_space<vmem>>
      %dma_wait3A_261 = arith.constant 59904 : i32
      %dma_wait3A_262 = tpu.memref_slice %arg3[%add3A_159, %select_n3A_9, %dma_wait3A_261] : memref<26x16x100000xf32, #tpu.memory_space<hbm>> -> memref<1x1x9984xf32, #tpu.memory_space<hbm>>
      %dma_wait3A_263 = tpu.memref_squeeze %dma_wait3A_262 : memref<1x1x9984xf32, #tpu.memory_space<hbm>> -> memref<9984xf32, #tpu.memory_space<hbm>>
      %dma_wait3A_264 = arith.constant 9984 : i32
      %dma_wait3A_265 = tpu.memref_slice %arg9[%dma_wait3A_264] : memref<50176xf32, #tpu.memory_space<vmem>> -> memref<9984xf32, #tpu.memory_space<vmem>>
      %dma_wait3A_266 = arith.constant 59904 : i32
      %dma_wait3A_267 = tpu.memref_slice %arg3[%add3A_159, %select_n3A_9, %dma_wait3A_266] : memref<26x16x100000xf32, #tpu.memory_space<hbm>> -> memref<1x1x9984xf32, #tpu.memory_space<hbm>>
      %dma_wait3A_268 = tpu.memref_squeeze %dma_wait3A_267 : memref<1x1x9984xf32, #tpu.memory_space<hbm>> -> memref<9984xf32, #tpu.memory_space<hbm>>
      tpu.wait_dma2 semaphore(%arg19 : memref<!tpu.dma_semaphore, #tpu.memory_space<semaphore_mem>>) src(%dma_wait3A_268 : memref<9984xf32, #tpu.memory_space<hbm>>) dst(%dma_wait3A_265 : memref<9984xf32, #tpu.memory_space<vmem>>)
      %parallel_loop3A_269 = arith.constant 0 : i32
      %parallel_loop3A_270 = arith.constant 26 : i32
      %parallel_loop3A_271 = arith.constant 1 : i32
      %parallel_loop3A_272:24 = scf.for %parallel_loop3A_582 = %parallel_loop3A_269 to %parallel_loop3A_270 step %parallel_loop3A_271 iter_args(%parallel_loop3A_583 = %broadcast_in_dim3A_31, %parallel_loop3A_584 = %broadcast_in_dim3A_31, %parallel_loop3A_585 = %broadcast_in_dim3A_31, %parallel_loop3A_586 = %broadcast_in_dim3A_31, %parallel_loop3A_587 = %broadcast_in_dim3A_31, %parallel_loop3A_588 = %broadcast_in_dim3A_31, %parallel_loop3A_589 = %broadcast_in_dim3A_31, %parallel_loop3A_590 = %broadcast_in_dim3A_31, %parallel_loop3A_591 = %broadcast_in_dim3A_31, %parallel_loop3A_592 = %broadcast_in_dim3A_31, %parallel_loop3A_593 = %broadcast_in_dim3A_31, %parallel_loop3A_594 = %broadcast_in_dim3A_31, %parallel_loop3A_595 = %broadcast_in_dim3A_31, %parallel_loop3A_596 = %broadcast_in_dim3A_31, %parallel_loop3A_597 = %broadcast_in_dim3A_31, %parallel_loop3A_598 = %broadcast_in_dim3A_31, %parallel_loop3A_599 = %broadcast_in_dim3A_31, %parallel_loop3A_600 = %broadcast_in_dim3A_31, %parallel_loop3A_601 = %broadcast_in_dim3A_31, %parallel_loop3A_602 = %broadcast_in_dim3A_31, %parallel_loop3A_603 = %broadcast_in_dim3A_31, %parallel_loop3A_604 = %broadcast_in_dim3A_31, %parallel_loop3A_605 = %broadcast_in_dim3A_31, %parallel_loop3A_606 = %broadcast_in_dim3A_31) -> (vector<16xf32>, vector<16xf32>, vector<16xf32>, vector<16xf32>, vector<16xf32>, vector<16xf32>, vector<16xf32>, vector<16xf32>, vector<16xf32>, vector<16xf32>, vector<16xf32>, vector<16xf32>, vector<16xf32>, vector<16xf32>, vector<16xf32>, vector<16xf32>, vector<16xf32>, vector<16xf32>, vector<16xf32>, vector<16xf32>, vector<16xf32>, vector<16xf32>, vector<16xf32>, vector<16xf32>)  : i32 {
        %parallel_loop3A_607 = arith.constant 24 : i32
        %parallel_loop3A_608 = arith.muli %parallel_loop3A_582, %parallel_loop3A_607 : i32
        %parallel_loop3A_609 = arith.constant 624 : i32
        %parallel_loop3A_610 = arith.addi %parallel_loop3A_609, %parallel_loop3A_608 : i32
        %parallel_loop3A_611 = arith.constant 16 : i32
        %parallel_loop3A_612 = arith.muli %parallel_loop3A_610, %parallel_loop3A_611 : i32
        %parallel_loop3A_613 = arith.constant 0 : i32
        %parallel_loop3A_614 = arith.addi %parallel_loop3A_612, %parallel_loop3A_613 : i32
        %parallel_loop3A_615 = arith.index_cast %parallel_loop3A_614 : i32 to index
        %parallel_loop3A_616 = tpu.vector_load %arg9[%parallel_loop3A_615] {strides = array<i32>} : memref<50176xf32, #tpu.memory_space<vmem>>, vector<16xf32>,
        %parallel_loop3A_617 = math.exp %parallel_loop3A_616 : vector<16xf32>
        %parallel_loop3A_618 = arith.addf %parallel_loop3A_583, %parallel_loop3A_617 : vector<16xf32>
        %parallel_loop3A_619 = arith.constant 16 : i32
        %parallel_loop3A_620 = arith.addi %parallel_loop3A_612, %parallel_loop3A_619 : i32
        %parallel_loop3A_621 = arith.index_cast %parallel_loop3A_620 : i32 to index
        %parallel_loop3A_622 = tpu.vector_load %arg9[%parallel_loop3A_621] {strides = array<i32>} : memref<50176xf32, #tpu.memory_space<vmem>>, vector<16xf32>,
        %parallel_loop3A_623 = math.exp %parallel_loop3A_622 : vector<16xf32>
        %parallel_loop3A_624 = arith.addf %parallel_loop3A_584, %parallel_loop3A_623 : vector<16xf32>
        %parallel_loop3A_625 = arith.constant 32 : i32
        %parallel_loop3A_626 = arith.addi %parallel_loop3A_612, %parallel_loop3A_625 : i32
        %parallel_loop3A_627 = arith.index_cast %parallel_loop3A_626 : i32 to index
        %parallel_loop3A_628 = tpu.vector_load %arg9[%parallel_loop3A_627] {strides = array<i32>} : memref<50176xf32, #tpu.memory_space<vmem>>, vector<16xf32>,
        %parallel_loop3A_629 = math.exp %parallel_loop3A_628 : vector<16xf32>
        %parallel_loop3A_630 = arith.addf %parallel_loop3A_585, %parallel_loop3A_629 : vector<16xf32>
        %parallel_loop3A_631 = arith.constant 48 : i32
        %parallel_loop3A_632 = arith.addi %parallel_loop3A_612, %parallel_loop3A_631 : i32
        %parallel_loop3A_633 = arith.index_cast %parallel_loop3A_632 : i32 to index
        %parallel_loop3A_634 = tpu.vector_load %arg9[%parallel_loop3A_633] {strides = array<i32>} : memref<50176xf32, #tpu.memory_space<vmem>>, vector<16xf32>,
        %parallel_loop3A_635 = math.exp %parallel_loop3A_634 : vector<16xf32>
        %parallel_loop3A_636 = arith.addf %parallel_loop3A_586, %parallel_loop3A_635 : vector<16xf32>
        %parallel_loop3A_637 = arith.constant 64 : i32
        %parallel_loop3A_638 = arith.addi %parallel_loop3A_612, %parallel_loop3A_637 : i32
        %parallel_loop3A_639 = arith.index_cast %parallel_loop3A_638 : i32 to index
        %parallel_loop3A_640 = tpu.vector_load %arg9[%parallel_loop3A_639] {strides = array<i32>} : memref<50176xf32, #tpu.memory_space<vmem>>, vector<16xf32>,
        %parallel_loop3A_641 = math.exp %parallel_loop3A_640 : vector<16xf32>
        %parallel_loop3A_642 = arith.addf %parallel_loop3A_587, %parallel_loop3A_641 : vector<16xf32>
        %parallel_loop3A_643 = arith.constant 80 : i32
        %parallel_loop3A_644 = arith.addi %parallel_loop3A_612, %parallel_loop3A_643 : i32
        %parallel_loop3A_645 = arith.index_cast %parallel_loop3A_644 : i32 to index
        %parallel_loop3A_646 = tpu.vector_load %arg9[%parallel_loop3A_645] {strides = array<i32>} : memref<50176xf32, #tpu.memory_space<vmem>>, vector<16xf32>,
        %parallel_loop3A_647 = math.exp %parallel_loop3A_646 : vector<16xf32>
        %parallel_loop3A_648 = arith.addf %parallel_loop3A_588, %parallel_loop3A_647 : vector<16xf32>
        %parallel_loop3A_649 = arith.constant 96 : i32
        %parallel_loop3A_650 = arith.addi %parallel_loop3A_612, %parallel_loop3A_649 : i32
        %parallel_loop3A_651 = arith.index_cast %parallel_loop3A_650 : i32 to index
        %parallel_loop3A_652 = tpu.vector_load %arg9[%parallel_loop3A_651] {strides = array<i32>} : memref<50176xf32, #tpu.memory_space<vmem>>, vector<16xf32>,
        %parallel_loop3A_653 = math.exp %parallel_loop3A_652 : vector<16xf32>
        %parallel_loop3A_654 = arith.addf %parallel_loop3A_589, %parallel_loop3A_653 : vector<16xf32>
        %parallel_loop3A_655 = arith.constant 112 : i32
        %parallel_loop3A_656 = arith.addi %parallel_loop3A_612, %parallel_loop3A_655 : i32
        %parallel_loop3A_657 = arith.index_cast %parallel_loop3A_656 : i32 to index
        %parallel_loop3A_658 = tpu.vector_load %arg9[%parallel_loop3A_657] {strides = array<i32>} : memref<50176xf32, #tpu.memory_space<vmem>>, vector<16xf32>,
        %parallel_loop3A_659 = math.exp %parallel_loop3A_658 : vector<16xf32>
        %parallel_loop3A_660 = arith.addf %parallel_loop3A_590, %parallel_loop3A_659 : vector<16xf32>
        %parallel_loop3A_661 = arith.constant 128 : i32
        %parallel_loop3A_662 = arith.addi %parallel_loop3A_612, %parallel_loop3A_661 : i32
        %parallel_loop3A_663 = arith.index_cast %parallel_loop3A_662 : i32 to index
        %parallel_loop3A_664 = tpu.vector_load %arg9[%parallel_loop3A_663] {strides = array<i32>} : memref<50176xf32, #tpu.memory_space<vmem>>, vector<16xf32>,
        %parallel_loop3A_665 = math.exp %parallel_loop3A_664 : vector<16xf32>
        %parallel_loop3A_666 = arith.addf %parallel_loop3A_591, %parallel_loop3A_665 : vector<16xf32>
        %parallel_loop3A_667 = arith.constant 144 : i32
        %parallel_loop3A_668 = arith.addi %parallel_loop3A_612, %parallel_loop3A_667 : i32
        %parallel_loop3A_669 = arith.index_cast %parallel_loop3A_668 : i32 to index
        %parallel_loop3A_670 = tpu.vector_load %arg9[%parallel_loop3A_669] {strides = array<i32>} : memref<50176xf32, #tpu.memory_space<vmem>>, vector<16xf32>,
        %parallel_loop3A_671 = math.exp %parallel_loop3A_670 : vector<16xf32>
        %parallel_loop3A_672 = arith.addf %parallel_loop3A_592, %parallel_loop3A_671 : vector<16xf32>
        %parallel_loop3A_673 = arith.constant 160 : i32
        %parallel_loop3A_674 = arith.addi %parallel_loop3A_612, %parallel_loop3A_673 : i32
        %parallel_loop3A_675 = arith.index_cast %parallel_loop3A_674 : i32 to index
        %parallel_loop3A_676 = tpu.vector_load %arg9[%parallel_loop3A_675] {strides = array<i32>} : memref<50176xf32, #tpu.memory_space<vmem>>, vector<16xf32>,
        %parallel_loop3A_677 = math.exp %parallel_loop3A_676 : vector<16xf32>
        %parallel_loop3A_678 = arith.addf %parallel_loop3A_593, %parallel_loop3A_677 : vector<16xf32>
        %parallel_loop3A_679 = arith.constant 176 : i32
        %parallel_loop3A_680 = arith.addi %parallel_loop3A_612, %parallel_loop3A_679 : i32
        %parallel_loop3A_681 = arith.index_cast %parallel_loop3A_680 : i32 to index
        %parallel_loop3A_682 = tpu.vector_load %arg9[%parallel_loop3A_681] {strides = array<i32>} : memref<50176xf32, #tpu.memory_space<vmem>>, vector<16xf32>,
        %parallel_loop3A_683 = math.exp %parallel_loop3A_682 : vector<16xf32>
        %parallel_loop3A_684 = arith.addf %parallel_loop3A_594, %parallel_loop3A_683 : vector<16xf32>
        %parallel_loop3A_685 = arith.constant 192 : i32
        %parallel_loop3A_686 = arith.addi %parallel_loop3A_612, %parallel_loop3A_685 : i32
        %parallel_loop3A_687 = arith.index_cast %parallel_loop3A_686 : i32 to index
        %parallel_loop3A_688 = tpu.vector_load %arg9[%parallel_loop3A_687] {strides = array<i32>} : memref<50176xf32, #tpu.memory_space<vmem>>, vector<16xf32>,
        %parallel_loop3A_689 = math.exp %parallel_loop3A_688 : vector<16xf32>
        %parallel_loop3A_690 = arith.addf %parallel_loop3A_595, %parallel_loop3A_689 : vector<16xf32>
        %parallel_loop3A_691 = arith.constant 208 : i32
        %parallel_loop3A_692 = arith.addi %parallel_loop3A_612, %parallel_loop3A_691 : i32
        %parallel_loop3A_693 = arith.index_cast %parallel_loop3A_692 : i32 to index
        %parallel_loop3A_694 = tpu.vector_load %arg9[%parallel_loop3A_693] {strides = array<i32>} : memref<50176xf32, #tpu.memory_space<vmem>>, vector<16xf32>,
        %parallel_loop3A_695 = math.exp %parallel_loop3A_694 : vector<16xf32>
        %parallel_loop3A_696 = arith.addf %parallel_loop3A_596, %parallel_loop3A_695 : vector<16xf32>
        %parallel_loop3A_697 = arith.constant 224 : i32
        %parallel_loop3A_698 = arith.addi %parallel_loop3A_612, %parallel_loop3A_697 : i32
        %parallel_loop3A_699 = arith.index_cast %parallel_loop3A_698 : i32 to index
        %parallel_loop3A_700 = tpu.vector_load %arg9[%parallel_loop3A_699] {strides = array<i32>} : memref<50176xf32, #tpu.memory_space<vmem>>, vector<16xf32>,
        %parallel_loop3A_701 = math.exp %parallel_loop3A_700 : vector<16xf32>
        %parallel_loop3A_702 = arith.addf %parallel_loop3A_597, %parallel_loop3A_701 : vector<16xf32>
        %parallel_loop3A_703 = arith.constant 240 : i32
        %parallel_loop3A_704 = arith.addi %parallel_loop3A_612, %parallel_loop3A_703 : i32
        %parallel_loop3A_705 = arith.index_cast %parallel_loop3A_704 : i32 to index
        %parallel_loop3A_706 = tpu.vector_load %arg9[%parallel_loop3A_705] {strides = array<i32>} : memref<50176xf32, #tpu.memory_space<vmem>>, vector<16xf32>,
        %parallel_loop3A_707 = math.exp %parallel_loop3A_706 : vector<16xf32>
        %parallel_loop3A_708 = arith.addf %parallel_loop3A_598, %parallel_loop3A_707 : vector<16xf32>
        %parallel_loop3A_709 = arith.constant 256 : i32
        %parallel_loop3A_710 = arith.addi %parallel_loop3A_612, %parallel_loop3A_709 : i32
        %parallel_loop3A_711 = arith.index_cast %parallel_loop3A_710 : i32 to index
        %parallel_loop3A_712 = tpu.vector_load %arg9[%parallel_loop3A_711] {strides = array<i32>} : memref<50176xf32, #tpu.memory_space<vmem>>, vector<16xf32>,
        %parallel_loop3A_713 = math.exp %parallel_loop3A_712 : vector<16xf32>
        %parallel_loop3A_714 = arith.addf %parallel_loop3A_599, %parallel_loop3A_713 : vector<16xf32>
        %parallel_loop3A_715 = arith.constant 272 : i32
        %parallel_loop3A_716 = arith.addi %parallel_loop3A_612, %parallel_loop3A_715 : i32
        %parallel_loop3A_717 = arith.index_cast %parallel_loop3A_716 : i32 to index
        %parallel_loop3A_718 = tpu.vector_load %arg9[%parallel_loop3A_717] {strides = array<i32>} : memref<50176xf32, #tpu.memory_space<vmem>>, vector<16xf32>,
        %parallel_loop3A_719 = math.exp %parallel_loop3A_718 : vector<16xf32>
        %parallel_loop3A_720 = arith.addf %parallel_loop3A_600, %parallel_loop3A_719 : vector<16xf32>
        %parallel_loop3A_721 = arith.constant 288 : i32
        %parallel_loop3A_722 = arith.addi %parallel_loop3A_612, %parallel_loop3A_721 : i32
        %parallel_loop3A_723 = arith.index_cast %parallel_loop3A_722 : i32 to index
        %parallel_loop3A_724 = tpu.vector_load %arg9[%parallel_loop3A_723] {strides = array<i32>} : memref<50176xf32, #tpu.memory_space<vmem>>, vector<16xf32>,
        %parallel_loop3A_725 = math.exp %parallel_loop3A_724 : vector<16xf32>
        %parallel_loop3A_726 = arith.addf %parallel_loop3A_601, %parallel_loop3A_725 : vector<16xf32>
        %parallel_loop3A_727 = arith.constant 304 : i32
        %parallel_loop3A_728 = arith.addi %parallel_loop3A_612, %parallel_loop3A_727 : i32
        %parallel_loop3A_729 = arith.index_cast %parallel_loop3A_728 : i32 to index
        %parallel_loop3A_730 = tpu.vector_load %arg9[%parallel_loop3A_729] {strides = array<i32>} : memref<50176xf32, #tpu.memory_space<vmem>>, vector<16xf32>,
        %parallel_loop3A_731 = math.exp %parallel_loop3A_730 : vector<16xf32>
        %parallel_loop3A_732 = arith.addf %parallel_loop3A_602, %parallel_loop3A_731 : vector<16xf32>
        %parallel_loop3A_733 = arith.constant 320 : i32
        %parallel_loop3A_734 = arith.addi %parallel_loop3A_612, %parallel_loop3A_733 : i32
        %parallel_loop3A_735 = arith.index_cast %parallel_loop3A_734 : i32 to index
        %parallel_loop3A_736 = tpu.vector_load %arg9[%parallel_loop3A_735] {strides = array<i32>} : memref<50176xf32, #tpu.memory_space<vmem>>, vector<16xf32>,
        %parallel_loop3A_737 = math.exp %parallel_loop3A_736 : vector<16xf32>
        %parallel_loop3A_738 = arith.addf %parallel_loop3A_603, %parallel_loop3A_737 : vector<16xf32>
        %parallel_loop3A_739 = arith.constant 336 : i32
        %parallel_loop3A_740 = arith.addi %parallel_loop3A_612, %parallel_loop3A_739 : i32
        %parallel_loop3A_741 = arith.index_cast %parallel_loop3A_740 : i32 to index
        %parallel_loop3A_742 = tpu.vector_load %arg9[%parallel_loop3A_741] {strides = array<i32>} : memref<50176xf32, #tpu.memory_space<vmem>>, vector<16xf32>,
        %parallel_loop3A_743 = math.exp %parallel_loop3A_742 : vector<16xf32>
        %parallel_loop3A_744 = arith.addf %parallel_loop3A_604, %parallel_loop3A_743 : vector<16xf32>
        %parallel_loop3A_745 = arith.constant 352 : i32
        %parallel_loop3A_746 = arith.addi %parallel_loop3A_612, %parallel_loop3A_745 : i32
        %parallel_loop3A_747 = arith.index_cast %parallel_loop3A_746 : i32 to index
        %parallel_loop3A_748 = tpu.vector_load %arg9[%parallel_loop3A_747] {strides = array<i32>} : memref<50176xf32, #tpu.memory_space<vmem>>, vector<16xf32>,
        %parallel_loop3A_749 = math.exp %parallel_loop3A_748 : vector<16xf32>
        %parallel_loop3A_750 = arith.addf %parallel_loop3A_605, %parallel_loop3A_749 : vector<16xf32>
        %parallel_loop3A_751 = arith.constant 368 : i32
        %parallel_loop3A_752 = arith.addi %parallel_loop3A_612, %parallel_loop3A_751 : i32
        %parallel_loop3A_753 = arith.index_cast %parallel_loop3A_752 : i32 to index
        %parallel_loop3A_754 = tpu.vector_load %arg9[%parallel_loop3A_753] {strides = array<i32>} : memref<50176xf32, #tpu.memory_space<vmem>>, vector<16xf32>,
        %parallel_loop3A_755 = math.exp %parallel_loop3A_754 : vector<16xf32>
        %parallel_loop3A_756 = arith.addf %parallel_loop3A_606, %parallel_loop3A_755 : vector<16xf32>
        scf.yield %parallel_loop3A_618, %parallel_loop3A_624, %parallel_loop3A_630, %parallel_loop3A_636, %parallel_loop3A_642, %parallel_loop3A_648, %parallel_loop3A_654, %parallel_loop3A_660, %parallel_loop3A_666, %parallel_loop3A_672, %parallel_loop3A_678, %parallel_loop3A_684, %parallel_loop3A_690, %parallel_loop3A_696, %parallel_loop3A_702, %parallel_loop3A_708, %parallel_loop3A_714, %parallel_loop3A_720, %parallel_loop3A_726, %parallel_loop3A_732, %parallel_loop3A_738, %parallel_loop3A_744, %parallel_loop3A_750, %parallel_loop3A_756 : vector<16xf32>, vector<16xf32>, vector<16xf32>, vector<16xf32>, vector<16xf32>, vector<16xf32>, vector<16xf32>, vector<16xf32>, vector<16xf32>, vector<16xf32>, vector<16xf32>, vector<16xf32>, vector<16xf32>, vector<16xf32>, vector<16xf32>, vector<16xf32>, vector<16xf32>, vector<16xf32>, vector<16xf32>, vector<16xf32>, vector<16xf32>, vector<16xf32>, vector<16xf32>, vector<16xf32>
      } {sc.loop_unroll_factor = 1 : i64, sc.parallel_access}
      %dma_wait3A_273 = arith.constant 19968 : i32
      %dma_wait3A_274 = tpu.memref_slice %arg9[%dma_wait3A_273] : memref<50176xf32, #tpu.memory_space<vmem>> -> memref<9984xf32, #tpu.memory_space<vmem>>
      %dma_wait3A_275 = arith.constant 69888 : i32
      %dma_wait3A_276 = tpu.memref_slice %arg3[%add3A_159, %select_n3A_9, %dma_wait3A_275] : memref<26x16x100000xf32, #tpu.memory_space<hbm>> -> memref<1x1x9984xf32, #tpu.memory_space<hbm>>
      %dma_wait3A_277 = tpu.memref_squeeze %dma_wait3A_276 : memref<1x1x9984xf32, #tpu.memory_space<hbm>> -> memref<9984xf32, #tpu.memory_space<hbm>>
      %dma_wait3A_278 = arith.constant 19968 : i32
      %dma_wait3A_279 = tpu.memref_slice %arg9[%dma_wait3A_278] : memref<50176xf32, #tpu.memory_space<vmem>> -> memref<9984xf32, #tpu.memory_space<vmem>>
      %dma_wait3A_280 = arith.constant 69888 : i32
      %dma_wait3A_281 = tpu.memref_slice %arg3[%add3A_159, %select_n3A_9, %dma_wait3A_280] : memref<26x16x100000xf32, #tpu.memory_space<hbm>> -> memref<1x1x9984xf32, #tpu.memory_space<hbm>>
      %dma_wait3A_282 = tpu.memref_squeeze %dma_wait3A_281 : memref<1x1x9984xf32, #tpu.memory_space<hbm>> -> memref<9984xf32, #tpu.memory_space<hbm>>
      tpu.wait_dma2 semaphore(%arg20 : memref<!tpu.dma_semaphore, #tpu.memory_space<semaphore_mem>>) src(%dma_wait3A_282 : memref<9984xf32, #tpu.memory_space<hbm>>) dst(%dma_wait3A_279 : memref<9984xf32, #tpu.memory_space<vmem>>)
      %parallel_loop3A_283 = arith.constant 0 : i32
      %parallel_loop3A_284 = arith.constant 26 : i32
      %parallel_loop3A_285 = arith.constant 1 : i32
      %parallel_loop3A_286:24 = scf.for %parallel_loop3A_582 = %parallel_loop3A_283 to %parallel_loop3A_284 step %parallel_loop3A_285 iter_args(%parallel_loop3A_583 = %broadcast_in_dim3A_31, %parallel_loop3A_584 = %broadcast_in_dim3A_31, %parallel_loop3A_585 = %broadcast_in_dim3A_31, %parallel_loop3A_586 = %broadcast_in_dim3A_31, %parallel_loop3A_587 = %broadcast_in_dim3A_31, %parallel_loop3A_588 = %broadcast_in_dim3A_31, %parallel_loop3A_589 = %broadcast_in_dim3A_31, %parallel_loop3A_590 = %broadcast_in_dim3A_31, %parallel_loop3A_591 = %broadcast_in_dim3A_31, %parallel_loop3A_592 = %broadcast_in_dim3A_31, %parallel_loop3A_593 = %broadcast_in_dim3A_31, %parallel_loop3A_594 = %broadcast_in_dim3A_31, %parallel_loop3A_595 = %broadcast_in_dim3A_31, %parallel_loop3A_596 = %broadcast_in_dim3A_31, %parallel_loop3A_597 = %broadcast_in_dim3A_31, %parallel_loop3A_598 = %broadcast_in_dim3A_31, %parallel_loop3A_599 = %broadcast_in_dim3A_31, %parallel_loop3A_600 = %broadcast_in_dim3A_31, %parallel_loop3A_601 = %broadcast_in_dim3A_31, %parallel_loop3A_602 = %broadcast_in_dim3A_31, %parallel_loop3A_603 = %broadcast_in_dim3A_31, %parallel_loop3A_604 = %broadcast_in_dim3A_31, %parallel_loop3A_605 = %broadcast_in_dim3A_31, %parallel_loop3A_606 = %broadcast_in_dim3A_31) -> (vector<16xf32>, vector<16xf32>, vector<16xf32>, vector<16xf32>, vector<16xf32>, vector<16xf32>, vector<16xf32>, vector<16xf32>, vector<16xf32>, vector<16xf32>, vector<16xf32>, vector<16xf32>, vector<16xf32>, vector<16xf32>, vector<16xf32>, vector<16xf32>, vector<16xf32>, vector<16xf32>, vector<16xf32>, vector<16xf32>, vector<16xf32>, vector<16xf32>, vector<16xf32>, vector<16xf32>)  : i32 {
        %parallel_loop3A_607 = arith.constant 24 : i32
        %parallel_loop3A_608 = arith.muli %parallel_loop3A_582, %parallel_loop3A_607 : i32
        %parallel_loop3A_609 = arith.constant 1248 : i32
        %parallel_loop3A_610 = arith.addi %parallel_loop3A_609, %parallel_loop3A_608 : i32
        %parallel_loop3A_611 = arith.constant 16 : i32
        %parallel_loop3A_612 = arith.muli %parallel_loop3A_610, %parallel_loop3A_611 : i32
        %parallel_loop3A_613 = arith.constant 0 : i32
        %parallel_loop3A_614 = arith.addi %parallel_loop3A_612, %parallel_loop3A_613 : i32
        %parallel_loop3A_615 = arith.index_cast %parallel_loop3A_614 : i32 to index
        %parallel_loop3A_616 = tpu.vector_load %arg9[%parallel_loop3A_615] {strides = array<i32>} : memref<50176xf32, #tpu.memory_space<vmem>>, vector<16xf32>,
        %parallel_loop3A_617 = math.exp %parallel_loop3A_616 : vector<16xf32>
        %parallel_loop3A_618 = arith.addf %parallel_loop3A_583, %parallel_loop3A_617 : vector<16xf32>
        %parallel_loop3A_619 = arith.constant 16 : i32
        %parallel_loop3A_620 = arith.addi %parallel_loop3A_612, %parallel_loop3A_619 : i32
        %parallel_loop3A_621 = arith.index_cast %parallel_loop3A_620 : i32 to index
        %parallel_loop3A_622 = tpu.vector_load %arg9[%parallel_loop3A_621] {strides = array<i32>} : memref<50176xf32, #tpu.memory_space<vmem>>, vector<16xf32>,
        %parallel_loop3A_623 = math.exp %parallel_loop3A_622 : vector<16xf32>
        %parallel_loop3A_624 = arith.addf %parallel_loop3A_584, %parallel_loop3A_623 : vector<16xf32>
        %parallel_loop3A_625 = arith.constant 32 : i32
        %parallel_loop3A_626 = arith.addi %parallel_loop3A_612, %parallel_loop3A_625 : i32
        %parallel_loop3A_627 = arith.index_cast %parallel_loop3A_626 : i32 to index
        %parallel_loop3A_628 = tpu.vector_load %arg9[%parallel_loop3A_627] {strides = array<i32>} : memref<50176xf32, #tpu.memory_space<vmem>>, vector<16xf32>,
        %parallel_loop3A_629 = math.exp %parallel_loop3A_628 : vector<16xf32>
        %parallel_loop3A_630 = arith.addf %parallel_loop3A_585, %parallel_loop3A_629 : vector<16xf32>
        %parallel_loop3A_631 = arith.constant 48 : i32
        %parallel_loop3A_632 = arith.addi %parallel_loop3A_612, %parallel_loop3A_631 : i32
        %parallel_loop3A_633 = arith.index_cast %parallel_loop3A_632 : i32 to index
        %parallel_loop3A_634 = tpu.vector_load %arg9[%parallel_loop3A_633] {strides = array<i32>} : memref<50176xf32, #tpu.memory_space<vmem>>, vector<16xf32>,
        %parallel_loop3A_635 = math.exp %parallel_loop3A_634 : vector<16xf32>
        %parallel_loop3A_636 = arith.addf %parallel_loop3A_586, %parallel_loop3A_635 : vector<16xf32>
        %parallel_loop3A_637 = arith.constant 64 : i32
        %parallel_loop3A_638 = arith.addi %parallel_loop3A_612, %parallel_loop3A_637 : i32
        %parallel_loop3A_639 = arith.index_cast %parallel_loop3A_638 : i32 to index
        %parallel_loop3A_640 = tpu.vector_load %arg9[%parallel_loop3A_639] {strides = array<i32>} : memref<50176xf32, #tpu.memory_space<vmem>>, vector<16xf32>,
        %parallel_loop3A_641 = math.exp %parallel_loop3A_640 : vector<16xf32>
        %parallel_loop3A_642 = arith.addf %parallel_loop3A_587, %parallel_loop3A_641 : vector<16xf32>
        %parallel_loop3A_643 = arith.constant 80 : i32
        %parallel_loop3A_644 = arith.addi %parallel_loop3A_612, %parallel_loop3A_643 : i32
        %parallel_loop3A_645 = arith.index_cast %parallel_loop3A_644 : i32 to index
        %parallel_loop3A_646 = tpu.vector_load %arg9[%parallel_loop3A_645] {strides = array<i32>} : memref<50176xf32, #tpu.memory_space<vmem>>, vector<16xf32>,
        %parallel_loop3A_647 = math.exp %parallel_loop3A_646 : vector<16xf32>
        %parallel_loop3A_648 = arith.addf %parallel_loop3A_588, %parallel_loop3A_647 : vector<16xf32>
        %parallel_loop3A_649 = arith.constant 96 : i32
        %parallel_loop3A_650 = arith.addi %parallel_loop3A_612, %parallel_loop3A_649 : i32
        %parallel_loop3A_651 = arith.index_cast %parallel_loop3A_650 : i32 to index
        %parallel_loop3A_652 = tpu.vector_load %arg9[%parallel_loop3A_651] {strides = array<i32>} : memref<50176xf32, #tpu.memory_space<vmem>>, vector<16xf32>,
        %parallel_loop3A_653 = math.exp %parallel_loop3A_652 : vector<16xf32>
        %parallel_loop3A_654 = arith.addf %parallel_loop3A_589, %parallel_loop3A_653 : vector<16xf32>
        %parallel_loop3A_655 = arith.constant 112 : i32
        %parallel_loop3A_656 = arith.addi %parallel_loop3A_612, %parallel_loop3A_655 : i32
        %parallel_loop3A_657 = arith.index_cast %parallel_loop3A_656 : i32 to index
        %parallel_loop3A_658 = tpu.vector_load %arg9[%parallel_loop3A_657] {strides = array<i32>} : memref<50176xf32, #tpu.memory_space<vmem>>, vector<16xf32>,
        %parallel_loop3A_659 = math.exp %parallel_loop3A_658 : vector<16xf32>
        %parallel_loop3A_660 = arith.addf %parallel_loop3A_590, %parallel_loop3A_659 : vector<16xf32>
        %parallel_loop3A_661 = arith.constant 128 : i32
        %parallel_loop3A_662 = arith.addi %parallel_loop3A_612, %parallel_loop3A_661 : i32
        %parallel_loop3A_663 = arith.index_cast %parallel_loop3A_662 : i32 to index
        %parallel_loop3A_664 = tpu.vector_load %arg9[%parallel_loop3A_663] {strides = array<i32>} : memref<50176xf32, #tpu.memory_space<vmem>>, vector<16xf32>,
        %parallel_loop3A_665 = math.exp %parallel_loop3A_664 : vector<16xf32>
        %parallel_loop3A_666 = arith.addf %parallel_loop3A_591, %parallel_loop3A_665 : vector<16xf32>
        %parallel_loop3A_667 = arith.constant 144 : i32
        %parallel_loop3A_668 = arith.addi %parallel_loop3A_612, %parallel_loop3A_667 : i32
        %parallel_loop3A_669 = arith.index_cast %parallel_loop3A_668 : i32 to index
        %parallel_loop3A_670 = tpu.vector_load %arg9[%parallel_loop3A_669] {strides = array<i32>} : memref<50176xf32, #tpu.memory_space<vmem>>, vector<16xf32>,
        %parallel_loop3A_671 = math.exp %parallel_loop3A_670 : vector<16xf32>
        %parallel_loop3A_672 = arith.addf %parallel_loop3A_592, %parallel_loop3A_671 : vector<16xf32>
        %parallel_loop3A_673 = arith.constant 160 : i32
        %parallel_loop3A_674 = arith.addi %parallel_loop3A_612, %parallel_loop3A_673 : i32
        %parallel_loop3A_675 = arith.index_cast %parallel_loop3A_674 : i32 to index
        %parallel_loop3A_676 = tpu.vector_load %arg9[%parallel_loop3A_675] {strides = array<i32>} : memref<50176xf32, #tpu.memory_space<vmem>>, vector<16xf32>,
        %parallel_loop3A_677 = math.exp %parallel_loop3A_676 : vector<16xf32>
        %parallel_loop3A_678 = arith.addf %parallel_loop3A_593, %parallel_loop3A_677 : vector<16xf32>
        %parallel_loop3A_679 = arith.constant 176 : i32
        %parallel_loop3A_680 = arith.addi %parallel_loop3A_612, %parallel_loop3A_679 : i32
        %parallel_loop3A_681 = arith.index_cast %parallel_loop3A_680 : i32 to index
        %parallel_loop3A_682 = tpu.vector_load %arg9[%parallel_loop3A_681] {strides = array<i32>} : memref<50176xf32, #tpu.memory_space<vmem>>, vector<16xf32>,
        %parallel_loop3A_683 = math.exp %parallel_loop3A_682 : vector<16xf32>
        %parallel_loop3A_684 = arith.addf %parallel_loop3A_594, %parallel_loop3A_683 : vector<16xf32>
        %parallel_loop3A_685 = arith.constant 192 : i32
        %parallel_loop3A_686 = arith.addi %parallel_loop3A_612, %parallel_loop3A_685 : i32
        %parallel_loop3A_687 = arith.index_cast %parallel_loop3A_686 : i32 to index
        %parallel_loop3A_688 = tpu.vector_load %arg9[%parallel_loop3A_687] {strides = array<i32>} : memref<50176xf32, #tpu.memory_space<vmem>>, vector<16xf32>,
        %parallel_loop3A_689 = math.exp %parallel_loop3A_688 : vector<16xf32>
        %parallel_loop3A_690 = arith.addf %parallel_loop3A_595, %parallel_loop3A_689 : vector<16xf32>
        %parallel_loop3A_691 = arith.constant 208 : i32
        %parallel_loop3A_692 = arith.addi %parallel_loop3A_612, %parallel_loop3A_691 : i32
        %parallel_loop3A_693 = arith.index_cast %parallel_loop3A_692 : i32 to index
        %parallel_loop3A_694 = tpu.vector_load %arg9[%parallel_loop3A_693] {strides = array<i32>} : memref<50176xf32, #tpu.memory_space<vmem>>, vector<16xf32>,
        %parallel_loop3A_695 = math.exp %parallel_loop3A_694 : vector<16xf32>
        %parallel_loop3A_696 = arith.addf %parallel_loop3A_596, %parallel_loop3A_695 : vector<16xf32>
        %parallel_loop3A_697 = arith.constant 224 : i32
        %parallel_loop3A_698 = arith.addi %parallel_loop3A_612, %parallel_loop3A_697 : i32
        %parallel_loop3A_699 = arith.index_cast %parallel_loop3A_698 : i32 to index
        %parallel_loop3A_700 = tpu.vector_load %arg9[%parallel_loop3A_699] {strides = array<i32>} : memref<50176xf32, #tpu.memory_space<vmem>>, vector<16xf32>,
        %parallel_loop3A_701 = math.exp %parallel_loop3A_700 : vector<16xf32>
        %parallel_loop3A_702 = arith.addf %parallel_loop3A_597, %parallel_loop3A_701 : vector<16xf32>
        %parallel_loop3A_703 = arith.constant 240 : i32
        %parallel_loop3A_704 = arith.addi %parallel_loop3A_612, %parallel_loop3A_703 : i32
        %parallel_loop3A_705 = arith.index_cast %parallel_loop3A_704 : i32 to index
        %parallel_loop3A_706 = tpu.vector_load %arg9[%parallel_loop3A_705] {strides = array<i32>} : memref<50176xf32, #tpu.memory_space<vmem>>, vector<16xf32>,
        %parallel_loop3A_707 = math.exp %parallel_loop3A_706 : vector<16xf32>
        %parallel_loop3A_708 = arith.addf %parallel_loop3A_598, %parallel_loop3A_707 : vector<16xf32>
        %parallel_loop3A_709 = arith.constant 256 : i32
        %parallel_loop3A_710 = arith.addi %parallel_loop3A_612, %parallel_loop3A_709 : i32
        %parallel_loop3A_711 = arith.index_cast %parallel_loop3A_710 : i32 to index
        %parallel_loop3A_712 = tpu.vector_load %arg9[%parallel_loop3A_711] {strides = array<i32>} : memref<50176xf32, #tpu.memory_space<vmem>>, vector<16xf32>,
        %parallel_loop3A_713 = math.exp %parallel_loop3A_712 : vector<16xf32>
        %parallel_loop3A_714 = arith.addf %parallel_loop3A_599, %parallel_loop3A_713 : vector<16xf32>
        %parallel_loop3A_715 = arith.constant 272 : i32
        %parallel_loop3A_716 = arith.addi %parallel_loop3A_612, %parallel_loop3A_715 : i32
        %parallel_loop3A_717 = arith.index_cast %parallel_loop3A_716 : i32 to index
        %parallel_loop3A_718 = tpu.vector_load %arg9[%parallel_loop3A_717] {strides = array<i32>} : memref<50176xf32, #tpu.memory_space<vmem>>, vector<16xf32>,
        %parallel_loop3A_719 = math.exp %parallel_loop3A_718 : vector<16xf32>
        %parallel_loop3A_720 = arith.addf %parallel_loop3A_600, %parallel_loop3A_719 : vector<16xf32>
        %parallel_loop3A_721 = arith.constant 288 : i32
        %parallel_loop3A_722 = arith.addi %parallel_loop3A_612, %parallel_loop3A_721 : i32
        %parallel_loop3A_723 = arith.index_cast %parallel_loop3A_722 : i32 to index
        %parallel_loop3A_724 = tpu.vector_load %arg9[%parallel_loop3A_723] {strides = array<i32>} : memref<50176xf32, #tpu.memory_space<vmem>>, vector<16xf32>,
        %parallel_loop3A_725 = math.exp %parallel_loop3A_724 : vector<16xf32>
        %parallel_loop3A_726 = arith.addf %parallel_loop3A_601, %parallel_loop3A_725 : vector<16xf32>
        %parallel_loop3A_727 = arith.constant 304 : i32
        %parallel_loop3A_728 = arith.addi %parallel_loop3A_612, %parallel_loop3A_727 : i32
        %parallel_loop3A_729 = arith.index_cast %parallel_loop3A_728 : i32 to index
        %parallel_loop3A_730 = tpu.vector_load %arg9[%parallel_loop3A_729] {strides = array<i32>} : memref<50176xf32, #tpu.memory_space<vmem>>, vector<16xf32>,
        %parallel_loop3A_731 = math.exp %parallel_loop3A_730 : vector<16xf32>
        %parallel_loop3A_732 = arith.addf %parallel_loop3A_602, %parallel_loop3A_731 : vector<16xf32>
        %parallel_loop3A_733 = arith.constant 320 : i32
        %parallel_loop3A_734 = arith.addi %parallel_loop3A_612, %parallel_loop3A_733 : i32
        %parallel_loop3A_735 = arith.index_cast %parallel_loop3A_734 : i32 to index
        %parallel_loop3A_736 = tpu.vector_load %arg9[%parallel_loop3A_735] {strides = array<i32>} : memref<50176xf32, #tpu.memory_space<vmem>>, vector<16xf32>,
        %parallel_loop3A_737 = math.exp %parallel_loop3A_736 : vector<16xf32>
        %parallel_loop3A_738 = arith.addf %parallel_loop3A_603, %parallel_loop3A_737 : vector<16xf32>
        %parallel_loop3A_739 = arith.constant 336 : i32
        %parallel_loop3A_740 = arith.addi %parallel_loop3A_612, %parallel_loop3A_739 : i32
        %parallel_loop3A_741 = arith.index_cast %parallel_loop3A_740 : i32 to index
        %parallel_loop3A_742 = tpu.vector_load %arg9[%parallel_loop3A_741] {strides = array<i32>} : memref<50176xf32, #tpu.memory_space<vmem>>, vector<16xf32>,
        %parallel_loop3A_743 = math.exp %parallel_loop3A_742 : vector<16xf32>
        %parallel_loop3A_744 = arith.addf %parallel_loop3A_604, %parallel_loop3A_743 : vector<16xf32>
        %parallel_loop3A_745 = arith.constant 352 : i32
        %parallel_loop3A_746 = arith.addi %parallel_loop3A_612, %parallel_loop3A_745 : i32
        %parallel_loop3A_747 = arith.index_cast %parallel_loop3A_746 : i32 to index
        %parallel_loop3A_748 = tpu.vector_load %arg9[%parallel_loop3A_747] {strides = array<i32>} : memref<50176xf32, #tpu.memory_space<vmem>>, vector<16xf32>,
        %parallel_loop3A_749 = math.exp %parallel_loop3A_748 : vector<16xf32>
        %parallel_loop3A_750 = arith.addf %parallel_loop3A_605, %parallel_loop3A_749 : vector<16xf32>
        %parallel_loop3A_751 = arith.constant 368 : i32
        %parallel_loop3A_752 = arith.addi %parallel_loop3A_612, %parallel_loop3A_751 : i32
        %parallel_loop3A_753 = arith.index_cast %parallel_loop3A_752 : i32 to index
        %parallel_loop3A_754 = tpu.vector_load %arg9[%parallel_loop3A_753] {strides = array<i32>} : memref<50176xf32, #tpu.memory_space<vmem>>, vector<16xf32>,
        %parallel_loop3A_755 = math.exp %parallel_loop3A_754 : vector<16xf32>
        %parallel_loop3A_756 = arith.addf %parallel_loop3A_606, %parallel_loop3A_755 : vector<16xf32>
        scf.yield %parallel_loop3A_618, %parallel_loop3A_624, %parallel_loop3A_630, %parallel_loop3A_636, %parallel_loop3A_642, %parallel_loop3A_648, %parallel_loop3A_654, %parallel_loop3A_660, %parallel_loop3A_666, %parallel_loop3A_672, %parallel_loop3A_678, %parallel_loop3A_684, %parallel_loop3A_690, %parallel_loop3A_696, %parallel_loop3A_702, %parallel_loop3A_708, %parallel_loop3A_714, %parallel_loop3A_720, %parallel_loop3A_726, %parallel_loop3A_732, %parallel_loop3A_738, %parallel_loop3A_744, %parallel_loop3A_750, %parallel_loop3A_756 : vector<16xf32>, vector<16xf32>, vector<16xf32>, vector<16xf32>, vector<16xf32>, vector<16xf32>, vector<16xf32>, vector<16xf32>, vector<16xf32>, vector<16xf32>, vector<16xf32>, vector<16xf32>, vector<16xf32>, vector<16xf32>, vector<16xf32>, vector<16xf32>, vector<16xf32>, vector<16xf32>, vector<16xf32>, vector<16xf32>, vector<16xf32>, vector<16xf32>, vector<16xf32>, vector<16xf32>
      } {sc.loop_unroll_factor = 1 : i64, sc.parallel_access}
      %dma_wait3A_287 = arith.constant 29952 : i32
      %dma_wait3A_288 = tpu.memref_slice %arg9[%dma_wait3A_287] : memref<50176xf32, #tpu.memory_space<vmem>> -> memref<9984xf32, #tpu.memory_space<vmem>>
      %dma_wait3A_289 = arith.constant 79872 : i32
      %dma_wait3A_290 = tpu.memref_slice %arg3[%add3A_159, %select_n3A_9, %dma_wait3A_289] : memref<26x16x100000xf32, #tpu.memory_space<hbm>> -> memref<1x1x9984xf32, #tpu.memory_space<hbm>>
      %dma_wait3A_291 = tpu.memref_squeeze %dma_wait3A_290 : memref<1x1x9984xf32, #tpu.memory_space<hbm>> -> memref<9984xf32, #tpu.memory_space<hbm>>
      %dma_wait3A_292 = arith.constant 29952 : i32
      %dma_wait3A_293 = tpu.memref_slice %arg9[%dma_wait3A_292] : memref<50176xf32, #tpu.memory_space<vmem>> -> memref<9984xf32, #tpu.memory_space<vmem>>
      %dma_wait3A_294 = arith.constant 79872 : i32
      %dma_wait3A_295 = tpu.memref_slice %arg3[%add3A_159, %select_n3A_9, %dma_wait3A_294] : memref<26x16x100000xf32, #tpu.memory_space<hbm>> -> memref<1x1x9984xf32, #tpu.memory_space<hbm>>
      %dma_wait3A_296 = tpu.memref_squeeze %dma_wait3A_295 : memref<1x1x9984xf32, #tpu.memory_space<hbm>> -> memref<9984xf32, #tpu.memory_space<hbm>>
      tpu.wait_dma2 semaphore(%arg21 : memref<!tpu.dma_semaphore, #tpu.memory_space<semaphore_mem>>) src(%dma_wait3A_296 : memref<9984xf32, #tpu.memory_space<hbm>>) dst(%dma_wait3A_293 : memref<9984xf32, #tpu.memory_space<vmem>>)
      %parallel_loop3A_297 = arith.constant 0 : i32
      %parallel_loop3A_298 = arith.constant 26 : i32
      %parallel_loop3A_299 = arith.constant 1 : i32
      %parallel_loop3A_300:24 = scf.for %parallel_loop3A_582 = %parallel_loop3A_297 to %parallel_loop3A_298 step %parallel_loop3A_299 iter_args(%parallel_loop3A_583 = %broadcast_in_dim3A_31, %parallel_loop3A_584 = %broadcast_in_dim3A_31, %parallel_loop3A_585 = %broadcast_in_dim3A_31, %parallel_loop3A_586 = %broadcast_in_dim3A_31, %parallel_loop3A_587 = %broadcast_in_dim3A_31, %parallel_loop3A_588 = %broadcast_in_dim3A_31, %parallel_loop3A_589 = %broadcast_in_dim3A_31, %parallel_loop3A_590 = %broadcast_in_dim3A_31, %parallel_loop3A_591 = %broadcast_in_dim3A_31, %parallel_loop3A_592 = %broadcast_in_dim3A_31, %parallel_loop3A_593 = %broadcast_in_dim3A_31, %parallel_loop3A_594 = %broadcast_in_dim3A_31, %parallel_loop3A_595 = %broadcast_in_dim3A_31, %parallel_loop3A_596 = %broadcast_in_dim3A_31, %parallel_loop3A_597 = %broadcast_in_dim3A_31, %parallel_loop3A_598 = %broadcast_in_dim3A_31, %parallel_loop3A_599 = %broadcast_in_dim3A_31, %parallel_loop3A_600 = %broadcast_in_dim3A_31, %parallel_loop3A_601 = %broadcast_in_dim3A_31, %parallel_loop3A_602 = %broadcast_in_dim3A_31, %parallel_loop3A_603 = %broadcast_in_dim3A_31, %parallel_loop3A_604 = %broadcast_in_dim3A_31, %parallel_loop3A_605 = %broadcast_in_dim3A_31, %parallel_loop3A_606 = %broadcast_in_dim3A_31) -> (vector<16xf32>, vector<16xf32>, vector<16xf32>, vector<16xf32>, vector<16xf32>, vector<16xf32>, vector<16xf32>, vector<16xf32>, vector<16xf32>, vector<16xf32>, vector<16xf32>, vector<16xf32>, vector<16xf32>, vector<16xf32>, vector<16xf32>, vector<16xf32>, vector<16xf32>, vector<16xf32>, vector<16xf32>, vector<16xf32>, vector<16xf32>, vector<16xf32>, vector<16xf32>, vector<16xf32>)  : i32 {
        %parallel_loop3A_607 = arith.constant 24 : i32
        %parallel_loop3A_608 = arith.muli %parallel_loop3A_582, %parallel_loop3A_607 : i32
        %parallel_loop3A_609 = arith.constant 1872 : i32
        %parallel_loop3A_610 = arith.addi %parallel_loop3A_609, %parallel_loop3A_608 : i32
        %parallel_loop3A_611 = arith.constant 16 : i32
        %parallel_loop3A_612 = arith.muli %parallel_loop3A_610, %parallel_loop3A_611 : i32
        %parallel_loop3A_613 = arith.constant 0 : i32
        %parallel_loop3A_614 = arith.addi %parallel_loop3A_612, %parallel_loop3A_613 : i32
        %parallel_loop3A_615 = arith.index_cast %parallel_loop3A_614 : i32 to index
        %parallel_loop3A_616 = tpu.vector_load %arg9[%parallel_loop3A_615] {strides = array<i32>} : memref<50176xf32, #tpu.memory_space<vmem>>, vector<16xf32>,
        %parallel_loop3A_617 = math.exp %parallel_loop3A_616 : vector<16xf32>
        %parallel_loop3A_618 = arith.addf %parallel_loop3A_583, %parallel_loop3A_617 : vector<16xf32>
        %parallel_loop3A_619 = arith.constant 16 : i32
        %parallel_loop3A_620 = arith.addi %parallel_loop3A_612, %parallel_loop3A_619 : i32
        %parallel_loop3A_621 = arith.index_cast %parallel_loop3A_620 : i32 to index
        %parallel_loop3A_622 = tpu.vector_load %arg9[%parallel_loop3A_621] {strides = array<i32>} : memref<50176xf32, #tpu.memory_space<vmem>>, vector<16xf32>,
        %parallel_loop3A_623 = math.exp %parallel_loop3A_622 : vector<16xf32>
        %parallel_loop3A_624 = arith.addf %parallel_loop3A_584, %parallel_loop3A_623 : vector<16xf32>
        %parallel_loop3A_625 = arith.constant 32 : i32
        %parallel_loop3A_626 = arith.addi %parallel_loop3A_612, %parallel_loop3A_625 : i32
        %parallel_loop3A_627 = arith.index_cast %parallel_loop3A_626 : i32 to index
        %parallel_loop3A_628 = tpu.vector_load %arg9[%parallel_loop3A_627] {strides = array<i32>} : memref<50176xf32, #tpu.memory_space<vmem>>, vector<16xf32>,
        %parallel_loop3A_629 = math.exp %parallel_loop3A_628 : vector<16xf32>
        %parallel_loop3A_630 = arith.addf %parallel_loop3A_585, %parallel_loop3A_629 : vector<16xf32>
        %parallel_loop3A_631 = arith.constant 48 : i32
        %parallel_loop3A_632 = arith.addi %parallel_loop3A_612, %parallel_loop3A_631 : i32
        %parallel_loop3A_633 = arith.index_cast %parallel_loop3A_632 : i32 to index
        %parallel_loop3A_634 = tpu.vector_load %arg9[%parallel_loop3A_633] {strides = array<i32>} : memref<50176xf32, #tpu.memory_space<vmem>>, vector<16xf32>,
        %parallel_loop3A_635 = math.exp %parallel_loop3A_634 : vector<16xf32>
        %parallel_loop3A_636 = arith.addf %parallel_loop3A_586, %parallel_loop3A_635 : vector<16xf32>
        %parallel_loop3A_637 = arith.constant 64 : i32
        %parallel_loop3A_638 = arith.addi %parallel_loop3A_612, %parallel_loop3A_637 : i32
        %parallel_loop3A_639 = arith.index_cast %parallel_loop3A_638 : i32 to index
        %parallel_loop3A_640 = tpu.vector_load %arg9[%parallel_loop3A_639] {strides = array<i32>} : memref<50176xf32, #tpu.memory_space<vmem>>, vector<16xf32>,
        %parallel_loop3A_641 = math.exp %parallel_loop3A_640 : vector<16xf32>
        %parallel_loop3A_642 = arith.addf %parallel_loop3A_587, %parallel_loop3A_641 : vector<16xf32>
        %parallel_loop3A_643 = arith.constant 80 : i32
        %parallel_loop3A_644 = arith.addi %parallel_loop3A_612, %parallel_loop3A_643 : i32
        %parallel_loop3A_645 = arith.index_cast %parallel_loop3A_644 : i32 to index
        %parallel_loop3A_646 = tpu.vector_load %arg9[%parallel_loop3A_645] {strides = array<i32>} : memref<50176xf32, #tpu.memory_space<vmem>>, vector<16xf32>,
        %parallel_loop3A_647 = math.exp %parallel_loop3A_646 : vector<16xf32>
        %parallel_loop3A_648 = arith.addf %parallel_loop3A_588, %parallel_loop3A_647 : vector<16xf32>
        %parallel_loop3A_649 = arith.constant 96 : i32
        %parallel_loop3A_650 = arith.addi %parallel_loop3A_612, %parallel_loop3A_649 : i32
        %parallel_loop3A_651 = arith.index_cast %parallel_loop3A_650 : i32 to index
        %parallel_loop3A_652 = tpu.vector_load %arg9[%parallel_loop3A_651] {strides = array<i32>} : memref<50176xf32, #tpu.memory_space<vmem>>, vector<16xf32>,
        %parallel_loop3A_653 = math.exp %parallel_loop3A_652 : vector<16xf32>
        %parallel_loop3A_654 = arith.addf %parallel_loop3A_589, %parallel_loop3A_653 : vector<16xf32>
        %parallel_loop3A_655 = arith.constant 112 : i32
        %parallel_loop3A_656 = arith.addi %parallel_loop3A_612, %parallel_loop3A_655 : i32
        %parallel_loop3A_657 = arith.index_cast %parallel_loop3A_656 : i32 to index
        %parallel_loop3A_658 = tpu.vector_load %arg9[%parallel_loop3A_657] {strides = array<i32>} : memref<50176xf32, #tpu.memory_space<vmem>>, vector<16xf32>,
        %parallel_loop3A_659 = math.exp %parallel_loop3A_658 : vector<16xf32>
        %parallel_loop3A_660 = arith.addf %parallel_loop3A_590, %parallel_loop3A_659 : vector<16xf32>
        %parallel_loop3A_661 = arith.constant 128 : i32
        %parallel_loop3A_662 = arith.addi %parallel_loop3A_612, %parallel_loop3A_661 : i32
        %parallel_loop3A_663 = arith.index_cast %parallel_loop3A_662 : i32 to index
        %parallel_loop3A_664 = tpu.vector_load %arg9[%parallel_loop3A_663] {strides = array<i32>} : memref<50176xf32, #tpu.memory_space<vmem>>, vector<16xf32>,
        %parallel_loop3A_665 = math.exp %parallel_loop3A_664 : vector<16xf32>
        %parallel_loop3A_666 = arith.addf %parallel_loop3A_591, %parallel_loop3A_665 : vector<16xf32>
        %parallel_loop3A_667 = arith.constant 144 : i32
        %parallel_loop3A_668 = arith.addi %parallel_loop3A_612, %parallel_loop3A_667 : i32
        %parallel_loop3A_669 = arith.index_cast %parallel_loop3A_668 : i32 to index
        %parallel_loop3A_670 = tpu.vector_load %arg9[%parallel_loop3A_669] {strides = array<i32>} : memref<50176xf32, #tpu.memory_space<vmem>>, vector<16xf32>,
        %parallel_loop3A_671 = math.exp %parallel_loop3A_670 : vector<16xf32>
        %parallel_loop3A_672 = arith.addf %parallel_loop3A_592, %parallel_loop3A_671 : vector<16xf32>
        %parallel_loop3A_673 = arith.constant 160 : i32
        %parallel_loop3A_674 = arith.addi %parallel_loop3A_612, %parallel_loop3A_673 : i32
        %parallel_loop3A_675 = arith.index_cast %parallel_loop3A_674 : i32 to index
        %parallel_loop3A_676 = tpu.vector_load %arg9[%parallel_loop3A_675] {strides = array<i32>} : memref<50176xf32, #tpu.memory_space<vmem>>, vector<16xf32>,
        %parallel_loop3A_677 = math.exp %parallel_loop3A_676 : vector<16xf32>
        %parallel_loop3A_678 = arith.addf %parallel_loop3A_593, %parallel_loop3A_677 : vector<16xf32>
        %parallel_loop3A_679 = arith.constant 176 : i32
        %parallel_loop3A_680 = arith.addi %parallel_loop3A_612, %parallel_loop3A_679 : i32
        %parallel_loop3A_681 = arith.index_cast %parallel_loop3A_680 : i32 to index
        %parallel_loop3A_682 = tpu.vector_load %arg9[%parallel_loop3A_681] {strides = array<i32>} : memref<50176xf32, #tpu.memory_space<vmem>>, vector<16xf32>,
        %parallel_loop3A_683 = math.exp %parallel_loop3A_682 : vector<16xf32>
        %parallel_loop3A_684 = arith.addf %parallel_loop3A_594, %parallel_loop3A_683 : vector<16xf32>
        %parallel_loop3A_685 = arith.constant 192 : i32
        %parallel_loop3A_686 = arith.addi %parallel_loop3A_612, %parallel_loop3A_685 : i32
        %parallel_loop3A_687 = arith.index_cast %parallel_loop3A_686 : i32 to index
        %parallel_loop3A_688 = tpu.vector_load %arg9[%parallel_loop3A_687] {strides = array<i32>} : memref<50176xf32, #tpu.memory_space<vmem>>, vector<16xf32>,
        %parallel_loop3A_689 = math.exp %parallel_loop3A_688 : vector<16xf32>
        %parallel_loop3A_690 = arith.addf %parallel_loop3A_595, %parallel_loop3A_689 : vector<16xf32>
        %parallel_loop3A_691 = arith.constant 208 : i32
        %parallel_loop3A_692 = arith.addi %parallel_loop3A_612, %parallel_loop3A_691 : i32
        %parallel_loop3A_693 = arith.index_cast %parallel_loop3A_692 : i32 to index
        %parallel_loop3A_694 = tpu.vector_load %arg9[%parallel_loop3A_693] {strides = array<i32>} : memref<50176xf32, #tpu.memory_space<vmem>>, vector<16xf32>,
        %parallel_loop3A_695 = math.exp %parallel_loop3A_694 : vector<16xf32>
        %parallel_loop3A_696 = arith.addf %parallel_loop3A_596, %parallel_loop3A_695 : vector<16xf32>
        %parallel_loop3A_697 = arith.constant 224 : i32
        %parallel_loop3A_698 = arith.addi %parallel_loop3A_612, %parallel_loop3A_697 : i32
        %parallel_loop3A_699 = arith.index_cast %parallel_loop3A_698 : i32 to index
        %parallel_loop3A_700 = tpu.vector_load %arg9[%parallel_loop3A_699] {strides = array<i32>} : memref<50176xf32, #tpu.memory_space<vmem>>, vector<16xf32>,
        %parallel_loop3A_701 = math.exp %parallel_loop3A_700 : vector<16xf32>
        %parallel_loop3A_702 = arith.addf %parallel_loop3A_597, %parallel_loop3A_701 : vector<16xf32>
        %parallel_loop3A_703 = arith.constant 240 : i32
        %parallel_loop3A_704 = arith.addi %parallel_loop3A_612, %parallel_loop3A_703 : i32
        %parallel_loop3A_705 = arith.index_cast %parallel_loop3A_704 : i32 to index
        %parallel_loop3A_706 = tpu.vector_load %arg9[%parallel_loop3A_705] {strides = array<i32>} : memref<50176xf32, #tpu.memory_space<vmem>>, vector<16xf32>,
        %parallel_loop3A_707 = math.exp %parallel_loop3A_706 : vector<16xf32>
        %parallel_loop3A_708 = arith.addf %parallel_loop3A_598, %parallel_loop3A_707 : vector<16xf32>
        %parallel_loop3A_709 = arith.constant 256 : i32
        %parallel_loop3A_710 = arith.addi %parallel_loop3A_612, %parallel_loop3A_709 : i32
        %parallel_loop3A_711 = arith.index_cast %parallel_loop3A_710 : i32 to index
        %parallel_loop3A_712 = tpu.vector_load %arg9[%parallel_loop3A_711] {strides = array<i32>} : memref<50176xf32, #tpu.memory_space<vmem>>, vector<16xf32>,
        %parallel_loop3A_713 = math.exp %parallel_loop3A_712 : vector<16xf32>
        %parallel_loop3A_714 = arith.addf %parallel_loop3A_599, %parallel_loop3A_713 : vector<16xf32>
        %parallel_loop3A_715 = arith.constant 272 : i32
        %parallel_loop3A_716 = arith.addi %parallel_loop3A_612, %parallel_loop3A_715 : i32
        %parallel_loop3A_717 = arith.index_cast %parallel_loop3A_716 : i32 to index
        %parallel_loop3A_718 = tpu.vector_load %arg9[%parallel_loop3A_717] {strides = array<i32>} : memref<50176xf32, #tpu.memory_space<vmem>>, vector<16xf32>,
        %parallel_loop3A_719 = math.exp %parallel_loop3A_718 : vector<16xf32>
        %parallel_loop3A_720 = arith.addf %parallel_loop3A_600, %parallel_loop3A_719 : vector<16xf32>
        %parallel_loop3A_721 = arith.constant 288 : i32
        %parallel_loop3A_722 = arith.addi %parallel_loop3A_612, %parallel_loop3A_721 : i32
        %parallel_loop3A_723 = arith.index_cast %parallel_loop3A_722 : i32 to index
        %parallel_loop3A_724 = tpu.vector_load %arg9[%parallel_loop3A_723] {strides = array<i32>} : memref<50176xf32, #tpu.memory_space<vmem>>, vector<16xf32>,
        %parallel_loop3A_725 = math.exp %parallel_loop3A_724 : vector<16xf32>
        %parallel_loop3A_726 = arith.addf %parallel_loop3A_601, %parallel_loop3A_725 : vector<16xf32>
        %parallel_loop3A_727 = arith.constant 304 : i32
        %parallel_loop3A_728 = arith.addi %parallel_loop3A_612, %parallel_loop3A_727 : i32
        %parallel_loop3A_729 = arith.index_cast %parallel_loop3A_728 : i32 to index
        %parallel_loop3A_730 = tpu.vector_load %arg9[%parallel_loop3A_729] {strides = array<i32>} : memref<50176xf32, #tpu.memory_space<vmem>>, vector<16xf32>,
        %parallel_loop3A_731 = math.exp %parallel_loop3A_730 : vector<16xf32>
        %parallel_loop3A_732 = arith.addf %parallel_loop3A_602, %parallel_loop3A_731 : vector<16xf32>
        %parallel_loop3A_733 = arith.constant 320 : i32
        %parallel_loop3A_734 = arith.addi %parallel_loop3A_612, %parallel_loop3A_733 : i32
        %parallel_loop3A_735 = arith.index_cast %parallel_loop3A_734 : i32 to index
        %parallel_loop3A_736 = tpu.vector_load %arg9[%parallel_loop3A_735] {strides = array<i32>} : memref<50176xf32, #tpu.memory_space<vmem>>, vector<16xf32>,
        %parallel_loop3A_737 = math.exp %parallel_loop3A_736 : vector<16xf32>
        %parallel_loop3A_738 = arith.addf %parallel_loop3A_603, %parallel_loop3A_737 : vector<16xf32>
        %parallel_loop3A_739 = arith.constant 336 : i32
        %parallel_loop3A_740 = arith.addi %parallel_loop3A_612, %parallel_loop3A_739 : i32
        %parallel_loop3A_741 = arith.index_cast %parallel_loop3A_740 : i32 to index
        %parallel_loop3A_742 = tpu.vector_load %arg9[%parallel_loop3A_741] {strides = array<i32>} : memref<50176xf32, #tpu.memory_space<vmem>>, vector<16xf32>,
        %parallel_loop3A_743 = math.exp %parallel_loop3A_742 : vector<16xf32>
        %parallel_loop3A_744 = arith.addf %parallel_loop3A_604, %parallel_loop3A_743 : vector<16xf32>
        %parallel_loop3A_745 = arith.constant 352 : i32
        %parallel_loop3A_746 = arith.addi %parallel_loop3A_612, %parallel_loop3A_745 : i32
        %parallel_loop3A_747 = arith.index_cast %parallel_loop3A_746 : i32 to index
        %parallel_loop3A_748 = tpu.vector_load %arg9[%parallel_loop3A_747] {strides = array<i32>} : memref<50176xf32, #tpu.memory_space<vmem>>, vector<16xf32>,
        %parallel_loop3A_749 = math.exp %parallel_loop3A_748 : vector<16xf32>
        %parallel_loop3A_750 = arith.addf %parallel_loop3A_605, %parallel_loop3A_749 : vector<16xf32>
        %parallel_loop3A_751 = arith.constant 368 : i32
        %parallel_loop3A_752 = arith.addi %parallel_loop3A_612, %parallel_loop3A_751 : i32
        %parallel_loop3A_753 = arith.index_cast %parallel_loop3A_752 : i32 to index
        %parallel_loop3A_754 = tpu.vector_load %arg9[%parallel_loop3A_753] {strides = array<i32>} : memref<50176xf32, #tpu.memory_space<vmem>>, vector<16xf32>,
        %parallel_loop3A_755 = math.exp %parallel_loop3A_754 : vector<16xf32>
        %parallel_loop3A_756 = arith.addf %parallel_loop3A_606, %parallel_loop3A_755 : vector<16xf32>
        scf.yield %parallel_loop3A_618, %parallel_loop3A_624, %parallel_loop3A_630, %parallel_loop3A_636, %parallel_loop3A_642, %parallel_loop3A_648, %parallel_loop3A_654, %parallel_loop3A_660, %parallel_loop3A_666, %parallel_loop3A_672, %parallel_loop3A_678, %parallel_loop3A_684, %parallel_loop3A_690, %parallel_loop3A_696, %parallel_loop3A_702, %parallel_loop3A_708, %parallel_loop3A_714, %parallel_loop3A_720, %parallel_loop3A_726, %parallel_loop3A_732, %parallel_loop3A_738, %parallel_loop3A_744, %parallel_loop3A_750, %parallel_loop3A_756 : vector<16xf32>, vector<16xf32>, vector<16xf32>, vector<16xf32>, vector<16xf32>, vector<16xf32>, vector<16xf32>, vector<16xf32>, vector<16xf32>, vector<16xf32>, vector<16xf32>, vector<16xf32>, vector<16xf32>, vector<16xf32>, vector<16xf32>, vector<16xf32>, vector<16xf32>, vector<16xf32>, vector<16xf32>, vector<16xf32>, vector<16xf32>, vector<16xf32>, vector<16xf32>, vector<16xf32>
      } {sc.loop_unroll_factor = 1 : i64, sc.parallel_access}
      %dma_wait3A_301 = arith.constant 39936 : i32
      %dma_wait3A_302 = tpu.memref_slice %arg9[%dma_wait3A_301] : memref<50176xf32, #tpu.memory_space<vmem>> -> memref<9984xf32, #tpu.memory_space<vmem>>
      %dma_wait3A_303 = arith.constant 89856 : i32
      %dma_wait3A_304 = tpu.memref_slice %arg3[%add3A_159, %select_n3A_9, %dma_wait3A_303] : memref<26x16x100000xf32, #tpu.memory_space<hbm>> -> memref<1x1x9984xf32, #tpu.memory_space<hbm>>
      %dma_wait3A_305 = tpu.memref_squeeze %dma_wait3A_304 : memref<1x1x9984xf32, #tpu.memory_space<hbm>> -> memref<9984xf32, #tpu.memory_space<hbm>>
      %dma_wait3A_306 = arith.constant 39936 : i32
      %dma_wait3A_307 = tpu.memref_slice %arg9[%dma_wait3A_306] : memref<50176xf32, #tpu.memory_space<vmem>> -> memref<9984xf32, #tpu.memory_space<vmem>>
      %dma_wait3A_308 = arith.constant 89856 : i32
      %dma_wait3A_309 = tpu.memref_slice %arg3[%add3A_159, %select_n3A_9, %dma_wait3A_308] : memref<26x16x100000xf32, #tpu.memory_space<hbm>> -> memref<1x1x9984xf32, #tpu.memory_space<hbm>>
      %dma_wait3A_310 = tpu.memref_squeeze %dma_wait3A_309 : memref<1x1x9984xf32, #tpu.memory_space<hbm>> -> memref<9984xf32, #tpu.memory_space<hbm>>
      tpu.wait_dma2 semaphore(%arg22 : memref<!tpu.dma_semaphore, #tpu.memory_space<semaphore_mem>>) src(%dma_wait3A_310 : memref<9984xf32, #tpu.memory_space<hbm>>) dst(%dma_wait3A_307 : memref<9984xf32, #tpu.memory_space<vmem>>)
      %parallel_loop3A_311 = arith.constant 0 : i32
      %parallel_loop3A_312 = arith.constant 26 : i32
      %parallel_loop3A_313 = arith.constant 1 : i32
      %parallel_loop3A_314:24 = scf.for %parallel_loop3A_582 = %parallel_loop3A_311 to %parallel_loop3A_312 step %parallel_loop3A_313 iter_args(%parallel_loop3A_583 = %broadcast_in_dim3A_31, %parallel_loop3A_584 = %broadcast_in_dim3A_31, %parallel_loop3A_585 = %broadcast_in_dim3A_31, %parallel_loop3A_586 = %broadcast_in_dim3A_31, %parallel_loop3A_587 = %broadcast_in_dim3A_31, %parallel_loop3A_588 = %broadcast_in_dim3A_31, %parallel_loop3A_589 = %broadcast_in_dim3A_31, %parallel_loop3A_590 = %broadcast_in_dim3A_31, %parallel_loop3A_591 = %broadcast_in_dim3A_31, %parallel_loop3A_592 = %broadcast_in_dim3A_31, %parallel_loop3A_593 = %broadcast_in_dim3A_31, %parallel_loop3A_594 = %broadcast_in_dim3A_31, %parallel_loop3A_595 = %broadcast_in_dim3A_31, %parallel_loop3A_596 = %broadcast_in_dim3A_31, %parallel_loop3A_597 = %broadcast_in_dim3A_31, %parallel_loop3A_598 = %broadcast_in_dim3A_31, %parallel_loop3A_599 = %broadcast_in_dim3A_31, %parallel_loop3A_600 = %broadcast_in_dim3A_31, %parallel_loop3A_601 = %broadcast_in_dim3A_31, %parallel_loop3A_602 = %broadcast_in_dim3A_31, %parallel_loop3A_603 = %broadcast_in_dim3A_31, %parallel_loop3A_604 = %broadcast_in_dim3A_31, %parallel_loop3A_605 = %broadcast_in_dim3A_31, %parallel_loop3A_606 = %broadcast_in_dim3A_31) -> (vector<16xf32>, vector<16xf32>, vector<16xf32>, vector<16xf32>, vector<16xf32>, vector<16xf32>, vector<16xf32>, vector<16xf32>, vector<16xf32>, vector<16xf32>, vector<16xf32>, vector<16xf32>, vector<16xf32>, vector<16xf32>, vector<16xf32>, vector<16xf32>, vector<16xf32>, vector<16xf32>, vector<16xf32>, vector<16xf32>, vector<16xf32>, vector<16xf32>, vector<16xf32>, vector<16xf32>)  : i32 {
        %parallel_loop3A_607 = arith.constant 24 : i32
        %parallel_loop3A_608 = arith.muli %parallel_loop3A_582, %parallel_loop3A_607 : i32
        %parallel_loop3A_609 = arith.constant 2496 : i32
        %parallel_loop3A_610 = arith.addi %parallel_loop3A_609, %parallel_loop3A_608 : i32
        %parallel_loop3A_611 = arith.constant 16 : i32
        %parallel_loop3A_612 = arith.muli %parallel_loop3A_610, %parallel_loop3A_611 : i32
        %parallel_loop3A_613 = arith.constant 0 : i32
        %parallel_loop3A_614 = arith.addi %parallel_loop3A_612, %parallel_loop3A_613 : i32
        %parallel_loop3A_615 = arith.index_cast %parallel_loop3A_614 : i32 to index
        %parallel_loop3A_616 = tpu.vector_load %arg9[%parallel_loop3A_615] {strides = array<i32>} : memref<50176xf32, #tpu.memory_space<vmem>>, vector<16xf32>,
        %parallel_loop3A_617 = math.exp %parallel_loop3A_616 : vector<16xf32>
        %parallel_loop3A_618 = arith.addf %parallel_loop3A_583, %parallel_loop3A_617 : vector<16xf32>
        %parallel_loop3A_619 = arith.constant 16 : i32
        %parallel_loop3A_620 = arith.addi %parallel_loop3A_612, %parallel_loop3A_619 : i32
        %parallel_loop3A_621 = arith.index_cast %parallel_loop3A_620 : i32 to index
        %parallel_loop3A_622 = tpu.vector_load %arg9[%parallel_loop3A_621] {strides = array<i32>} : memref<50176xf32, #tpu.memory_space<vmem>>, vector<16xf32>,
        %parallel_loop3A_623 = math.exp %parallel_loop3A_622 : vector<16xf32>
        %parallel_loop3A_624 = arith.addf %parallel_loop3A_584, %parallel_loop3A_623 : vector<16xf32>
        %parallel_loop3A_625 = arith.constant 32 : i32
        %parallel_loop3A_626 = arith.addi %parallel_loop3A_612, %parallel_loop3A_625 : i32
        %parallel_loop3A_627 = arith.index_cast %parallel_loop3A_626 : i32 to index
        %parallel_loop3A_628 = tpu.vector_load %arg9[%parallel_loop3A_627] {strides = array<i32>} : memref<50176xf32, #tpu.memory_space<vmem>>, vector<16xf32>,
        %parallel_loop3A_629 = math.exp %parallel_loop3A_628 : vector<16xf32>
        %parallel_loop3A_630 = arith.addf %parallel_loop3A_585, %parallel_loop3A_629 : vector<16xf32>
        %parallel_loop3A_631 = arith.constant 48 : i32
        %parallel_loop3A_632 = arith.addi %parallel_loop3A_612, %parallel_loop3A_631 : i32
        %parallel_loop3A_633 = arith.index_cast %parallel_loop3A_632 : i32 to index
        %parallel_loop3A_634 = tpu.vector_load %arg9[%parallel_loop3A_633] {strides = array<i32>} : memref<50176xf32, #tpu.memory_space<vmem>>, vector<16xf32>,
        %parallel_loop3A_635 = math.exp %parallel_loop3A_634 : vector<16xf32>
        %parallel_loop3A_636 = arith.addf %parallel_loop3A_586, %parallel_loop3A_635 : vector<16xf32>
        %parallel_loop3A_637 = arith.constant 64 : i32
        %parallel_loop3A_638 = arith.addi %parallel_loop3A_612, %parallel_loop3A_637 : i32
        %parallel_loop3A_639 = arith.index_cast %parallel_loop3A_638 : i32 to index
        %parallel_loop3A_640 = tpu.vector_load %arg9[%parallel_loop3A_639] {strides = array<i32>} : memref<50176xf32, #tpu.memory_space<vmem>>, vector<16xf32>,
        %parallel_loop3A_641 = math.exp %parallel_loop3A_640 : vector<16xf32>
        %parallel_loop3A_642 = arith.addf %parallel_loop3A_587, %parallel_loop3A_641 : vector<16xf32>
        %parallel_loop3A_643 = arith.constant 80 : i32
        %parallel_loop3A_644 = arith.addi %parallel_loop3A_612, %parallel_loop3A_643 : i32
        %parallel_loop3A_645 = arith.index_cast %parallel_loop3A_644 : i32 to index
        %parallel_loop3A_646 = tpu.vector_load %arg9[%parallel_loop3A_645] {strides = array<i32>} : memref<50176xf32, #tpu.memory_space<vmem>>, vector<16xf32>,
        %parallel_loop3A_647 = math.exp %parallel_loop3A_646 : vector<16xf32>
        %parallel_loop3A_648 = arith.addf %parallel_loop3A_588, %parallel_loop3A_647 : vector<16xf32>
        %parallel_loop3A_649 = arith.constant 96 : i32
        %parallel_loop3A_650 = arith.addi %parallel_loop3A_612, %parallel_loop3A_649 : i32
        %parallel_loop3A_651 = arith.index_cast %parallel_loop3A_650 : i32 to index
        %parallel_loop3A_652 = tpu.vector_load %arg9[%parallel_loop3A_651] {strides = array<i32>} : memref<50176xf32, #tpu.memory_space<vmem>>, vector<16xf32>,
        %parallel_loop3A_653 = math.exp %parallel_loop3A_652 : vector<16xf32>
        %parallel_loop3A_654 = arith.addf %parallel_loop3A_589, %parallel_loop3A_653 : vector<16xf32>
        %parallel_loop3A_655 = arith.constant 112 : i32
        %parallel_loop3A_656 = arith.addi %parallel_loop3A_612, %parallel_loop3A_655 : i32
        %parallel_loop3A_657 = arith.index_cast %parallel_loop3A_656 : i32 to index
        %parallel_loop3A_658 = tpu.vector_load %arg9[%parallel_loop3A_657] {strides = array<i32>} : memref<50176xf32, #tpu.memory_space<vmem>>, vector<16xf32>,
        %parallel_loop3A_659 = math.exp %parallel_loop3A_658 : vector<16xf32>
        %parallel_loop3A_660 = arith.addf %parallel_loop3A_590, %parallel_loop3A_659 : vector<16xf32>
        %parallel_loop3A_661 = arith.constant 128 : i32
        %parallel_loop3A_662 = arith.addi %parallel_loop3A_612, %parallel_loop3A_661 : i32
        %parallel_loop3A_663 = arith.index_cast %parallel_loop3A_662 : i32 to index
        %parallel_loop3A_664 = tpu.vector_load %arg9[%parallel_loop3A_663] {strides = array<i32>} : memref<50176xf32, #tpu.memory_space<vmem>>, vector<16xf32>,
        %parallel_loop3A_665 = math.exp %parallel_loop3A_664 : vector<16xf32>
        %parallel_loop3A_666 = arith.addf %parallel_loop3A_591, %parallel_loop3A_665 : vector<16xf32>
        %parallel_loop3A_667 = arith.constant 144 : i32
        %parallel_loop3A_668 = arith.addi %parallel_loop3A_612, %parallel_loop3A_667 : i32
        %parallel_loop3A_669 = arith.index_cast %parallel_loop3A_668 : i32 to index
        %parallel_loop3A_670 = tpu.vector_load %arg9[%parallel_loop3A_669] {strides = array<i32>} : memref<50176xf32, #tpu.memory_space<vmem>>, vector<16xf32>,
        %parallel_loop3A_671 = math.exp %parallel_loop3A_670 : vector<16xf32>
        %parallel_loop3A_672 = arith.addf %parallel_loop3A_592, %parallel_loop3A_671 : vector<16xf32>
        %parallel_loop3A_673 = arith.constant 160 : i32
        %parallel_loop3A_674 = arith.addi %parallel_loop3A_612, %parallel_loop3A_673 : i32
        %parallel_loop3A_675 = arith.index_cast %parallel_loop3A_674 : i32 to index
        %parallel_loop3A_676 = tpu.vector_load %arg9[%parallel_loop3A_675] {strides = array<i32>} : memref<50176xf32, #tpu.memory_space<vmem>>, vector<16xf32>,
        %parallel_loop3A_677 = math.exp %parallel_loop3A_676 : vector<16xf32>
        %parallel_loop3A_678 = arith.addf %parallel_loop3A_593, %parallel_loop3A_677 : vector<16xf32>
        %parallel_loop3A_679 = arith.constant 176 : i32
        %parallel_loop3A_680 = arith.addi %parallel_loop3A_612, %parallel_loop3A_679 : i32
        %parallel_loop3A_681 = arith.index_cast %parallel_loop3A_680 : i32 to index
        %parallel_loop3A_682 = tpu.vector_load %arg9[%parallel_loop3A_681] {strides = array<i32>} : memref<50176xf32, #tpu.memory_space<vmem>>, vector<16xf32>,
        %parallel_loop3A_683 = math.exp %parallel_loop3A_682 : vector<16xf32>
        %parallel_loop3A_684 = arith.addf %parallel_loop3A_594, %parallel_loop3A_683 : vector<16xf32>
        %parallel_loop3A_685 = arith.constant 192 : i32
        %parallel_loop3A_686 = arith.addi %parallel_loop3A_612, %parallel_loop3A_685 : i32
        %parallel_loop3A_687 = arith.index_cast %parallel_loop3A_686 : i32 to index
        %parallel_loop3A_688 = tpu.vector_load %arg9[%parallel_loop3A_687] {strides = array<i32>} : memref<50176xf32, #tpu.memory_space<vmem>>, vector<16xf32>,
        %parallel_loop3A_689 = math.exp %parallel_loop3A_688 : vector<16xf32>
        %parallel_loop3A_690 = arith.addf %parallel_loop3A_595, %parallel_loop3A_689 : vector<16xf32>
        %parallel_loop3A_691 = arith.constant 208 : i32
        %parallel_loop3A_692 = arith.addi %parallel_loop3A_612, %parallel_loop3A_691 : i32
        %parallel_loop3A_693 = arith.index_cast %parallel_loop3A_692 : i32 to index
        %parallel_loop3A_694 = tpu.vector_load %arg9[%parallel_loop3A_693] {strides = array<i32>} : memref<50176xf32, #tpu.memory_space<vmem>>, vector<16xf32>,
        %parallel_loop3A_695 = math.exp %parallel_loop3A_694 : vector<16xf32>
        %parallel_loop3A_696 = arith.addf %parallel_loop3A_596, %parallel_loop3A_695 : vector<16xf32>
        %parallel_loop3A_697 = arith.constant 224 : i32
        %parallel_loop3A_698 = arith.addi %parallel_loop3A_612, %parallel_loop3A_697 : i32
        %parallel_loop3A_699 = arith.index_cast %parallel_loop3A_698 : i32 to index
        %parallel_loop3A_700 = tpu.vector_load %arg9[%parallel_loop3A_699] {strides = array<i32>} : memref<50176xf32, #tpu.memory_space<vmem>>, vector<16xf32>,
        %parallel_loop3A_701 = math.exp %parallel_loop3A_700 : vector<16xf32>
        %parallel_loop3A_702 = arith.addf %parallel_loop3A_597, %parallel_loop3A_701 : vector<16xf32>
        %parallel_loop3A_703 = arith.constant 240 : i32
        %parallel_loop3A_704 = arith.addi %parallel_loop3A_612, %parallel_loop3A_703 : i32
        %parallel_loop3A_705 = arith.index_cast %parallel_loop3A_704 : i32 to index
        %parallel_loop3A_706 = tpu.vector_load %arg9[%parallel_loop3A_705] {strides = array<i32>} : memref<50176xf32, #tpu.memory_space<vmem>>, vector<16xf32>,
        %parallel_loop3A_707 = math.exp %parallel_loop3A_706 : vector<16xf32>
        %parallel_loop3A_708 = arith.addf %parallel_loop3A_598, %parallel_loop3A_707 : vector<16xf32>
        %parallel_loop3A_709 = arith.constant 256 : i32
        %parallel_loop3A_710 = arith.addi %parallel_loop3A_612, %parallel_loop3A_709 : i32
        %parallel_loop3A_711 = arith.index_cast %parallel_loop3A_710 : i32 to index
        %parallel_loop3A_712 = tpu.vector_load %arg9[%parallel_loop3A_711] {strides = array<i32>} : memref<50176xf32, #tpu.memory_space<vmem>>, vector<16xf32>,
        %parallel_loop3A_713 = math.exp %parallel_loop3A_712 : vector<16xf32>
        %parallel_loop3A_714 = arith.addf %parallel_loop3A_599, %parallel_loop3A_713 : vector<16xf32>
        %parallel_loop3A_715 = arith.constant 272 : i32
        %parallel_loop3A_716 = arith.addi %parallel_loop3A_612, %parallel_loop3A_715 : i32
        %parallel_loop3A_717 = arith.index_cast %parallel_loop3A_716 : i32 to index
        %parallel_loop3A_718 = tpu.vector_load %arg9[%parallel_loop3A_717] {strides = array<i32>} : memref<50176xf32, #tpu.memory_space<vmem>>, vector<16xf32>,
        %parallel_loop3A_719 = math.exp %parallel_loop3A_718 : vector<16xf32>
        %parallel_loop3A_720 = arith.addf %parallel_loop3A_600, %parallel_loop3A_719 : vector<16xf32>
        %parallel_loop3A_721 = arith.constant 288 : i32
        %parallel_loop3A_722 = arith.addi %parallel_loop3A_612, %parallel_loop3A_721 : i32
        %parallel_loop3A_723 = arith.index_cast %parallel_loop3A_722 : i32 to index
        %parallel_loop3A_724 = tpu.vector_load %arg9[%parallel_loop3A_723] {strides = array<i32>} : memref<50176xf32, #tpu.memory_space<vmem>>, vector<16xf32>,
        %parallel_loop3A_725 = math.exp %parallel_loop3A_724 : vector<16xf32>
        %parallel_loop3A_726 = arith.addf %parallel_loop3A_601, %parallel_loop3A_725 : vector<16xf32>
        %parallel_loop3A_727 = arith.constant 304 : i32
        %parallel_loop3A_728 = arith.addi %parallel_loop3A_612, %parallel_loop3A_727 : i32
        %parallel_loop3A_729 = arith.index_cast %parallel_loop3A_728 : i32 to index
        %parallel_loop3A_730 = tpu.vector_load %arg9[%parallel_loop3A_729] {strides = array<i32>} : memref<50176xf32, #tpu.memory_space<vmem>>, vector<16xf32>,
        %parallel_loop3A_731 = math.exp %parallel_loop3A_730 : vector<16xf32>
        %parallel_loop3A_732 = arith.addf %parallel_loop3A_602, %parallel_loop3A_731 : vector<16xf32>
        %parallel_loop3A_733 = arith.constant 320 : i32
        %parallel_loop3A_734 = arith.addi %parallel_loop3A_612, %parallel_loop3A_733 : i32
        %parallel_loop3A_735 = arith.index_cast %parallel_loop3A_734 : i32 to index
        %parallel_loop3A_736 = tpu.vector_load %arg9[%parallel_loop3A_735] {strides = array<i32>} : memref<50176xf32, #tpu.memory_space<vmem>>, vector<16xf32>,
        %parallel_loop3A_737 = math.exp %parallel_loop3A_736 : vector<16xf32>
        %parallel_loop3A_738 = arith.addf %parallel_loop3A_603, %parallel_loop3A_737 : vector<16xf32>
        %parallel_loop3A_739 = arith.constant 336 : i32
        %parallel_loop3A_740 = arith.addi %parallel_loop3A_612, %parallel_loop3A_739 : i32
        %parallel_loop3A_741 = arith.index_cast %parallel_loop3A_740 : i32 to index
        %parallel_loop3A_742 = tpu.vector_load %arg9[%parallel_loop3A_741] {strides = array<i32>} : memref<50176xf32, #tpu.memory_space<vmem>>, vector<16xf32>,
        %parallel_loop3A_743 = math.exp %parallel_loop3A_742 : vector<16xf32>
        %parallel_loop3A_744 = arith.addf %parallel_loop3A_604, %parallel_loop3A_743 : vector<16xf32>
        %parallel_loop3A_745 = arith.constant 352 : i32
        %parallel_loop3A_746 = arith.addi %parallel_loop3A_612, %parallel_loop3A_745 : i32
        %parallel_loop3A_747 = arith.index_cast %parallel_loop3A_746 : i32 to index
        %parallel_loop3A_748 = tpu.vector_load %arg9[%parallel_loop3A_747] {strides = array<i32>} : memref<50176xf32, #tpu.memory_space<vmem>>, vector<16xf32>,
        %parallel_loop3A_749 = math.exp %parallel_loop3A_748 : vector<16xf32>
        %parallel_loop3A_750 = arith.addf %parallel_loop3A_605, %parallel_loop3A_749 : vector<16xf32>
        %parallel_loop3A_751 = arith.constant 368 : i32
        %parallel_loop3A_752 = arith.addi %parallel_loop3A_612, %parallel_loop3A_751 : i32
        %parallel_loop3A_753 = arith.index_cast %parallel_loop3A_752 : i32 to index
        %parallel_loop3A_754 = tpu.vector_load %arg9[%parallel_loop3A_753] {strides = array<i32>} : memref<50176xf32, #tpu.memory_space<vmem>>, vector<16xf32>,
        %parallel_loop3A_755 = math.exp %parallel_loop3A_754 : vector<16xf32>
        %parallel_loop3A_756 = arith.addf %parallel_loop3A_606, %parallel_loop3A_755 : vector<16xf32>
        scf.yield %parallel_loop3A_618, %parallel_loop3A_624, %parallel_loop3A_630, %parallel_loop3A_636, %parallel_loop3A_642, %parallel_loop3A_648, %parallel_loop3A_654, %parallel_loop3A_660, %parallel_loop3A_666, %parallel_loop3A_672, %parallel_loop3A_678, %parallel_loop3A_684, %parallel_loop3A_690, %parallel_loop3A_696, %parallel_loop3A_702, %parallel_loop3A_708, %parallel_loop3A_714, %parallel_loop3A_720, %parallel_loop3A_726, %parallel_loop3A_732, %parallel_loop3A_738, %parallel_loop3A_744, %parallel_loop3A_750, %parallel_loop3A_756 : vector<16xf32>, vector<16xf32>, vector<16xf32>, vector<16xf32>, vector<16xf32>, vector<16xf32>, vector<16xf32>, vector<16xf32>, vector<16xf32>, vector<16xf32>, vector<16xf32>, vector<16xf32>, vector<16xf32>, vector<16xf32>, vector<16xf32>, vector<16xf32>, vector<16xf32>, vector<16xf32>, vector<16xf32>, vector<16xf32>, vector<16xf32>, vector<16xf32>, vector<16xf32>, vector<16xf32>
      } {sc.loop_unroll_factor = 1 : i64, sc.parallel_access}
      %dma_wait3A_315 = arith.constant 49920 : i32
      %dma_wait3A_316 = tpu.memref_slice %arg9[%dma_wait3A_315] : memref<50176xf32, #tpu.memory_space<vmem>> -> memref<256xf32, #tpu.memory_space<vmem>>
      %dma_wait3A_317 = arith.constant 0 : i32
      %dma_wait3A_318 = tpu.memref_slice %arg4[%add3A_159, %select_n3A_9, %dma_wait3A_317] : memref<26x16x256xf32, #tpu.memory_space<hbm>> -> memref<1x1x256xf32, #tpu.memory_space<hbm>>
      %dma_wait3A_319 = tpu.memref_squeeze %dma_wait3A_318 : memref<1x1x256xf32, #tpu.memory_space<hbm>> -> memref<256xf32, #tpu.memory_space<hbm>>
      %dma_wait3A_320 = arith.constant 49920 : i32
      %dma_wait3A_321 = tpu.memref_slice %arg9[%dma_wait3A_320] : memref<50176xf32, #tpu.memory_space<vmem>> -> memref<256xf32, #tpu.memory_space<vmem>>
      %dma_wait3A_322 = arith.constant 0 : i32
      %dma_wait3A_323 = tpu.memref_slice %arg4[%add3A_159, %select_n3A_9, %dma_wait3A_322] : memref<26x16x256xf32, #tpu.memory_space<hbm>> -> memref<1x1x256xf32, #tpu.memory_space<hbm>>
      %dma_wait3A_324 = tpu.memref_squeeze %dma_wait3A_323 : memref<1x1x256xf32, #tpu.memory_space<hbm>> -> memref<256xf32, #tpu.memory_space<hbm>>
      tpu.wait_dma2 semaphore(%arg23 : memref<!tpu.dma_semaphore, #tpu.memory_space<semaphore_mem>>) src(%dma_wait3A_324 : memref<256xf32, #tpu.memory_space<hbm>>) dst(%dma_wait3A_321 : memref<256xf32, #tpu.memory_space<vmem>>)
      %parallel_loop3A_325 = arith.constant 0 : i32
      %parallel_loop3A_326 = arith.constant 16 : i32
      %parallel_loop3A_327 = arith.constant 1 : i32
      %parallel_loop3A_328 = scf.for %parallel_loop3A_582 = %parallel_loop3A_325 to %parallel_loop3A_326 step %parallel_loop3A_327 iter_args(%parallel_loop3A_583 = %broadcast_in_dim3A_31) -> (vector<16xf32>)  : i32 {
        %parallel_loop3A_584 = arith.constant 3120 : i32
        %parallel_loop3A_585 = arith.addi %parallel_loop3A_584, %parallel_loop3A_582 : i32
        %parallel_loop3A_586 = arith.constant 16 : i32
        %parallel_loop3A_587 = arith.muli %parallel_loop3A_585, %parallel_loop3A_586 : i32
        %parallel_loop3A_588 = arith.index_cast %parallel_loop3A_587 : i32 to index
        %parallel_loop3A_589 = tpu.vector_load %arg9[%parallel_loop3A_588] {strides = array<i32>} : memref<50176xf32, #tpu.memory_space<vmem>>, vector<16xf32>,
        %parallel_loop3A_590 = math.exp %parallel_loop3A_589 : vector<16xf32>
        %parallel_loop3A_591 = arith.addf %parallel_loop3A_583, %parallel_loop3A_590 : vector<16xf32>
        scf.yield %parallel_loop3A_591 : vector<16xf32>
      } {sc.loop_unroll_factor = 1 : i64, sc.parallel_access}
      %parallel_loop3A_329 = arith.constant 0 : i32
      %parallel_loop3A_330 = arith.constant 256 : i32
      %parallel_loop3A_331 = arith.constant 1 : i32
      scf.for %parallel_loop3A_582 = %parallel_loop3A_329 to %parallel_loop3A_330 step %parallel_loop3A_331  : i32 {
        %parallel_loop3A_583 = arith.constant 16 : i32
        %parallel_loop3A_584 = arith.muli %parallel_loop3A_582, %parallel_loop3A_583 : i32
        %parallel_loop3A_585 = arith.index_cast %parallel_loop3A_584 : i32 to index
        %parallel_loop3A_586 = tpu.vector_load %arg7[%parallel_loop3A_585] {strides = array<i32>} : memref<4096xi32, #tpu.memory_space<vmem>>, vector<16xi32>,
        %parallel_loop3A_587 = arith.constant 49920 : i32
        %parallel_loop3A_588 = vector.broadcast %parallel_loop3A_587 : i32 to vector<16xi32>
        %parallel_loop3A_589 = arith.cmpi sge, %parallel_loop3A_586, %parallel_loop3A_588 : vector<16xi32>
        %parallel_loop3A_590 = arith.constant 49920 : i32
        %parallel_loop3A_591 = vector.broadcast %parallel_loop3A_590 : i32 to vector<16xi32>
        %parallel_loop3A_592 = arith.subi %parallel_loop3A_586, %parallel_loop3A_591 : vector<16xi32>
        %parallel_loop3A_593 = tpu.vector_load_idx %arg9[%parallel_loop3A_592] masked %parallel_loop3A_589 : memref<50176xf32, #tpu.memory_space<vmem>>[vector<16xi32>], vector<16xf32>, vector<16xi1>
        %parallel_loop3A_594 = arith.constant 16 : i32
        %parallel_loop3A_595 = arith.muli %parallel_loop3A_582, %parallel_loop3A_594 : i32
        %parallel_loop3A_596 = arith.index_cast %parallel_loop3A_595 : i32 to index
        %parallel_loop3A_597 = tpu.vector_load %arg10[%parallel_loop3A_596] {strides = array<i32>} : memref<4096xf32, #tpu.memory_space<vmem>>, vector<16xf32>,
        %parallel_loop3A_598 = arith.constant 0.000000e+00 : f32
        %parallel_loop3A_599 = vector.broadcast %parallel_loop3A_598 : f32 to vector<16xf32>
        %parallel_loop3A_600 = arith.select %parallel_loop3A_589, %parallel_loop3A_593, %parallel_loop3A_599 : vector<16xi1>, vector<16xf32>
        %parallel_loop3A_601 = arith.addf %parallel_loop3A_597, %parallel_loop3A_600 : vector<16xf32>
        %parallel_loop3A_602 = arith.constant 16 : i32
        %parallel_loop3A_603 = arith.muli %parallel_loop3A_582, %parallel_loop3A_602 : i32
        %parallel_loop3A_604 = arith.index_cast %parallel_loop3A_603 : i32 to index
        %parallel_loop3A_605 = tpu.vector_load %arg10[%parallel_loop3A_604] {strides = array<i32>} : memref<4096xf32, #tpu.memory_space<vmem>>, vector<16xf32>,
        tpu.vector_store %arg10[%parallel_loop3A_604], %parallel_loop3A_601 {strides = array<i32>} : memref<4096xf32, #tpu.memory_space<vmem>>, vector<16xf32>,
      } {sc.loop_unroll_factor = 8 : i64, sc.parallel_access}
      %add3A_332 = arith.constant 1 : i32
      %add3A_333 = arith.addi %scan3A_156, %add3A_332 : i32
      %lt3A_334 = arith.constant 13 : i32
      %lt3A_335 = arith.cmpi slt, %add3A_333, %lt3A_334 : i32
      %convert_element_type3A_336 = arith.extui %lt3A_335 : i1 to i32
      %cond3A_337 = arith.constant 0 : i32
      %cond3A_338 = arith.cmpi ne, %convert_element_type3A_336, %cond3A_337 : i32
      scf.if %cond3A_338 {
        %dma_start3A_582 = arith.constant 0 : i32
        %dma_start3A_583 = tpu.memref_slice %arg9[%dma_start3A_582] : memref<50176xf32, #tpu.memory_space<vmem>> -> memref<9984xf32, #tpu.memory_space<vmem>>
        %dma_start3A_584 = arith.constant 49920 : i32
        %dma_start3A_585 = tpu.memref_slice %arg3[%add3A_161, %select_n3A_9, %dma_start3A_584] : memref<26x16x100000xf32, #tpu.memory_space<hbm>> -> memref<1x1x9984xf32, #tpu.memory_space<hbm>>
        %dma_start3A_586 = tpu.memref_squeeze %dma_start3A_585 : memref<1x1x9984xf32, #tpu.memory_space<hbm>> -> memref<9984xf32, #tpu.memory_space<hbm>>
        %dma_start3A_587 = arith.constant 0 : i32
        %dma_start3A_588 = tpu.memref_slice %arg9[%dma_start3A_587] : memref<50176xf32, #tpu.memory_space<vmem>> -> memref<9984xf32, #tpu.memory_space<vmem>>
        %dma_start3A_589 = arith.constant 49920 : i32
        %dma_start3A_590 = tpu.memref_slice %arg3[%add3A_161, %select_n3A_9, %dma_start3A_589] : memref<26x16x100000xf32, #tpu.memory_space<hbm>> -> memref<1x1x9984xf32, #tpu.memory_space<hbm>>
        %dma_start3A_591 = tpu.memref_squeeze %dma_start3A_590 : memref<1x1x9984xf32, #tpu.memory_space<hbm>> -> memref<9984xf32, #tpu.memory_space<hbm>>
        tpu.enqueue_dma source(%dma_start3A_591 : memref<9984xf32, #tpu.memory_space<hbm>>) target(%dma_start3A_588 : memref<9984xf32, #tpu.memory_space<vmem>>) target_semaphore(%arg18 : memref<!tpu.dma_semaphore, #tpu.memory_space<semaphore_mem>>)
        %dma_start3A_592 = arith.constant 9984 : i32
        %dma_start3A_593 = tpu.memref_slice %arg9[%dma_start3A_592] : memref<50176xf32, #tpu.memory_space<vmem>> -> memref<9984xf32, #tpu.memory_space<vmem>>
        %dma_start3A_594 = arith.constant 59904 : i32
        %dma_start3A_595 = tpu.memref_slice %arg3[%add3A_161, %select_n3A_9, %dma_start3A_594] : memref<26x16x100000xf32, #tpu.memory_space<hbm>> -> memref<1x1x9984xf32, #tpu.memory_space<hbm>>
        %dma_start3A_596 = tpu.memref_squeeze %dma_start3A_595 : memref<1x1x9984xf32, #tpu.memory_space<hbm>> -> memref<9984xf32, #tpu.memory_space<hbm>>
        %dma_start3A_597 = arith.constant 9984 : i32
        %dma_start3A_598 = tpu.memref_slice %arg9[%dma_start3A_597] : memref<50176xf32, #tpu.memory_space<vmem>> -> memref<9984xf32, #tpu.memory_space<vmem>>
        %dma_start3A_599 = arith.constant 59904 : i32
        %dma_start3A_600 = tpu.memref_slice %arg3[%add3A_161, %select_n3A_9, %dma_start3A_599] : memref<26x16x100000xf32, #tpu.memory_space<hbm>> -> memref<1x1x9984xf32, #tpu.memory_space<hbm>>
        %dma_start3A_601 = tpu.memref_squeeze %dma_start3A_600 : memref<1x1x9984xf32, #tpu.memory_space<hbm>> -> memref<9984xf32, #tpu.memory_space<hbm>>
        tpu.enqueue_dma source(%dma_start3A_601 : memref<9984xf32, #tpu.memory_space<hbm>>) target(%dma_start3A_598 : memref<9984xf32, #tpu.memory_space<vmem>>) target_semaphore(%arg19 : memref<!tpu.dma_semaphore, #tpu.memory_space<semaphore_mem>>)
        %dma_start3A_602 = arith.constant 19968 : i32
        %dma_start3A_603 = tpu.memref_slice %arg9[%dma_start3A_602] : memref<50176xf32, #tpu.memory_space<vmem>> -> memref<9984xf32, #tpu.memory_space<vmem>>
        %dma_start3A_604 = arith.constant 69888 : i32
        %dma_start3A_605 = tpu.memref_slice %arg3[%add3A_161, %select_n3A_9, %dma_start3A_604] : memref<26x16x100000xf32, #tpu.memory_space<hbm>> -> memref<1x1x9984xf32, #tpu.memory_space<hbm>>
        %dma_start3A_606 = tpu.memref_squeeze %dma_start3A_605 : memref<1x1x9984xf32, #tpu.memory_space<hbm>> -> memref<9984xf32, #tpu.memory_space<hbm>>
        %dma_start3A_607 = arith.constant 19968 : i32
        %dma_start3A_608 = tpu.memref_slice %arg9[%dma_start3A_607] : memref<50176xf32, #tpu.memory_space<vmem>> -> memref<9984xf32, #tpu.memory_space<vmem>>
        %dma_start3A_609 = arith.constant 69888 : i32
        %dma_start3A_610 = tpu.memref_slice %arg3[%add3A_161, %select_n3A_9, %dma_start3A_609] : memref<26x16x100000xf32, #tpu.memory_space<hbm>> -> memref<1x1x9984xf32, #tpu.memory_space<hbm>>
        %dma_start3A_611 = tpu.memref_squeeze %dma_start3A_610 : memref<1x1x9984xf32, #tpu.memory_space<hbm>> -> memref<9984xf32, #tpu.memory_space<hbm>>
        tpu.enqueue_dma source(%dma_start3A_611 : memref<9984xf32, #tpu.memory_space<hbm>>) target(%dma_start3A_608 : memref<9984xf32, #tpu.memory_space<vmem>>) target_semaphore(%arg20 : memref<!tpu.dma_semaphore, #tpu.memory_space<semaphore_mem>>)
        %dma_start3A_612 = arith.constant 29952 : i32
        %dma_start3A_613 = tpu.memref_slice %arg9[%dma_start3A_612] : memref<50176xf32, #tpu.memory_space<vmem>> -> memref<9984xf32, #tpu.memory_space<vmem>>
        %dma_start3A_614 = arith.constant 79872 : i32
        %dma_start3A_615 = tpu.memref_slice %arg3[%add3A_161, %select_n3A_9, %dma_start3A_614] : memref<26x16x100000xf32, #tpu.memory_space<hbm>> -> memref<1x1x9984xf32, #tpu.memory_space<hbm>>
        %dma_start3A_616 = tpu.memref_squeeze %dma_start3A_615 : memref<1x1x9984xf32, #tpu.memory_space<hbm>> -> memref<9984xf32, #tpu.memory_space<hbm>>
        %dma_start3A_617 = arith.constant 29952 : i32
        %dma_start3A_618 = tpu.memref_slice %arg9[%dma_start3A_617] : memref<50176xf32, #tpu.memory_space<vmem>> -> memref<9984xf32, #tpu.memory_space<vmem>>
        %dma_start3A_619 = arith.constant 79872 : i32
        %dma_start3A_620 = tpu.memref_slice %arg3[%add3A_161, %select_n3A_9, %dma_start3A_619] : memref<26x16x100000xf32, #tpu.memory_space<hbm>> -> memref<1x1x9984xf32, #tpu.memory_space<hbm>>
        %dma_start3A_621 = tpu.memref_squeeze %dma_start3A_620 : memref<1x1x9984xf32, #tpu.memory_space<hbm>> -> memref<9984xf32, #tpu.memory_space<hbm>>
        tpu.enqueue_dma source(%dma_start3A_621 : memref<9984xf32, #tpu.memory_space<hbm>>) target(%dma_start3A_618 : memref<9984xf32, #tpu.memory_space<vmem>>) target_semaphore(%arg21 : memref<!tpu.dma_semaphore, #tpu.memory_space<semaphore_mem>>)
        %dma_start3A_622 = arith.constant 39936 : i32
        %dma_start3A_623 = tpu.memref_slice %arg9[%dma_start3A_622] : memref<50176xf32, #tpu.memory_space<vmem>> -> memref<9984xf32, #tpu.memory_space<vmem>>
        %dma_start3A_624 = arith.constant 89856 : i32
        %dma_start3A_625 = tpu.memref_slice %arg3[%add3A_161, %select_n3A_9, %dma_start3A_624] : memref<26x16x100000xf32, #tpu.memory_space<hbm>> -> memref<1x1x9984xf32, #tpu.memory_space<hbm>>
        %dma_start3A_626 = tpu.memref_squeeze %dma_start3A_625 : memref<1x1x9984xf32, #tpu.memory_space<hbm>> -> memref<9984xf32, #tpu.memory_space<hbm>>
        %dma_start3A_627 = arith.constant 39936 : i32
        %dma_start3A_628 = tpu.memref_slice %arg9[%dma_start3A_627] : memref<50176xf32, #tpu.memory_space<vmem>> -> memref<9984xf32, #tpu.memory_space<vmem>>
        %dma_start3A_629 = arith.constant 89856 : i32
        %dma_start3A_630 = tpu.memref_slice %arg3[%add3A_161, %select_n3A_9, %dma_start3A_629] : memref<26x16x100000xf32, #tpu.memory_space<hbm>> -> memref<1x1x9984xf32, #tpu.memory_space<hbm>>
        %dma_start3A_631 = tpu.memref_squeeze %dma_start3A_630 : memref<1x1x9984xf32, #tpu.memory_space<hbm>> -> memref<9984xf32, #tpu.memory_space<hbm>>
        tpu.enqueue_dma source(%dma_start3A_631 : memref<9984xf32, #tpu.memory_space<hbm>>) target(%dma_start3A_628 : memref<9984xf32, #tpu.memory_space<vmem>>) target_semaphore(%arg22 : memref<!tpu.dma_semaphore, #tpu.memory_space<semaphore_mem>>)
        %dma_start3A_632 = arith.constant 49920 : i32
        %dma_start3A_633 = tpu.memref_slice %arg9[%dma_start3A_632] : memref<50176xf32, #tpu.memory_space<vmem>> -> memref<256xf32, #tpu.memory_space<vmem>>
        %dma_start3A_634 = arith.constant 0 : i32
        %dma_start3A_635 = tpu.memref_slice %arg4[%add3A_161, %select_n3A_9, %dma_start3A_634] : memref<26x16x256xf32, #tpu.memory_space<hbm>> -> memref<1x1x256xf32, #tpu.memory_space<hbm>>
        %dma_start3A_636 = tpu.memref_squeeze %dma_start3A_635 : memref<1x1x256xf32, #tpu.memory_space<hbm>> -> memref<256xf32, #tpu.memory_space<hbm>>
        %dma_start3A_637 = arith.constant 49920 : i32
        %dma_start3A_638 = tpu.memref_slice %arg9[%dma_start3A_637] : memref<50176xf32, #tpu.memory_space<vmem>> -> memref<256xf32, #tpu.memory_space<vmem>>
        %dma_start3A_639 = arith.constant 0 : i32
        %dma_start3A_640 = tpu.memref_slice %arg4[%add3A_161, %select_n3A_9, %dma_start3A_639] : memref<26x16x256xf32, #tpu.memory_space<hbm>> -> memref<1x1x256xf32, #tpu.memory_space<hbm>>
        %dma_start3A_641 = tpu.memref_squeeze %dma_start3A_640 : memref<1x1x256xf32, #tpu.memory_space<hbm>> -> memref<256xf32, #tpu.memory_space<hbm>>
        tpu.enqueue_dma source(%dma_start3A_641 : memref<256xf32, #tpu.memory_space<hbm>>) target(%dma_start3A_638 : memref<256xf32, #tpu.memory_space<vmem>>) target_semaphore(%arg23 : memref<!tpu.dma_semaphore, #tpu.memory_space<semaphore_mem>>)
        %dma_start3A_642 = arith.constant 0 : i32
        %dma_start3A_643 = tpu.memref_slice %arg2[%add3A_161, %dma_start3A_642] : memref<26x4096xi32, #tpu.memory_space<hbm>> -> memref<1x4096xi32, #tpu.memory_space<hbm>>
        %dma_start3A_644 = tpu.memref_squeeze %dma_start3A_643 : memref<1x4096xi32, #tpu.memory_space<hbm>> -> memref<4096xi32, #tpu.memory_space<hbm>>
        %dma_start3A_645 = arith.constant 0 : i32
        %dma_start3A_646 = tpu.memref_slice %arg2[%add3A_161, %dma_start3A_645] : memref<26x4096xi32, #tpu.memory_space<hbm>> -> memref<1x4096xi32, #tpu.memory_space<hbm>>
        %dma_start3A_647 = tpu.memref_squeeze %dma_start3A_646 : memref<1x4096xi32, #tpu.memory_space<hbm>> -> memref<4096xi32, #tpu.memory_space<hbm>>
        tpu.enqueue_dma source(%dma_start3A_647 : memref<4096xi32, #tpu.memory_space<hbm>>) target(%arg7 : memref<4096xi32, #tpu.memory_space<vmem>>) target_semaphore(%arg12 : memref<!tpu.dma_semaphore, #tpu.memory_space<semaphore_mem>>)
      } else {
      }
      %add3A_339 = arith.addf %parallel_loop3A_174#0, %parallel_loop3A_174#1 : vector<16xf32>
      %add3A_340 = arith.addf %add3A_339, %parallel_loop3A_174#2 : vector<16xf32>
      %add3A_341 = arith.addf %add3A_340, %parallel_loop3A_174#3 : vector<16xf32>
      %add3A_342 = arith.addf %add3A_341, %parallel_loop3A_174#4 : vector<16xf32>
      %add3A_343 = arith.addf %add3A_342, %parallel_loop3A_174#5 : vector<16xf32>
      %add3A_344 = arith.addf %add3A_343, %parallel_loop3A_174#6 : vector<16xf32>
      %add3A_345 = arith.addf %add3A_344, %parallel_loop3A_174#7 : vector<16xf32>
      %add3A_346 = arith.addf %add3A_345, %parallel_loop3A_174#8 : vector<16xf32>
      %add3A_347 = arith.addf %add3A_346, %parallel_loop3A_174#9 : vector<16xf32>
      %add3A_348 = arith.addf %add3A_347, %parallel_loop3A_174#10 : vector<16xf32>
      %add3A_349 = arith.addf %add3A_348, %parallel_loop3A_174#11 : vector<16xf32>
      %add3A_350 = arith.addf %add3A_349, %parallel_loop3A_174#12 : vector<16xf32>
      %add3A_351 = arith.addf %add3A_350, %parallel_loop3A_174#13 : vector<16xf32>
      %add3A_352 = arith.addf %add3A_351, %parallel_loop3A_174#14 : vector<16xf32>
      %add3A_353 = arith.addf %add3A_352, %parallel_loop3A_174#15 : vector<16xf32>
      %add3A_354 = arith.addf %add3A_353, %parallel_loop3A_174#16 : vector<16xf32>
      %add3A_355 = arith.addf %add3A_354, %parallel_loop3A_174#17 : vector<16xf32>
      %add3A_356 = arith.addf %add3A_355, %parallel_loop3A_174#18 : vector<16xf32>
      %add3A_357 = arith.addf %add3A_356, %parallel_loop3A_174#19 : vector<16xf32>
      %add3A_358 = arith.addf %add3A_357, %parallel_loop3A_174#20 : vector<16xf32>
      %add3A_359 = arith.addf %add3A_358, %parallel_loop3A_174#21 : vector<16xf32>
      %add3A_360 = arith.addf %add3A_359, %parallel_loop3A_174#22 : vector<16xf32>
      %add3A_361 = arith.addf %add3A_360, %parallel_loop3A_174#23 : vector<16xf32>
      %add3A_362 = arith.addf %add3A_361, %parallel_loop3A_188#0 : vector<16xf32>
      %add3A_363 = arith.addf %add3A_362, %parallel_loop3A_188#1 : vector<16xf32>
      %add3A_364 = arith.addf %add3A_363, %parallel_loop3A_188#2 : vector<16xf32>
      %add3A_365 = arith.addf %add3A_364, %parallel_loop3A_188#3 : vector<16xf32>
      %add3A_366 = arith.addf %add3A_365, %parallel_loop3A_188#4 : vector<16xf32>
      %add3A_367 = arith.addf %add3A_366, %parallel_loop3A_188#5 : vector<16xf32>
      %add3A_368 = arith.addf %add3A_367, %parallel_loop3A_188#6 : vector<16xf32>
      %add3A_369 = arith.addf %add3A_368, %parallel_loop3A_188#7 : vector<16xf32>
      %add3A_370 = arith.addf %add3A_369, %parallel_loop3A_188#8 : vector<16xf32>
      %add3A_371 = arith.addf %add3A_370, %parallel_loop3A_188#9 : vector<16xf32>
      %add3A_372 = arith.addf %add3A_371, %parallel_loop3A_188#10 : vector<16xf32>
      %add3A_373 = arith.addf %add3A_372, %parallel_loop3A_188#11 : vector<16xf32>
      %add3A_374 = arith.addf %add3A_373, %parallel_loop3A_188#12 : vector<16xf32>
      %add3A_375 = arith.addf %add3A_374, %parallel_loop3A_188#13 : vector<16xf32>
      %add3A_376 = arith.addf %add3A_375, %parallel_loop3A_188#14 : vector<16xf32>
      %add3A_377 = arith.addf %add3A_376, %parallel_loop3A_188#15 : vector<16xf32>
      %add3A_378 = arith.addf %add3A_377, %parallel_loop3A_188#16 : vector<16xf32>
      %add3A_379 = arith.addf %add3A_378, %parallel_loop3A_188#17 : vector<16xf32>
      %add3A_380 = arith.addf %add3A_379, %parallel_loop3A_188#18 : vector<16xf32>
      %add3A_381 = arith.addf %add3A_380, %parallel_loop3A_188#19 : vector<16xf32>
      %add3A_382 = arith.addf %add3A_381, %parallel_loop3A_188#20 : vector<16xf32>
      %add3A_383 = arith.addf %add3A_382, %parallel_loop3A_188#21 : vector<16xf32>
      %add3A_384 = arith.addf %add3A_383, %parallel_loop3A_188#22 : vector<16xf32>
      %add3A_385 = arith.addf %add3A_384, %parallel_loop3A_188#23 : vector<16xf32>
      %add3A_386 = arith.addf %add3A_385, %parallel_loop3A_202#0 : vector<16xf32>
      %add3A_387 = arith.addf %add3A_386, %parallel_loop3A_202#1 : vector<16xf32>
      %add3A_388 = arith.addf %add3A_387, %parallel_loop3A_202#2 : vector<16xf32>
      %add3A_389 = arith.addf %add3A_388, %parallel_loop3A_202#3 : vector<16xf32>
      %add3A_390 = arith.addf %add3A_389, %parallel_loop3A_202#4 : vector<16xf32>
      %add3A_391 = arith.addf %add3A_390, %parallel_loop3A_202#5 : vector<16xf32>
      %add3A_392 = arith.addf %add3A_391, %parallel_loop3A_202#6 : vector<16xf32>
      %add3A_393 = arith.addf %add3A_392, %parallel_loop3A_202#7 : vector<16xf32>
      %add3A_394 = arith.addf %add3A_393, %parallel_loop3A_202#8 : vector<16xf32>
      %add3A_395 = arith.addf %add3A_394, %parallel_loop3A_202#9 : vector<16xf32>
      %add3A_396 = arith.addf %add3A_395, %parallel_loop3A_202#10 : vector<16xf32>
      %add3A_397 = arith.addf %add3A_396, %parallel_loop3A_202#11 : vector<16xf32>
      %add3A_398 = arith.addf %add3A_397, %parallel_loop3A_202#12 : vector<16xf32>
      %add3A_399 = arith.addf %add3A_398, %parallel_loop3A_202#13 : vector<16xf32>
      %add3A_400 = arith.addf %add3A_399, %parallel_loop3A_202#14 : vector<16xf32>
      %add3A_401 = arith.addf %add3A_400, %parallel_loop3A_202#15 : vector<16xf32>
      %add3A_402 = arith.addf %add3A_401, %parallel_loop3A_202#16 : vector<16xf32>
      %add3A_403 = arith.addf %add3A_402, %parallel_loop3A_202#17 : vector<16xf32>
      %add3A_404 = arith.addf %add3A_403, %parallel_loop3A_202#18 : vector<16xf32>
      %add3A_405 = arith.addf %add3A_404, %parallel_loop3A_202#19 : vector<16xf32>
      %add3A_406 = arith.addf %add3A_405, %parallel_loop3A_202#20 : vector<16xf32>
      %add3A_407 = arith.addf %add3A_406, %parallel_loop3A_202#21 : vector<16xf32>
      %add3A_408 = arith.addf %add3A_407, %parallel_loop3A_202#22 : vector<16xf32>
      %add3A_409 = arith.addf %add3A_408, %parallel_loop3A_202#23 : vector<16xf32>
      %add3A_410 = arith.addf %add3A_409, %parallel_loop3A_216#0 : vector<16xf32>
      %add3A_411 = arith.addf %add3A_410, %parallel_loop3A_216#1 : vector<16xf32>
      %add3A_412 = arith.addf %add3A_411, %parallel_loop3A_216#2 : vector<16xf32>
      %add3A_413 = arith.addf %add3A_412, %parallel_loop3A_216#3 : vector<16xf32>
      %add3A_414 = arith.addf %add3A_413, %parallel_loop3A_216#4 : vector<16xf32>
      %add3A_415 = arith.addf %add3A_414, %parallel_loop3A_216#5 : vector<16xf32>
      %add3A_416 = arith.addf %add3A_415, %parallel_loop3A_216#6 : vector<16xf32>
      %add3A_417 = arith.addf %add3A_416, %parallel_loop3A_216#7 : vector<16xf32>
      %add3A_418 = arith.addf %add3A_417, %parallel_loop3A_216#8 : vector<16xf32>
      %add3A_419 = arith.addf %add3A_418, %parallel_loop3A_216#9 : vector<16xf32>
      %add3A_420 = arith.addf %add3A_419, %parallel_loop3A_216#10 : vector<16xf32>
      %add3A_421 = arith.addf %add3A_420, %parallel_loop3A_216#11 : vector<16xf32>
      %add3A_422 = arith.addf %add3A_421, %parallel_loop3A_216#12 : vector<16xf32>
      %add3A_423 = arith.addf %add3A_422, %parallel_loop3A_216#13 : vector<16xf32>
      %add3A_424 = arith.addf %add3A_423, %parallel_loop3A_216#14 : vector<16xf32>
      %add3A_425 = arith.addf %add3A_424, %parallel_loop3A_216#15 : vector<16xf32>
      %add3A_426 = arith.addf %add3A_425, %parallel_loop3A_216#16 : vector<16xf32>
      %add3A_427 = arith.addf %add3A_426, %parallel_loop3A_216#17 : vector<16xf32>
      %add3A_428 = arith.addf %add3A_427, %parallel_loop3A_216#18 : vector<16xf32>
      %add3A_429 = arith.addf %add3A_428, %parallel_loop3A_216#19 : vector<16xf32>
      %add3A_430 = arith.addf %add3A_429, %parallel_loop3A_216#20 : vector<16xf32>
      %add3A_431 = arith.addf %add3A_430, %parallel_loop3A_216#21 : vector<16xf32>
      %add3A_432 = arith.addf %add3A_431, %parallel_loop3A_216#22 : vector<16xf32>
      %add3A_433 = arith.addf %add3A_432, %parallel_loop3A_216#23 : vector<16xf32>
      %add3A_434 = arith.addf %add3A_433, %parallel_loop3A_230#0 : vector<16xf32>
      %add3A_435 = arith.addf %add3A_434, %parallel_loop3A_230#1 : vector<16xf32>
      %add3A_436 = arith.addf %add3A_435, %parallel_loop3A_230#2 : vector<16xf32>
      %add3A_437 = arith.addf %add3A_436, %parallel_loop3A_230#3 : vector<16xf32>
      %add3A_438 = arith.addf %add3A_437, %parallel_loop3A_230#4 : vector<16xf32>
      %add3A_439 = arith.addf %add3A_438, %parallel_loop3A_230#5 : vector<16xf32>
      %add3A_440 = arith.addf %add3A_439, %parallel_loop3A_230#6 : vector<16xf32>
      %add3A_441 = arith.addf %add3A_440, %parallel_loop3A_230#7 : vector<16xf32>
      %add3A_442 = arith.addf %add3A_441, %parallel_loop3A_230#8 : vector<16xf32>
      %add3A_443 = arith.addf %add3A_442, %parallel_loop3A_230#9 : vector<16xf32>
      %add3A_444 = arith.addf %add3A_443, %parallel_loop3A_230#10 : vector<16xf32>
      %add3A_445 = arith.addf %add3A_444, %parallel_loop3A_230#11 : vector<16xf32>
      %add3A_446 = arith.addf %add3A_445, %parallel_loop3A_230#12 : vector<16xf32>
      %add3A_447 = arith.addf %add3A_446, %parallel_loop3A_230#13 : vector<16xf32>
      %add3A_448 = arith.addf %add3A_447, %parallel_loop3A_230#14 : vector<16xf32>
      %add3A_449 = arith.addf %add3A_448, %parallel_loop3A_230#15 : vector<16xf32>
      %add3A_450 = arith.addf %add3A_449, %parallel_loop3A_230#16 : vector<16xf32>
      %add3A_451 = arith.addf %add3A_450, %parallel_loop3A_230#17 : vector<16xf32>
      %add3A_452 = arith.addf %add3A_451, %parallel_loop3A_230#18 : vector<16xf32>
      %add3A_453 = arith.addf %add3A_452, %parallel_loop3A_230#19 : vector<16xf32>
      %add3A_454 = arith.addf %add3A_453, %parallel_loop3A_230#20 : vector<16xf32>
      %add3A_455 = arith.addf %add3A_454, %parallel_loop3A_230#21 : vector<16xf32>
      %add3A_456 = arith.addf %add3A_455, %parallel_loop3A_230#22 : vector<16xf32>
      %add3A_457 = arith.addf %add3A_456, %parallel_loop3A_230#23 : vector<16xf32>
      %add3A_458 = arith.addf %add3A_457, %parallel_loop3A_258#0 : vector<16xf32>
      %add3A_459 = arith.addf %add3A_458, %parallel_loop3A_258#1 : vector<16xf32>
      %add3A_460 = arith.addf %add3A_459, %parallel_loop3A_258#2 : vector<16xf32>
      %add3A_461 = arith.addf %add3A_460, %parallel_loop3A_258#3 : vector<16xf32>
      %add3A_462 = arith.addf %add3A_461, %parallel_loop3A_258#4 : vector<16xf32>
      %add3A_463 = arith.addf %add3A_462, %parallel_loop3A_258#5 : vector<16xf32>
      %add3A_464 = arith.addf %add3A_463, %parallel_loop3A_258#6 : vector<16xf32>
      %add3A_465 = arith.addf %add3A_464, %parallel_loop3A_258#7 : vector<16xf32>
      %add3A_466 = arith.addf %add3A_465, %parallel_loop3A_258#8 : vector<16xf32>
      %add3A_467 = arith.addf %add3A_466, %parallel_loop3A_258#9 : vector<16xf32>
      %add3A_468 = arith.addf %add3A_467, %parallel_loop3A_258#10 : vector<16xf32>
      %add3A_469 = arith.addf %add3A_468, %parallel_loop3A_258#11 : vector<16xf32>
      %add3A_470 = arith.addf %add3A_469, %parallel_loop3A_258#12 : vector<16xf32>
      %add3A_471 = arith.addf %add3A_470, %parallel_loop3A_258#13 : vector<16xf32>
      %add3A_472 = arith.addf %add3A_471, %parallel_loop3A_258#14 : vector<16xf32>
      %add3A_473 = arith.addf %add3A_472, %parallel_loop3A_258#15 : vector<16xf32>
      %add3A_474 = arith.addf %add3A_473, %parallel_loop3A_258#16 : vector<16xf32>
      %add3A_475 = arith.addf %add3A_474, %parallel_loop3A_258#17 : vector<16xf32>
      %add3A_476 = arith.addf %add3A_475, %parallel_loop3A_258#18 : vector<16xf32>
      %add3A_477 = arith.addf %add3A_476, %parallel_loop3A_258#19 : vector<16xf32>
      %add3A_478 = arith.addf %add3A_477, %parallel_loop3A_258#20 : vector<16xf32>
      %add3A_479 = arith.addf %add3A_478, %parallel_loop3A_258#21 : vector<16xf32>
      %add3A_480 = arith.addf %add3A_479, %parallel_loop3A_258#22 : vector<16xf32>
      %add3A_481 = arith.addf %add3A_480, %parallel_loop3A_258#23 : vector<16xf32>
      %add3A_482 = arith.addf %add3A_481, %parallel_loop3A_272#0 : vector<16xf32>
      %add3A_483 = arith.addf %add3A_482, %parallel_loop3A_272#1 : vector<16xf32>
      %add3A_484 = arith.addf %add3A_483, %parallel_loop3A_272#2 : vector<16xf32>
      %add3A_485 = arith.addf %add3A_484, %parallel_loop3A_272#3 : vector<16xf32>
      %add3A_486 = arith.addf %add3A_485, %parallel_loop3A_272#4 : vector<16xf32>
      %add3A_487 = arith.addf %add3A_486, %parallel_loop3A_272#5 : vector<16xf32>
      %add3A_488 = arith.addf %add3A_487, %parallel_loop3A_272#6 : vector<16xf32>
      %add3A_489 = arith.addf %add3A_488, %parallel_loop3A_272#7 : vector<16xf32>
      %add3A_490 = arith.addf %add3A_489, %parallel_loop3A_272#8 : vector<16xf32>
      %add3A_491 = arith.addf %add3A_490, %parallel_loop3A_272#9 : vector<16xf32>
      %add3A_492 = arith.addf %add3A_491, %parallel_loop3A_272#10 : vector<16xf32>
      %add3A_493 = arith.addf %add3A_492, %parallel_loop3A_272#11 : vector<16xf32>
      %add3A_494 = arith.addf %add3A_493, %parallel_loop3A_272#12 : vector<16xf32>
      %add3A_495 = arith.addf %add3A_494, %parallel_loop3A_272#13 : vector<16xf32>
      %add3A_496 = arith.addf %add3A_495, %parallel_loop3A_272#14 : vector<16xf32>
      %add3A_497 = arith.addf %add3A_496, %parallel_loop3A_272#15 : vector<16xf32>
      %add3A_498 = arith.addf %add3A_497, %parallel_loop3A_272#16 : vector<16xf32>
      %add3A_499 = arith.addf %add3A_498, %parallel_loop3A_272#17 : vector<16xf32>
      %add3A_500 = arith.addf %add3A_499, %parallel_loop3A_272#18 : vector<16xf32>
      %add3A_501 = arith.addf %add3A_500, %parallel_loop3A_272#19 : vector<16xf32>
      %add3A_502 = arith.addf %add3A_501, %parallel_loop3A_272#20 : vector<16xf32>
      %add3A_503 = arith.addf %add3A_502, %parallel_loop3A_272#21 : vector<16xf32>
      %add3A_504 = arith.addf %add3A_503, %parallel_loop3A_272#22 : vector<16xf32>
      %add3A_505 = arith.addf %add3A_504, %parallel_loop3A_272#23 : vector<16xf32>
      %add3A_506 = arith.addf %add3A_505, %parallel_loop3A_286#0 : vector<16xf32>
      %add3A_507 = arith.addf %add3A_506, %parallel_loop3A_286#1 : vector<16xf32>
      %add3A_508 = arith.addf %add3A_507, %parallel_loop3A_286#2 : vector<16xf32>
      %add3A_509 = arith.addf %add3A_508, %parallel_loop3A_286#3 : vector<16xf32>
      %add3A_510 = arith.addf %add3A_509, %parallel_loop3A_286#4 : vector<16xf32>
      %add3A_511 = arith.addf %add3A_510, %parallel_loop3A_286#5 : vector<16xf32>
      %add3A_512 = arith.addf %add3A_511, %parallel_loop3A_286#6 : vector<16xf32>
      %add3A_513 = arith.addf %add3A_512, %parallel_loop3A_286#7 : vector<16xf32>
      %add3A_514 = arith.addf %add3A_513, %parallel_loop3A_286#8 : vector<16xf32>
      %add3A_515 = arith.addf %add3A_514, %parallel_loop3A_286#9 : vector<16xf32>
      %add3A_516 = arith.addf %add3A_515, %parallel_loop3A_286#10 : vector<16xf32>
      %add3A_517 = arith.addf %add3A_516, %parallel_loop3A_286#11 : vector<16xf32>
      %add3A_518 = arith.addf %add3A_517, %parallel_loop3A_286#12 : vector<16xf32>
      %add3A_519 = arith.addf %add3A_518, %parallel_loop3A_286#13 : vector<16xf32>
      %add3A_520 = arith.addf %add3A_519, %parallel_loop3A_286#14 : vector<16xf32>
      %add3A_521 = arith.addf %add3A_520, %parallel_loop3A_286#15 : vector<16xf32>
      %add3A_522 = arith.addf %add3A_521, %parallel_loop3A_286#16 : vector<16xf32>
      %add3A_523 = arith.addf %add3A_522, %parallel_loop3A_286#17 : vector<16xf32>
      %add3A_524 = arith.addf %add3A_523, %parallel_loop3A_286#18 : vector<16xf32>
      %add3A_525 = arith.addf %add3A_524, %parallel_loop3A_286#19 : vector<16xf32>
      %add3A_526 = arith.addf %add3A_525, %parallel_loop3A_286#20 : vector<16xf32>
      %add3A_527 = arith.addf %add3A_526, %parallel_loop3A_286#21 : vector<16xf32>
      %add3A_528 = arith.addf %add3A_527, %parallel_loop3A_286#22 : vector<16xf32>
      %add3A_529 = arith.addf %add3A_528, %parallel_loop3A_286#23 : vector<16xf32>
      %add3A_530 = arith.addf %add3A_529, %parallel_loop3A_300#0 : vector<16xf32>
      %add3A_531 = arith.addf %add3A_530, %parallel_loop3A_300#1 : vector<16xf32>
      %add3A_532 = arith.addf %add3A_531, %parallel_loop3A_300#2 : vector<16xf32>
      %add3A_533 = arith.addf %add3A_532, %parallel_loop3A_300#3 : vector<16xf32>
      %add3A_534 = arith.addf %add3A_533, %parallel_loop3A_300#4 : vector<16xf32>
      %add3A_535 = arith.addf %add3A_534, %parallel_loop3A_300#5 : vector<16xf32>
      %add3A_536 = arith.addf %add3A_535, %parallel_loop3A_300#6 : vector<16xf32>
      %add3A_537 = arith.addf %add3A_536, %parallel_loop3A_300#7 : vector<16xf32>
      %add3A_538 = arith.addf %add3A_537, %parallel_loop3A_300#8 : vector<16xf32>
      %add3A_539 = arith.addf %add3A_538, %parallel_loop3A_300#9 : vector<16xf32>
      %add3A_540 = arith.addf %add3A_539, %parallel_loop3A_300#10 : vector<16xf32>
      %add3A_541 = arith.addf %add3A_540, %parallel_loop3A_300#11 : vector<16xf32>
      %add3A_542 = arith.addf %add3A_541, %parallel_loop3A_300#12 : vector<16xf32>
      %add3A_543 = arith.addf %add3A_542, %parallel_loop3A_300#13 : vector<16xf32>
      %add3A_544 = arith.addf %add3A_543, %parallel_loop3A_300#14 : vector<16xf32>
      %add3A_545 = arith.addf %add3A_544, %parallel_loop3A_300#15 : vector<16xf32>
      %add3A_546 = arith.addf %add3A_545, %parallel_loop3A_300#16 : vector<16xf32>
      %add3A_547 = arith.addf %add3A_546, %parallel_loop3A_300#17 : vector<16xf32>
      %add3A_548 = arith.addf %add3A_547, %parallel_loop3A_300#18 : vector<16xf32>
      %add3A_549 = arith.addf %add3A_548, %parallel_loop3A_300#19 : vector<16xf32>
      %add3A_550 = arith.addf %add3A_549, %parallel_loop3A_300#20 : vector<16xf32>
      %add3A_551 = arith.addf %add3A_550, %parallel_loop3A_300#21 : vector<16xf32>
      %add3A_552 = arith.addf %add3A_551, %parallel_loop3A_300#22 : vector<16xf32>
      %add3A_553 = arith.addf %add3A_552, %parallel_loop3A_300#23 : vector<16xf32>
      %add3A_554 = arith.addf %add3A_553, %parallel_loop3A_314#0 : vector<16xf32>
      %add3A_555 = arith.addf %add3A_554, %parallel_loop3A_314#1 : vector<16xf32>
      %add3A_556 = arith.addf %add3A_555, %parallel_loop3A_314#2 : vector<16xf32>
      %add3A_557 = arith.addf %add3A_556, %parallel_loop3A_314#3 : vector<16xf32>
      %add3A_558 = arith.addf %add3A_557, %parallel_loop3A_314#4 : vector<16xf32>
      %add3A_559 = arith.addf %add3A_558, %parallel_loop3A_314#5 : vector<16xf32>
      %add3A_560 = arith.addf %add3A_559, %parallel_loop3A_314#6 : vector<16xf32>
      %add3A_561 = arith.addf %add3A_560, %parallel_loop3A_314#7 : vector<16xf32>
      %add3A_562 = arith.addf %add3A_561, %parallel_loop3A_314#8 : vector<16xf32>
      %add3A_563 = arith.addf %add3A_562, %parallel_loop3A_314#9 : vector<16xf32>
      %add3A_564 = arith.addf %add3A_563, %parallel_loop3A_314#10 : vector<16xf32>
      %add3A_565 = arith.addf %add3A_564, %parallel_loop3A_314#11 : vector<16xf32>
      %add3A_566 = arith.addf %add3A_565, %parallel_loop3A_314#12 : vector<16xf32>
      %add3A_567 = arith.addf %add3A_566, %parallel_loop3A_314#13 : vector<16xf32>
      %add3A_568 = arith.addf %add3A_567, %parallel_loop3A_314#14 : vector<16xf32>
      %add3A_569 = arith.addf %add3A_568, %parallel_loop3A_314#15 : vector<16xf32>
      %add3A_570 = arith.addf %add3A_569, %parallel_loop3A_314#16 : vector<16xf32>
      %add3A_571 = arith.addf %add3A_570, %parallel_loop3A_314#17 : vector<16xf32>
      %add3A_572 = arith.addf %add3A_571, %parallel_loop3A_314#18 : vector<16xf32>
      %add3A_573 = arith.addf %add3A_572, %parallel_loop3A_314#19 : vector<16xf32>
      %add3A_574 = arith.addf %add3A_573, %parallel_loop3A_314#20 : vector<16xf32>
      %add3A_575 = arith.addf %add3A_574, %parallel_loop3A_314#21 : vector<16xf32>
      %add3A_576 = arith.addf %add3A_575, %parallel_loop3A_314#22 : vector<16xf32>
      %add3A_577 = arith.addf %add3A_576, %parallel_loop3A_314#23 : vector<16xf32>
      %add3A_578 = arith.addf %add3A_577, %parallel_loop3A_328 : vector<16xf32>
      %mul3A_579 = arith.constant 16 : i32
      %mul3A_580 = arith.muli %scan3A_156, %mul3A_579 : i32
      %swap3A = arith.index_cast %mul3A_580 : i32 to index
      %swap3A_581 = tpu.vector_load %arg11[%swap3A] {strides = array<i32>} : memref<208xf32, #tpu.memory_space<vmem>>, vector<16xf32>,
      tpu.vector_store %arg11[%swap3A], %add3A_578 {strides = array<i32>} : memref<208xf32, #tpu.memory_space<vmem>>, vector<16xf32>,
    }
    %scan3A_155 = arith.constant 13 : i32
    "tpu.region"() ({
      %run_scoped3A = tpu.sem_alloc : memref<!tpu.dma_semaphore, #tpu.memory_space<semaphore_mem>>
      %dma_start3A_156 = arith.constant 0 : i32
      %dma_start3A_157 = tpu.memref_slice %arg5[%add3A, %dma_start3A_156] : memref<32x4096xf32, #tpu.memory_space<hbm>> -> memref<1x4096xf32, #tpu.memory_space<hbm>>
      %dma_start3A_158 = tpu.memref_squeeze %dma_start3A_157 : memref<1x4096xf32, #tpu.memory_space<hbm>> -> memref<4096xf32, #tpu.memory_space<hbm>>
      %dma_start3A_159 = arith.constant 0 : i32
      %dma_start3A_160 = tpu.memref_slice %arg5[%add3A, %dma_start3A_159] : memref<32x4096xf32, #tpu.memory_space<hbm>> -> memref<1x4096xf32, #tpu.memory_space<hbm>>
      %dma_start3A_161 = tpu.memref_squeeze %dma_start3A_160 : memref<1x4096xf32, #tpu.memory_space<hbm>> -> memref<4096xf32, #tpu.memory_space<hbm>>
      tpu.enqueue_dma source(%arg10 : memref<4096xf32, #tpu.memory_space<vmem>>) target(%dma_start3A_161 : memref<4096xf32, #tpu.memory_space<hbm>>) target_semaphore(%run_scoped3A : memref<!tpu.dma_semaphore, #tpu.memory_space<semaphore_mem>>)
      %dma_wait3A = arith.constant 0 : i32
      %dma_wait3A_162 = tpu.memref_slice %arg5[%add3A, %dma_wait3A] : memref<32x4096xf32, #tpu.memory_space<hbm>> -> memref<1x4096xf32, #tpu.memory_space<hbm>>
      %dma_wait3A_163 = tpu.memref_squeeze %dma_wait3A_162 : memref<1x4096xf32, #tpu.memory_space<hbm>> -> memref<4096xf32, #tpu.memory_space<hbm>>
      %dma_wait3A_164 = arith.constant 0 : i32
      %dma_wait3A_165 = tpu.memref_slice %arg5[%add3A, %dma_wait3A_164] : memref<32x4096xf32, #tpu.memory_space<hbm>> -> memref<1x4096xf32, #tpu.memory_space<hbm>>
      %dma_wait3A_166 = tpu.memref_squeeze %dma_wait3A_165 : memref<1x4096xf32, #tpu.memory_space<hbm>> -> memref<4096xf32, #tpu.memory_space<hbm>>
      tpu.wait_dma2 semaphore(%run_scoped3A : memref<!tpu.dma_semaphore, #tpu.memory_space<semaphore_mem>>) src(%arg10 : memref<4096xf32, #tpu.memory_space<vmem>>) dst(%dma_wait3A_166 : memref<4096xf32, #tpu.memory_space<hbm>>)
      tpu.yield
    }) : () -> ()
    "tpu.region"() ({
      %run_scoped3A = tpu.sem_alloc : memref<!tpu.dma_semaphore, #tpu.memory_space<semaphore_mem>>
      %dma_start3A_156 = arith.constant 0 : i32
      %dma_start3A_157 = tpu.memref_slice %arg6[%add3A, %dma_start3A_156] : memref<32x208xf32, #tpu.memory_space<hbm>> -> memref<1x208xf32, #tpu.memory_space<hbm>>
      %dma_start3A_158 = tpu.memref_squeeze %dma_start3A_157 : memref<1x208xf32, #tpu.memory_space<hbm>> -> memref<208xf32, #tpu.memory_space<hbm>>
      %dma_start3A_159 = arith.constant 0 : i32
      %dma_start3A_160 = tpu.memref_slice %arg6[%add3A, %dma_start3A_159] : memref<32x208xf32, #tpu.memory_space<hbm>> -> memref<1x208xf32, #tpu.memory_space<hbm>>
      %dma_start3A_161 = tpu.memref_squeeze %dma_start3A_160 : memref<1x208xf32, #tpu.memory_space<hbm>> -> memref<208xf32, #tpu.memory_space<hbm>>
      tpu.enqueue_dma source(%arg11 : memref<208xf32, #tpu.memory_space<vmem>>) target(%dma_start3A_161 : memref<208xf32, #tpu.memory_space<hbm>>) target_semaphore(%run_scoped3A : memref<!tpu.dma_semaphore, #tpu.memory_space<semaphore_mem>>)
      %dma_wait3A = arith.constant 0 : i32
      %dma_wait3A_162 = tpu.memref_slice %arg6[%add3A, %dma_wait3A] : memref<32x208xf32, #tpu.memory_space<hbm>> -> memref<1x208xf32, #tpu.memory_space<hbm>>
      %dma_wait3A_163 = tpu.memref_squeeze %dma_wait3A_162 : memref<1x208xf32, #tpu.memory_space<hbm>> -> memref<208xf32, #tpu.memory_space<hbm>>
      %dma_wait3A_164 = arith.constant 0 : i32
      %dma_wait3A_165 = tpu.memref_slice %arg6[%add3A, %dma_wait3A_164] : memref<32x208xf32, #tpu.memory_space<hbm>> -> memref<1x208xf32, #tpu.memory_space<hbm>>
      %dma_wait3A_166 = tpu.memref_squeeze %dma_wait3A_165 : memref<1x208xf32, #tpu.memory_space<hbm>> -> memref<208xf32, #tpu.memory_space<hbm>>
      tpu.wait_dma2 semaphore(%run_scoped3A : memref<!tpu.dma_semaphore, #tpu.memory_space<semaphore_mem>>) src(%arg11 : memref<208xf32, #tpu.memory_space<vmem>>) dst(%dma_wait3A_166 : memref<208xf32, #tpu.memory_space<hbm>>)
      tpu.yield
    }) : () -> ()
    return
  }
}

</mosaic_0001>

<sc_bundles>
// kernel: kernel.3.cloned.1.call-start
scs
__scs_entry_jumppad:
0x0: {  	(pc) =	sbr.rel $0x88, $3  }
0x1: {  	(tag) =	ssettag $0x0;
	lr =	simm.s32 $0x1  }
0x2: {  	[smem:$0x3F9F] =	sst lr;
	_ =	strace $0xD0000000  }
0x3: {  	_ = 	snop  }
0x4: {  	_ = 	snop  }
0x5: {  	_ = 	snop  }
0x6: {  	_ = 	snop  }
0x7: {  	_ = 	snop  }
__scs_overlays_trampoline_lowered:
0x8: {  	[smem:$0x3FAE] =	sst s0  }
0x9: {  	[smem:$0x3FAF] =	sst s1  }
0xa: {  	[smem:$0x3FB0] =	sst s2  }
0xb: {  	[smem:$0x3FB1] =	sst s3  }
0xc: {  	[smem:$0x3FB2] =	sst s4  }
0xd: {  	[smem:$0x3FB3] =	sst s5  }
0xe: {  	[smem:$0x3FB4] =	sst s6  }
0xf: {  	[smem:$0x3FB5] =	sst s7  }
0x10: {  	[smem:$0x3FB6] =	sst s8  }
0x11: {  	[smem:$0x3FB7] =	sst s9;
	s0 =	simm.s32 @!p0 $0x0  }
0x12: {  	s1 =	sld [smem:$0x3F9D];
	s0 =	simm.s32 @p0 $0x1  }
0x13: {  	[smem:$0x3FB8] =	sst s0;
	s0 =	simm.s32 @!p1 $0x0  }
0x14: {  	s2 =	sld [smem:$0x3F9C];
	s0 =	simm.s32 @p1 $0x1  }
0x15: {  	[smem:$0x3FB9] =	sst s0;
	s0 =	simm.s32 @!p2 $0x0  }
0x16: {  	s3 =	sld [smem:$0x3FDB];
	s0 =	simm.s32 @p2 $0x1  }
0x17: {  	s4 =	simm.s32 $0x1BF5;
	[smem:$0x3FBB] =	sst s0  }
0x18: {  	s0 =	sld [smem:$0x3F9E];
	_ =	swait.ge [sflag:s4], $0x0  }
0x19: {  	s7 =	sld [smem:$0x3F9F]  }
0x1a: {  	s8 =	sadd.s32 $0xFFFFE003, lr  }
0x1b: {  	s9 =	sadd.s32 $0xFFFFFEF7, lr;
	s5 =	simm.s32 $0xFFFFFFFF;
	p2 =	slt.u32 s8, $0xFFFFF086  }
0x1c: {  	p1 =	slt.u32 s9, $0xF7A;
	s5 =	simm.s32 @!p2 $0x0  }
0x1d: {  	s5 =	simm.s32 @p1 $0x1;
	p0 =	seq.s32 s7, s2  }
0x1e: {  	s7 =	smul.u32 @!p0 $0xF7A, s2;
	p2 =	seq.s32 @!p0 s5, $0x0  }
0x1f: {  	s9 =	smul.u32 $0xF7A, s1;
	s8 =	simm.s32 @!p0 $0x1BF5;
	p2 =	por !p2, p0  }
0x20: {  	[sflag:s8] =	ssyncset.s32 @!p0 $0xFFFFF086;
	s6 =	sadd.s32 @!p0 s3, s7;
	s7 =	simm.s32 @!p0 $0x108  }
0x21: {  	s3 =	sadd.s32 s3, s9;
	s6 =	sadd.s32 @!p0 $0x88, s6;
	s7 =	simm.s32 @p2 $0x1082  }
0x22: {  	[simem:s7], [sflag:s8] =	dma.local @!p0 [hbm:s6], $0xF7A  }
0x23: {  	s9 =	sor.u32 $0xD0000000, s2;
	s6 =	simm.s32 $0x108;
	_ =	swait.ge @!p0 [sflag:s8], $0x0  }
0x24: {  	s3 =	sadd.s32 $0x88, s3;
	s6 =	simm.s32 @!p1 $0x1082;
	[sflag:s4] =	ssyncset.s32 $0xFFFFF086  }
0x25: {  	[simem:s6], [sflag:s4] =	dma.local [hbm:s3], $0xF7A  }
0x26: {  	[smem:$0x3F9F] =	sst s1;
	(tag) =	ssettag s2;
	_ =	strace s9  }
0x27: {  	s1 =	sld [smem:$0x3FAF]  }
0x28: {  	s2 =	sld [smem:$0x3FB0]  }
0x29: {  	s4 =	sld [smem:$0x3FB2]  }
0x2a: {  	p0 =	seq.s32 s5, $0x0;
	s5 =	sld [smem:$0x3FB3]  }
0x2b: {  	s6 =	sld [smem:$0x3FB4]  }
0x2c: {  	s7 =	sld [smem:$0x3FB5]  }
0x2d: {  	s3 =	simm.s32 $0x108;
	s8 =	sld [smem:$0x3FB6]  }
0x2e: {  	s3 =	simm.s32 @!p0 $0x1082;
	s9 =	sld [smem:$0x3FB7]  }
0x2f: {  	lr =	sadd.s32 s0, s3;
	s0 =	sld [smem:$0x3FAE]  }
0x30: {  	s3 =	sld [smem:$0x3FB1]  }
0x31: {  	[smem:$0x3FBA] =	sst s10  }
0x32: {  	s10 =	sld [smem:$0x3FB8];
	_ =	sdelay $0x3  }
0x33: {  	p0 =	seq.s32 s10, $0x1;
	s10 =	sld [smem:$0x3FBA];
	_ =	sdelay $0x3  }
0x34: {  	[smem:$0x3FBA] =	sst s10  }
0x35: {  	s10 =	sld [smem:$0x3FB9];
	_ =	sdelay $0x3  }
0x36: {  	p1 =	seq.s32 s10, $0x1;
	s10 =	sld [smem:$0x3FBA];
	_ =	sdelay $0x3  }
0x37: {  	[smem:$0x3FBA] =	sst s10  }
0x38: {  	s10 =	sld [smem:$0x3FBB]  }
0x39: {  	_ = 	snop;
	(pc) =	sbr.ind lr, $3  }
0x3a: {  	_ = 	snop  }
0x3b: {  	_ = 	snop  }
0x3c: {  	p2 =	seq.s32 s10, $0x1;
	s10 =	sld [smem:$0x3FBA]  }
0x3d: {  	_ =	shalt  }
0x3e: {  	_ =	shalt  }
0x3f: {  	_ =	shalt  }
0x40: {  	_ =	shalt  }
0x41: {  	_ =	shalt  }
0x42: {  	_ =	shalt  }
0x43: {  	_ =	shalt  }
0x44: {  	_ =	shalt  }
0x45: {  	_ =	shalt  }
0x46: {  	_ =	shalt  }
0x47: {  	_ =	shalt  }
0x48: {  	_ =	shalt  }
0x49: {  	_ =	shalt  }
0x4a: {  	_ =	shalt  }
0x4b: {  	_ =	shalt  }
0x4c: {  	_ =	shalt  }
0x4d: {  	_ =	shalt  }
0x4e: {  	_ =	shalt  }
0x4f: {  	_ =	shalt  }
0x50: {  	_ =	shalt  }
0x51: {  	_ =	shalt  }
0x52: {  	_ =	shalt  }
0x53: {  	_ =	shalt  }
0x54: {  	_ =	shalt  }
0x55: {  	_ =	shalt  }
0x56: {  	_ =	shalt  }
0x57: {  	_ =	shalt  }
0x58: {  	_ =	shalt  }
0x59: {  	_ =	shalt  }
0x5a: {  	_ =	shalt  }
0x5b: {  	_ =	shalt  }
0x5c: {  	_ =	shalt  }
0x5d: {  	_ =	shalt  }
0x5e: {  	_ =	shalt  }
0x5f: {  	_ =	shalt  }
0x60: {  	_ =	shalt  }
0x61: {  	_ =	shalt  }
0x62: {  	_ =	shalt  }
0x63: {  	_ =	shalt  }
0x64: {  	_ =	shalt  }
0x65: {  	_ =	shalt  }
0x66: {  	_ =	shalt  }
0x67: {  	_ =	shalt  }
0x68: {  	_ =	shalt  }
0x69: {  	_ =	shalt  }
0x6a: {  	_ =	shalt  }
0x6b: {  	_ =	shalt  }
0x6c: {  	_ =	shalt  }
0x6d: {  	_ =	shalt  }
0x6e: {  	_ =	shalt  }
0x6f: {  	_ =	shalt  }
0x70: {  	_ =	shalt  }
0x71: {  	_ =	shalt  }
0x72: {  	_ =	shalt  }
0x73: {  	_ =	shalt  }
0x74: {  	_ =	shalt  }
0x75: {  	_ =	shalt  }
0x76: {  	_ =	shalt  }
0x77: {  	_ =	shalt  }
0x78: {  	_ =	shalt  }
0x79: {  	_ =	shalt  }
0x7a: {  	_ =	shalt  }
0x7b: {  	_ =	shalt  }
0x7c: {  	_ =	shalt  }
0x7d: {  	_ =	shalt  }
0x7e: {  	_ =	shalt  }
0x7f: {  	_ =	shalt  }
0x80: {  	_ =	shalt  }
0x81: {  	_ =	shalt  }
0x82: {  	_ =	shalt  }
0x83: {  	_ =	shalt  }
0x84: {  	_ =	shalt  }
0x85: {  	_ =	shalt  }
0x86: {  	_ =	shalt  }
0x87: {  	_ =	shalt  }
.Lfunc_end0:
.L_simem_size_0:
called_computation_lowered:
.L_overlay_start_0:
0x88: {  	s2 =	sld [smem:$0x3FD9]  }
0x89: {  	s3 =	sld [smem:$0x3FFE];
	_ =	sdelay $0x1  }
0x8a: {  	s1 =	srdreg.scid  }
0x8b: {  	s0 =	sand.u32 $0x1, s1  }
0x8c: {  	s17 =	sshll.u32 s0, $0xA;
	s2 =	sadd.s32 s3, s2  }
0x8d: {  	s2 =	sadd.s32 s2, s17  }
0x8e: {  	[smem:$0x3FC6] =	sst s2  }
0x8f: {  	_ = 	snop  }
0x90: {  	s2 =	sld [smem:$0x3FC9]  }
0x91: {  	s18 =	sld [smem:$0x3FC8]  }
0x92: {  	s4 =	sld [smem:$0x3FD0];
	(tm) =	ssettm $0x1  }
0x93: {  	s5 =	sld [smem:$0x3FFB];
	_ =	sdelay $0x3  }
0x94: {  	_ =	strace s5  }
0x95: {  	s5 =	sld [smem:$0x3FFC];
	_ =	sdelay $0x3  }
0x96: {  	_ =	strace s5  }
0x97: {  	s5 =	sld [smem:$0x3FFD];
	_ =	sdelay $0x3  }
0x98: {  	_ =	strace s5  }
0x99: {  	_ =	strace $0x8FFFFFFF  }
0x9a: {  	s19 =	sld [smem:$0x3FDB];
	_ =	sdelay $0x1  }
0x9b: {  	s6 =	simm.s32 $_scs_section_size  }
0x9c: {  	s7 =	simm.s32 $_size__tile_overlayer_lowered;
	s8 =	simm.s32 $_tile_overlayer_lowered  }
0x9d: {  	s22 =	simm.s32 $0x1BFF;
	s21 =	sshll.u32 s8, $0x1;
	s5 =	sadd.s32 s6, s19  }
0x9e: {  	s9 =	simm.s32 $0x0;
	s20 =	sshll.u32 s7, $0x1;
	s7 =	sadd.s32 s21, s5  }
0x9f: {  	[timem:s9], [sflag:s22] =	dma.local [hbm:s7], s20  }
0xa0: {  	_ =	swait.ge [sflag:s22], s20  }
0xa1: {  	s6 =	ssub.s32 $0x0, s20;
	[sflag:s22] =	ssyncset.done $0x0  }
0xa2: {  	[sflag:s22] =	ssyncadd.s32 s6;
	_ =	sdelay $0x1  }
0xa3: {  	s23 =	simm.s32 $0x1B8B  }
0xa4: {  	_ =	swait.ge [sflag:s23], $0x1  }
0xa5: {  	[sflag:s23] =	ssyncset.done $0x0  }
0xa6: {  	s25 =	simm.s32 $0x1B8E;
	s24 =	sld [smem:$0x3FFE];
	[sflag:s23] =	ssyncadd.s32 $0xFFFFFFFF  }
0xa7: {  	s26 =	simm.s32 $execute0_lowered;
	[smem:$0x3FD2] =	sst s25  }
0xa8: {  	s7 =	sshll.u32 s26, $0x1;
	_ =	strace $0x80000046;
	[dreg:$0x1] =	wrdreg $0xFFFFFFFF  }
0xa9: {  	s28 =	simm.s32 $_size_execute0_lowered;
	s5 =	sadd.s32 s5, s7;
	[dreg:$0x0] =	wrdreg $0x0  }
0xaa: {  	s7 =	sshll.u32 s28, $0x1;
	[dreg:$0x2] =	wrdreg s5  }
0xab: {  	[dreg:$0x3] =	wrdreg s7  }
0xac: {  	[dreg:$0x4] =	wrdreg $0xC0  }
0xad: {  	_ =	task [dreg:s9], $0x5FFFF  }
0xae: {  	[dreg:$0x1] =	wrdreg $0xFFFFFFFF  }
0xaf: {  	[dreg:$0x0] =	wrdreg $0x60  }
0xb0: {  	[dreg:$0x2] =	wrdreg s2  }
0xb1: {  	[dreg:$0x3] =	wrdreg s18  }
0xb2: {  	[dreg:$0x4] =	wrdreg s24  }
0xb3: {  	[dreg:$0x5] =	wrdreg s4  }
0xb4: {  	[dreg:$0x6] =	wrdreg $0x9  }
0xb5: {  	_ =	task.clear_ibuf [dreg:s9], $0x7FFFF;
	_ =	strace $0x90000046  }
0xb6: {  	s29 =	simm.s32 $0x9;
	_ =	strace $0x80000048  }
0xb7: {  	_ =	swait.ge [sflag:s29], $0x1  }
0xb8: {  	[sflag:s29] =	ssyncadd.s32 $0xFFFFFFFF  }
0xb9: {  	_ =	strace $0x90000048  }
0xba: {  	_ =	sfence  }
0xbb: {  	s30 =	sld [smem:$0x0];
	_ =	sdelay $0x2  }
0xbc: {  	s31 =	sshll.u32 s1, $0xD;
	s1 =	sshrl.u32 s1, $0x2  }
0xbd: {  	s3 =	sand.u32 $0x4000, s31;
	s1 =	sadd.s32 s1, s30  }
0xbe: {  	s0 =	sor.u32 s3, s0;
	s1 =	sshll.u32 s1, $0x11  }
0xbf: {  	s0 =	sor.u32 s1, s0  }
0xc0: {  	s0 =	sadd.s32 $0x8F2B, s0  }
0xc1: {  	[sflag:s0] =	ssyncadd.remote.s32 $0x1  }
0xc2: {  	_ =	sfence.sel $0xFFFF  }
0xc3: {  	[dreg:$0x0] =	wrdreg $0xFFFFFFFF;
	(pc) =	sbr.abs _section_cstart, $3  }
0xc4: {  	[dreg:$0x1] =	wrdreg $0xFFFFFFFF  }
0xc5: {  	_ =	task.clear_ibuf [dreg:s9], $0x2FFFF;
	_ =	strace $0x9FFFFFFF  }
0xc6: {  	(tm) =	ssettm $0x7FFFFFFF  }
0xc7: {  	_ =	shalt  }
tec
execute0_lowered:
.L_overlay_start_1:
0x0: {  	(tag) =	ssettag $0x1  }
0x1: {  	s13 =	rddreg [dreg:$0x0]  }
0x2: {  	s2 =	rddreg [dreg:$0x1]  }
0x3: {  	s14 =	rddreg [dreg:$0x2]  }
0x4: {  	s0 =	rddreg [dreg:$0x3];
	s1 =	simm.s32 $0x0;
	s9 =	srdreg.scid  }
0x5: {  	s3 =	simm.s32 $0x0;
	s5 =	stileid.u32;
	[dreg:$0x5] =	wrdreg s1  }
0x6: {  	[smem:$0x7FF] =	sst s3;
	s1 =	sand.u32 $0x1, s9;
	s3 =	sshrl.u32 s5, $0x2  }
0x7: {  	s4 =	sshrl.u32 s5, $0x3;
	s5 =	sshll.u32 s5, $0x8;
	s6 =	sand.u32 $0x1, s3  }
0x8: {  	s8 =	smul.u32 $0x13DB000, s4;
	s7 =	sshll.u32 s1, $0x7;
	s5 =	sand.u32 $0x300, s5  }
0x9: {  	_ =	strace $0x80000047;
	s10 =	sshll.u32 s3, $0xF;
	s22 =	smul.u32 $0xD000, s4  }
0xa: {  	s1 =	ssub.s32 $0x2, s1;
	s9 =	smul.u32 $0xC3800, s6;
	s7 =	sor.u32 s7, s5  }
0xb: {  	s11 =	sshrl.u32 s1, $0x1;
	s5 =	sor.u32 s10, s7;
	s10 =	smul.u32 $0xD, s4  }
0xc: {  	s3 =	sshll.u32 s3, $0xB;
	s1 =	ssub.s32 s1, s11;
	s4 =	smul.u32 $0x280, s4  }
0xd: {  	s25 =	sand.u32 $0x8000, s22;
	s3 =	sor.u32 s3, s7;
	s29 =	sor.u32 $0x4E000, s7  }
0xe: {  	s30 =	sor.u32 $0x61800, s7;
	s31 =	sor.u32 $0x75000, s7;
	[dreg:$0x6] =	wrdreg s9  }
0xf: {  	s8 =	sadd.s32 s8, s9;
	s5 =	sshrl.u32 s5, $0x3;
	s3 =	sshrl.u32 s3, $0x3  }
0x10: {  	s8 =	sor.u32 s7, s8;
	s5 =	sadd.s32 s5, s14;
	s4 =	sor.u32 s4, s25  }
0x11: {  	s0 =	sadd.s32 s0, s3;
	s25 =	sor.u32 $0x27000, s7;
	s12 =	sadd.s32 $0x13800, s8  }
0x12: {  	s11 =	sshrl.u32 s8, $0x3;
	s15 =	sadd.s32 $0x27000, s8;
	s16 =	sadd.s32 $0x3A800, s8  }
0x13: {  	s20 =	sadd.s32 $0x61800, s8;
	s21 =	sadd.s32 $0x75000, s8;
	s24 =	sadd.s32 $0x88800, s8  }
0x14: {  	s26 =	sadd.s32 $0x9C000, s8;
	s4 =	sshrl.u32 s4, $0x3;
	[dreg:$0x14] =	wrdreg s0  }
0x15: {  	[dreg:$0x18] =	wrdreg s25;
	s0 =	sor.u32 $0x88800, s7;
	s25 =	simm.s32 $0xA  }
0x16: {  	s9 =	sshrl.u32 s12, $0x3;
	s11 =	sadd.s32 s2, s11;
	s12 =	sadd.s32 $0x4E000, s8  }
0x17: {  	s17 =	sshrl.u32 s16, $0x3;
	s23 =	sshrl.u32 s21, $0x3;
	s16 =	sshll.u32 s6, $0xB  }
0x18: {  	s4 =	sadd.s32 s13, s4;
	s21 =	sadd.s32 $0x1, s10;
	[dreg:$0x7] =	wrdreg s11  }
0x19: {  	s13 =	simm.s32 $0x2;
	s9 =	sadd.s32 s2, s9;
	[dreg:$0x12] =	wrdreg s4  }
0x1a: {  	s18 =	sshrl.u32 s12, $0x3;
	s28 =	smov.u32 s16;
	[dreg:$0x13] =	wrdreg s21  }
0x1b: {  	s4 =	sor.u32 $0x9C000, s7;
	s11 =	simm.s32 $0x1000;
	s12 =	simm.s32 $0xD300  }
0x1c: {  	[dreg:$0x8] =	wrdreg s9;
	s9 =	sshrl.u32 s15, $0x3;
	s19 =	sadd.s32 s2, s18  }
0x1d: {  	s15 =	sshrl.u32 s26, $0x3;
	s18 =	sadd.s32 $0xAF800, s8;
	s26 =	sor.u32 $0x3A800, s7  }
0x1e: {  	s9 =	sadd.s32 s2, s9;
	[dreg:$0xb] =	wrdreg s19;
	s19 =	sor.u32 s22, s16  }
0x1f: {  	s6 =	sshrl.u32 s18, $0x3;
	s22 =	sor.u32 $0x13800, s7;
	[dreg:$0x19] =	wrdreg s26  }
0x20: {  	s18 =	simm.s32 $0x6;
	[dreg:$0x9] =	wrdreg s9;
	s9 =	sadd.s32 s2, s17  }
0x21: {  	s17 =	sadd.s32 s2, s15;
	s8 =	sor.u32 s7, s19;
	[dreg:$0x15] =	wrdreg s22  }
0x22: {  	s6 =	sadd.s32 s2, s6;
	s15 =	simm.s32 $0x4;
	[dreg:$0xa] =	wrdreg s9  }
0x23: {  	s19 =	simm.s32 $0x1;
	s22 =	simm.s32 $0x8;
	[dreg:$0xf] =	wrdreg s17  }
0x24: {  	s9 =	sshrl.u32 s20, $0x3;
	[dreg:$0x10] =	wrdreg s6;
	s20 =	sshrl.u32 s8, $0x3  }
0x25: {  	s8 =	sor.u32 $0xAF800, s7;
	s17 =	simm.s32 $0x5;
	s9 =	sadd.s32 s2, s9  }
0x26: {  	s6 =	sadd.s32 s14, s20;
	s14 =	simm.s32 $0x3;
	[dreg:$0xc] =	wrdreg s9  }
0x27: {  	s20 =	simm.s32 $0x7;
	s9 =	sadd.s32 s2, s23;
	[dreg:$0x11] =	wrdreg s6  }
0x28: {  	s23 =	sadd.s32 $0x3400, s5;
	s6 =	simm.s32 $0x80;
	[dreg:$0xd] =	wrdreg s9  }
0x29: {  	s9 =	sshrl.u32 s24, $0x3;
	[dreg:$0x16] =	wrdreg s23;
	s24 =	smax.u32 s1, $0x1  }
0x2a: {  	s5 =	simm.s32 $0xB;
	s9 =	sadd.s32 s2, s9;
	[dreg:$0x17] =	wrdreg s24  }
0x2b: {  	v63 =	vimm.f32 $0.0e+00;
	s24 =	simm.s32 $0x9;
	[dreg:$0xe] =	wrdreg s9;
	s9 =	simm.s32 $0xC  }
.LBB2_1:
0x2c: {  	s1 =	simm.s32 $0x19740  }
0x2d: {  	[tilespmem:s1+$0xFFFFFFC0] =	vst v63  }
0x2e: {  	[tilespmem:s1+$0x30] =	vst v63  }
0x2f: {  	[tilespmem:s1+$0x20] =	vst v63  }
0x30: {  	[tilespmem:s1+$0x10] =	vst v63  }
0x31: {  	[tilespmem:s1+$0x0] =	vst v63  }
0x32: {  	[tilespmem:s1+$0xFFFFFFF0] =	vst v63  }
0x33: {  	s3 =	simm.s32 $0x0;
	[tilespmem:s1+$0xFFFFFFE0] =	vst v63  }
.LBB2_2:
0x34: {  	s3 =	sadd.s32 $0x8, s3;
	[tilespmem:s1+$0xFFFFFFD0] =	vst v63;
	s1 =	sadd.s32 $0x80, s1  }
0x35: {  	[tilespmem:s1+$0xFFFFFFC0] =	vst v63;
	p0 =	slt.u32 s3, $0xF8  }
0x36: {  	[tilespmem:s1+$0x30] =	vst v63  }
.Ltmp0:
0x37: {  	[tilespmem:s1+$0x20] =	vst v63;
	(pc) =	sbr.rel @p0 .LBB2_2-.Ltmp0, $4  }
0x38: {  	[tilespmem:s1+$0x10] =	vst v63  }
0x39: {  	[tilespmem:s1+$0x0] =	vst v63  }
0x3a: {  	[tilespmem:s1+$0xFFFFFFF0] =	vst v63  }
0x3b: {  	[tilespmem:s1+$0xFFFFFFE0] =	vst v63  }
0x3c: {  	[tilespmem:s1+$0xFFFFFFD0] =	vst v63  }
0x3d: {  	s3 =	simm.s32 $0x400;
	s1 =	rddreg [dreg:$0x7]  }
0x3e: {  	[tilespmem:s11], [sflag:$0x2] =	stream.strided.gather [hbm4b:s1+s6], $0x2700, s3, s6, $0x38;
	[tilespmem:$0x1A800] =	vst v63  }
0x3f: {  	s10 =	simm.s32 $0x3700;
	s26 =	rddreg [dreg:$0x8]  }
0x40: {  	[tilespmem:s10], [sflag:$0x3] =	stream.strided.gather [hbm4b:s26+s6], $0x2700, s3, s6, $0x38;
	[tilespmem:$0x1A800] =	vst v63  }
0x41: {  	s21 =	simm.s32 $0x5E00;
	s16 =	rddreg [dreg:$0x9]  }
0x42: {  	[tilespmem:s21], [sflag:$0x4] =	stream.strided.gather [hbm4b:s16+s6], $0x2700, s3, s6, $0x38;
	[tilespmem:$0x1A800] =	vst v63  }
0x43: {  	s23 =	rddreg [dreg:$0xa];
	s26 =	simm.s32 $0x8500  }
0x44: {  	[tilespmem:s26], [sflag:$0x5] =	stream.strided.gather [hbm4b:s23+s6], $0x2700, s3, s6, $0x38;
	[tilespmem:$0x1A800] =	vst v63  }
0x45: {  	s10 =	rddreg [dreg:$0xb];
	s16 =	simm.s32 $0xAC00  }
0x46: {  	[tilespmem:s16], [sflag:$0x6] =	stream.strided.gather [hbm4b:s10+s6], $0x2700, s3, s6, $0x38;
	[tilespmem:$0x1A800] =	vst v63  }
0x47: {  	s21 =	rddreg [dreg:$0xc]  }
0x48: {  	[tilespmem:s12], [sflag:$0x7] =	stream.strided.gather [hbm4b:s21+s6], $0x2700, s3, s6, $0x38;
	[tilespmem:$0x1A800] =	vst v63  }
0x49: {  	s23 =	rddreg [dreg:$0xd];
	s26 =	simm.s32 $0xFA00  }
0x4a: {  	[tilespmem:s26], [sflag:$0x8] =	stream.strided.gather [hbm4b:s23+s6], $0x2700, s3, s6, $0x38;
	[tilespmem:$0x1A800] =	vst v63  }
0x4b: {  	s16 =	rddreg [dreg:$0xe];
	s21 =	simm.s32 $0x12100  }
0x4c: {  	[tilespmem:s21], [sflag:$0x9] =	stream.strided.gather [hbm4b:s16+s6], $0x2700, s3, s6, $0x38;
	[tilespmem:$0x1A800] =	vst v63  }
0x4d: {  	s23 =	rddreg [dreg:$0xf];
	s26 =	simm.s32 $0x14800  }
0x4e: {  	[tilespmem:s26], [sflag:$0xA] =	stream.strided.gather [hbm4b:s23+s6], $0x2700, s3, s6, $0x38;
	[tilespmem:$0x1A800] =	vst v63  }
0x4f: {  	s10 =	rddreg [dreg:$0x10];
	s16 =	simm.s32 $0x16F00  }
0x50: {  	[tilespmem:s16], [sflag:$0xB] =	stream.strided.gather [hbm4b:s10+s6], $0x2700, s3, s6, $0x38;
	[tilespmem:$0x1A800] =	vst v63  }
0x51: {  	s21 =	rddreg [dreg:$0x11];
	s23 =	simm.s32 $0x19600  }
0x52: {  	[tilespmem:s23], [sflag:$0xC] =	stream.strided.gather [hbm4b:s21+s6], $0x100, s3, s6, $0x38;
	[tilespmem:$0x1A800] =	vst v63  }
0x53: {  	s26 =	rddreg [dreg:$0x12];
	s10 =	simm.s32 $0x0  }
0x54: {  	[tilespmem:s10], [sflag:$0x1] =	stream.strided.gather [hbm4b:s26+s6], $0x1000, s3, s6, $0x38;
	[tilespmem:$0x1A800] =	vst v63  }
.LBB2_4:
0x55: {  	_ =	swait.ge [sflag:s13], $0x2700  }
0x56: {  	[sflag:s13] =	ssyncset.done $0x0  }
0x57: {  	s6 =	simm.s32 $0x0;
	[sflag:s13] =	ssyncadd.s32 $0xFFFFD900  }
0x58: {  	v1 =	vld [tilespmem:s6+$0x1170]  }
0x59: {  	v2 =	vld [tilespmem:s6+$0x1000]  }
0x5a: {  	v3 =	vld [tilespmem:s6+$0x1010]  }
0x5b: {  	v4 =	vld [tilespmem:s6+$0x1020]  }
0x5c: {  	v10 =	vld [tilespmem:s6+$0x10F0]  }
0x5d: {  	v11 =	vld [tilespmem:s6+$0x1100]  }
0x5e: {  	v5 =	vld [tilespmem:s6+$0x1030]  }
0x5f: {  	v6 =	vld [tilespmem:s6+$0x1040]  }
0x60: {  	v19 =	vimm.f32 $0.0e+00;
	v7 =	vld [tilespmem:s6+$0x1050];
	v1 =	vmul.f32 $1.442695020e+00, v1;
	v2 =	vmul.f32 $1.442695020e+00, v2  }
0x61: {  	v20 =	vimm.f32 $0.0e+00;
	v8 =	vld [tilespmem:s6+$0x1060];
	v3 =	vmul.f32 $1.442695020e+00, v3;
	v10 =	vmul.f32 $1.442695020e+00, v10  }
0x62: {  	v21 =	vimm.f32 $0.0e+00;
	v13 =	vld [tilespmem:s6+$0x1110];
	v32 =	vmul.f32 $1.442695020e+00, v11;
	(erf) = vpow2.f32 v1  }
0x63: {  	v22 =	vimm.f32 $0.0e+00;
	v1 =	vmul.f32 $1.442695020e+00, v4;
	v4 =	vld [tilespmem:s6+$0x1070];
	(erf) = vpow2.f32 v2  }
0x64: {  	v14 =	vimm.f32 $0.0e+00;
	v2 =	vmul.f32 $1.442695020e+00, v5;
	v5 =	vld [tilespmem:s6+$0x1080];
	(erf) = vpow2.f32 v3  }
0x65: {  	v15 =	vimm.f32 $0.0e+00;
	v3 =	vmul.f32 $1.442695020e+00, v6;
	v6 =	vld [tilespmem:s6+$0x1090];
	(erf) = vpow2.f32 v1  }
0x66: {  	v16 =	vimm.f32 $0.0e+00;
	v1 =	vmul.f32 $1.442695020e+00, v7;
	v7 =	vld [tilespmem:s6+$0x10A0];
	(erf) = vpow2.f32 v2  }
0x67: {  	v17 =	vimm.f32 $0.0e+00;
	v2 =	vld [tilespmem:s6+$0x10B0];
	(erf) = vpow2.f32 v3;
	v3 =	vmul.f32 $1.442695020e+00, v8  }
0x68: {  	v23 =	vimm.f32 $0.0e+00;
	(erf) = vpow2.f32 v1;
	v1 =	vmul.f32 $1.442695020e+00, v4;
	v4 =	vld [tilespmem:s6+$0x10C0]  }
0x69: {  	v24 =	vimm.f32 $0.0e+00;
	v9 =	vld [tilespmem:s6+$0x10D0];
	v31 =	vmul.f32 $1.442695020e+00, v13;
	v5 =	vmul.f32 $1.442695020e+00, v5  }
0x6a: {  	v18 =	vimm.f32 $0.0e+00;
	(erf) = vpow2.f32 v3;
	v3 =	vmul.f32 $1.442695020e+00, v6;
	v6 =	vld [tilespmem:s6+$0x10E0]  }
0x6b: {  	v13 =	vimm.f32 $0.0e+00;
	(erf) = vpow2.f32 v1;
	v7 =	vmul.f32 $1.442695020e+00, v7  }
0x6c: {  	v11 =	vimm.f32 $0.0e+00;
	v1 =	vpop (erf);
	(erf) = vpow2.f32 v5;
	v5 =	vmul.f32 $1.442695020e+00, v2  }
0x6d: {  	v8 =	vimm.f32 $0.0e+00;
	v2 =	vpop (erf);
	(erf) = vpow2.f32 v3;
	v12 =	vmul.f32 $1.442695020e+00, v4  }
0x6e: {  	v1 =	vadd.f32 v1, v8;
	v3 =	vpop (erf);
	(erf) = vpow2.f32 v7;
	v7 =	vmul.f32 $1.442695020e+00, v9  }
0x6f: {  	v26 =	vld [tilespmem:s6+$0x1120];
	v2 =	vadd.f32 v2, v8;
	v9 =	vmul.f32 $1.442695020e+00, v6;
	v4 =	vpop (erf);
	(erf) = vpow2.f32 v5  }
0x70: {  	v27 =	vld [tilespmem:s6+$0x1130];
	v3 =	vadd.f32 v3, v8;
	v4 =	vadd.f32 v4, v8;
	v5 =	vpop (erf);
	(erf) = vpow2.f32 v12  }
0x71: {  	v28 =	vld [tilespmem:s6+$0x1140];
	v12 =	vimm.f32 $0.0e+00;
	v5 =	vadd.f32 v5, v8;
	v6 =	vpop (erf);
	(erf) = vpow2.f32 v7  }
0x72: {  	v29 =	vld [tilespmem:s6+$0x1150];
	v6 =	vadd.f32 v6, v8;
	v7 =	vpop (erf);
	(erf) = vpow2.f32 v9;
	v9 =	vimm.f32 $0.0e+00  }
0x73: {  	s1 =	simm.s32 $0x180;
	s3 =	simm.s32 $0xC00;
	v30 =	vld [tilespmem:s6+$0x1160];
	v7 =	vadd.f32 v7, v8;
	(erf) = vpow2.f32 v10;
	v10 =	vimm.f32 $0.0e+00;
	v25 =	vpop (erf)  }
.LBB2_5:
0x74: {  	p0 =	sne.s32 s3, $0x9600;
	v33 =	vld [tilespmem:s1+$0x1170];
	v8 =	vadd.f32 v25, v8;
	v25 =	vmul.f32 $1.442695020e+00, v26;
	v26 =	vpop (erf);
	(erf) = vpow2.f32 v32  }
0x75: {  	v32 =	vld [tilespmem:s1+$0x1000];
	v19 =	vadd.f32 v26, v19;
	v26 =	vmul.f32 $1.442695020e+00, v27;
	v27 =	vpop (erf);
	(erf) = vpow2.f32 v31  }
0x76: {  	v31 =	vld [tilespmem:s1+$0x1010];
	v20 =	vadd.f32 v27, v20;
	v27 =	vmul.f32 $1.442695020e+00, v28;
	v28 =	vpop (erf);
	(erf) = vpow2.f32 v25  }
0x77: {  	v25 =	vld [tilespmem:s1+$0x1020];
	v21 =	vadd.f32 v28, v21;
	v28 =	vmul.f32 $1.442695020e+00, v29;
	v29 =	vpop (erf);
	(erf) = vpow2.f32 v26  }
0x78: {  	v26 =	vld [tilespmem:s1+$0x1030];
	v12 =	vadd.f32 v29, v12;
	v29 =	vmul.f32 $1.442695020e+00, v30;
	v30 =	vpop (erf);
	(erf) = vpow2.f32 v27  }
0x79: {  	v27 =	vld [tilespmem:s1+$0x1040];
	v33 =	vmul.f32 $1.442695020e+00, v33;
	v22 =	vadd.f32 v30, v22;
	v30 =	vpop (erf);
	(erf) = vpow2.f32 v28  }
0x7a: {  	v0 =	vmul.f32 $1.442695020e+00, v32;
	v32 =	vld [tilespmem:s1+$0x1050];
	v13 =	vadd.f32 v30, v13;
	v30 =	vpop (erf);
	(erf) = vpow2.f32 v29  }
0x7b: {  	v29 =	vmul.f32 $1.442695020e+00, v31;
	v31 =	vld [tilespmem:s1+$0x1060];
	(erf) = vpow2.f32 v33;
	v14 =	vadd.f32 v30, v14;
	v30 =	vpop (erf)  }
0x7c: {  	v34 =	vmul.f32 $1.442695020e+00, v25;
	v33 =	vld [tilespmem:s1+$0x1070];
	(erf) = vpow2.f32 v0;
	v15 =	vadd.f32 v30, v15;
	v28 =	vpop (erf)  }
0x7d: {  	v26 =	vmul.f32 $1.442695020e+00, v26;
	v30 =	vld [tilespmem:s1+$0x1080];
	(erf) = vpow2.f32 v29;
	v16 =	vadd.f32 v28, v16;
	v28 =	vpop (erf)  }
0x7e: {  	v27 =	vmul.f32 $1.442695020e+00, v27;
	v29 =	vld [tilespmem:s1+$0x1090];
	(erf) = vpow2.f32 v34;
	v9 =	vadd.f32 v28, v9;
	v25 =	vpop (erf)  }
0x7f: {  	v28 =	vmul.f32 $1.442695020e+00, v32;
	v32 =	vld [tilespmem:s1+$0x10A0];
	(erf) = vpow2.f32 v26;
	v17 =	vadd.f32 v25, v17;
	v25 =	vpop (erf)  }
0x80: {  	v26 =	vmul.f32 $1.442695020e+00, v31;
	v31 =	vld [tilespmem:s1+$0x10B0];
	(erf) = vpow2.f32 v27;
	v10 =	vadd.f32 v25, v10;
	v25 =	vpop (erf)  }
0x81: {  	v27 =	vmul.f32 $1.442695020e+00, v33;
	v33 =	vld [tilespmem:s1+$0x10C0];
	(erf) = vpow2.f32 v28;
	v11 =	vadd.f32 v25, v11;
	v25 =	vpop (erf)  }
0x82: {  	v0 =	vmul.f32 $1.442695020e+00, v30;
	v30 =	vld [tilespmem:s1+$0x10D0];
	(erf) = vpow2.f32 v26;
	v23 =	vadd.f32 v25, v23;
	v25 =	vpop (erf)  }
0x83: {  	v34 =	vmul.f32 $1.442695020e+00, v29;
	v29 =	vld [tilespmem:s1+$0x10E0];
	(erf) = vpow2.f32 v27;
	v24 =	vadd.f32 v25, v24;
	v25 =	vpop (erf)  }
0x84: {  	v35 =	vmul.f32 $1.442695020e+00, v32;
	v32 =	vld [tilespmem:s1+$0x10F0];
	(erf) = vpow2.f32 v0;
	v28 =	vpop (erf);
	v18 =	vadd.f32 v25, v18  }
0x85: {  	v25 =	vmul.f32 $1.442695020e+00, v31;
	v31 =	vld [tilespmem:s1+$0x1100];
	v1 =	vadd.f32 v28, v1;
	v28 =	vpop (erf);
	(erf) = vpow2.f32 v34  }
0x86: {  	v2 =	vadd.f32 v28, v2;
	v28 =	vmul.f32 $1.442695020e+00, v33;
	v33 =	vld [tilespmem:s1+$0x1110];
	v26 =	vpop (erf);
	(erf) = vpow2.f32 v35  }
.Ltmp1:
0x87: {  	v3 =	vadd.f32 v26, v3;
	v0 =	vmul.f32 $1.442695020e+00, v30;
	v26 =	vld [tilespmem:s1+$0x1120];
	v27 =	vpop (erf);
	(erf) = vpow2.f32 v25;
	(pc) =	sbr.rel @p0 .LBB2_5-.Ltmp1, $4  }
0x88: {  	v4 =	vadd.f32 v27, v4;
	v35 =	vmul.f32 $1.442695020e+00, v29;
	v27 =	vld [tilespmem:s1+$0x1130];
	v29 =	vpop (erf);
	(erf) = vpow2.f32 v28  }
0x89: {  	v5 =	vadd.f32 v29, v5;
	v34 =	vmul.f32 $1.442695020e+00, v32;
	v28 =	vld [tilespmem:s1+$0x1140];
	v29 =	vpop (erf);
	(erf) = vpow2.f32 v0  }
0x8a: {  	v6 =	vadd.f32 v29, v6;
	v32 =	vmul.f32 $1.442695020e+00, v31;
	v29 =	vld [tilespmem:s1+$0x1150];
	v30 =	vpop (erf);
	(erf) = vpow2.f32 v35  }
0x8b: {  	v7 =	vadd.f32 v30, v7;
	v31 =	vmul.f32 $1.442695020e+00, v33;
	v30 =	vld [tilespmem:s1+$0x1160];
	s1 =	sshra.s32 s3, $0x2;
	s3 =	sadd.s32 $0x600, s3;
	v25 =	vpop (erf);
	(erf) = vpow2.f32 v34  }
0x8c: {  	v33 =	vld [tilespmem:s1+$0x1170];
	v26 =	vmul.f32 $1.442695020e+00, v26  }
0x8d: {  	v34 =	vpop (erf);
	(erf) = vpow2.f32 v32;
	v56 =	vld [tilespmem:s1+$0x1000];
	v27 =	vmul.f32 $1.442695020e+00, v27  }
0x8e: {  	v35 =	vpop (erf);
	(erf) = vpow2.f32 v31;
	v31 =	vld [tilespmem:s1+$0x1010];
	v28 =	vmul.f32 $1.442695020e+00, v28  }
0x8f: {  	v36 =	vpop (erf);
	(erf) = vpow2.f32 v26;
	v26 =	vld [tilespmem:s1+$0x1020];
	v29 =	vmul.f32 $1.442695020e+00, v29  }
0x90: {  	v37 =	vpop (erf);
	(erf) = vpow2.f32 v27;
	v27 =	vld [tilespmem:s1+$0x1030];
	v30 =	vmul.f32 $1.442695020e+00, v30  }
0x91: {  	v38 =	vpop (erf);
	(erf) = vpow2.f32 v28;
	v28 =	vld [tilespmem:s1+$0x1040];
	v33 =	vmul.f32 $1.442695020e+00, v33  }
0x92: {  	v57 =	vld [tilespmem:s1+$0x1050];
	v39 =	vpop (erf);
	(erf) = vpow2.f32 v29;
	v29 =	vmul.f32 $1.442695020e+00, v56  }
0x93: {  	v40 =	vpop (erf);
	(erf) = vpow2.f32 v30;
	v30 =	vmul.f32 $1.442695020e+00, v31;
	v31 =	vld [tilespmem:s1+$0x1060]  }
0x94: {  	v41 =	vld [tilespmem:s1+$0x1070];
	v26 =	vmul.f32 $1.442695020e+00, v26  }
0x95: {  	v42 =	vld [tilespmem:s1+$0x1080];
	(erf) = vpow2.f32 v33;
	v27 =	vmul.f32 $1.442695020e+00, v27;
	v33 =	vpop (erf)  }
0x96: {  	(erf) = vpow2.f32 v29;
	v28 =	vmul.f32 $1.442695020e+00, v28;
	v29 =	vpop (erf)  }
0x97: {  	v32 =	vmul.f32 $1.442695020e+00, v57;
	(erf) = vpow2.f32 v30;
	v30 =	vpop (erf)  }
0x98: {  	v43 =	vld [tilespmem:s1+$0x1090];
	(erf) = vpow2.f32 v26;
	v31 =	vmul.f32 $1.442695020e+00, v31;
	v26 =	vpop (erf)  }
0x99: {  	v44 =	vld [tilespmem:s1+$0x10A0];
	v41 =	vmul.f32 $1.442695020e+00, v41;
	(erf) = vpow2.f32 v27;
	v27 =	vpop (erf)  }
0x9a: {  	v45 =	vld [tilespmem:s1+$0x10B0];
	v42 =	vmul.f32 $1.442695020e+00, v42;
	(erf) = vpow2.f32 v28;
	v28 =	vpop (erf)  }
0x9b: {  	v46 =	vld [tilespmem:s1+$0x10C0];
	(erf) = vpow2.f32 v32;
	v32 =	vpop (erf)  }
0x9c: {  	v47 =	vld [tilespmem:s1+$0x10D0];
	(erf) = vpow2.f32 v31;
	v31 =	vpop (erf)  }
0x9d: {  	v48 =	vld [tilespmem:s1+$0x10E0];
	v43 =	vmul.f32 $1.442695020e+00, v43;
	(erf) = vpow2.f32 v41;
	v41 =	vpop (erf)  }
0x9e: {  	v49 =	vld [tilespmem:s1+$0x10F0];
	v44 =	vmul.f32 $1.442695020e+00, v44;
	(erf) = vpow2.f32 v42;
	v42 =	vpop (erf)  }
0x9f: {  	v50 =	vld [tilespmem:s1+$0x1100];
	v45 =	vmul.f32 $1.442695020e+00, v45;
	v51 =	vpop (erf);
	(erf) = vpow2.f32 v43  }
0xa0: {  	v58 =	vmul.f32 $1.442695020e+00, v46;
	v46 =	vld [tilespmem:s1+$0x1110];
	v52 =	vpop (erf);
	(erf) = vpow2.f32 v44  }
0xa1: {  	v59 =	vmul.f32 $1.442695020e+00, v47;
	v47 =	vld [tilespmem:s1+$0x1120];
	v53 =	vpop (erf);
	(erf) = vpow2.f32 v45  }
0xa2: {  	v60 =	vmul.f32 $1.442695020e+00, v48;
	v48 =	vld [tilespmem:s1+$0x1130];
	v54 =	vpop (erf);
	(erf) = vpow2.f32 v58  }
0xa3: {  	v61 =	vmul.f32 $1.442695020e+00, v49;
	v49 =	vld [tilespmem:s1+$0x1140];
	v55 =	vpop (erf);
	(erf) = vpow2.f32 v59  }
0xa4: {  	v62 =	vmul.f32 $1.442695020e+00, v50;
	v50 =	vld [tilespmem:s1+$0x1150];
	v56 =	vpop (erf);
	(erf) = vpow2.f32 v60  }
0xa5: {  	v45 =	vmul.f32 $1.442695020e+00, v46;
	v60 =	vld [tilespmem:s1+$0x1160];
	v57 =	vpop (erf);
	(erf) = vpow2.f32 v61  }
0xa6: {  	v61 =	vmul.f32 $1.442695020e+00, v47;
	v47 =	vpop (erf);
	(erf) = vpow2.f32 v62  }
0xa7: {  	v62 =	vmul.f32 $1.442695020e+00, v48;
	v48 =	vpop (erf);
	(erf) = vpow2.f32 v45  }
0xa8: {  	v58 =	vmul.f32 $1.442695020e+00, v49;
	v49 =	vpop (erf);
	(erf) = vpow2.f32 v61  }
0xa9: {  	v59 =	vmul.f32 $1.442695020e+00, v50;
	v50 =	vpop (erf);
	(erf) = vpow2.f32 v62  }
0xaa: {  	v60 =	vmul.f32 $1.442695020e+00, v60;
	v46 =	vpop (erf);
	(erf) = vpow2.f32 v58  }
0xab: {  	v45 =	vpop (erf);
	(erf) = vpow2.f32 v59  }
0xac: {  	v43 =	vpop (erf);
	(erf) = vpow2.f32 v60  }
0xad: {  	v44 =	vpop (erf)  }
0xae: {  	v58 =	vpop (erf)  }
0xaf: {  	v59 =	vpop (erf)  }
0xb0: {  	v60 =	vpop (erf)  }
0xb1: {  	v8 =	vadd.f32 v25, v8;
	v25 =	vpop (erf)  }
0xb2: {  	v19 =	vadd.f32 v34, v19;
	v34 =	vpop (erf)  }
0xb3: {  	v61 =	vpop (erf)  }
0xb4: {  	v62 =	vpop (erf)  }
0xb5: {  	v16 =	vadd.f32 v29, v16;
	v0 =	vadd.f32 v42, v1;
	v29 =	vpop (erf)  }
0xb6: {  	_ =	swait.ge [sflag:s14], $0x2700  }
0xb7: {  	[sflag:s14] =	ssyncset.done $0x0;
	[tilespmem:$0x1FE80] =	vst v0;
	v0 =	vadd.f32 v51, v2  }
0xb8: {  	s6 =	simm.s32 $0x0;
	[sflag:s14] =	ssyncadd.s32 $0xFFFFD900  }
0xb9: {  	v1 =	vld [tilespmem:s6+$0x3870];
	[tilespmem:$0x1FE90] =	vst v0;
	v0 =	vadd.f32 v52, v3;
	_ =	sdelay $0x1  }
0xba: {  	[tilespmem:$0x1FEA0] =	vst v0;
	v0 =	vadd.f32 v53, v4;
	_ =	sdelay $0x1  }
0xbb: {  	v2 =	vld [tilespmem:s6+$0x3700];
	[tilespmem:$0x1FEB0] =	vst v0;
	v0 =	vadd.f32 v54, v5;
	_ =	sdelay $0x1  }
0xbc: {  	[tilespmem:$0x1FEC0] =	vst v0;
	v0 =	vadd.f32 v55, v6;
	_ =	sdelay $0x1  }
0xbd: {  	v3 =	vld [tilespmem:s6+$0x3710];
	[tilespmem:$0x1FED0] =	vst v0;
	v0 =	vadd.f32 v56, v7;
	_ =	sdelay $0x1  }
0xbe: {  	[tilespmem:$0x1FEE0] =	vst v0;
	v0 =	vadd.f32 v57, v8;
	_ =	sdelay $0x1  }
0xbf: {  	v20 =	vadd.f32 v35, v20;
	v4 =	vld [tilespmem:s6+$0x3720];
	[tilespmem:$0x1FEF0] =	vst v0;
	v0 =	vadd.f32 v47, v19;
	_ =	sdelay $0x1  }
0xc0: {  	v21 =	vadd.f32 v36, v21;
	[tilespmem:$0x1FF00] =	vst v0;
	v0 =	vadd.f32 v48, v20;
	_ =	sdelay $0x1  }
0xc1: {  	v12 =	vadd.f32 v37, v12;
	v5 =	vld [tilespmem:s6+$0x3730];
	[tilespmem:$0x1FF10] =	vst v0;
	v0 =	vadd.f32 v49, v21;
	_ =	sdelay $0x1  }
0xc2: {  	v22 =	vadd.f32 v38, v22;
	[tilespmem:$0x1FF20] =	vst v0;
	v0 =	vadd.f32 v50, v12;
	_ =	sdelay $0x1  }
0xc3: {  	v13 =	vadd.f32 v39, v13;
	v6 =	vld [tilespmem:s6+$0x3740];
	[tilespmem:$0x1FF30] =	vst v0;
	v0 =	vadd.f32 v46, v22;
	_ =	sdelay $0x1  }
0xc4: {  	v14 =	vadd.f32 v40, v14;
	[tilespmem:$0x1FF40] =	vst v0;
	v0 =	vadd.f32 v45, v13;
	_ =	sdelay $0x1  }
0xc5: {  	v15 =	vadd.f32 v33, v15;
	v7 =	vld [tilespmem:s6+$0x3750];
	[tilespmem:$0x1FF50] =	vst v0;
	v0 =	vadd.f32 v43, v14;
	_ =	sdelay $0x1  }
0xc6: {  	v1 =	vmul.f32 $1.442695020e+00, v1;
	v8 =	vld [tilespmem:s6+$0x3760];
	[tilespmem:$0x1FF60] =	vst v0;
	v0 =	vadd.f32 v44, v15  }
0xc7: {  	v9 =	vadd.f32 v30, v9;
	v2 =	vmul.f32 $1.442695020e+00, v2  }
0xc8: {  	(erf) = vpow2.f32 v1;
	v1 =	vmul.f32 $1.442695020e+00, v4;
	v4 =	vld [tilespmem:s6+$0x3770];
	[tilespmem:$0x1FF70] =	vst v0;
	v0 =	vadd.f32 v58, v16  }
0xc9: {  	v17 =	vadd.f32 v26, v17;
	(erf) = vpow2.f32 v2  }
0xca: {  	v3 =	vmul.f32 $1.442695020e+00, v3;
	v2 =	vmul.f32 $1.442695020e+00, v5;
	v5 =	vld [tilespmem:s6+$0x3780];
	[tilespmem:$0x1FF80] =	vst v0;
	v0 =	vadd.f32 v59, v9  }
0xcb: {  	v10 =	vadd.f32 v27, v10  }
0xcc: {  	(erf) = vpow2.f32 v3;
	v3 =	vmul.f32 $1.442695020e+00, v6;
	v6 =	vld [tilespmem:s6+$0x3790];
	[tilespmem:$0x1FF90] =	vst v0;
	v0 =	vadd.f32 v60, v17  }
0xcd: {  	v11 =	vadd.f32 v28, v11  }
0xce: {  	(erf) = vpow2.f32 v1;
	v1 =	vmul.f32 $1.442695020e+00, v7;
	v7 =	vld [tilespmem:s6+$0x37A0];
	[tilespmem:$0x1FFA0] =	vst v0;
	v0 =	vadd.f32 v25, v10;
	_ =	sdelay $0x1  }
0xcf: {  	v23 =	vadd.f32 v32, v23;
	[tilespmem:$0x1FFB0] =	vst v0;
	v0 =	vadd.f32 v34, v11;
	_ =	sdelay $0x1  }
0xd0: {  	v24 =	vadd.f32 v31, v24;
	(erf) = vpow2.f32 v2;
	v2 =	vld [tilespmem:s6+$0x37B0];
	[tilespmem:$0x1FFC0] =	vst v0;
	v0 =	vadd.f32 v61, v23  }
0xd1: {  	v18 =	vadd.f32 v41, v18;
	v19 =	vimm.f32 $0.0e+00;
	v20 =	vimm.f32 $0.0e+00  }
0xd2: {  	(erf) = vpow2.f32 v3;
	v3 =	vmul.f32 $1.442695020e+00, v8;
	[tilespmem:$0x1FFD0] =	vst v0;
	v0 =	vadd.f32 v62, v24  }
0xd3: {  	v21 =	vimm.f32 $0.0e+00;
	(erf) = vpow2.f32 v1;
	v1 =	vmul.f32 $1.442695020e+00, v4  }
0xd4: {  	v22 =	vimm.f32 $0.0e+00;
	v14 =	vimm.f32 $0.0e+00;
	v4 =	vld [tilespmem:s6+$0x37C0];
	[tilespmem:$0x1FFE0] =	vst v0;
	v0 =	vadd.f32 v29, v18  }
0xd5: {  	v15 =	vimm.f32 $0.0e+00;
	(erf) = vpow2.f32 v3;
	v5 =	vmul.f32 $1.442695020e+00, v5  }
0xd6: {  	v16 =	vimm.f32 $0.0e+00;
	(erf) = vpow2.f32 v1;
	v3 =	vmul.f32 $1.442695020e+00, v6;
	v9 =	vld [tilespmem:s6+$0x37D0];
	[tilespmem:$0x1FFF0] =	vst v0  }
0xd7: {  	v8 =	vimm.f32 $0.0e+00;
	v17 =	vimm.f32 $0.0e+00;
	v1 =	vpop (erf);
	(erf) = vpow2.f32 v5;
	v6 =	vld [tilespmem:s6+$0x37E0]  }
0xd8: {  	v1 =	vadd.f32 v1, v8;
	v7 =	vmul.f32 $1.442695020e+00, v7;
	v5 =	vmul.f32 $1.442695020e+00, v2;
	v10 =	vld [tilespmem:s6+$0x37F0]  }
0xd9: {  	(erf) = vpow2.f32 v3;
	v23 =	vimm.f32 $0.0e+00;
	v24 =	vimm.f32 $0.0e+00;
	v2 =	vpop (erf);
	v11 =	vld [tilespmem:s6+$0x3800]  }
0xda: {  	v18 =	vimm.f32 $0.0e+00;
	v3 =	vpop (erf);
	(erf) = vpow2.f32 v7;
	v13 =	vld [tilespmem:s6+$0x3810];
	v12 =	vmul.f32 $1.442695020e+00, v4  }
0xdb: {  	v2 =	vadd.f32 v2, v8;
	v3 =	vadd.f32 v3, v8;
	v4 =	vpop (erf);
	(erf) = vpow2.f32 v5  }
0xdc: {  	v4 =	vadd.f32 v4, v8;
	v5 =	vpop (erf);
	v7 =	vmul.f32 $1.442695020e+00, v9;
	(erf) = vpow2.f32 v12  }
0xdd: {  	v26 =	vld [tilespmem:s6+$0x3820];
	v5 =	vadd.f32 v5, v8;
	v9 =	vmul.f32 $1.442695020e+00, v6;
	v10 =	vmul.f32 $1.442695020e+00, v10  }
0xde: {  	v27 =	vld [tilespmem:s6+$0x3830];
	v12 =	vimm.f32 $0.0e+00;
	v6 =	vpop (erf);
	(erf) = vpow2.f32 v7;
	v32 =	vmul.f32 $1.442695020e+00, v11  }
0xdf: {  	v28 =	vld [tilespmem:s6+$0x3840];
	v31 =	vmul.f32 $1.442695020e+00, v13;
	v13 =	vimm.f32 $0.0e+00;
	v11 =	vimm.f32 $0.0e+00  }
0xe0: {  	v29 =	vld [tilespmem:s6+$0x3850];
	v6 =	vadd.f32 v6, v8;
	v7 =	vpop (erf);
	(erf) = vpow2.f32 v9;
	v9 =	vimm.f32 $0.0e+00  }
0xe1: {  	s3 =	simm.s32 $0xC00;
	s1 =	simm.s32 $0x180;
	v30 =	vld [tilespmem:s6+$0x3860];
	v7 =	vadd.f32 v7, v8;
	(erf) = vpow2.f32 v10;
	v10 =	vimm.f32 $0.0e+00;
	v25 =	vpop (erf)  }
.LBB2_7:
0xe2: {  	p0 =	sne.s32 s3, $0x9600;
	v33 =	vld [tilespmem:s1+$0x3870];
	v8 =	vadd.f32 v25, v8;
	v25 =	vmul.f32 $1.442695020e+00, v26;
	v26 =	vpop (erf);
	(erf) = vpow2.f32 v32  }
0xe3: {  	v32 =	vld [tilespmem:s1+$0x3700];
	v19 =	vadd.f32 v26, v19;
	v26 =	vmul.f32 $1.442695020e+00, v27;
	v27 =	vpop (erf);
	(erf) = vpow2.f32 v31  }
0xe4: {  	v31 =	vld [tilespmem:s1+$0x3710];
	v20 =	vadd.f32 v27, v20;
	v27 =	vmul.f32 $1.442695020e+00, v28;
	v28 =	vpop (erf);
	(erf) = vpow2.f32 v25  }
0xe5: {  	v25 =	vld [tilespmem:s1+$0x3720];
	v21 =	vadd.f32 v28, v21;
	v28 =	vmul.f32 $1.442695020e+00, v29;
	v29 =	vpop (erf);
	(erf) = vpow2.f32 v26  }
0xe6: {  	v26 =	vld [tilespmem:s1+$0x3730];
	v12 =	vadd.f32 v29, v12;
	v29 =	vmul.f32 $1.442695020e+00, v30;
	v30 =	vpop (erf);
	(erf) = vpow2.f32 v27  }
0xe7: {  	v27 =	vld [tilespmem:s1+$0x3740];
	v33 =	vmul.f32 $1.442695020e+00, v33;
	v22 =	vadd.f32 v30, v22;
	v30 =	vpop (erf);
	(erf) = vpow2.f32 v28  }
0xe8: {  	v0 =	vmul.f32 $1.442695020e+00, v32;
	v32 =	vld [tilespmem:s1+$0x3750];
	v13 =	vadd.f32 v30, v13;
	v30 =	vpop (erf);
	(erf) = vpow2.f32 v29  }
0xe9: {  	v29 =	vmul.f32 $1.442695020e+00, v31;
	v31 =	vld [tilespmem:s1+$0x3760];
	(erf) = vpow2.f32 v33;
	v14 =	vadd.f32 v30, v14;
	v30 =	vpop (erf)  }
0xea: {  	v34 =	vmul.f32 $1.442695020e+00, v25;
	v33 =	vld [tilespmem:s1+$0x3770];
	(erf) = vpow2.f32 v0;
	v15 =	vadd.f32 v30, v15;
	v28 =	vpop (erf)  }
0xeb: {  	v26 =	vmul.f32 $1.442695020e+00, v26;
	v30 =	vld [tilespmem:s1+$0x3780];
	(erf) = vpow2.f32 v29;
	v16 =	vadd.f32 v28, v16;
	v28 =	vpop (erf)  }
0xec: {  	v27 =	vmul.f32 $1.442695020e+00, v27;
	v29 =	vld [tilespmem:s1+$0x3790];
	(erf) = vpow2.f32 v34;
	v9 =	vadd.f32 v28, v9;
	v25 =	vpop (erf)  }
0xed: {  	v28 =	vmul.f32 $1.442695020e+00, v32;
	v32 =	vld [tilespmem:s1+$0x37A0];
	(erf) = vpow2.f32 v26;
	v17 =	vadd.f32 v25, v17;
	v25 =	vpop (erf)  }
0xee: {  	v26 =	vmul.f32 $1.442695020e+00, v31;
	v31 =	vld [tilespmem:s1+$0x37B0];
	(erf) = vpow2.f32 v27;
	v10 =	vadd.f32 v25, v10;
	v25 =	vpop (erf)  }
0xef: {  	v27 =	vmul.f32 $1.442695020e+00, v33;
	v33 =	vld [tilespmem:s1+$0x37C0];
	(erf) = vpow2.f32 v28;
	v11 =	vadd.f32 v25, v11;
	v25 =	vpop (erf)  }
0xf0: {  	v0 =	vmul.f32 $1.442695020e+00, v30;
	v30 =	vld [tilespmem:s1+$0x37D0];
	(erf) = vpow2.f32 v26;
	v23 =	vadd.f32 v25, v23;
	v25 =	vpop (erf)  }
0xf1: {  	v34 =	vmul.f32 $1.442695020e+00, v29;
	v29 =	vld [tilespmem:s1+$0x37E0];
	(erf) = vpow2.f32 v27;
	v24 =	vadd.f32 v25, v24;
	v25 =	vpop (erf)  }
0xf2: {  	v35 =	vmul.f32 $1.442695020e+00, v32;
	v32 =	vld [tilespmem:s1+$0x37F0];
	(erf) = vpow2.f32 v0;
	v28 =	vpop (erf);
	v18 =	vadd.f32 v25, v18  }
0xf3: {  	v25 =	vmul.f32 $1.442695020e+00, v31;
	v31 =	vld [tilespmem:s1+$0x3800];
	v1 =	vadd.f32 v28, v1;
	v28 =	vpop (erf);
	(erf) = vpow2.f32 v34  }
0xf4: {  	v2 =	vadd.f32 v28, v2;
	v28 =	vmul.f32 $1.442695020e+00, v33;
	v33 =	vld [tilespmem:s1+$0x3810];
	v26 =	vpop (erf);
	(erf) = vpow2.f32 v35  }
.Ltmp2:
0xf5: {  	v3 =	vadd.f32 v26, v3;
	v0 =	vmul.f32 $1.442695020e+00, v30;
	v26 =	vld [tilespmem:s1+$0x3820];
	v27 =	vpop (erf);
	(erf) = vpow2.f32 v25;
	(pc) =	sbr.rel @p0 .LBB2_7-.Ltmp2, $4  }
0xf6: {  	v4 =	vadd.f32 v27, v4;
	v35 =	vmul.f32 $1.442695020e+00, v29;
	v27 =	vld [tilespmem:s1+$0x3830];
	v29 =	vpop (erf);
	(erf) = vpow2.f32 v28  }
0xf7: {  	v5 =	vadd.f32 v29, v5;
	v34 =	vmul.f32 $1.442695020e+00, v32;
	v28 =	vld [tilespmem:s1+$0x3840];
	v29 =	vpop (erf);
	(erf) = vpow2.f32 v0  }
0xf8: {  	v6 =	vadd.f32 v29, v6;
	v32 =	vmul.f32 $1.442695020e+00, v31;
	v29 =	vld [tilespmem:s1+$0x3850];
	v30 =	vpop (erf);
	(erf) = vpow2.f32 v35  }
0xf9: {  	v7 =	vadd.f32 v30, v7;
	v31 =	vmul.f32 $1.442695020e+00, v33;
	v30 =	vld [tilespmem:s1+$0x3860];
	s1 =	sshra.s32 s3, $0x2;
	s3 =	sadd.s32 $0x600, s3;
	v25 =	vpop (erf);
	(erf) = vpow2.f32 v34  }
0xfa: {  	v33 =	vld [tilespmem:s1+$0x3870];
	v26 =	vmul.f32 $1.442695020e+00, v26  }
0xfb: {  	v34 =	vpop (erf);
	(erf) = vpow2.f32 v32;
	v56 =	vld [tilespmem:s1+$0x3700];
	v27 =	vmul.f32 $1.442695020e+00, v27  }
0xfc: {  	v35 =	vpop (erf);
	(erf) = vpow2.f32 v31;
	v31 =	vld [tilespmem:s1+$0x3710];
	v28 =	vmul.f32 $1.442695020e+00, v28  }
0xfd: {  	v36 =	vpop (erf);
	(erf) = vpow2.f32 v26;
	v26 =	vld [tilespmem:s1+$0x3720];
	v29 =	vmul.f32 $1.442695020e+00, v29  }
0xfe: {  	v37 =	vpop (erf);
	(erf) = vpow2.f32 v27;
	v27 =	vld [tilespmem:s1+$0x3730];
	v30 =	vmul.f32 $1.442695020e+00, v30  }
0xff: {  	v38 =	vpop (erf);
	(erf) = vpow2.f32 v28;
	v28 =	vld [tilespmem:s1+$0x3740];
	v33 =	vmul.f32 $1.442695020e+00, v33  }
0x100: {  	v57 =	vld [tilespmem:s1+$0x3750];
	v39 =	vpop (erf);
	(erf) = vpow2.f32 v29;
	v29 =	vmul.f32 $1.442695020e+00, v56  }
0x101: {  	v40 =	vpop (erf);
	(erf) = vpow2.f32 v30;
	v30 =	vmul.f32 $1.442695020e+00, v31;
	v31 =	vld [tilespmem:s1+$0x3760]  }
0x102: {  	v41 =	vld [tilespmem:s1+$0x3770];
	v26 =	vmul.f32 $1.442695020e+00, v26  }
0x103: {  	v42 =	vld [tilespmem:s1+$0x3780];
	(erf) = vpow2.f32 v33;
	v27 =	vmul.f32 $1.442695020e+00, v27;
	v33 =	vpop (erf)  }
0x104: {  	(erf) = vpow2.f32 v29;
	v28 =	vmul.f32 $1.442695020e+00, v28;
	v29 =	vpop (erf)  }
0x105: {  	v32 =	vmul.f32 $1.442695020e+00, v57;
	(erf) = vpow2.f32 v30;
	v30 =	vpop (erf)  }
0x106: {  	v43 =	vld [tilespmem:s1+$0x3790];
	(erf) = vpow2.f32 v26;
	v31 =	vmul.f32 $1.442695020e+00, v31;
	v26 =	vpop (erf)  }
0x107: {  	v44 =	vld [tilespmem:s1+$0x37A0];
	v41 =	vmul.f32 $1.442695020e+00, v41;
	(erf) = vpow2.f32 v27;
	v27 =	vpop (erf)  }
0x108: {  	v45 =	vld [tilespmem:s1+$0x37B0];
	v42 =	vmul.f32 $1.442695020e+00, v42;
	(erf) = vpow2.f32 v28;
	v28 =	vpop (erf)  }
0x109: {  	v46 =	vld [tilespmem:s1+$0x37C0];
	(erf) = vpow2.f32 v32;
	v32 =	vpop (erf)  }
0x10a: {  	v47 =	vld [tilespmem:s1+$0x37D0];
	(erf) = vpow2.f32 v31;
	v31 =	vpop (erf)  }
0x10b: {  	v48 =	vld [tilespmem:s1+$0x37E0];
	v43 =	vmul.f32 $1.442695020e+00, v43;
	(erf) = vpow2.f32 v41;
	v41 =	vpop (erf)  }
0x10c: {  	v49 =	vld [tilespmem:s1+$0x37F0];
	v44 =	vmul.f32 $1.442695020e+00, v44;
	(erf) = vpow2.f32 v42;
	v42 =	vpop (erf)  }
0x10d: {  	v50 =	vld [tilespmem:s1+$0x3800];
	v45 =	vmul.f32 $1.442695020e+00, v45;
	v51 =	vpop (erf);
	(erf) = vpow2.f32 v43  }
0x10e: {  	v58 =	vmul.f32 $1.442695020e+00, v46;
	v46 =	vld [tilespmem:s1+$0x3810];
	v52 =	vpop (erf);
	(erf) = vpow2.f32 v44  }
0x10f: {  	v59 =	vmul.f32 $1.442695020e+00, v47;
	v47 =	vld [tilespmem:s1+$0x3820];
	v53 =	vpop (erf);
	(erf) = vpow2.f32 v45  }
0x110: {  	v60 =	vmul.f32 $1.442695020e+00, v48;
	v48 =	vld [tilespmem:s1+$0x3830];
	v54 =	vpop (erf);
	(erf) = vpow2.f32 v58  }
0x111: {  	v61 =	vmul.f32 $1.442695020e+00, v49;
	v49 =	vld [tilespmem:s1+$0x3840];
	v55 =	vpop (erf);
	(erf) = vpow2.f32 v59  }
0x112: {  	v62 =	vmul.f32 $1.442695020e+00, v50;
	v50 =	vld [tilespmem:s1+$0x3850];
	v56 =	vpop (erf);
	(erf) = vpow2.f32 v60  }
0x113: {  	v45 =	vmul.f32 $1.442695020e+00, v46;
	v60 =	vld [tilespmem:s1+$0x3860];
	v57 =	vpop (erf);
	(erf) = vpow2.f32 v61  }
0x114: {  	v61 =	vmul.f32 $1.442695020e+00, v47;
	v47 =	vpop (erf);
	(erf) = vpow2.f32 v62  }
0x115: {  	v62 =	vmul.f32 $1.442695020e+00, v48;
	v48 =	vpop (erf);
	(erf) = vpow2.f32 v45  }
0x116: {  	v58 =	vmul.f32 $1.442695020e+00, v49;
	v49 =	vpop (erf);
	(erf) = vpow2.f32 v61  }
0x117: {  	v59 =	vmul.f32 $1.442695020e+00, v50;
	v50 =	vpop (erf);
	(erf) = vpow2.f32 v62  }
0x118: {  	v60 =	vmul.f32 $1.442695020e+00, v60;
	v46 =	vpop (erf);
	(erf) = vpow2.f32 v58  }
0x119: {  	v45 =	vpop (erf);
	(erf) = vpow2.f32 v59  }
0x11a: {  	v43 =	vpop (erf);
	(erf) = vpow2.f32 v60  }
0x11b: {  	v44 =	vpop (erf)  }
0x11c: {  	v58 =	vpop (erf)  }
0x11d: {  	v59 =	vpop (erf)  }
0x11e: {  	v60 =	vpop (erf)  }
0x11f: {  	v8 =	vadd.f32 v25, v8;
	v25 =	vpop (erf)  }
0x120: {  	v19 =	vadd.f32 v34, v19;
	v34 =	vpop (erf)  }
0x121: {  	v61 =	vpop (erf)  }
0x122: {  	v62 =	vpop (erf)  }
0x123: {  	v16 =	vadd.f32 v29, v16;
	v0 =	vadd.f32 v42, v1;
	v29 =	vpop (erf)  }
0x124: {  	_ =	swait.ge [sflag:s15], $0x2700  }
0x125: {  	[sflag:s15] =	ssyncset.done $0x0;
	[tilespmem:$0x1FD00] =	vst v0;
	v0 =	vadd.f32 v51, v2  }
0x126: {  	s6 =	simm.s32 $0x0;
	[sflag:s15] =	ssyncadd.s32 $0xFFFFD900  }
0x127: {  	v1 =	vld [tilespmem:s6+$0x5F70];
	[tilespmem:$0x1FD10] =	vst v0;
	v0 =	vadd.f32 v52, v3;
	_ =	sdelay $0x1  }
0x128: {  	[tilespmem:$0x1FD20] =	vst v0;
	v0 =	vadd.f32 v53, v4;
	_ =	sdelay $0x1  }
0x129: {  	v2 =	vld [tilespmem:s6+$0x5E00];
	[tilespmem:$0x1FD30] =	vst v0;
	v0 =	vadd.f32 v54, v5;
	_ =	sdelay $0x1  }
0x12a: {  	[tilespmem:$0x1FD40] =	vst v0;
	v0 =	vadd.f32 v55, v6;
	_ =	sdelay $0x1  }
0x12b: {  	v3 =	vld [tilespmem:s6+$0x5E10];
	[tilespmem:$0x1FD50] =	vst v0;
	v0 =	vadd.f32 v56, v7;
	_ =	sdelay $0x1  }
0x12c: {  	[tilespmem:$0x1FD60] =	vst v0;
	v0 =	vadd.f32 v57, v8;
	_ =	sdelay $0x1  }
0x12d: {  	v20 =	vadd.f32 v35, v20;
	v4 =	vld [tilespmem:s6+$0x5E20];
	[tilespmem:$0x1FD70] =	vst v0;
	v0 =	vadd.f32 v47, v19;
	_ =	sdelay $0x1  }
0x12e: {  	v21 =	vadd.f32 v36, v21;
	[tilespmem:$0x1FD80] =	vst v0;
	v0 =	vadd.f32 v48, v20;
	_ =	sdelay $0x1  }
0x12f: {  	v12 =	vadd.f32 v37, v12;
	v5 =	vld [tilespmem:s6+$0x5E30];
	[tilespmem:$0x1FD90] =	vst v0;
	v0 =	vadd.f32 v49, v21;
	_ =	sdelay $0x1  }
0x130: {  	v22 =	vadd.f32 v38, v22;
	[tilespmem:$0x1FDA0] =	vst v0;
	v0 =	vadd.f32 v50, v12;
	_ =	sdelay $0x1  }
0x131: {  	v13 =	vadd.f32 v39, v13;
	v6 =	vld [tilespmem:s6+$0x5E40];
	[tilespmem:$0x1FDB0] =	vst v0;
	v0 =	vadd.f32 v46, v22;
	_ =	sdelay $0x1  }
0x132: {  	v14 =	vadd.f32 v40, v14;
	[tilespmem:$0x1FDC0] =	vst v0;
	v0 =	vadd.f32 v45, v13;
	_ =	sdelay $0x1  }
0x133: {  	v15 =	vadd.f32 v33, v15;
	v7 =	vld [tilespmem:s6+$0x5E50];
	[tilespmem:$0x1FDD0] =	vst v0;
	v0 =	vadd.f32 v43, v14;
	_ =	sdelay $0x1  }
0x134: {  	v1 =	vmul.f32 $1.442695020e+00, v1;
	v8 =	vld [tilespmem:s6+$0x5E60];
	[tilespmem:$0x1FDE0] =	vst v0;
	v0 =	vadd.f32 v44, v15  }
0x135: {  	v9 =	vadd.f32 v30, v9;
	v2 =	vmul.f32 $1.442695020e+00, v2  }
0x136: {  	(erf) = vpow2.f32 v1;
	v1 =	vmul.f32 $1.442695020e+00, v4;
	v4 =	vld [tilespmem:s6+$0x5E70];
	[tilespmem:$0x1FDF0] =	vst v0;
	v0 =	vadd.f32 v58, v16  }
0x137: {  	v17 =	vadd.f32 v26, v17;
	(erf) = vpow2.f32 v2  }
0x138: {  	v3 =	vmul.f32 $1.442695020e+00, v3;
	v2 =	vmul.f32 $1.442695020e+00, v5;
	v5 =	vld [tilespmem:s6+$0x5E80];
	[tilespmem:$0x1FE00] =	vst v0;
	v0 =	vadd.f32 v59, v9  }
0x139: {  	v10 =	vadd.f32 v27, v10  }
0x13a: {  	(erf) = vpow2.f32 v3;
	v3 =	vmul.f32 $1.442695020e+00, v6;
	v6 =	vld [tilespmem:s6+$0x5E90];
	[tilespmem:$0x1FE10] =	vst v0;
	v0 =	vadd.f32 v60, v17  }
0x13b: {  	v11 =	vadd.f32 v28, v11  }
0x13c: {  	(erf) = vpow2.f32 v1;
	v1 =	vmul.f32 $1.442695020e+00, v7;
	v7 =	vld [tilespmem:s6+$0x5EA0];
	[tilespmem:$0x1FE20] =	vst v0;
	v0 =	vadd.f32 v25, v10;
	_ =	sdelay $0x1  }
0x13d: {  	v23 =	vadd.f32 v32, v23;
	[tilespmem:$0x1FE30] =	vst v0;
	v0 =	vadd.f32 v34, v11;
	_ =	sdelay $0x1  }
0x13e: {  	v24 =	vadd.f32 v31, v24;
	(erf) = vpow2.f32 v2;
	v2 =	vld [tilespmem:s6+$0x5EB0];
	[tilespmem:$0x1FE40] =	vst v0;
	v0 =	vadd.f32 v61, v23  }
0x13f: {  	v18 =	vadd.f32 v41, v18;
	v19 =	vimm.f32 $0.0e+00;
	v20 =	vimm.f32 $0.0e+00  }
0x140: {  	(erf) = vpow2.f32 v3;
	v3 =	vmul.f32 $1.442695020e+00, v8;
	[tilespmem:$0x1FE50] =	vst v0;
	v0 =	vadd.f32 v62, v24  }
0x141: {  	v21 =	vimm.f32 $0.0e+00;
	(erf) = vpow2.f32 v1;
	v1 =	vmul.f32 $1.442695020e+00, v4  }
0x142: {  	v22 =	vimm.f32 $0.0e+00;
	v14 =	vimm.f32 $0.0e+00;
	v4 =	vld [tilespmem:s6+$0x5EC0];
	[tilespmem:$0x1FE60] =	vst v0;
	v0 =	vadd.f32 v29, v18  }
0x143: {  	v15 =	vimm.f32 $0.0e+00;
	(erf) = vpow2.f32 v3;
	v5 =	vmul.f32 $1.442695020e+00, v5  }
0x144: {  	v16 =	vimm.f32 $0.0e+00;
	(erf) = vpow2.f32 v1;
	v3 =	vmul.f32 $1.442695020e+00, v6;
	v9 =	vld [tilespmem:s6+$0x5ED0];
	[tilespmem:$0x1FE70] =	vst v0  }
0x145: {  	v8 =	vimm.f32 $0.0e+00;
	v17 =	vimm.f32 $0.0e+00;
	v1 =	vpop (erf);
	(erf) = vpow2.f32 v5;
	v6 =	vld [tilespmem:s6+$0x5EE0]  }
0x146: {  	v1 =	vadd.f32 v1, v8;
	v7 =	vmul.f32 $1.442695020e+00, v7;
	v5 =	vmul.f32 $1.442695020e+00, v2;
	v10 =	vld [tilespmem:s6+$0x5EF0]  }
0x147: {  	(erf) = vpow2.f32 v3;
	v23 =	vimm.f32 $0.0e+00;
	v24 =	vimm.f32 $0.0e+00;
	v2 =	vpop (erf);
	v11 =	vld [tilespmem:s6+$0x5F00]  }
0x148: {  	v18 =	vimm.f32 $0.0e+00;
	v3 =	vpop (erf);
	(erf) = vpow2.f32 v7;
	v13 =	vld [tilespmem:s6+$0x5F10];
	v12 =	vmul.f32 $1.442695020e+00, v4  }
0x149: {  	v2 =	vadd.f32 v2, v8;
	v3 =	vadd.f32 v3, v8;
	v4 =	vpop (erf);
	(erf) = vpow2.f32 v5  }
0x14a: {  	v4 =	vadd.f32 v4, v8;
	v5 =	vpop (erf);
	v7 =	vmul.f32 $1.442695020e+00, v9;
	(erf) = vpow2.f32 v12  }
0x14b: {  	v26 =	vld [tilespmem:s6+$0x5F20];
	v5 =	vadd.f32 v5, v8;
	v9 =	vmul.f32 $1.442695020e+00, v6;
	v10 =	vmul.f32 $1.442695020e+00, v10  }
0x14c: {  	v27 =	vld [tilespmem:s6+$0x5F30];
	v12 =	vimm.f32 $0.0e+00;
	v6 =	vpop (erf);
	(erf) = vpow2.f32 v7;
	v32 =	vmul.f32 $1.442695020e+00, v11  }
0x14d: {  	v28 =	vld [tilespmem:s6+$0x5F40];
	v31 =	vmul.f32 $1.442695020e+00, v13;
	v13 =	vimm.f32 $0.0e+00;
	v11 =	vimm.f32 $0.0e+00  }
0x14e: {  	v29 =	vld [tilespmem:s6+$0x5F50];
	v6 =	vadd.f32 v6, v8;
	v7 =	vpop (erf);
	(erf) = vpow2.f32 v9;
	v9 =	vimm.f32 $0.0e+00  }
0x14f: {  	s3 =	simm.s32 $0xC00;
	s1 =	simm.s32 $0x180;
	v30 =	vld [tilespmem:s6+$0x5F60];
	v7 =	vadd.f32 v7, v8;
	(erf) = vpow2.f32 v10;
	v10 =	vimm.f32 $0.0e+00;
	v25 =	vpop (erf)  }
.LBB2_9:
0x150: {  	p0 =	sne.s32 s3, $0x9600;
	v33 =	vld [tilespmem:s1+$0x5F70];
	v8 =	vadd.f32 v25, v8;
	v25 =	vmul.f32 $1.442695020e+00, v26;
	v26 =	vpop (erf);
	(erf) = vpow2.f32 v32  }
0x151: {  	v32 =	vld [tilespmem:s1+$0x5E00];
	v19 =	vadd.f32 v26, v19;
	v26 =	vmul.f32 $1.442695020e+00, v27;
	v27 =	vpop (erf);
	(erf) = vpow2.f32 v31  }
0x152: {  	v31 =	vld [tilespmem:s1+$0x5E10];
	v20 =	vadd.f32 v27, v20;
	v27 =	vmul.f32 $1.442695020e+00, v28;
	v28 =	vpop (erf);
	(erf) = vpow2.f32 v25  }
0x153: {  	v25 =	vld [tilespmem:s1+$0x5E20];
	v21 =	vadd.f32 v28, v21;
	v28 =	vmul.f32 $1.442695020e+00, v29;
	v29 =	vpop (erf);
	(erf) = vpow2.f32 v26  }
0x154: {  	v26 =	vld [tilespmem:s1+$0x5E30];
	v12 =	vadd.f32 v29, v12;
	v29 =	vmul.f32 $1.442695020e+00, v30;
	v30 =	vpop (erf);
	(erf) = vpow2.f32 v27  }
0x155: {  	v27 =	vld [tilespmem:s1+$0x5E40];
	v33 =	vmul.f32 $1.442695020e+00, v33;
	v22 =	vadd.f32 v30, v22;
	v30 =	vpop (erf);
	(erf) = vpow2.f32 v28  }
0x156: {  	v0 =	vmul.f32 $1.442695020e+00, v32;
	v32 =	vld [tilespmem:s1+$0x5E50];
	v13 =	vadd.f32 v30, v13;
	v30 =	vpop (erf);
	(erf) = vpow2.f32 v29  }
0x157: {  	v29 =	vmul.f32 $1.442695020e+00, v31;
	v31 =	vld [tilespmem:s1+$0x5E60];
	(erf) = vpow2.f32 v33;
	v14 =	vadd.f32 v30, v14;
	v30 =	vpop (erf)  }
0x158: {  	v34 =	vmul.f32 $1.442695020e+00, v25;
	v33 =	vld [tilespmem:s1+$0x5E70];
	(erf) = vpow2.f32 v0;
	v15 =	vadd.f32 v30, v15;
	v28 =	vpop (erf)  }
0x159: {  	v26 =	vmul.f32 $1.442695020e+00, v26;
	v30 =	vld [tilespmem:s1+$0x5E80];
	(erf) = vpow2.f32 v29;
	v16 =	vadd.f32 v28, v16;
	v28 =	vpop (erf)  }
0x15a: {  	v27 =	vmul.f32 $1.442695020e+00, v27;
	v29 =	vld [tilespmem:s1+$0x5E90];
	(erf) = vpow2.f32 v34;
	v9 =	vadd.f32 v28, v9;
	v25 =	vpop (erf)  }
0x15b: {  	v28 =	vmul.f32 $1.442695020e+00, v32;
	v32 =	vld [tilespmem:s1+$0x5EA0];
	(erf) = vpow2.f32 v26;
	v17 =	vadd.f32 v25, v17;
	v25 =	vpop (erf)  }
0x15c: {  	v26 =	vmul.f32 $1.442695020e+00, v31;
	v31 =	vld [tilespmem:s1+$0x5EB0];
	(erf) = vpow2.f32 v27;
	v10 =	vadd.f32 v25, v10;
	v25 =	vpop (erf)  }
0x15d: {  	v27 =	vmul.f32 $1.442695020e+00, v33;
	v33 =	vld [tilespmem:s1+$0x5EC0];
	(erf) = vpow2.f32 v28;
	v11 =	vadd.f32 v25, v11;
	v25 =	vpop (erf)  }
0x15e: {  	v0 =	vmul.f32 $1.442695020e+00, v30;
	v30 =	vld [tilespmem:s1+$0x5ED0];
	(erf) = vpow2.f32 v26;
	v23 =	vadd.f32 v25, v23;
	v25 =	vpop (erf)  }
0x15f: {  	v34 =	vmul.f32 $1.442695020e+00, v29;
	v29 =	vld [tilespmem:s1+$0x5EE0];
	(erf) = vpow2.f32 v27;
	v24 =	vadd.f32 v25, v24;
	v25 =	vpop (erf)  }
0x160: {  	v35 =	vmul.f32 $1.442695020e+00, v32;
	v32 =	vld [tilespmem:s1+$0x5EF0];
	(erf) = vpow2.f32 v0;
	v28 =	vpop (erf);
	v18 =	vadd.f32 v25, v18  }
0x161: {  	v25 =	vmul.f32 $1.442695020e+00, v31;
	v31 =	vld [tilespmem:s1+$0x5F00];
	v1 =	vadd.f32 v28, v1;
	v28 =	vpop (erf);
	(erf) = vpow2.f32 v34  }
0x162: {  	v2 =	vadd.f32 v28, v2;
	v28 =	vmul.f32 $1.442695020e+00, v33;
	v33 =	vld [tilespmem:s1+$0x5F10];
	v26 =	vpop (erf);
	(erf) = vpow2.f32 v35  }
.Ltmp3:
0x163: {  	v3 =	vadd.f32 v26, v3;
	v0 =	vmul.f32 $1.442695020e+00, v30;
	v26 =	vld [tilespmem:s1+$0x5F20];
	v27 =	vpop (erf);
	(erf) = vpow2.f32 v25;
	(pc) =	sbr.rel @p0 .LBB2_9-.Ltmp3, $4  }
0x164: {  	v4 =	vadd.f32 v27, v4;
	v35 =	vmul.f32 $1.442695020e+00, v29;
	v27 =	vld [tilespmem:s1+$0x5F30];
	v29 =	vpop (erf);
	(erf) = vpow2.f32 v28  }
0x165: {  	v5 =	vadd.f32 v29, v5;
	v34 =	vmul.f32 $1.442695020e+00, v32;
	v28 =	vld [tilespmem:s1+$0x5F40];
	v29 =	vpop (erf);
	(erf) = vpow2.f32 v0  }
0x166: {  	v6 =	vadd.f32 v29, v6;
	v32 =	vmul.f32 $1.442695020e+00, v31;
	v29 =	vld [tilespmem:s1+$0x5F50];
	v30 =	vpop (erf);
	(erf) = vpow2.f32 v35  }
0x167: {  	v7 =	vadd.f32 v30, v7;
	v31 =	vmul.f32 $1.442695020e+00, v33;
	v30 =	vld [tilespmem:s1+$0x5F60];
	s1 =	sshra.s32 s3, $0x2;
	s3 =	sadd.s32 $0x600, s3;
	v25 =	vpop (erf);
	(erf) = vpow2.f32 v34  }
0x168: {  	v33 =	vld [tilespmem:s1+$0x5F70];
	v26 =	vmul.f32 $1.442695020e+00, v26  }
0x169: {  	v34 =	vpop (erf);
	(erf) = vpow2.f32 v32;
	v56 =	vld [tilespmem:s1+$0x5E00];
	v27 =	vmul.f32 $1.442695020e+00, v27  }
0x16a: {  	v35 =	vpop (erf);
	(erf) = vpow2.f32 v31;
	v31 =	vld [tilespmem:s1+$0x5E10];
	v28 =	vmul.f32 $1.442695020e+00, v28  }
0x16b: {  	v36 =	vpop (erf);
	(erf) = vpow2.f32 v26;
	v26 =	vld [tilespmem:s1+$0x5E20];
	v29 =	vmul.f32 $1.442695020e+00, v29  }
0x16c: {  	v37 =	vpop (erf);
	(erf) = vpow2.f32 v27;
	v27 =	vld [tilespmem:s1+$0x5E30];
	v30 =	vmul.f32 $1.442695020e+00, v30  }
0x16d: {  	v38 =	vpop (erf);
	(erf) = vpow2.f32 v28;
	v28 =	vld [tilespmem:s1+$0x5E40];
	v33 =	vmul.f32 $1.442695020e+00, v33  }
0x16e: {  	v57 =	vld [tilespmem:s1+$0x5E50];
	v39 =	vpop (erf);
	(erf) = vpow2.f32 v29;
	v29 =	vmul.f32 $1.442695020e+00, v56  }
0x16f: {  	v40 =	vpop (erf);
	(erf) = vpow2.f32 v30;
	v30 =	vmul.f32 $1.442695020e+00, v31;
	v31 =	vld [tilespmem:s1+$0x5E60]  }
0x170: {  	v41 =	vld [tilespmem:s1+$0x5E70];
	v26 =	vmul.f32 $1.442695020e+00, v26  }
0x171: {  	v42 =	vld [tilespmem:s1+$0x5E80];
	(erf) = vpow2.f32 v33;
	v27 =	vmul.f32 $1.442695020e+00, v27;
	v33 =	vpop (erf)  }
0x172: {  	(erf) = vpow2.f32 v29;
	v28 =	vmul.f32 $1.442695020e+00, v28;
	v29 =	vpop (erf)  }
0x173: {  	v32 =	vmul.f32 $1.442695020e+00, v57;
	(erf) = vpow2.f32 v30;
	v30 =	vpop (erf)  }
0x174: {  	v43 =	vld [tilespmem:s1+$0x5E90];
	(erf) = vpow2.f32 v26;
	v31 =	vmul.f32 $1.442695020e+00, v31;
	v26 =	vpop (erf)  }
0x175: {  	v44 =	vld [tilespmem:s1+$0x5EA0];
	v41 =	vmul.f32 $1.442695020e+00, v41;
	(erf) = vpow2.f32 v27;
	v27 =	vpop (erf)  }
0x176: {  	v45 =	vld [tilespmem:s1+$0x5EB0];
	v42 =	vmul.f32 $1.442695020e+00, v42;
	(erf) = vpow2.f32 v28;
	v28 =	vpop (erf)  }
0x177: {  	v46 =	vld [tilespmem:s1+$0x5EC0];
	(erf) = vpow2.f32 v32;
	v32 =	vpop (erf)  }
0x178: {  	v47 =	vld [tilespmem:s1+$0x5ED0];
	(erf) = vpow2.f32 v31;
	v31 =	vpop (erf)  }
0x179: {  	v48 =	vld [tilespmem:s1+$0x5EE0];
	v43 =	vmul.f32 $1.442695020e+00, v43;
	(erf) = vpow2.f32 v41;
	v41 =	vpop (erf)  }
0x17a: {  	v49 =	vld [tilespmem:s1+$0x5EF0];
	v44 =	vmul.f32 $1.442695020e+00, v44;
	(erf) = vpow2.f32 v42;
	v42 =	vpop (erf)  }
0x17b: {  	v50 =	vld [tilespmem:s1+$0x5F00];
	v45 =	vmul.f32 $1.442695020e+00, v45;
	v51 =	vpop (erf);
	(erf) = vpow2.f32 v43  }
0x17c: {  	v58 =	vmul.f32 $1.442695020e+00, v46;
	v46 =	vld [tilespmem:s1+$0x5F10];
	v52 =	vpop (erf);
	(erf) = vpow2.f32 v44  }
0x17d: {  	v59 =	vmul.f32 $1.442695020e+00, v47;
	v47 =	vld [tilespmem:s1+$0x5F20];
	v53 =	vpop (erf);
	(erf) = vpow2.f32 v45  }
0x17e: {  	v60 =	vmul.f32 $1.442695020e+00, v48;
	v48 =	vld [tilespmem:s1+$0x5F30];
	v54 =	vpop (erf);
	(erf) = vpow2.f32 v58  }
0x17f: {  	v61 =	vmul.f32 $1.442695020e+00, v49;
	v49 =	vld [tilespmem:s1+$0x5F40];
	v55 =	vpop (erf);
	(erf) = vpow2.f32 v59  }
0x180: {  	v62 =	vmul.f32 $1.442695020e+00, v50;
	v50 =	vld [tilespmem:s1+$0x5F50];
	v56 =	vpop (erf);
	(erf) = vpow2.f32 v60  }
0x181: {  	v45 =	vmul.f32 $1.442695020e+00, v46;
	v60 =	vld [tilespmem:s1+$0x5F60];
	v57 =	vpop (erf);
	(erf) = vpow2.f32 v61  }
0x182: {  	v61 =	vmul.f32 $1.442695020e+00, v47;
	v47 =	vpop (erf);
	(erf) = vpow2.f32 v62  }
0x183: {  	v62 =	vmul.f32 $1.442695020e+00, v48;
	v48 =	vpop (erf);
	(erf) = vpow2.f32 v45  }
0x184: {  	v58 =	vmul.f32 $1.442695020e+00, v49;
	v49 =	vpop (erf);
	(erf) = vpow2.f32 v61  }
0x185: {  	v59 =	vmul.f32 $1.442695020e+00, v50;
	v50 =	vpop (erf);
	(erf) = vpow2.f32 v62  }
0x186: {  	v60 =	vmul.f32 $1.442695020e+00, v60;
	v46 =	vpop (erf);
	(erf) = vpow2.f32 v58  }
0x187: {  	v45 =	vpop (erf);
	(erf) = vpow2.f32 v59  }
0x188: {  	v43 =	vpop (erf);
	(erf) = vpow2.f32 v60  }
0x189: {  	v44 =	vpop (erf)  }
0x18a: {  	v58 =	vpop (erf)  }
0x18b: {  	v59 =	vpop (erf)  }
0x18c: {  	v60 =	vpop (erf)  }
0x18d: {  	v8 =	vadd.f32 v25, v8;
	v25 =	vpop (erf)  }
0x18e: {  	v19 =	vadd.f32 v34, v19;
	v34 =	vpop (erf)  }
0x18f: {  	v61 =	vpop (erf)  }
0x190: {  	v62 =	vpop (erf)  }
0x191: {  	v16 =	vadd.f32 v29, v16;
	v0 =	vadd.f32 v42, v1;
	v29 =	vpop (erf)  }
0x192: {  	_ =	swait.ge [sflag:s17], $0x2700  }
0x193: {  	[sflag:s17] =	ssyncset.done $0x0;
	[tilespmem:$0x1FB80] =	vst v0;
	v0 =	vadd.f32 v51, v2  }
0x194: {  	s6 =	simm.s32 $0x0;
	[sflag:s17] =	ssyncadd.s32 $0xFFFFD900  }
0x195: {  	v1 =	vld [tilespmem:s6+$0x8670];
	[tilespmem:$0x1FB90] =	vst v0;
	v0 =	vadd.f32 v52, v3;
	_ =	sdelay $0x1  }
0x196: {  	[tilespmem:$0x1FBA0] =	vst v0;
	v0 =	vadd.f32 v53, v4;
	_ =	sdelay $0x1  }
0x197: {  	v2 =	vld [tilespmem:s6+$0x8500];
	[tilespmem:$0x1FBB0] =	vst v0;
	v0 =	vadd.f32 v54, v5;
	_ =	sdelay $0x1  }
0x198: {  	[tilespmem:$0x1FBC0] =	vst v0;
	v0 =	vadd.f32 v55, v6;
	_ =	sdelay $0x1  }
0x199: {  	v3 =	vld [tilespmem:s6+$0x8510];
	[tilespmem:$0x1FBD0] =	vst v0;
	v0 =	vadd.f32 v56, v7;
	_ =	sdelay $0x1  }
0x19a: {  	[tilespmem:$0x1FBE0] =	vst v0;
	v0 =	vadd.f32 v57, v8;
	_ =	sdelay $0x1  }
0x19b: {  	v20 =	vadd.f32 v35, v20;
	v4 =	vld [tilespmem:s6+$0x8520];
	[tilespmem:$0x1FBF0] =	vst v0;
	v0 =	vadd.f32 v47, v19;
	_ =	sdelay $0x1  }
0x19c: {  	v21 =	vadd.f32 v36, v21;
	[tilespmem:$0x1FC00] =	vst v0;
	v0 =	vadd.f32 v48, v20;
	_ =	sdelay $0x1  }
0x19d: {  	v12 =	vadd.f32 v37, v12;
	v5 =	vld [tilespmem:s6+$0x8530];
	[tilespmem:$0x1FC10] =	vst v0;
	v0 =	vadd.f32 v49, v21;
	_ =	sdelay $0x1  }
0x19e: {  	v22 =	vadd.f32 v38, v22;
	[tilespmem:$0x1FC20] =	vst v0;
	v0 =	vadd.f32 v50, v12;
	_ =	sdelay $0x1  }
0x19f: {  	v13 =	vadd.f32 v39, v13;
	v6 =	vld [tilespmem:s6+$0x8540];
	[tilespmem:$0x1FC30] =	vst v0;
	v0 =	vadd.f32 v46, v22;
	_ =	sdelay $0x1  }
0x1a0: {  	v14 =	vadd.f32 v40, v14;
	[tilespmem:$0x1FC40] =	vst v0;
	v0 =	vadd.f32 v45, v13;
	_ =	sdelay $0x1  }
0x1a1: {  	v15 =	vadd.f32 v33, v15;
	v7 =	vld [tilespmem:s6+$0x8550];
	[tilespmem:$0x1FC50] =	vst v0;
	v0 =	vadd.f32 v43, v14;
	_ =	sdelay $0x1  }
0x1a2: {  	v1 =	vmul.f32 $1.442695020e+00, v1;
	v8 =	vld [tilespmem:s6+$0x8560];
	[tilespmem:$0x1FC60] =	vst v0;
	v0 =	vadd.f32 v44, v15  }
0x1a3: {  	v9 =	vadd.f32 v30, v9;
	v2 =	vmul.f32 $1.442695020e+00, v2  }
0x1a4: {  	(erf) = vpow2.f32 v1;
	v1 =	vmul.f32 $1.442695020e+00, v4;
	v4 =	vld [tilespmem:s6+$0x8570];
	[tilespmem:$0x1FC70] =	vst v0;
	v0 =	vadd.f32 v58, v16  }
0x1a5: {  	v17 =	vadd.f32 v26, v17;
	(erf) = vpow2.f32 v2  }
0x1a6: {  	v3 =	vmul.f32 $1.442695020e+00, v3;
	v2 =	vmul.f32 $1.442695020e+00, v5;
	v5 =	vld [tilespmem:s6+$0x8580];
	[tilespmem:$0x1FC80] =	vst v0;
	v0 =	vadd.f32 v59, v9  }
0x1a7: {  	v10 =	vadd.f32 v27, v10  }
0x1a8: {  	(erf) = vpow2.f32 v3;
	v3 =	vmul.f32 $1.442695020e+00, v6;
	v6 =	vld [tilespmem:s6+$0x8590];
	[tilespmem:$0x1FC90] =	vst v0;
	v0 =	vadd.f32 v60, v17  }
0x1a9: {  	v11 =	vadd.f32 v28, v11  }
0x1aa: {  	(erf) = vpow2.f32 v1;
	v1 =	vmul.f32 $1.442695020e+00, v7;
	v7 =	vld [tilespmem:s6+$0x85A0];
	[tilespmem:$0x1FCA0] =	vst v0;
	v0 =	vadd.f32 v25, v10;
	_ =	sdelay $0x1  }
0x1ab: {  	v23 =	vadd.f32 v32, v23;
	[tilespmem:$0x1FCB0] =	vst v0;
	v0 =	vadd.f32 v34, v11;
	_ =	sdelay $0x1  }
0x1ac: {  	v24 =	vadd.f32 v31, v24;
	(erf) = vpow2.f32 v2;
	v2 =	vld [tilespmem:s6+$0x85B0];
	[tilespmem:$0x1FCC0] =	vst v0;
	v0 =	vadd.f32 v61, v23  }
0x1ad: {  	v18 =	vadd.f32 v41, v18;
	v19 =	vimm.f32 $0.0e+00;
	v20 =	vimm.f32 $0.0e+00  }
0x1ae: {  	(erf) = vpow2.f32 v3;
	v3 =	vmul.f32 $1.442695020e+00, v8;
	[tilespmem:$0x1FCD0] =	vst v0;
	v0 =	vadd.f32 v62, v24  }
0x1af: {  	v21 =	vimm.f32 $0.0e+00;
	(erf) = vpow2.f32 v1;
	v1 =	vmul.f32 $1.442695020e+00, v4  }
0x1b0: {  	v22 =	vimm.f32 $0.0e+00;
	v14 =	vimm.f32 $0.0e+00;
	v4 =	vld [tilespmem:s6+$0x85C0];
	[tilespmem:$0x1FCE0] =	vst v0;
	v0 =	vadd.f32 v29, v18  }
0x1b1: {  	v15 =	vimm.f32 $0.0e+00;
	(erf) = vpow2.f32 v3;
	v5 =	vmul.f32 $1.442695020e+00, v5  }
0x1b2: {  	v16 =	vimm.f32 $0.0e+00;
	(erf) = vpow2.f32 v1;
	v3 =	vmul.f32 $1.442695020e+00, v6;
	v9 =	vld [tilespmem:s6+$0x85D0];
	[tilespmem:$0x1FCF0] =	vst v0  }
0x1b3: {  	v8 =	vimm.f32 $0.0e+00;
	v17 =	vimm.f32 $0.0e+00;
	v1 =	vpop (erf);
	(erf) = vpow2.f32 v5;
	v6 =	vld [tilespmem:s6+$0x85E0]  }
0x1b4: {  	v1 =	vadd.f32 v1, v8;
	v7 =	vmul.f32 $1.442695020e+00, v7;
	v5 =	vmul.f32 $1.442695020e+00, v2;
	v10 =	vld [tilespmem:s6+$0x85F0]  }
0x1b5: {  	(erf) = vpow2.f32 v3;
	v23 =	vimm.f32 $0.0e+00;
	v24 =	vimm.f32 $0.0e+00;
	v2 =	vpop (erf);
	v11 =	vld [tilespmem:s6+$0x8600]  }
0x1b6: {  	v18 =	vimm.f32 $0.0e+00;
	v3 =	vpop (erf);
	(erf) = vpow2.f32 v7;
	v13 =	vld [tilespmem:s6+$0x8610];
	v12 =	vmul.f32 $1.442695020e+00, v4  }
0x1b7: {  	v2 =	vadd.f32 v2, v8;
	v3 =	vadd.f32 v3, v8;
	v4 =	vpop (erf);
	(erf) = vpow2.f32 v5  }
0x1b8: {  	v4 =	vadd.f32 v4, v8;
	v5 =	vpop (erf);
	v7 =	vmul.f32 $1.442695020e+00, v9;
	(erf) = vpow2.f32 v12  }
0x1b9: {  	v26 =	vld [tilespmem:s6+$0x8620];
	v5 =	vadd.f32 v5, v8;
	v9 =	vmul.f32 $1.442695020e+00, v6;
	v10 =	vmul.f32 $1.442695020e+00, v10  }
0x1ba: {  	v27 =	vld [tilespmem:s6+$0x8630];
	v12 =	vimm.f32 $0.0e+00;
	v6 =	vpop (erf);
	(erf) = vpow2.f32 v7;
	v32 =	vmul.f32 $1.442695020e+00, v11  }
0x1bb: {  	v28 =	vld [tilespmem:s6+$0x8640];
	v31 =	vmul.f32 $1.442695020e+00, v13;
	v13 =	vimm.f32 $0.0e+00;
	v11 =	vimm.f32 $0.0e+00  }
0x1bc: {  	v29 =	vld [tilespmem:s6+$0x8650];
	v6 =	vadd.f32 v6, v8;
	v7 =	vpop (erf);
	(erf) = vpow2.f32 v9;
	v9 =	vimm.f32 $0.0e+00  }
0x1bd: {  	s3 =	simm.s32 $0xC00;
	s1 =	simm.s32 $0x180;
	v30 =	vld [tilespmem:s6+$0x8660];
	v7 =	vadd.f32 v7, v8;
	(erf) = vpow2.f32 v10;
	v10 =	vimm.f32 $0.0e+00;
	v25 =	vpop (erf)  }
.LBB2_11:
0x1be: {  	p0 =	sne.s32 s3, $0x9600;
	v33 =	vld [tilespmem:s1+$0x8670];
	v8 =	vadd.f32 v25, v8;
	v25 =	vmul.f32 $1.442695020e+00, v26;
	v26 =	vpop (erf);
	(erf) = vpow2.f32 v32  }
0x1bf: {  	v32 =	vld [tilespmem:s1+$0x8500];
	v19 =	vadd.f32 v26, v19;
	v26 =	vmul.f32 $1.442695020e+00, v27;
	v27 =	vpop (erf);
	(erf) = vpow2.f32 v31  }
0x1c0: {  	v31 =	vld [tilespmem:s1+$0x8510];
	v20 =	vadd.f32 v27, v20;
	v27 =	vmul.f32 $1.442695020e+00, v28;
	v28 =	vpop (erf);
	(erf) = vpow2.f32 v25  }
0x1c1: {  	v25 =	vld [tilespmem:s1+$0x8520];
	v21 =	vadd.f32 v28, v21;
	v28 =	vmul.f32 $1.442695020e+00, v29;
	v29 =	vpop (erf);
	(erf) = vpow2.f32 v26  }
0x1c2: {  	v26 =	vld [tilespmem:s1+$0x8530];
	v12 =	vadd.f32 v29, v12;
	v29 =	vmul.f32 $1.442695020e+00, v30;
	v30 =	vpop (erf);
	(erf) = vpow2.f32 v27  }
0x1c3: {  	v27 =	vld [tilespmem:s1+$0x8540];
	v33 =	vmul.f32 $1.442695020e+00, v33;
	v22 =	vadd.f32 v30, v22;
	v30 =	vpop (erf);
	(erf) = vpow2.f32 v28  }
0x1c4: {  	v0 =	vmul.f32 $1.442695020e+00, v32;
	v32 =	vld [tilespmem:s1+$0x8550];
	v13 =	vadd.f32 v30, v13;
	v30 =	vpop (erf);
	(erf) = vpow2.f32 v29  }
0x1c5: {  	v29 =	vmul.f32 $1.442695020e+00, v31;
	v31 =	vld [tilespmem:s1+$0x8560];
	(erf) = vpow2.f32 v33;
	v14 =	vadd.f32 v30, v14;
	v30 =	vpop (erf)  }
0x1c6: {  	v34 =	vmul.f32 $1.442695020e+00, v25;
	v33 =	vld [tilespmem:s1+$0x8570];
	(erf) = vpow2.f32 v0;
	v15 =	vadd.f32 v30, v15;
	v28 =	vpop (erf)  }
0x1c7: {  	v26 =	vmul.f32 $1.442695020e+00, v26;
	v30 =	vld [tilespmem:s1+$0x8580];
	(erf) = vpow2.f32 v29;
	v16 =	vadd.f32 v28, v16;
	v28 =	vpop (erf)  }
0x1c8: {  	v27 =	vmul.f32 $1.442695020e+00, v27;
	v29 =	vld [tilespmem:s1+$0x8590];
	(erf) = vpow2.f32 v34;
	v9 =	vadd.f32 v28, v9;
	v25 =	vpop (erf)  }
0x1c9: {  	v28 =	vmul.f32 $1.442695020e+00, v32;
	v32 =	vld [tilespmem:s1+$0x85A0];
	(erf) = vpow2.f32 v26;
	v17 =	vadd.f32 v25, v17;
	v25 =	vpop (erf)  }
0x1ca: {  	v26 =	vmul.f32 $1.442695020e+00, v31;
	v31 =	vld [tilespmem:s1+$0x85B0];
	(erf) = vpow2.f32 v27;
	v10 =	vadd.f32 v25, v10;
	v25 =	vpop (erf)  }
0x1cb: {  	v27 =	vmul.f32 $1.442695020e+00, v33;
	v33 =	vld [tilespmem:s1+$0x85C0];
	(erf) = vpow2.f32 v28;
	v11 =	vadd.f32 v25, v11;
	v25 =	vpop (erf)  }
0x1cc: {  	v0 =	vmul.f32 $1.442695020e+00, v30;
	v30 =	vld [tilespmem:s1+$0x85D0];
	(erf) = vpow2.f32 v26;
	v23 =	vadd.f32 v25, v23;
	v25 =	vpop (erf)  }
0x1cd: {  	v34 =	vmul.f32 $1.442695020e+00, v29;
	v29 =	vld [tilespmem:s1+$0x85E0];
	(erf) = vpow2.f32 v27;
	v24 =	vadd.f32 v25, v24;
	v25 =	vpop (erf)  }
0x1ce: {  	v35 =	vmul.f32 $1.442695020e+00, v32;
	v32 =	vld [tilespmem:s1+$0x85F0];
	(erf) = vpow2.f32 v0;
	v28 =	vpop (erf);
	v18 =	vadd.f32 v25, v18  }
0x1cf: {  	v25 =	vmul.f32 $1.442695020e+00, v31;
	v31 =	vld [tilespmem:s1+$0x8600];
	v1 =	vadd.f32 v28, v1;
	v28 =	vpop (erf);
	(erf) = vpow2.f32 v34  }
0x1d0: {  	v2 =	vadd.f32 v28, v2;
	v28 =	vmul.f32 $1.442695020e+00, v33;
	v33 =	vld [tilespmem:s1+$0x8610];
	v26 =	vpop (erf);
	(erf) = vpow2.f32 v35  }
.Ltmp4:
0x1d1: {  	v3 =	vadd.f32 v26, v3;
	v0 =	vmul.f32 $1.442695020e+00, v30;
	v26 =	vld [tilespmem:s1+$0x8620];
	v27 =	vpop (erf);
	(erf) = vpow2.f32 v25;
	(pc) =	sbr.rel @p0 .LBB2_11-.Ltmp4, $4  }
0x1d2: {  	v4 =	vadd.f32 v27, v4;
	v35 =	vmul.f32 $1.442695020e+00, v29;
	v27 =	vld [tilespmem:s1+$0x8630];
	v29 =	vpop (erf);
	(erf) = vpow2.f32 v28  }
0x1d3: {  	v5 =	vadd.f32 v29, v5;
	v34 =	vmul.f32 $1.442695020e+00, v32;
	v28 =	vld [tilespmem:s1+$0x8640];
	v29 =	vpop (erf);
	(erf) = vpow2.f32 v0  }
0x1d4: {  	v6 =	vadd.f32 v29, v6;
	v32 =	vmul.f32 $1.442695020e+00, v31;
	v29 =	vld [tilespmem:s1+$0x8650];
	v30 =	vpop (erf);
	(erf) = vpow2.f32 v35  }
0x1d5: {  	v7 =	vadd.f32 v30, v7;
	v31 =	vmul.f32 $1.442695020e+00, v33;
	v30 =	vld [tilespmem:s1+$0x8660];
	s1 =	sshra.s32 s3, $0x2;
	s3 =	sadd.s32 $0x600, s3;
	v25 =	vpop (erf);
	(erf) = vpow2.f32 v34  }
0x1d6: {  	v33 =	vld [tilespmem:s1+$0x8670];
	v26 =	vmul.f32 $1.442695020e+00, v26  }
0x1d7: {  	v34 =	vpop (erf);
	(erf) = vpow2.f32 v32;
	v56 =	vld [tilespmem:s1+$0x8500];
	v27 =	vmul.f32 $1.442695020e+00, v27  }
0x1d8: {  	v35 =	vpop (erf);
	(erf) = vpow2.f32 v31;
	v31 =	vld [tilespmem:s1+$0x8510];
	v28 =	vmul.f32 $1.442695020e+00, v28  }
0x1d9: {  	v36 =	vpop (erf);
	(erf) = vpow2.f32 v26;
	v26 =	vld [tilespmem:s1+$0x8520];
	v29 =	vmul.f32 $1.442695020e+00, v29  }
0x1da: {  	v37 =	vpop (erf);
	(erf) = vpow2.f32 v27;
	v27 =	vld [tilespmem:s1+$0x8530];
	v30 =	vmul.f32 $1.442695020e+00, v30  }
0x1db: {  	v38 =	vpop (erf);
	(erf) = vpow2.f32 v28;
	v28 =	vld [tilespmem:s1+$0x8540];
	v33 =	vmul.f32 $1.442695020e+00, v33  }
0x1dc: {  	v57 =	vld [tilespmem:s1+$0x8550];
	v39 =	vpop (erf);
	(erf) = vpow2.f32 v29;
	v29 =	vmul.f32 $1.442695020e+00, v56  }
0x1dd: {  	v40 =	vpop (erf);
	(erf) = vpow2.f32 v30;
	v30 =	vmul.f32 $1.442695020e+00, v31;
	v31 =	vld [tilespmem:s1+$0x8560]  }
0x1de: {  	v41 =	vld [tilespmem:s1+$0x8570];
	v26 =	vmul.f32 $1.442695020e+00, v26  }
0x1df: {  	v42 =	vld [tilespmem:s1+$0x8580];
	(erf) = vpow2.f32 v33;
	v27 =	vmul.f32 $1.442695020e+00, v27;
	v33 =	vpop (erf)  }
0x1e0: {  	(erf) = vpow2.f32 v29;
	v28 =	vmul.f32 $1.442695020e+00, v28;
	v29 =	vpop (erf)  }
0x1e1: {  	v32 =	vmul.f32 $1.442695020e+00, v57;
	(erf) = vpow2.f32 v30;
	v30 =	vpop (erf)  }
0x1e2: {  	v43 =	vld [tilespmem:s1+$0x8590];
	(erf) = vpow2.f32 v26;
	v31 =	vmul.f32 $1.442695020e+00, v31;
	v26 =	vpop (erf)  }
0x1e3: {  	v44 =	vld [tilespmem:s1+$0x85A0];
	v41 =	vmul.f32 $1.442695020e+00, v41;
	(erf) = vpow2.f32 v27;
	v27 =	vpop (erf)  }
0x1e4: {  	v45 =	vld [tilespmem:s1+$0x85B0];
	v42 =	vmul.f32 $1.442695020e+00, v42;
	(erf) = vpow2.f32 v28;
	v28 =	vpop (erf)  }
0x1e5: {  	v46 =	vld [tilespmem:s1+$0x85C0];
	(erf) = vpow2.f32 v32;
	v32 =	vpop (erf)  }
0x1e6: {  	v47 =	vld [tilespmem:s1+$0x85D0];
	(erf) = vpow2.f32 v31;
	v31 =	vpop (erf)  }
0x1e7: {  	v48 =	vld [tilespmem:s1+$0x85E0];
	v43 =	vmul.f32 $1.442695020e+00, v43;
	(erf) = vpow2.f32 v41;
	v41 =	vpop (erf)  }
0x1e8: {  	v49 =	vld [tilespmem:s1+$0x85F0];
	v44 =	vmul.f32 $1.442695020e+00, v44;
	(erf) = vpow2.f32 v42;
	v42 =	vpop (erf)  }
0x1e9: {  	v50 =	vld [tilespmem:s1+$0x8600];
	v45 =	vmul.f32 $1.442695020e+00, v45;
	v51 =	vpop (erf);
	(erf) = vpow2.f32 v43  }
0x1ea: {  	v58 =	vmul.f32 $1.442695020e+00, v46;
	v46 =	vld [tilespmem:s1+$0x8610];
	v52 =	vpop (erf);
	(erf) = vpow2.f32 v44  }
0x1eb: {  	v59 =	vmul.f32 $1.442695020e+00, v47;
	v47 =	vld [tilespmem:s1+$0x8620];
	v53 =	vpop (erf);
	(erf) = vpow2.f32 v45  }
0x1ec: {  	v60 =	vmul.f32 $1.442695020e+00, v48;
	v48 =	vld [tilespmem:s1+$0x8630];
	v54 =	vpop (erf);
	(erf) = vpow2.f32 v58  }
0x1ed: {  	v61 =	vmul.f32 $1.442695020e+00, v49;
	v49 =	vld [tilespmem:s1+$0x8640];
	v55 =	vpop (erf);
	(erf) = vpow2.f32 v59  }
0x1ee: {  	v62 =	vmul.f32 $1.442695020e+00, v50;
	v50 =	vld [tilespmem:s1+$0x8650];
	v56 =	vpop (erf);
	(erf) = vpow2.f32 v60  }
0x1ef: {  	v45 =	vmul.f32 $1.442695020e+00, v46;
	v60 =	vld [tilespmem:s1+$0x8660];
	v57 =	vpop (erf);
	(erf) = vpow2.f32 v61  }
0x1f0: {  	v61 =	vmul.f32 $1.442695020e+00, v47;
	v47 =	vpop (erf);
	(erf) = vpow2.f32 v62  }
0x1f1: {  	v62 =	vmul.f32 $1.442695020e+00, v48;
	v48 =	vpop (erf);
	(erf) = vpow2.f32 v45  }
0x1f2: {  	v58 =	vmul.f32 $1.442695020e+00, v49;
	v49 =	vpop (erf);
	(erf) = vpow2.f32 v61  }
0x1f3: {  	v59 =	vmul.f32 $1.442695020e+00, v50;
	v50 =	vpop (erf);
	(erf) = vpow2.f32 v62  }
0x1f4: {  	v60 =	vmul.f32 $1.442695020e+00, v60;
	v46 =	vpop (erf);
	(erf) = vpow2.f32 v58  }
0x1f5: {  	v45 =	vpop (erf);
	(erf) = vpow2.f32 v59  }
0x1f6: {  	v43 =	vpop (erf);
	(erf) = vpow2.f32 v60  }
0x1f7: {  	v44 =	vpop (erf)  }
0x1f8: {  	v58 =	vpop (erf)  }
0x1f9: {  	v59 =	vpop (erf)  }
0x1fa: {  	v60 =	vpop (erf)  }
0x1fb: {  	v8 =	vadd.f32 v25, v8;
	v25 =	vpop (erf)  }
0x1fc: {  	v19 =	vadd.f32 v34, v19;
	v34 =	vpop (erf)  }
0x1fd: {  	v61 =	vpop (erf)  }
0x1fe: {  	v62 =	vpop (erf)  }
0x1ff: {  	v16 =	vadd.f32 v29, v16;
	v0 =	vadd.f32 v42, v1;
	v29 =	vpop (erf)  }
0x200: {  	_ =	swait.ge [sflag:s18], $0x2700  }
0x201: {  	[sflag:s18] =	ssyncset.done $0x0;
	[tilespmem:$0x1FA00] =	vst v0;
	v0 =	vadd.f32 v51, v2  }
0x202: {  	s6 =	simm.s32 $0x0;
	[sflag:s18] =	ssyncadd.s32 $0xFFFFD900  }
0x203: {  	v1 =	vld [tilespmem:s6+$0xAD70];
	[tilespmem:$0x1FA10] =	vst v0;
	v0 =	vadd.f32 v52, v3;
	_ =	sdelay $0x1  }
0x204: {  	[tilespmem:$0x1FA20] =	vst v0;
	v0 =	vadd.f32 v53, v4;
	_ =	sdelay $0x1  }
0x205: {  	v2 =	vld [tilespmem:s6+$0xAC00];
	[tilespmem:$0x1FA30] =	vst v0;
	v0 =	vadd.f32 v54, v5;
	_ =	sdelay $0x1  }
0x206: {  	[tilespmem:$0x1FA40] =	vst v0;
	v0 =	vadd.f32 v55, v6;
	_ =	sdelay $0x1  }
0x207: {  	v3 =	vld [tilespmem:s6+$0xAC10];
	[tilespmem:$0x1FA50] =	vst v0;
	v0 =	vadd.f32 v56, v7;
	_ =	sdelay $0x1  }
0x208: {  	[tilespmem:$0x1FA60] =	vst v0;
	v0 =	vadd.f32 v57, v8;
	_ =	sdelay $0x1  }
0x209: {  	v20 =	vadd.f32 v35, v20;
	v4 =	vld [tilespmem:s6+$0xAC20];
	[tilespmem:$0x1FA70] =	vst v0;
	v0 =	vadd.f32 v47, v19;
	_ =	sdelay $0x1  }
0x20a: {  	v21 =	vadd.f32 v36, v21;
	[tilespmem:$0x1FA80] =	vst v0;
	v0 =	vadd.f32 v48, v20;
	_ =	sdelay $0x1  }
0x20b: {  	v12 =	vadd.f32 v37, v12;
	v5 =	vld [tilespmem:s6+$0xAC30];
	[tilespmem:$0x1FA90] =	vst v0;
	v0 =	vadd.f32 v49, v21;
	_ =	sdelay $0x1  }
0x20c: {  	v22 =	vadd.f32 v38, v22;
	[tilespmem:$0x1FAA0] =	vst v0;
	v0 =	vadd.f32 v50, v12;
	_ =	sdelay $0x1  }
0x20d: {  	v13 =	vadd.f32 v39, v13;
	v6 =	vld [tilespmem:s6+$0xAC40];
	[tilespmem:$0x1FAB0] =	vst v0;
	v0 =	vadd.f32 v46, v22;
	_ =	sdelay $0x1  }
0x20e: {  	v14 =	vadd.f32 v40, v14;
	[tilespmem:$0x1FAC0] =	vst v0;
	v0 =	vadd.f32 v45, v13;
	_ =	sdelay $0x1  }
0x20f: {  	v15 =	vadd.f32 v33, v15;
	v7 =	vld [tilespmem:s6+$0xAC50];
	[tilespmem:$0x1FAD0] =	vst v0;
	v0 =	vadd.f32 v43, v14;
	_ =	sdelay $0x1  }
0x210: {  	v1 =	vmul.f32 $1.442695020e+00, v1;
	v8 =	vld [tilespmem:s6+$0xAC60];
	[tilespmem:$0x1FAE0] =	vst v0;
	v0 =	vadd.f32 v44, v15  }
0x211: {  	v9 =	vadd.f32 v30, v9;
	v2 =	vmul.f32 $1.442695020e+00, v2  }
0x212: {  	(erf) = vpow2.f32 v1;
	v1 =	vmul.f32 $1.442695020e+00, v4;
	v4 =	vld [tilespmem:s6+$0xAC70];
	[tilespmem:$0x1FAF0] =	vst v0;
	v0 =	vadd.f32 v58, v16  }
0x213: {  	v17 =	vadd.f32 v26, v17;
	(erf) = vpow2.f32 v2  }
0x214: {  	v3 =	vmul.f32 $1.442695020e+00, v3;
	v2 =	vmul.f32 $1.442695020e+00, v5;
	v5 =	vld [tilespmem:s6+$0xAC80];
	[tilespmem:$0x1FB00] =	vst v0;
	v0 =	vadd.f32 v59, v9  }
0x215: {  	v10 =	vadd.f32 v27, v10  }
0x216: {  	(erf) = vpow2.f32 v3;
	v3 =	vmul.f32 $1.442695020e+00, v6;
	v6 =	vld [tilespmem:s6+$0xAC90];
	[tilespmem:$0x1FB10] =	vst v0;
	v0 =	vadd.f32 v60, v17  }
0x217: {  	v11 =	vadd.f32 v28, v11  }
0x218: {  	(erf) = vpow2.f32 v1;
	v1 =	vmul.f32 $1.442695020e+00, v7;
	v7 =	vld [tilespmem:s6+$0xACA0];
	[tilespmem:$0x1FB20] =	vst v0;
	v0 =	vadd.f32 v25, v10;
	_ =	sdelay $0x1  }
0x219: {  	v23 =	vadd.f32 v32, v23;
	[tilespmem:$0x1FB30] =	vst v0;
	v0 =	vadd.f32 v34, v11;
	_ =	sdelay $0x1  }
0x21a: {  	v24 =	vadd.f32 v31, v24;
	(erf) = vpow2.f32 v2;
	v2 =	vld [tilespmem:s6+$0xACB0];
	[tilespmem:$0x1FB40] =	vst v0;
	v0 =	vadd.f32 v61, v23  }
0x21b: {  	v18 =	vadd.f32 v41, v18;
	v19 =	vimm.f32 $0.0e+00;
	v20 =	vimm.f32 $0.0e+00  }
0x21c: {  	(erf) = vpow2.f32 v3;
	v3 =	vmul.f32 $1.442695020e+00, v8;
	[tilespmem:$0x1FB50] =	vst v0;
	v0 =	vadd.f32 v62, v24  }
0x21d: {  	v21 =	vimm.f32 $0.0e+00;
	(erf) = vpow2.f32 v1;
	v1 =	vmul.f32 $1.442695020e+00, v4  }
0x21e: {  	v22 =	vimm.f32 $0.0e+00;
	v14 =	vimm.f32 $0.0e+00;
	v4 =	vld [tilespmem:s6+$0xACC0];
	[tilespmem:$0x1FB60] =	vst v0;
	v0 =	vadd.f32 v29, v18  }
0x21f: {  	v15 =	vimm.f32 $0.0e+00;
	(erf) = vpow2.f32 v3;
	v5 =	vmul.f32 $1.442695020e+00, v5  }
0x220: {  	v16 =	vimm.f32 $0.0e+00;
	(erf) = vpow2.f32 v1;
	v3 =	vmul.f32 $1.442695020e+00, v6;
	v9 =	vld [tilespmem:s6+$0xACD0];
	[tilespmem:$0x1FB70] =	vst v0  }
0x221: {  	v8 =	vimm.f32 $0.0e+00;
	v17 =	vimm.f32 $0.0e+00;
	v1 =	vpop (erf);
	(erf) = vpow2.f32 v5;
	v6 =	vld [tilespmem:s6+$0xACE0]  }
0x222: {  	v1 =	vadd.f32 v1, v8;
	v7 =	vmul.f32 $1.442695020e+00, v7;
	v5 =	vmul.f32 $1.442695020e+00, v2;
	v10 =	vld [tilespmem:s6+$0xACF0]  }
0x223: {  	(erf) = vpow2.f32 v3;
	v23 =	vimm.f32 $0.0e+00;
	v24 =	vimm.f32 $0.0e+00;
	v2 =	vpop (erf);
	v11 =	vld [tilespmem:s6+$0xAD00]  }
0x224: {  	v18 =	vimm.f32 $0.0e+00;
	v3 =	vpop (erf);
	(erf) = vpow2.f32 v7;
	v13 =	vld [tilespmem:s6+$0xAD10];
	v12 =	vmul.f32 $1.442695020e+00, v4  }
0x225: {  	v2 =	vadd.f32 v2, v8;
	v3 =	vadd.f32 v3, v8;
	v4 =	vpop (erf);
	(erf) = vpow2.f32 v5  }
0x226: {  	v4 =	vadd.f32 v4, v8;
	v5 =	vpop (erf);
	v7 =	vmul.f32 $1.442695020e+00, v9;
	(erf) = vpow2.f32 v12  }
0x227: {  	v26 =	vld [tilespmem:s6+$0xAD20];
	v5 =	vadd.f32 v5, v8;
	v9 =	vmul.f32 $1.442695020e+00, v6;
	v10 =	vmul.f32 $1.442695020e+00, v10  }
0x228: {  	v27 =	vld [tilespmem:s6+$0xAD30];
	v12 =	vimm.f32 $0.0e+00;
	v6 =	vpop (erf);
	(erf) = vpow2.f32 v7;
	v32 =	vmul.f32 $1.442695020e+00, v11  }
0x229: {  	v28 =	vld [tilespmem:s6+$0xAD40];
	v31 =	vmul.f32 $1.442695020e+00, v13;
	v13 =	vimm.f32 $0.0e+00;
	v11 =	vimm.f32 $0.0e+00  }
0x22a: {  	v29 =	vld [tilespmem:s6+$0xAD50];
	v6 =	vadd.f32 v6, v8;
	v7 =	vpop (erf);
	(erf) = vpow2.f32 v9;
	v9 =	vimm.f32 $0.0e+00  }
0x22b: {  	s3 =	simm.s32 $0xC00;
	s1 =	simm.s32 $0x180;
	v30 =	vld [tilespmem:s6+$0xAD60];
	v7 =	vadd.f32 v7, v8;
	(erf) = vpow2.f32 v10;
	v10 =	vimm.f32 $0.0e+00;
	v25 =	vpop (erf)  }
.LBB2_13:
0x22c: {  	p0 =	sne.s32 s3, $0x9600;
	v33 =	vld [tilespmem:s1+$0xAD70];
	v8 =	vadd.f32 v25, v8;
	v25 =	vmul.f32 $1.442695020e+00, v26;
	v26 =	vpop (erf);
	(erf) = vpow2.f32 v32  }
0x22d: {  	v32 =	vld [tilespmem:s1+$0xAC00];
	v16 =	vadd.f32 v26, v16;
	v26 =	vmul.f32 $1.442695020e+00, v27;
	v27 =	vpop (erf);
	(erf) = vpow2.f32 v31  }
0x22e: {  	v31 =	vld [tilespmem:s1+$0xAC10];
	v18 =	vadd.f32 v27, v18;
	v27 =	vmul.f32 $1.442695020e+00, v28;
	v28 =	vpop (erf);
	(erf) = vpow2.f32 v25  }
0x22f: {  	v25 =	vld [tilespmem:s1+$0xAC20];
	v19 =	vadd.f32 v28, v19;
	v28 =	vmul.f32 $1.442695020e+00, v29;
	v29 =	vpop (erf);
	(erf) = vpow2.f32 v26  }
0x230: {  	v26 =	vld [tilespmem:s1+$0xAC30];
	v20 =	vadd.f32 v29, v20;
	v29 =	vmul.f32 $1.442695020e+00, v30;
	v30 =	vpop (erf);
	(erf) = vpow2.f32 v27  }
0x231: {  	v27 =	vld [tilespmem:s1+$0xAC40];
	v33 =	vmul.f32 $1.442695020e+00, v33;
	v21 =	vadd.f32 v30, v21;
	v30 =	vpop (erf);
	(erf) = vpow2.f32 v28  }
0x232: {  	v0 =	vmul.f32 $1.442695020e+00, v32;
	v32 =	vld [tilespmem:s1+$0xAC50];
	v22 =	vadd.f32 v30, v22;
	v30 =	vpop (erf);
	(erf) = vpow2.f32 v29  }
0x233: {  	v29 =	vmul.f32 $1.442695020e+00, v31;
	v31 =	vld [tilespmem:s1+$0xAC60];
	(erf) = vpow2.f32 v33;
	v17 =	vadd.f32 v30, v17;
	v30 =	vpop (erf)  }
0x234: {  	v34 =	vmul.f32 $1.442695020e+00, v25;
	v33 =	vld [tilespmem:s1+$0xAC70];
	(erf) = vpow2.f32 v0;
	v23 =	vadd.f32 v30, v23;
	v28 =	vpop (erf)  }
0x235: {  	v26 =	vmul.f32 $1.442695020e+00, v26;
	v30 =	vld [tilespmem:s1+$0xAC80];
	(erf) = vpow2.f32 v29;
	v12 =	vadd.f32 v28, v12;
	v28 =	vpop (erf)  }
0x236: {  	v27 =	vmul.f32 $1.442695020e+00, v27;
	v29 =	vld [tilespmem:s1+$0xAC90];
	(erf) = vpow2.f32 v34;
	v13 =	vadd.f32 v28, v13;
	v25 =	vpop (erf)  }
0x237: {  	v28 =	vmul.f32 $1.442695020e+00, v32;
	v32 =	vld [tilespmem:s1+$0xACA0];
	(erf) = vpow2.f32 v26;
	v10 =	vadd.f32 v25, v10;
	v25 =	vpop (erf)  }
0x238: {  	v26 =	vmul.f32 $1.442695020e+00, v31;
	v31 =	vld [tilespmem:s1+$0xACB0];
	(erf) = vpow2.f32 v27;
	v11 =	vadd.f32 v25, v11;
	v25 =	vpop (erf)  }
0x239: {  	v27 =	vmul.f32 $1.442695020e+00, v33;
	v33 =	vld [tilespmem:s1+$0xACC0];
	(erf) = vpow2.f32 v28;
	v9 =	vadd.f32 v25, v9;
	v25 =	vpop (erf)  }
0x23a: {  	v0 =	vmul.f32 $1.442695020e+00, v30;
	v30 =	vld [tilespmem:s1+$0xACD0];
	(erf) = vpow2.f32 v26;
	v24 =	vadd.f32 v25, v24;
	v25 =	vpop (erf)  }
0x23b: {  	v34 =	vmul.f32 $1.442695020e+00, v29;
	v29 =	vld [tilespmem:s1+$0xACE0];
	(erf) = vpow2.f32 v27;
	v14 =	vadd.f32 v25, v14;
	v25 =	vpop (erf)  }
0x23c: {  	v35 =	vmul.f32 $1.442695020e+00, v32;
	v32 =	vld [tilespmem:s1+$0xACF0];
	(erf) = vpow2.f32 v0;
	v28 =	vpop (erf);
	v15 =	vadd.f32 v25, v15  }
0x23d: {  	v25 =	vmul.f32 $1.442695020e+00, v31;
	v31 =	vld [tilespmem:s1+$0xAD00];
	v1 =	vadd.f32 v28, v1;
	v28 =	vpop (erf);
	(erf) = vpow2.f32 v34  }
0x23e: {  	v2 =	vadd.f32 v28, v2;
	v28 =	vmul.f32 $1.442695020e+00, v33;
	v33 =	vld [tilespmem:s1+$0xAD10];
	v26 =	vpop (erf);
	(erf) = vpow2.f32 v35  }
.Ltmp5:
0x23f: {  	v3 =	vadd.f32 v26, v3;
	v0 =	vmul.f32 $1.442695020e+00, v30;
	v26 =	vld [tilespmem:s1+$0xAD20];
	v27 =	vpop (erf);
	(erf) = vpow2.f32 v25;
	(pc) =	sbr.rel @p0 .LBB2_13-.Ltmp5, $4  }
0x240: {  	v4 =	vadd.f32 v27, v4;
	v35 =	vmul.f32 $1.442695020e+00, v29;
	v27 =	vld [tilespmem:s1+$0xAD30];
	v29 =	vpop (erf);
	(erf) = vpow2.f32 v28  }
0x241: {  	v5 =	vadd.f32 v29, v5;
	v34 =	vmul.f32 $1.442695020e+00, v32;
	v28 =	vld [tilespmem:s1+$0xAD40];
	v29 =	vpop (erf);
	(erf) = vpow2.f32 v0  }
0x242: {  	v6 =	vadd.f32 v29, v6;
	v32 =	vmul.f32 $1.442695020e+00, v31;
	v29 =	vld [tilespmem:s1+$0xAD50];
	v30 =	vpop (erf);
	(erf) = vpow2.f32 v35  }
0x243: {  	v7 =	vadd.f32 v30, v7;
	v31 =	vmul.f32 $1.442695020e+00, v33;
	v30 =	vld [tilespmem:s1+$0xAD60];
	s1 =	sshra.s32 s3, $0x2;
	s3 =	sadd.s32 $0x600, s3;
	v25 =	vpop (erf);
	(erf) = vpow2.f32 v34  }
0x244: {  	v0 =	vpop (erf)  }
0x245: {  	v33 =	vld [tilespmem:s1+$0xAD70];
	v34 =	vmul.f32 $1.442695020e+00, v26;
	(erf) = vpow2.f32 v32;
	[tilespmem:$0x1F840] =	vst v0;
	v0 =	vpop (erf)  }
0x246: {  	v27 =	vmul.f32 $1.442695020e+00, v27;
	(erf) = vpow2.f32 v31;
	v50 =	vld [tilespmem:s1+$0xAC00];
	[tilespmem:$0x1F850] =	vst v0;
	v0 =	vpop (erf)  }
0x247: {  	v28 =	vmul.f32 $1.442695020e+00, v28;
	(erf) = vpow2.f32 v34;
	v51 =	vld [tilespmem:s1+$0xAC10];
	[tilespmem:$0x1F860] =	vst v0;
	v0 =	vpop (erf)  }
0x248: {  	v29 =	vmul.f32 $1.442695020e+00, v29;
	(erf) = vpow2.f32 v27;
	v52 =	vld [tilespmem:s1+$0xAC20];
	[tilespmem:$0x1F870] =	vst v0  }
0x249: {  	v30 =	vmul.f32 $1.442695020e+00, v30;
	v38 =	vpop (erf);
	(erf) = vpow2.f32 v28;
	v53 =	vld [tilespmem:s1+$0xAC30]  }
0x24a: {  	v54 =	vld [tilespmem:s1+$0xAC40];
	v33 =	vmul.f32 $1.442695020e+00, v33;
	v39 =	vpop (erf);
	(erf) = vpow2.f32 v29  }
0x24b: {  	v56 =	vld [tilespmem:s1+$0xAC50];
	v40 =	vpop (erf);
	(erf) = vpow2.f32 v30  }
0x24c: {  	v58 =	vld [tilespmem:s1+$0xAC60];
	v55 =	vmul.f32 $1.442695020e+00, v50;
	(erf) = vpow2.f32 v33  }
0x24d: {  	v41 =	vld [tilespmem:s1+$0xAC70];
	v57 =	vmul.f32 $1.442695020e+00, v51;
	v34 =	vmul.f32 $1.442695020e+00, v52  }
0x24e: {  	v42 =	vld [tilespmem:s1+$0xAC80];
	v36 =	vpop (erf);
	(erf) = vpow2.f32 v55  }
0x24f: {  	v35 =	vpop (erf);
	v27 =	vmul.f32 $1.442695020e+00, v53;
	(erf) = vpow2.f32 v57  }
0x250: {  	v33 =	vpop (erf);
	v28 =	vmul.f32 $1.442695020e+00, v54;
	v32 =	vmul.f32 $1.442695020e+00, v56  }
0x251: {  	v43 =	vld [tilespmem:s1+$0xAC90];
	v31 =	vmul.f32 $1.442695020e+00, v58;
	(erf) = vpow2.f32 v34;
	v34 =	vpop (erf)  }
0x252: {  	v44 =	vld [tilespmem:s1+$0xACA0];
	v41 =	vmul.f32 $1.442695020e+00, v41;
	(erf) = vpow2.f32 v27;
	v30 =	vpop (erf)  }
0x253: {  	v45 =	vld [tilespmem:s1+$0xACB0];
	v42 =	vmul.f32 $1.442695020e+00, v42;
	(erf) = vpow2.f32 v28;
	v29 =	vpop (erf)  }
0x254: {  	v46 =	vld [tilespmem:s1+$0xACC0];
	(erf) = vpow2.f32 v32;
	v32 =	vpop (erf)  }
0x255: {  	v47 =	vld [tilespmem:s1+$0xACD0];
	(erf) = vpow2.f32 v31;
	v31 =	vpop (erf)  }
0x256: {  	v48 =	vld [tilespmem:s1+$0xACE0];
	v43 =	vmul.f32 $1.442695020e+00, v43;
	(erf) = vpow2.f32 v41;
	v41 =	vpop (erf)  }
0x257: {  	v49 =	vld [tilespmem:s1+$0xACF0];
	v44 =	vmul.f32 $1.442695020e+00, v44;
	(erf) = vpow2.f32 v42;
	v42 =	vpop (erf)  }
0x258: {  	v50 =	vld [tilespmem:s1+$0xAD00];
	v45 =	vmul.f32 $1.442695020e+00, v45;
	v51 =	vpop (erf);
	(erf) = vpow2.f32 v43  }
0x259: {  	v60 =	vld [tilespmem:s1+$0xAD10];
	v59 =	vmul.f32 $1.442695020e+00, v46;
	v52 =	vpop (erf);
	(erf) = vpow2.f32 v44  }
0x25a: {  	v61 =	vmul.f32 $1.442695020e+00, v47;
	v47 =	vld [tilespmem:s1+$0xAD20];
	v53 =	vpop (erf);
	(erf) = vpow2.f32 v45  }
0x25b: {  	v62 =	vmul.f32 $1.442695020e+00, v48;
	v48 =	vld [tilespmem:s1+$0xAD30];
	v54 =	vpop (erf);
	(erf) = vpow2.f32 v59  }
0x25c: {  	v26 =	vmul.f32 $1.442695020e+00, v49;
	v27 =	vld [tilespmem:s1+$0xAD40];
	v55 =	vpop (erf);
	(erf) = vpow2.f32 v61  }
0x25d: {  	v37 =	vld [tilespmem:s1+$0xAD50];
	v28 =	vmul.f32 $1.442695020e+00, v50;
	v56 =	vpop (erf);
	(erf) = vpow2.f32 v62  }
0x25e: {  	v60 =	vmul.f32 $1.442695020e+00, v60;
	v61 =	vld [tilespmem:s1+$0xAD60];
	v57 =	vpop (erf);
	(erf) = vpow2.f32 v26  }
0x25f: {  	v62 =	vmul.f32 $1.442695020e+00, v47;
	v47 =	vpop (erf);
	(erf) = vpow2.f32 v28  }
0x260: {  	v26 =	vmul.f32 $1.442695020e+00, v48;
	v48 =	vpop (erf);
	(erf) = vpow2.f32 v60  }
0x261: {  	v27 =	vmul.f32 $1.442695020e+00, v27;
	v49 =	vpop (erf);
	(erf) = vpow2.f32 v62  }
0x262: {  	v28 =	vmul.f32 $1.442695020e+00, v37;
	v50 =	vpop (erf);
	(erf) = vpow2.f32 v26  }
0x263: {  	v37 =	vmul.f32 $1.442695020e+00, v61;
	v46 =	vpop (erf);
	(erf) = vpow2.f32 v27  }
0x264: {  	v45 =	vpop (erf);
	(erf) = vpow2.f32 v28  }
0x265: {  	v43 =	vpop (erf);
	(erf) = vpow2.f32 v37  }
0x266: {  	v44 =	vpop (erf)  }
0x267: {  	v58 =	vpop (erf)  }
0x268: {  	v59 =	vpop (erf)  }
0x269: {  	v60 =	vpop (erf)  }
0x26a: {  	v61 =	vpop (erf)  }
0x26b: {  	v62 =	vpop (erf)  }
0x26c: {  	v26 =	vpop (erf)  }
0x26d: {  	v27 =	vpop (erf)  }
0x26e: {  	v28 =	vpop (erf)  }
0x26f: {  	_ =	swait.ge [sflag:s19], $0x1000  }
0x270: {  	v37 =	vld [tilespmem:$0x1F840];
	_ =	sdelay $0x4  }
0x271: {  	v16 =	vadd.f32 v37, v16;
	v37 =	vld [tilespmem:$0x1F850];
	_ =	sdelay $0x4  }
0x272: {  	[sflag:s19] =	ssyncset.done $0x0;
	v18 =	vadd.f32 v37, v18;
	v37 =	vld [tilespmem:$0x1F860]  }
0x273: {  	s26 =	simm.s32 $0x40;
	[sflag:s19] =	ssyncadd.s32 $0xFFFFF000  }
0x274: {  	v0 =	vld [tilespmem:s26+$0x30]  }
0x275: {  	v8 =	vadd.f32 v25, v8;
	v25 =	vld [tilespmem:s26+$0xFFFFFFD0]  }
0x276: {  	v21 =	vadd.f32 v38, v21;
	v38 =	vld [tilespmem:s26+$0xFFFFFFF0]  }
0x277: {  	v19 =	vadd.f32 v37, v19;
	v37 =	vld [tilespmem:$0x1F870]  }
0x278: {  	v23 =	vadd.f32 v36, v23;
	v36 =	vld [tilespmem:s26+$0x0]  }
0x279: {  	v13 =	vadd.f32 v33, v13;
	v33 =	vld [tilespmem:s26+$0x10]  }
0x27a: {  	v22 =	vadd.f32 v39, v22;
	v1 =	vadd.f32 v42, v1;
	v39 =	vld [tilespmem:s26+$0xFFFFFFC0]  }
0x27b: {  	v17 =	vadd.f32 v40, v17;
	v40 =	vld [tilespmem:s26+$0x20]  }
0x27c: {  	v20 =	vadd.f32 v37, v20;
	v37 =	vld [tilespmem:s26+$0xFFFFFFE0];
	[tilespmem:$0x1F880] =	vst v1;
	v1 =	vadd.f32 v51, v2;
	_ =	sdelay $0x1  }
0x27d: {  	vm3 =	vlt.s32 v0, $0xC300;
	[tilespmem:$0x1F890] =	vst v1;
	v1 =	vadd.f32 v52, v3;
	_ =	sdelay $0x1  }
0x27e: {  	[tilespmem:$0x1F8A0] =	vst v1;
	v1 =	vadd.f32 v53, v4  }
0x27f: {  	vm2 =	vlt.s32 v25, $0xC300  }
0x280: {  	[tilespmem:$0x1F8B0] =	vst v1;
	v1 =	vadd.f32 v54, v5;
	_ =	sdelay $0x1  }
0x281: {  	v0 =	vld.idx.msk [tilespmem:v0+s11+$0x0], vm3;
	[tilespmem:$0x1F8C0] =	vst v1;
	v1 =	vadd.f32 v55, v6  }
0x282: {  	v2 =	vadd.f32 v56, v7  }
0x283: {  	[tilespmem:$0x1F8D0] =	vst v1  }
0x284: {  	v1 =	vld.idx.msk [tilespmem:v25+s11+$0x0], vm2;
	[tilespmem:$0x1F8E0] =	vst v2;
	v2 =	vadd.f32 v57, v8  }
0x285: {  	v3 =	vadd.f32 v47, v16;
	vm5 =	vlt.s32 v37, $0xC300  }
0x286: {  	s6 =	simm.s32 $0x19740;
	[tilespmem:$0x1F8F0] =	vst v2  }
0x287: {  	v2 =	vld [tilespmem:s6+$0x30];
	[tilespmem:$0x1F900] =	vst v3;
	v3 =	vadd.f32 v48, v18;
	_ =	sdelay $0x1  }
0x288: {  	vm4 =	vlt.s32 v38, $0xC300;
	[tilespmem:$0x1F910] =	vst v3;
	v3 =	vadd.f32 v49, v19;
	_ =	sdelay $0x1  }
0x289: {  	v4 =	vld.idx.msk [tilespmem:v37+s11+$0x0], vm5;
	[tilespmem:$0x1F920] =	vst v3;
	v3 =	vadd.f32 v50, v20;
	_ =	sdelay $0x1  }
0x28a: {  	vm6 =	vlt.s32 v36, $0xC300;
	[tilespmem:$0x1F930] =	vst v3;
	v3 =	vadd.f32 v46, v21;
	_ =	sdelay $0x1  }
0x28b: {  	v6 =	vld.idx.msk [tilespmem:v38+s11+$0x0], vm4;
	[tilespmem:$0x1F940] =	vst v3;
	v3 =	vadd.f32 v45, v22;
	_ =	sdelay $0x1  }
0x28c: {  	vm7 =	vlt.s32 v33, $0xC300;
	[tilespmem:$0x1F950] =	vst v3;
	v3 =	vadd.f32 v43, v17;
	_ =	sdelay $0x1  }
0x28d: {  	v12 =	vadd.f32 v35, v12;
	v56 =	vld.idx.msk [tilespmem:v36+s11+$0x0], vm6;
	[tilespmem:$0x1F960] =	vst v3;
	v3 =	vadd.f32 v44, v23;
	_ =	sdelay $0x1  }
0x28e: {  	vm1 =	vlt.s32 v39, $0xC300;
	[tilespmem:$0x1F970] =	vst v3;
	v3 =	vadd.f32 v58, v12;
	_ =	sdelay $0x1  }
0x28f: {  	v10 =	vadd.f32 v34, v10;
	v57 =	vld.idx.msk [tilespmem:v33+s11+$0x0], vm7;
	[tilespmem:$0x1F980] =	vst v3;
	v3 =	vadd.f32 v59, v13  }
0x290: {  	vm0 =	vlt.s32 v40, $0xC300  }
0x291: {  	v11 =	vadd.f32 v30, v11;
	[tilespmem:$0x1F990] =	vst v3;
	v3 =	vadd.f32 v60, v10  }
0x292: {  	v9 =	vadd.f32 v29, v9  }
0x293: {  	v5 =	vld.idx.msk [tilespmem:v39+s11+$0x0], vm1;
	[tilespmem:$0x1F9A0] =	vst v3;
	v3 =	vadd.f32 v61, v11  }
0x294: {  	v24 =	vadd.f32 v32, v24;
	v7 =	vadd.f32 v62, v9  }
0x295: {  	[tilespmem:$0x1F9B0] =	vst v3  }
0x296: {  	v14 =	vadd.f32 v31, v14;
	v3 =	vld.idx.msk [tilespmem:v40+s11+$0x0], vm0;
	[tilespmem:$0x1F9C0] =	vst v7;
	v7 =	vadd.f32 v26, v24  }
0x297: {  	v15 =	vadd.f32 v41, v15  }
0x298: {  	v0 =	vnsel vm3, $0x0, v0;
	[tilespmem:$0x1F9D0] =	vst v7;
	v7 =	vadd.f32 v27, v14  }
0x299: {  	v0 =	vadd.f32 v0, v2;
	v2 =	vadd.f32 v28, v15  }
0x29a: {  	v9 =	vld [tilespmem:s6+$0xFFFFFFC0];
	[tilespmem:$0x1F9E0] =	vst v7  }
0x29b: {  	v11 =	vld [tilespmem:s6+$0xFFFFFFD0];
	[tilespmem:$0x1F9F0] =	vst v2  }
0x29c: {  	v4 =	vnsel vm5, $0x0, v4;
	v6 =	vnsel vm4, $0x0, v6;
	v8 =	vld [tilespmem:s6+$0xFFFFFFE0]  }
0x29d: {  	s3 =	simm.s32 $0xC0;
	s16 =	simm.s32 $0x19740;
	s1 =	simm.s32 $0x0;
	v7 =	vnsel vm2, $0x0, v1;
	v1 =	vnsel vm7, $0x0, v57;
	v2 =	vnsel vm6, $0x0, v56;
	[tilespmem:s6+$0x30] =	vst v0;
	v10 =	vld [tilespmem:s6+$0xFFFFFFF0]  }
.LBB2_15:
0x29e: {  	v0 =	vld [tilespmem:s3+$0x30];
	s1 =	sadd.s32 $0x8, s1;
	v5 =	vnsel vm1, $0x0, v5  }
0x29f: {  	v3 =	vnsel vm0, $0x0, v3;
	v12 =	vld [tilespmem:s3+$0xFFFFFFD0];
	p0 =	slt.u32 s1, $0xF8;
	v5 =	vadd.f32 v5, v9  }
0x2a0: {  	v9 =	vld [tilespmem:s3+$0xFFFFFFE0];
	v7 =	vadd.f32 v7, v11  }
0x2a1: {  	v11 =	vld [tilespmem:s3+$0xFFFFFFF0];
	[tilespmem:s6+$0xFFFFFFC0] =	vst v5;
	v4 =	vadd.f32 v4, v8  }
0x2a2: {  	v5 =	vld [tilespmem:s3+$0x0];
	[tilespmem:s6+$0xFFFFFFD0] =	vst v7;
	v6 =	vadd.f32 v6, v10  }
0x2a3: {  	v7 =	vld [tilespmem:s3+$0x10];
	vm7 =	vlt.s32 v0, $0xC300;
	[tilespmem:s6+$0xFFFFFFE0] =	vst v4  }
0x2a4: {  	vm6 =	vlt.s32 v12, $0xC300;
	v4 =	vld [tilespmem:s3+$0x20];
	[tilespmem:s6+$0xFFFFFFF0] =	vst v6  }
0x2a5: {  	v6 =	vld [tilespmem:s3+$0xFFFFFFC0];
	vm5 =	vlt.s32 v9, $0xC300  }
0x2a6: {  	vm2 =	vlt.s32 v11, $0xC300;
	v8 =	vld [tilespmem:s6+$0x0]  }
0x2a7: {  	vm3 =	vlt.s32 v5, $0xC300;
	v10 =	vld [tilespmem:s6+$0x10]  }
0x2a8: {  	vm4 =	vlt.s32 v7, $0xC300;
	v13 =	vld [tilespmem:s6+$0x20]  }
0x2a9: {  	vm0 =	vlt.s32 v4, $0xC300;
	v0 =	vld.idx.msk [tilespmem:v0+s11+$0x0], vm7  }
0x2aa: {  	s6 =	sadd.s32 $0x80, s6;
	vm1 =	vlt.s32 v6, $0xC300;
	v12 =	vld.idx.msk [tilespmem:v12+s11+$0x0], vm6  }
0x2ab: {  	v14 =	vld [tilespmem:s6+$0x30];
	v2 =	vadd.f32 v2, v8  }
0x2ac: {  	v8 =	vld.idx.msk [tilespmem:v9+s11+$0x0], vm5;
	v1 =	vadd.f32 v1, v10  }
0x2ad: {  	v10 =	vld.idx.msk [tilespmem:v11+s11+$0x0], vm2;
	[tilespmem:s16+$0x0] =	vst v2;
	v2 =	vadd.f32 v3, v13  }
0x2ae: {  	v13 =	vld.idx.msk [tilespmem:v5+s11+$0x0], vm3;
	[tilespmem:s16+$0x10] =	vst v1  }
0x2af: {  	v0 =	vnsel vm7, $0x0, v0;
	v1 =	vld.idx.msk [tilespmem:v7+s11+$0x0], vm4;
	[tilespmem:s16+$0x20] =	vst v2;
	s16 =	smov.u32 s6  }
0x2b0: {  	v7 =	vnsel vm6, $0x0, v12;
	v5 =	vld.idx.msk [tilespmem:v6+s11+$0x0], vm1;
	v0 =	vadd.f32 v0, v14  }
.Ltmp6:
0x2b1: {  	v3 =	vld.idx.msk [tilespmem:v4+s11+$0x0], vm0;
	(pc) =	sbr.rel @p0 .LBB2_15-.Ltmp6, $4  }
0x2b2: {  	v4 =	vnsel vm5, $0x0, v8;
	v9 =	vld [tilespmem:s6+$0xFFFFFFC0];
	[tilespmem:s6+$0x30] =	vst v0  }
0x2b3: {  	v6 =	vnsel vm2, $0x0, v10;
	v11 =	vld [tilespmem:s6+$0xFFFFFFD0]  }
0x2b4: {  	v2 =	vnsel vm3, $0x0, v13;
	v8 =	vld [tilespmem:s6+$0xFFFFFFE0]  }
0x2b5: {  	s3 =	sadd.s32 $0x80, s3;
	v1 =	vnsel vm4, $0x0, v1;
	v10 =	vld [tilespmem:s6+$0xFFFFFFF0]  }
0x2b6: {  	v0 =	vnsel vm1, $0x0, v5  }
0x2b7: {  	v5 =	vld [tilespmem:s6+$0x0];
	v0 =	vadd.f32 v0, v9  }
0x2b8: {  	v9 =	vld [tilespmem:s6+$0x10];
	v7 =	vadd.f32 v7, v11  }
0x2b9: {  	s1 =	rddreg [dreg:$0x13];
	v11 =	vld [tilespmem:s6+$0x20];
	[tilespmem:s6+$0xFFFFFFC0] =	vst v0;
	v0 =	vadd.f32 v4, v8  }
0x2ba: {  	p0 =	seq.s32 s10, $0xC;
	s1 =	sadd.s32 s10, s1;
	[tilespmem:s6+$0xFFFFFFD0] =	vst v7  }
0x2bb: {  	s3 =	smul.u32 @!p0 $0x187000, s1;
	v4 =	vadd.f32 v6, v10;
	[tilespmem:s6+$0xFFFFFFE0] =	vst v0  }
0x2bc: {  	v0 =	vadd.f32 v2, v5;
	s21 =	rddreg [dreg:$0x6]  }
0x2bd: {  	v2 =	vnsel vm0, $0x0, v3;
	[tilespmem:s6+$0xFFFFFFF0] =	vst v4;
	v1 =	vadd.f32 v1, v9;
	s3 =	sadd.s32 @!p0 s21, s3  }
0x2be: {  	[tilespmem:s16+$0x0] =	vst v0;
	v0 =	vadd.f32 v2, v11;
	s6 =	sor.u32 @!p0 s7, s3  }
0x2bf: {  	s23 =	simm.s32 @!p0 $0x1000;
	[tilespmem:s16+$0x10] =	vst v1;
	s6 =	sshrl.u32 @!p0 s6, $0x3  }
0x2c0: {  	s21 =	simm.s32 @!p0 $0x400;
	[tilespmem:s16+$0x20] =	vst v0;
	s16 =	simm.s32 @!p0 $0x80;
	s6 =	sadd.s32 @!p0 s2, s6  }
0x2c1: {  	[tilespmem:s23], [sflag:$0x2] =	stream.strided.gather @!p0 [hbm4b:s6+s16], $0x2700, s21, s16, $0x38;
	[tilespmem:$0x1A800] =	vst v63  }
0x2c2: {  	s6 =	rddreg [dreg:$0x15]  }
0x2c3: {  	s6 =	sadd.s32 @!p0 s6, s3  }
0x2c4: {  	s6 =	sshrl.u32 @!p0 s6, $0x3  }
0x2c5: {  	s23 =	simm.s32 @!p0 $0x3700;
	s6 =	sadd.s32 @!p0 s2, s6  }
0x2c6: {  	[tilespmem:s23], [sflag:$0x3] =	stream.strided.gather @!p0 [hbm4b:s6+s16], $0x2700, s21, s16, $0x38;
	[tilespmem:$0x1A800] =	vst v63  }
0x2c7: {  	s6 =	rddreg [dreg:$0x18]  }
0x2c8: {  	s6 =	sadd.s32 @!p0 s6, s3  }
0x2c9: {  	s6 =	sshrl.u32 @!p0 s6, $0x3  }
0x2ca: {  	s23 =	simm.s32 @!p0 $0x5E00;
	s6 =	sadd.s32 @!p0 s2, s6  }
0x2cb: {  	[tilespmem:s23], [sflag:$0x4] =	stream.strided.gather @!p0 [hbm4b:s6+s16], $0x2700, s21, s16, $0x38;
	[tilespmem:$0x1A800] =	vst v63  }
0x2cc: {  	s6 =	rddreg [dreg:$0x19]  }
0x2cd: {  	s6 =	sadd.s32 @!p0 s6, s3  }
0x2ce: {  	s6 =	sshrl.u32 @!p0 s6, $0x3  }
0x2cf: {  	s23 =	simm.s32 @!p0 $0x8500;
	s6 =	sadd.s32 @!p0 s2, s6  }
0x2d0: {  	[tilespmem:s23], [sflag:$0x5] =	stream.strided.gather @!p0 [hbm4b:s6+s16], $0x2700, s21, s16, $0x38;
	[tilespmem:$0x1A800] =	vst v63  }
0x2d1: {  	s6 =	sadd.s32 @!p0 s29, s3  }
0x2d2: {  	s6 =	sshrl.u32 @!p0 s6, $0x3  }
0x2d3: {  	s23 =	simm.s32 @!p0 $0xAC00;
	s6 =	sadd.s32 @!p0 s2, s6  }
0x2d4: {  	[tilespmem:s23], [sflag:$0x6] =	stream.strided.gather @!p0 [hbm4b:s6+s16], $0x2700, s21, s16, $0x38;
	[tilespmem:$0x1A800] =	vst v63  }
0x2d5: {  	_ =	swait.ge [sflag:s20], $0x2700  }
0x2d6: {  	[sflag:s20] =	ssyncset.done $0x0  }
0x2d7: {  	s26 =	simm.s32 $0x0;
	[sflag:s20] =	ssyncadd.s32 $0xFFFFD900  }
0x2d8: {  	v0 =	vld [tilespmem:s26+$0xD470]  }
0x2d9: {  	v1 =	vld [tilespmem:s26+$0xD300]  }
0x2da: {  	v2 =	vld [tilespmem:s26+$0xD310]  }
0x2db: {  	v3 =	vld [tilespmem:s26+$0xD320]  }
0x2dc: {  	v9 =	vld [tilespmem:s26+$0xD3F0]  }
0x2dd: {  	v4 =	vld [tilespmem:s26+$0xD330]  }
0x2de: {  	v5 =	vld [tilespmem:s26+$0xD340]  }
0x2df: {  	v18 =	vimm.f32 $0.0e+00;
	v19 =	vimm.f32 $0.0e+00;
	v6 =	vld [tilespmem:s26+$0xD350];
	v0 =	vmul.f32 $1.442695020e+00, v0  }
0x2e0: {  	v20 =	vimm.f32 $0.0e+00;
	v7 =	vld [tilespmem:s26+$0xD360];
	v1 =	vmul.f32 $1.442695020e+00, v1;
	v2 =	vmul.f32 $1.442695020e+00, v2  }
0x2e1: {  	v21 =	vimm.f32 $0.0e+00;
	v11 =	vld [tilespmem:s26+$0xD400];
	v9 =	vmul.f32 $1.442695020e+00, v9;
	(erf) = vpow2.f32 v0  }
0x2e2: {  	v13 =	vimm.f32 $0.0e+00;
	v0 =	vmul.f32 $1.442695020e+00, v3;
	v3 =	vld [tilespmem:s26+$0xD370];
	(erf) = vpow2.f32 v1  }
0x2e3: {  	v14 =	vimm.f32 $0.0e+00;
	v1 =	vmul.f32 $1.442695020e+00, v4;
	v4 =	vld [tilespmem:s26+$0xD380];
	(erf) = vpow2.f32 v2  }
0x2e4: {  	v15 =	vimm.f32 $0.0e+00;
	v2 =	vmul.f32 $1.442695020e+00, v5;
	v5 =	vld [tilespmem:s26+$0xD390];
	(erf) = vpow2.f32 v0  }
0x2e5: {  	v16 =	vimm.f32 $0.0e+00;
	v0 =	vmul.f32 $1.442695020e+00, v6;
	v6 =	vld [tilespmem:s26+$0xD3A0];
	(erf) = vpow2.f32 v1  }
0x2e6: {  	v17 =	vimm.f32 $0.0e+00;
	v12 =	vld [tilespmem:s26+$0xD410];
	v32 =	vmul.f32 $1.442695020e+00, v11;
	(erf) = vpow2.f32 v2  }
0x2e7: {  	v23 =	vimm.f32 $0.0e+00;
	v1 =	vld [tilespmem:s26+$0xD3B0];
	v2 =	vmul.f32 $1.442695020e+00, v7;
	(erf) = vpow2.f32 v0  }
0x2e8: {  	v24 =	vimm.f32 $0.0e+00;
	v0 =	vmul.f32 $1.442695020e+00, v3;
	v3 =	vld [tilespmem:s26+$0xD3C0];
	v4 =	vmul.f32 $1.442695020e+00, v4  }
0x2e9: {  	v22 =	vimm.f32 $0.0e+00;
	v7 =	vld [tilespmem:s26+$0xD3D0];
	(erf) = vpow2.f32 v2;
	v2 =	vmul.f32 $1.442695020e+00, v5  }
0x2ea: {  	v8 =	vimm.f32 $0.0e+00;
	v5 =	vld [tilespmem:s26+$0xD3E0];
	(erf) = vpow2.f32 v0;
	v0 =	vmul.f32 $1.442695020e+00, v6  }
0x2eb: {  	v31 =	vmul.f32 $1.442695020e+00, v12;
	v12 =	vimm.f32 $0.0e+00;
	v6 =	vpop (erf);
	(erf) = vpow2.f32 v4  }
0x2ec: {  	v4 =	vmul.f32 $1.442695020e+00, v1;
	v10 =	vpop (erf);
	v1 =	vadd.f32 v6, v8;
	(erf) = vpow2.f32 v2  }
0x2ed: {  	v2 =	vadd.f32 v10, v8;
	v6 =	vpop (erf);
	v10 =	vmul.f32 $1.442695020e+00, v3;
	(erf) = vpow2.f32 v0  }
0x2ee: {  	v26 =	vld [tilespmem:s26+$0xD420];
	v3 =	vadd.f32 v6, v8;
	v0 =	vpop (erf);
	v6 =	vmul.f32 $1.442695020e+00, v7;
	(erf) = vpow2.f32 v4  }
0x2ef: {  	v27 =	vld [tilespmem:s26+$0xD430];
	v7 =	vmul.f32 $1.442695020e+00, v5;
	v4 =	vadd.f32 v0, v8;
	v0 =	vpop (erf);
	(erf) = vpow2.f32 v10  }
0x2f0: {  	v28 =	vld [tilespmem:s26+$0xD440];
	v11 =	vimm.f32 $0.0e+00;
	v5 =	vadd.f32 v0, v8;
	v0 =	vpop (erf);
	(erf) = vpow2.f32 v6  }
0x2f1: {  	v29 =	vld [tilespmem:s26+$0xD450];
	v10 =	vimm.f32 $0.0e+00;
	v6 =	vadd.f32 v0, v8;
	v0 =	vpop (erf);
	(erf) = vpow2.f32 v7  }
0x2f2: {  	s6 =	sadd.s32 $0x1, s10;
	s16 =	simm.s32 $0x180;
	s21 =	simm.s32 $0xC00;
	v30 =	vld [tilespmem:s26+$0xD460];
	v7 =	vadd.f32 v0, v8;
	(erf) = vpow2.f32 v9;
	v9 =	vimm.f32 $0.0e+00;
	v25 =	vpop (erf)  }
.LBB2_17:
0x2f3: {  	p1 =	sne.s32 s21, $0x9600;
	v0 =	vld [tilespmem:s16+$0xD470];
	v8 =	vadd.f32 v25, v8;
	v25 =	vmul.f32 $1.442695020e+00, v26;
	v26 =	vpop (erf);
	(erf) = vpow2.f32 v32  }
0x2f4: {  	v32 =	vld [tilespmem:s16+$0xD300];
	v18 =	vadd.f32 v26, v18;
	v26 =	vmul.f32 $1.442695020e+00, v27;
	v27 =	vpop (erf);
	(erf) = vpow2.f32 v31  }
0x2f5: {  	v31 =	vld [tilespmem:s16+$0xD310];
	v19 =	vadd.f32 v27, v19;
	v27 =	vmul.f32 $1.442695020e+00, v28;
	v28 =	vpop (erf);
	(erf) = vpow2.f32 v25  }
0x2f6: {  	v25 =	vld [tilespmem:s16+$0xD320];
	v20 =	vadd.f32 v28, v20;
	v28 =	vmul.f32 $1.442695020e+00, v29;
	v29 =	vpop (erf);
	(erf) = vpow2.f32 v26  }
0x2f7: {  	v26 =	vld [tilespmem:s16+$0xD330];
	v12 =	vadd.f32 v29, v12;
	v29 =	vmul.f32 $1.442695020e+00, v30;
	v30 =	vpop (erf);
	(erf) = vpow2.f32 v27  }
0x2f8: {  	v27 =	vld [tilespmem:s16+$0xD340];
	v33 =	vmul.f32 $1.442695020e+00, v0;
	v21 =	vadd.f32 v30, v21;
	v30 =	vpop (erf);
	(erf) = vpow2.f32 v28  }
0x2f9: {  	v28 =	vmul.f32 $1.442695020e+00, v32;
	v32 =	vld [tilespmem:s16+$0xD350];
	v13 =	vadd.f32 v30, v13;
	v30 =	vpop (erf);
	(erf) = vpow2.f32 v29  }
0x2fa: {  	v29 =	vmul.f32 $1.442695020e+00, v31;
	v31 =	vld [tilespmem:s16+$0xD360];
	(erf) = vpow2.f32 v33;
	v14 =	vadd.f32 v30, v14;
	v0 =	vpop (erf)  }
0x2fb: {  	v25 =	vmul.f32 $1.442695020e+00, v25;
	v30 =	vld [tilespmem:s16+$0xD370];
	(erf) = vpow2.f32 v28;
	v15 =	vadd.f32 v0, v15;
	v0 =	vpop (erf)  }
0x2fc: {  	v26 =	vmul.f32 $1.442695020e+00, v26;
	v28 =	vld [tilespmem:s16+$0xD380];
	(erf) = vpow2.f32 v29;
	v16 =	vadd.f32 v0, v16;
	v0 =	vpop (erf)  }
0x2fd: {  	v27 =	vmul.f32 $1.442695020e+00, v27;
	v29 =	vld [tilespmem:s16+$0xD390];
	(erf) = vpow2.f32 v25;
	v9 =	vadd.f32 v0, v9;
	v0 =	vpop (erf)  }
0x2fe: {  	v25 =	vmul.f32 $1.442695020e+00, v32;
	v32 =	vld [tilespmem:s16+$0xD3A0];
	(erf) = vpow2.f32 v26;
	v17 =	vadd.f32 v0, v17;
	v0 =	vpop (erf)  }
0x2ff: {  	v26 =	vmul.f32 $1.442695020e+00, v31;
	v31 =	vld [tilespmem:s16+$0xD3B0];
	(erf) = vpow2.f32 v27;
	v10 =	vadd.f32 v0, v10;
	v0 =	vpop (erf)  }
0x300: {  	v27 =	vmul.f32 $1.442695020e+00, v30;
	v30 =	vld [tilespmem:s16+$0xD3C0];
	(erf) = vpow2.f32 v25;
	v11 =	vadd.f32 v0, v11;
	v0 =	vpop (erf)  }
0x301: {  	v33 =	vmul.f32 $1.442695020e+00, v28;
	v28 =	vld [tilespmem:s16+$0xD3D0];
	(erf) = vpow2.f32 v26;
	v23 =	vadd.f32 v0, v23;
	v0 =	vpop (erf)  }
0x302: {  	v34 =	vmul.f32 $1.442695020e+00, v29;
	v29 =	vld [tilespmem:s16+$0xD3E0];
	(erf) = vpow2.f32 v27;
	v24 =	vadd.f32 v0, v24;
	v0 =	vpop (erf)  }
0x303: {  	v35 =	vmul.f32 $1.442695020e+00, v32;
	v32 =	vld [tilespmem:s16+$0xD3F0];
	(erf) = vpow2.f32 v33;
	v25 =	vpop (erf);
	v22 =	vadd.f32 v0, v22  }
0x304: {  	v0 =	vmul.f32 $1.442695020e+00, v31;
	v31 =	vld [tilespmem:s16+$0xD400];
	v1 =	vadd.f32 v25, v1;
	v25 =	vpop (erf);
	(erf) = vpow2.f32 v34  }
0x305: {  	v2 =	vadd.f32 v25, v2;
	v36 =	vmul.f32 $1.442695020e+00, v30;
	v30 =	vld [tilespmem:s16+$0xD410];
	v26 =	vpop (erf);
	(erf) = vpow2.f32 v35  }
.Ltmp7:
0x306: {  	v3 =	vadd.f32 v26, v3;
	v33 =	vmul.f32 $1.442695020e+00, v28;
	v26 =	vld [tilespmem:s16+$0xD420];
	v27 =	vpop (erf);
	(erf) = vpow2.f32 v0;
	(pc) =	sbr.rel @p1 .LBB2_17-.Ltmp7, $4  }
0x307: {  	v4 =	vadd.f32 v27, v4;
	v0 =	vmul.f32 $1.442695020e+00, v29;
	v27 =	vld [tilespmem:s16+$0xD430];
	v28 =	vpop (erf);
	(erf) = vpow2.f32 v36  }
0x308: {  	v5 =	vadd.f32 v28, v5;
	v34 =	vmul.f32 $1.442695020e+00, v32;
	v28 =	vld [tilespmem:s16+$0xD440];
	v25 =	vpop (erf);
	(erf) = vpow2.f32 v33  }
0x309: {  	v6 =	vadd.f32 v25, v6;
	v32 =	vmul.f32 $1.442695020e+00, v31;
	v29 =	vld [tilespmem:s16+$0xD450];
	v25 =	vpop (erf);
	(erf) = vpow2.f32 v0  }
0x30a: {  	v7 =	vadd.f32 v25, v7;
	v31 =	vmul.f32 $1.442695020e+00, v30;
	v30 =	vld [tilespmem:s16+$0xD460];
	s16 =	sshra.s32 s21, $0x2;
	s21 =	sadd.s32 $0x600, s21;
	v25 =	vpop (erf);
	(erf) = vpow2.f32 v34  }
0x30b: {  	v0 =	vld [tilespmem:s16+$0xD470];
	v26 =	vmul.f32 $1.442695020e+00, v26  }
0x30c: {  	v33 =	vpop (erf);
	(erf) = vpow2.f32 v32;
	v55 =	vld [tilespmem:s16+$0xD300];
	v27 =	vmul.f32 $1.442695020e+00, v27  }
0x30d: {  	v34 =	vpop (erf);
	(erf) = vpow2.f32 v31;
	v31 =	vld [tilespmem:s16+$0xD310];
	v28 =	vmul.f32 $1.442695020e+00, v28  }
0x30e: {  	v35 =	vpop (erf);
	(erf) = vpow2.f32 v26;
	v26 =	vld [tilespmem:s16+$0xD320];
	v29 =	vmul.f32 $1.442695020e+00, v29  }
0x30f: {  	v36 =	vpop (erf);
	(erf) = vpow2.f32 v27;
	v27 =	vld [tilespmem:s16+$0xD330];
	v30 =	vmul.f32 $1.442695020e+00, v30  }
0x310: {  	v37 =	vpop (erf);
	(erf) = vpow2.f32 v28;
	v28 =	vld [tilespmem:s16+$0xD340];
	v0 =	vmul.f32 $1.442695020e+00, v0  }
0x311: {  	v56 =	vld [tilespmem:s16+$0xD350];
	v38 =	vpop (erf);
	(erf) = vpow2.f32 v29;
	v29 =	vmul.f32 $1.442695020e+00, v55  }
0x312: {  	v39 =	vpop (erf);
	(erf) = vpow2.f32 v30;
	v30 =	vmul.f32 $1.442695020e+00, v31;
	v31 =	vld [tilespmem:s16+$0xD360]  }
0x313: {  	v40 =	vld [tilespmem:s16+$0xD370];
	v26 =	vmul.f32 $1.442695020e+00, v26  }
0x314: {  	v41 =	vld [tilespmem:s16+$0xD380];
	(erf) = vpow2.f32 v0;
	v27 =	vmul.f32 $1.442695020e+00, v27;
	v0 =	vpop (erf)  }
0x315: {  	(erf) = vpow2.f32 v29;
	v28 =	vmul.f32 $1.442695020e+00, v28;
	v29 =	vpop (erf)  }
0x316: {  	v32 =	vmul.f32 $1.442695020e+00, v56;
	(erf) = vpow2.f32 v30;
	v30 =	vpop (erf)  }
0x317: {  	v42 =	vld [tilespmem:s16+$0xD390];
	(erf) = vpow2.f32 v26;
	v31 =	vmul.f32 $1.442695020e+00, v31;
	v26 =	vpop (erf)  }
0x318: {  	v43 =	vld [tilespmem:s16+$0xD3A0];
	v40 =	vmul.f32 $1.442695020e+00, v40;
	(erf) = vpow2.f32 v27;
	v27 =	vpop (erf)  }
0x319: {  	v44 =	vld [tilespmem:s16+$0xD3B0];
	v41 =	vmul.f32 $1.442695020e+00, v41;
	(erf) = vpow2.f32 v28;
	v28 =	vpop (erf)  }
0x31a: {  	v45 =	vld [tilespmem:s16+$0xD3C0];
	(erf) = vpow2.f32 v32;
	v32 =	vpop (erf)  }
0x31b: {  	v46 =	vld [tilespmem:s16+$0xD3D0];
	(erf) = vpow2.f32 v31;
	v31 =	vpop (erf)  }
0x31c: {  	v47 =	vld [tilespmem:s16+$0xD3E0];
	v42 =	vmul.f32 $1.442695020e+00, v42;
	(erf) = vpow2.f32 v40;
	v40 =	vpop (erf)  }
0x31d: {  	v48 =	vld [tilespmem:s16+$0xD3F0];
	v43 =	vmul.f32 $1.442695020e+00, v43;
	(erf) = vpow2.f32 v41;
	v41 =	vpop (erf)  }
0x31e: {  	v49 =	vld [tilespmem:s16+$0xD400];
	v44 =	vmul.f32 $1.442695020e+00, v44;
	v50 =	vpop (erf);
	(erf) = vpow2.f32 v42  }
0x31f: {  	v58 =	vld [tilespmem:s16+$0xD410];
	v57 =	vmul.f32 $1.442695020e+00, v45;
	v51 =	vpop (erf);
	(erf) = vpow2.f32 v43  }
0x320: {  	v59 =	vmul.f32 $1.442695020e+00, v46;
	v46 =	vld [tilespmem:s16+$0xD420];
	v52 =	vpop (erf);
	(erf) = vpow2.f32 v44  }
0x321: {  	v60 =	vmul.f32 $1.442695020e+00, v47;
	v47 =	vld [tilespmem:s16+$0xD430];
	v53 =	vpop (erf);
	(erf) = vpow2.f32 v57  }
0x322: {  	v61 =	vmul.f32 $1.442695020e+00, v48;
	v48 =	vld [tilespmem:s16+$0xD440];
	v54 =	vpop (erf);
	(erf) = vpow2.f32 v59  }
0x323: {  	v62 =	vmul.f32 $1.442695020e+00, v49;
	v49 =	vld [tilespmem:s16+$0xD450];
	v55 =	vpop (erf);
	(erf) = vpow2.f32 v60  }
0x324: {  	v44 =	vmul.f32 $1.442695020e+00, v58;
	v60 =	vld [tilespmem:s16+$0xD460];
	v56 =	vpop (erf);
	(erf) = vpow2.f32 v61  }
0x325: {  	v61 =	vmul.f32 $1.442695020e+00, v46;
	v46 =	vpop (erf);
	(erf) = vpow2.f32 v62  }
0x326: {  	v62 =	vmul.f32 $1.442695020e+00, v47;
	v47 =	vpop (erf);
	(erf) = vpow2.f32 v44  }
0x327: {  	v57 =	vmul.f32 $1.442695020e+00, v48;
	v48 =	vpop (erf);
	(erf) = vpow2.f32 v61  }
0x328: {  	v58 =	vmul.f32 $1.442695020e+00, v49;
	v49 =	vpop (erf);
	(erf) = vpow2.f32 v62  }
0x329: {  	v59 =	vmul.f32 $1.442695020e+00, v60;
	v45 =	vpop (erf);
	(erf) = vpow2.f32 v57  }
0x32a: {  	v44 =	vpop (erf);
	(erf) = vpow2.f32 v58  }
0x32b: {  	v42 =	vpop (erf);
	(erf) = vpow2.f32 v59  }
0x32c: {  	v43 =	vpop (erf)  }
0x32d: {  	v57 =	vpop (erf)  }
0x32e: {  	v58 =	vpop (erf)  }
0x32f: {  	v59 =	vpop (erf)  }
0x330: {  	v8 =	vadd.f32 v25, v8;
	v25 =	vpop (erf)  }
0x331: {  	v60 =	vpop (erf)  }
0x332: {  	v61 =	vpop (erf)  }
0x333: {  	v62 =	vpop (erf)  }
0x334: {  	v0 =	vadd.f32 v0, v15;
	v15 =	vadd.f32 v29, v16;
	v16 =	vpop (erf)  }
0x335: {  	v1 =	vadd.f32 v41, v1;
	_ =	swait.ge [sflag:s22], $0x2700  }
0x336: {  	v2 =	vadd.f32 v50, v2;
	[sflag:s22] =	ssyncset.done $0x0  }
0x337: {  	s23 =	simm.s32 $0x0;
	[tilespmem:$0x1F6C0] =	vst v1;
	[sflag:s22] =	ssyncadd.s32 $0xFFFFD900  }
0x338: {  	v1 =	vld [tilespmem:s23+$0xFB70];
	[tilespmem:$0x1F6D0] =	vst v2;
	v2 =	vadd.f32 v51, v3  }
0x339: {  	v3 =	vadd.f32 v52, v4  }
0x33a: {  	[tilespmem:$0x1F6E0] =	vst v2  }
0x33b: {  	v2 =	vld [tilespmem:s23+$0xFA00];
	[tilespmem:$0x1F6F0] =	vst v3;
	v3 =	vadd.f32 v53, v5  }
0x33c: {  	v4 =	vadd.f32 v54, v6  }
0x33d: {  	[tilespmem:$0x1F700] =	vst v3  }
0x33e: {  	v3 =	vld [tilespmem:s23+$0xFA10];
	[tilespmem:$0x1F710] =	vst v4;
	v4 =	vadd.f32 v55, v7  }
0x33f: {  	v18 =	vadd.f32 v33, v18;
	v5 =	vadd.f32 v56, v8  }
0x340: {  	v19 =	vadd.f32 v34, v19;
	[tilespmem:$0x1F720] =	vst v4  }
0x341: {  	v4 =	vld [tilespmem:s23+$0xFA20];
	[tilespmem:$0x1F730] =	vst v5;
	v5 =	vadd.f32 v46, v18  }
0x342: {  	v20 =	vadd.f32 v35, v20;
	v6 =	vadd.f32 v47, v19  }
0x343: {  	v12 =	vadd.f32 v36, v12;
	[tilespmem:$0x1F740] =	vst v5  }
0x344: {  	v5 =	vld [tilespmem:s23+$0xFA30];
	[tilespmem:$0x1F750] =	vst v6;
	v6 =	vadd.f32 v48, v20  }
0x345: {  	v21 =	vadd.f32 v37, v21;
	v7 =	vadd.f32 v49, v12  }
0x346: {  	v13 =	vadd.f32 v38, v13;
	[tilespmem:$0x1F760] =	vst v6  }
0x347: {  	v14 =	vadd.f32 v39, v14;
	v1 =	vmul.f32 $1.442695020e+00, v1;
	v6 =	vld [tilespmem:s23+$0xFA40];
	[tilespmem:$0x1F770] =	vst v7;
	v7 =	vadd.f32 v45, v21  }
0x348: {  	v8 =	vadd.f32 v44, v13  }
0x349: {  	(erf) = vpow2.f32 v1;
	v1 =	vadd.f32 v42, v14;
	v2 =	vmul.f32 $1.442695020e+00, v2;
	[tilespmem:$0x1F780] =	vst v7  }
0x34a: {  	v9 =	vadd.f32 v30, v9;
	v0 =	vadd.f32 v43, v0;
	v3 =	vmul.f32 $1.442695020e+00, v3;
	v7 =	vld [tilespmem:s23+$0xFA50];
	[tilespmem:$0x1F790] =	vst v8  }
0x34b: {  	v17 =	vadd.f32 v26, v17;
	(erf) = vpow2.f32 v2;
	v8 =	vld [tilespmem:s23+$0xFA60];
	[tilespmem:$0x1F7A0] =	vst v1;
	v1 =	vmul.f32 $1.442695020e+00, v4  }
0x34c: {  	(erf) = vpow2.f32 v3;
	v3 =	vadd.f32 v57, v15;
	v4 =	vld [tilespmem:s23+$0xFA70];
	[tilespmem:$0x1F7B0] =	vst v0;
	v0 =	vmul.f32 $1.442695020e+00, v5  }
0x34d: {  	(erf) = vpow2.f32 v1;
	v1 =	vadd.f32 v58, v9  }
0x34e: {  	v10 =	vadd.f32 v27, v10;
	v2 =	vld [tilespmem:s23+$0xFA80];
	[tilespmem:$0x1F7C0] =	vst v3;
	(erf) = vpow2.f32 v0;
	v0 =	vadd.f32 v59, v17  }
0x34f: {  	v11 =	vadd.f32 v28, v11;
	v3 =	vmul.f32 $1.442695020e+00, v6;
	v5 =	vld [tilespmem:s23+$0xFA90];
	[tilespmem:$0x1F7D0] =	vst v1  }
0x350: {  	v23 =	vadd.f32 v32, v23;
	v1 =	vmul.f32 $1.442695020e+00, v7;
	v6 =	vld [tilespmem:s23+$0xFAA0];
	[tilespmem:$0x1F7E0] =	vst v0;
	v0 =	vadd.f32 v25, v10  }
0x351: {  	v24 =	vadd.f32 v31, v24;
	(erf) = vpow2.f32 v3;
	v3 =	vadd.f32 v60, v11  }
0x352: {  	v22 =	vadd.f32 v40, v22;
	(erf) = vpow2.f32 v1;
	v1 =	vadd.f32 v61, v23;
	[tilespmem:$0x1F7F0] =	vst v0  }
0x353: {  	v19 =	vimm.f32 $0.0e+00;
	v13 =	vimm.f32 $0.0e+00;
	v0 =	vld [tilespmem:s23+$0xFAB0];
	[tilespmem:$0x1F800] =	vst v3;
	v3 =	vmul.f32 $1.442695020e+00, v8  }
0x354: {  	v14 =	vimm.f32 $0.0e+00;
	v7 =	vadd.f32 v62, v24;
	[tilespmem:$0x1F810] =	vst v1;
	v1 =	vmul.f32 $1.442695020e+00, v4  }
0x355: {  	(erf) = vpow2.f32 v3;
	v3 =	vmul.f32 $1.442695020e+00, v5;
	v5 =	vadd.f32 v16, v22  }
0x356: {  	v18 =	vimm.f32 $0.0e+00;
	v20 =	vimm.f32 $0.0e+00;
	v2 =	vmul.f32 $1.442695020e+00, v2;
	v4 =	vld [tilespmem:s23+$0xFAC0];
	[tilespmem:$0x1F820] =	vst v7  }
0x357: {  	v15 =	vimm.f32 $0.0e+00;
	v21 =	vimm.f32 $0.0e+00;
	v17 =	vimm.f32 $0.0e+00;
	v7 =	vld [tilespmem:s23+$0xFAD0];
	[tilespmem:$0x1F830] =	vst v5  }
0x358: {  	v24 =	vimm.f32 $0.0e+00;
	v23 =	vimm.f32 $0.0e+00;
	v8 =	vimm.f32 $0.0e+00;
	v5 =	vld [tilespmem:s23+$0xFAE0]  }
0x359: {  	v6 =	vmul.f32 $1.442695020e+00, v6;
	v22 =	vimm.f32 $0.0e+00;
	(erf) = vpow2.f32 v1;
	v1 =	vpop (erf);
	v9 =	vld [tilespmem:s23+$0xFAF0]  }
0x35a: {  	v16 =	vimm.f32 $0.0e+00;
	(erf) = vpow2.f32 v2;
	v0 =	vmul.f32 $1.442695020e+00, v0;
	v2 =	vpop (erf);
	v10 =	vld [tilespmem:s23+$0xFB00]  }
0x35b: {  	v1 =	vadd.f32 v1, v8;
	(erf) = vpow2.f32 v3;
	v12 =	vld [tilespmem:s23+$0xFB10];
	v2 =	vadd.f32 v2, v8;
	v3 =	vpop (erf)  }
0x35c: {  	v11 =	vmul.f32 $1.442695020e+00, v4;
	(erf) = vpow2.f32 v6;
	v3 =	vadd.f32 v3, v8;
	v4 =	vpop (erf)  }
0x35d: {  	v6 =	vmul.f32 $1.442695020e+00, v7;
	(erf) = vpow2.f32 v0;
	v4 =	vadd.f32 v4, v8  }
0x35e: {  	v26 =	vld [tilespmem:s23+$0xFB20];
	v0 =	vpop (erf);
	(erf) = vpow2.f32 v11;
	v11 =	vimm.f32 $0.0e+00;
	v7 =	vmul.f32 $1.442695020e+00, v5  }
0x35f: {  	v27 =	vld [tilespmem:s23+$0xFB30];
	v5 =	vadd.f32 v0, v8;
	v0 =	vpop (erf);
	v9 =	vmul.f32 $1.442695020e+00, v9;
	(erf) = vpow2.f32 v6  }
0x360: {  	v28 =	vld [tilespmem:s23+$0xFB40];
	v32 =	vmul.f32 $1.442695020e+00, v10;
	v31 =	vmul.f32 $1.442695020e+00, v12;
	v12 =	vimm.f32 $0.0e+00  }
0x361: {  	v29 =	vld [tilespmem:s23+$0xFB50];
	v10 =	vimm.f32 $0.0e+00;
	v6 =	vadd.f32 v0, v8;
	v0 =	vpop (erf);
	(erf) = vpow2.f32 v7  }
0x362: {  	s21 =	simm.s32 $0xC00;
	s16 =	simm.s32 $0x180;
	v30 =	vld [tilespmem:s23+$0xFB60];
	v7 =	vadd.f32 v0, v8;
	v25 =	vpop (erf);
	(erf) = vpow2.f32 v9;
	v9 =	vimm.f32 $0.0e+00  }
.LBB2_19:
0x363: {  	p1 =	sne.s32 s21, $0x9600;
	v0 =	vld [tilespmem:s16+$0xFB70];
	v8 =	vadd.f32 v25, v8;
	v25 =	vmul.f32 $1.442695020e+00, v26;
	v26 =	vpop (erf);
	(erf) = vpow2.f32 v32  }
0x364: {  	v32 =	vld [tilespmem:s16+$0xFA00];
	v19 =	vadd.f32 v26, v19;
	v26 =	vmul.f32 $1.442695020e+00, v27;
	v27 =	vpop (erf);
	(erf) = vpow2.f32 v31  }
0x365: {  	v31 =	vld [tilespmem:s16+$0xFA10];
	v20 =	vadd.f32 v27, v20;
	v27 =	vmul.f32 $1.442695020e+00, v28;
	v28 =	vpop (erf);
	(erf) = vpow2.f32 v25  }
0x366: {  	v25 =	vld [tilespmem:s16+$0xFA20];
	v21 =	vadd.f32 v28, v21;
	v28 =	vmul.f32 $1.442695020e+00, v29;
	v29 =	vpop (erf);
	(erf) = vpow2.f32 v26  }
0x367: {  	v26 =	vld [tilespmem:s16+$0xFA30];
	v12 =	vadd.f32 v29, v12;
	v29 =	vmul.f32 $1.442695020e+00, v30;
	v30 =	vpop (erf);
	(erf) = vpow2.f32 v27  }
0x368: {  	v27 =	vld [tilespmem:s16+$0xFA40];
	v33 =	vmul.f32 $1.442695020e+00, v0;
	v22 =	vadd.f32 v30, v22;
	v30 =	vpop (erf);
	(erf) = vpow2.f32 v28  }
0x369: {  	v28 =	vmul.f32 $1.442695020e+00, v32;
	v32 =	vld [tilespmem:s16+$0xFA50];
	v13 =	vadd.f32 v30, v13;
	v30 =	vpop (erf);
	(erf) = vpow2.f32 v29  }
0x36a: {  	v29 =	vmul.f32 $1.442695020e+00, v31;
	v31 =	vld [tilespmem:s16+$0xFA60];
	(erf) = vpow2.f32 v33;
	v14 =	vadd.f32 v30, v14;
	v0 =	vpop (erf)  }
0x36b: {  	v25 =	vmul.f32 $1.442695020e+00, v25;
	v30 =	vld [tilespmem:s16+$0xFA70];
	(erf) = vpow2.f32 v28;
	v15 =	vadd.f32 v0, v15;
	v0 =	vpop (erf)  }
0x36c: {  	v26 =	vmul.f32 $1.442695020e+00, v26;
	v28 =	vld [tilespmem:s16+$0xFA80];
	(erf) = vpow2.f32 v29;
	v16 =	vadd.f32 v0, v16;
	v0 =	vpop (erf)  }
0x36d: {  	v27 =	vmul.f32 $1.442695020e+00, v27;
	v29 =	vld [tilespmem:s16+$0xFA90];
	(erf) = vpow2.f32 v25;
	v9 =	vadd.f32 v0, v9;
	v0 =	vpop (erf)  }
0x36e: {  	v25 =	vmul.f32 $1.442695020e+00, v32;
	v32 =	vld [tilespmem:s16+$0xFAA0];
	(erf) = vpow2.f32 v26;
	v17 =	vadd.f32 v0, v17;
	v0 =	vpop (erf)  }
0x36f: {  	v26 =	vmul.f32 $1.442695020e+00, v31;
	v31 =	vld [tilespmem:s16+$0xFAB0];
	(erf) = vpow2.f32 v27;
	v10 =	vadd.f32 v0, v10;
	v0 =	vpop (erf)  }
0x370: {  	v27 =	vmul.f32 $1.442695020e+00, v30;
	v30 =	vld [tilespmem:s16+$0xFAC0];
	(erf) = vpow2.f32 v25;
	v11 =	vadd.f32 v0, v11;
	v0 =	vpop (erf)  }
0x371: {  	v33 =	vmul.f32 $1.442695020e+00, v28;
	v28 =	vld [tilespmem:s16+$0xFAD0];
	(erf) = vpow2.f32 v26;
	v23 =	vadd.f32 v0, v23;
	v0 =	vpop (erf)  }
0x372: {  	v34 =	vmul.f32 $1.442695020e+00, v29;
	v29 =	vld [tilespmem:s16+$0xFAE0];
	(erf) = vpow2.f32 v27;
	v24 =	vadd.f32 v0, v24;
	v0 =	vpop (erf)  }
0x373: {  	v35 =	vmul.f32 $1.442695020e+00, v32;
	v32 =	vld [tilespmem:s16+$0xFAF0];
	(erf) = vpow2.f32 v33;
	v25 =	vpop (erf);
	v18 =	vadd.f32 v0, v18  }
0x374: {  	v0 =	vmul.f32 $1.442695020e+00, v31;
	v31 =	vld [tilespmem:s16+$0xFB00];
	v1 =	vadd.f32 v25, v1;
	v25 =	vpop (erf);
	(erf) = vpow2.f32 v34  }
0x375: {  	v2 =	vadd.f32 v25, v2;
	v36 =	vmul.f32 $1.442695020e+00, v30;
	v30 =	vld [tilespmem:s16+$0xFB10];
	v26 =	vpop (erf);
	(erf) = vpow2.f32 v35  }
.Ltmp8:
0x376: {  	v3 =	vadd.f32 v26, v3;
	v33 =	vmul.f32 $1.442695020e+00, v28;
	v26 =	vld [tilespmem:s16+$0xFB20];
	v27 =	vpop (erf);
	(erf) = vpow2.f32 v0;
	(pc) =	sbr.rel @p1 .LBB2_19-.Ltmp8, $4  }
0x377: {  	v4 =	vadd.f32 v27, v4;
	v0 =	vmul.f32 $1.442695020e+00, v29;
	v27 =	vld [tilespmem:s16+$0xFB30];
	v28 =	vpop (erf);
	(erf) = vpow2.f32 v36  }
0x378: {  	v5 =	vadd.f32 v28, v5;
	v34 =	vmul.f32 $1.442695020e+00, v32;
	v28 =	vld [tilespmem:s16+$0xFB40];
	v25 =	vpop (erf);
	(erf) = vpow2.f32 v33  }
0x379: {  	v6 =	vadd.f32 v25, v6;
	v32 =	vmul.f32 $1.442695020e+00, v31;
	v29 =	vld [tilespmem:s16+$0xFB50];
	v25 =	vpop (erf);
	(erf) = vpow2.f32 v0  }
0x37a: {  	v7 =	vadd.f32 v25, v7;
	v31 =	vmul.f32 $1.442695020e+00, v30;
	v30 =	vld [tilespmem:s16+$0xFB60];
	s16 =	sshra.s32 s21, $0x2;
	s21 =	sadd.s32 $0x600, s21;
	v25 =	vpop (erf);
	(erf) = vpow2.f32 v34  }
0x37b: {  	v0 =	vld [tilespmem:s16+$0xFB70];
	v26 =	vmul.f32 $1.442695020e+00, v26  }
0x37c: {  	v33 =	vpop (erf);
	(erf) = vpow2.f32 v32;
	v55 =	vld [tilespmem:s16+$0xFA00];
	v27 =	vmul.f32 $1.442695020e+00, v27  }
0x37d: {  	v34 =	vpop (erf);
	(erf) = vpow2.f32 v31;
	v31 =	vld [tilespmem:s16+$0xFA10];
	v28 =	vmul.f32 $1.442695020e+00, v28  }
0x37e: {  	v35 =	vpop (erf);
	(erf) = vpow2.f32 v26;
	v26 =	vld [tilespmem:s16+$0xFA20];
	v29 =	vmul.f32 $1.442695020e+00, v29  }
0x37f: {  	v36 =	vpop (erf);
	(erf) = vpow2.f32 v27;
	v27 =	vld [tilespmem:s16+$0xFA30];
	v30 =	vmul.f32 $1.442695020e+00, v30  }
0x380: {  	v37 =	vpop (erf);
	(erf) = vpow2.f32 v28;
	v28 =	vld [tilespmem:s16+$0xFA40];
	v0 =	vmul.f32 $1.442695020e+00, v0  }
0x381: {  	v56 =	vld [tilespmem:s16+$0xFA50];
	v38 =	vpop (erf);
	(erf) = vpow2.f32 v29;
	v29 =	vmul.f32 $1.442695020e+00, v55  }
0x382: {  	v39 =	vpop (erf);
	(erf) = vpow2.f32 v30;
	v30 =	vmul.f32 $1.442695020e+00, v31;
	v31 =	vld [tilespmem:s16+$0xFA60]  }
0x383: {  	v40 =	vld [tilespmem:s16+$0xFA70];
	v26 =	vmul.f32 $1.442695020e+00, v26  }
0x384: {  	v41 =	vld [tilespmem:s16+$0xFA80];
	(erf) = vpow2.f32 v0;
	v27 =	vmul.f32 $1.442695020e+00, v27;
	v0 =	vpop (erf)  }
0x385: {  	(erf) = vpow2.f32 v29;
	v28 =	vmul.f32 $1.442695020e+00, v28;
	v29 =	vpop (erf)  }
0x386: {  	v32 =	vmul.f32 $1.442695020e+00, v56;
	(erf) = vpow2.f32 v30;
	v30 =	vpop (erf)  }
0x387: {  	v42 =	vld [tilespmem:s16+$0xFA90];
	(erf) = vpow2.f32 v26;
	v31 =	vmul.f32 $1.442695020e+00, v31;
	v26 =	vpop (erf)  }
0x388: {  	v43 =	vld [tilespmem:s16+$0xFAA0];
	v40 =	vmul.f32 $1.442695020e+00, v40;
	(erf) = vpow2.f32 v27;
	v27 =	vpop (erf)  }
0x389: {  	v44 =	vld [tilespmem:s16+$0xFAB0];
	v41 =	vmul.f32 $1.442695020e+00, v41;
	(erf) = vpow2.f32 v28;
	v28 =	vpop (erf)  }
0x38a: {  	v45 =	vld [tilespmem:s16+$0xFAC0];
	(erf) = vpow2.f32 v32;
	v32 =	vpop (erf)  }
0x38b: {  	v46 =	vld [tilespmem:s16+$0xFAD0];
	(erf) = vpow2.f32 v31;
	v31 =	vpop (erf)  }
0x38c: {  	v47 =	vld [tilespmem:s16+$0xFAE0];
	v42 =	vmul.f32 $1.442695020e+00, v42;
	(erf) = vpow2.f32 v40;
	v40 =	vpop (erf)  }
0x38d: {  	v48 =	vld [tilespmem:s16+$0xFAF0];
	v43 =	vmul.f32 $1.442695020e+00, v43;
	(erf) = vpow2.f32 v41;
	v41 =	vpop (erf)  }
0x38e: {  	v49 =	vld [tilespmem:s16+$0xFB00];
	v44 =	vmul.f32 $1.442695020e+00, v44;
	v50 =	vpop (erf);
	(erf) = vpow2.f32 v42  }
0x38f: {  	v58 =	vld [tilespmem:s16+$0xFB10];
	v57 =	vmul.f32 $1.442695020e+00, v45;
	v51 =	vpop (erf);
	(erf) = vpow2.f32 v43  }
0x390: {  	v59 =	vmul.f32 $1.442695020e+00, v46;
	v46 =	vld [tilespmem:s16+$0xFB20];
	v52 =	vpop (erf);
	(erf) = vpow2.f32 v44  }
0x391: {  	v60 =	vmul.f32 $1.442695020e+00, v47;
	v47 =	vld [tilespmem:s16+$0xFB30];
	v53 =	vpop (erf);
	(erf) = vpow2.f32 v57  }
0x392: {  	v61 =	vmul.f32 $1.442695020e+00, v48;
	v48 =	vld [tilespmem:s16+$0xFB40];
	v54 =	vpop (erf);
	(erf) = vpow2.f32 v59  }
0x393: {  	v62 =	vmul.f32 $1.442695020e+00, v49;
	v49 =	vld [tilespmem:s16+$0xFB50];
	v55 =	vpop (erf);
	(erf) = vpow2.f32 v60  }
0x394: {  	v44 =	vmul.f32 $1.442695020e+00, v58;
	v60 =	vld [tilespmem:s16+$0xFB60];
	v56 =	vpop (erf);
	(erf) = vpow2.f32 v61  }
0x395: {  	v61 =	vmul.f32 $1.442695020e+00, v46;
	v46 =	vpop (erf);
	(erf) = vpow2.f32 v62  }
0x396: {  	v62 =	vmul.f32 $1.442695020e+00, v47;
	v47 =	vpop (erf);
	(erf) = vpow2.f32 v44  }
0x397: {  	v57 =	vmul.f32 $1.442695020e+00, v48;
	v48 =	vpop (erf);
	(erf) = vpow2.f32 v61  }
0x398: {  	v58 =	vmul.f32 $1.442695020e+00, v49;
	v49 =	vpop (erf);
	(erf) = vpow2.f32 v62  }
0x399: {  	v59 =	vmul.f32 $1.442695020e+00, v60;
	v45 =	vpop (erf);
	(erf) = vpow2.f32 v57  }
0x39a: {  	v44 =	vpop (erf);
	(erf) = vpow2.f32 v58  }
0x39b: {  	v42 =	vpop (erf);
	(erf) = vpow2.f32 v59  }
0x39c: {  	v43 =	vpop (erf)  }
0x39d: {  	v57 =	vpop (erf)  }
0x39e: {  	v58 =	vpop (erf)  }
0x39f: {  	v59 =	vpop (erf)  }
0x3a0: {  	v8 =	vadd.f32 v25, v8;
	v25 =	vpop (erf)  }
0x3a1: {  	v60 =	vpop (erf)  }
0x3a2: {  	v61 =	vpop (erf)  }
0x3a3: {  	v62 =	vpop (erf)  }
0x3a4: {  	v0 =	vadd.f32 v0, v15;
	v15 =	vadd.f32 v29, v16;
	v16 =	vpop (erf)  }
0x3a5: {  	v1 =	vadd.f32 v41, v1;
	_ =	swait.ge [sflag:s24], $0x2700  }
0x3a6: {  	v2 =	vadd.f32 v50, v2;
	[sflag:s24] =	ssyncset.done $0x0  }
0x3a7: {  	s23 =	simm.s32 $0x0;
	[tilespmem:$0x1F540] =	vst v1;
	[sflag:s24] =	ssyncadd.s32 $0xFFFFD900  }
0x3a8: {  	v1 =	vld [tilespmem:s23+$0x12270];
	[tilespmem:$0x1F550] =	vst v2;
	v2 =	vadd.f32 v51, v3  }
0x3a9: {  	v3 =	vadd.f32 v52, v4  }
0x3aa: {  	[tilespmem:$0x1F560] =	vst v2  }
0x3ab: {  	v2 =	vld [tilespmem:s23+$0x12100];
	[tilespmem:$0x1F570] =	vst v3;
	v3 =	vadd.f32 v53, v5  }
0x3ac: {  	v4 =	vadd.f32 v54, v6  }
0x3ad: {  	[tilespmem:$0x1F580] =	vst v3  }
0x3ae: {  	v3 =	vld [tilespmem:s23+$0x12110];
	[tilespmem:$0x1F590] =	vst v4;
	v4 =	vadd.f32 v55, v7  }
0x3af: {  	v19 =	vadd.f32 v33, v19;
	v5 =	vadd.f32 v56, v8  }
0x3b0: {  	v20 =	vadd.f32 v34, v20;
	[tilespmem:$0x1F5A0] =	vst v4  }
0x3b1: {  	v4 =	vld [tilespmem:s23+$0x12120];
	[tilespmem:$0x1F5B0] =	vst v5;
	v5 =	vadd.f32 v46, v19  }
0x3b2: {  	v21 =	vadd.f32 v35, v21;
	v6 =	vadd.f32 v47, v20  }
0x3b3: {  	v12 =	vadd.f32 v36, v12;
	[tilespmem:$0x1F5C0] =	vst v5  }
0x3b4: {  	v5 =	vld [tilespmem:s23+$0x12130];
	[tilespmem:$0x1F5D0] =	vst v6;
	v6 =	vadd.f32 v48, v21  }
0x3b5: {  	v22 =	vadd.f32 v37, v22;
	v7 =	vadd.f32 v49, v12  }
0x3b6: {  	v13 =	vadd.f32 v38, v13;
	[tilespmem:$0x1F5E0] =	vst v6  }
0x3b7: {  	v14 =	vadd.f32 v39, v14;
	v1 =	vmul.f32 $1.442695020e+00, v1;
	v6 =	vld [tilespmem:s23+$0x12140];
	[tilespmem:$0x1F5F0] =	vst v7;
	v7 =	vadd.f32 v45, v22  }
0x3b8: {  	v8 =	vadd.f32 v44, v13  }
0x3b9: {  	(erf) = vpow2.f32 v1;
	v1 =	vadd.f32 v42, v14;
	v2 =	vmul.f32 $1.442695020e+00, v2;
	[tilespmem:$0x1F600] =	vst v7  }
0x3ba: {  	v9 =	vadd.f32 v30, v9;
	v0 =	vadd.f32 v43, v0;
	v3 =	vmul.f32 $1.442695020e+00, v3;
	v7 =	vld [tilespmem:s23+$0x12150];
	[tilespmem:$0x1F610] =	vst v8  }
0x3bb: {  	v17 =	vadd.f32 v26, v17;
	(erf) = vpow2.f32 v2;
	v8 =	vld [tilespmem:s23+$0x12160];
	[tilespmem:$0x1F620] =	vst v1;
	v1 =	vmul.f32 $1.442695020e+00, v4  }
0x3bc: {  	(erf) = vpow2.f32 v3;
	v3 =	vadd.f32 v57, v15;
	v4 =	vld [tilespmem:s23+$0x12170];
	[tilespmem:$0x1F630] =	vst v0;
	v0 =	vmul.f32 $1.442695020e+00, v5  }
0x3bd: {  	(erf) = vpow2.f32 v1;
	v1 =	vadd.f32 v58, v9  }
0x3be: {  	v10 =	vadd.f32 v27, v10;
	v2 =	vld [tilespmem:s23+$0x12180];
	[tilespmem:$0x1F640] =	vst v3;
	(erf) = vpow2.f32 v0;
	v0 =	vadd.f32 v59, v17  }
0x3bf: {  	v11 =	vadd.f32 v28, v11;
	v3 =	vmul.f32 $1.442695020e+00, v6;
	v5 =	vld [tilespmem:s23+$0x12190];
	[tilespmem:$0x1F650] =	vst v1  }
0x3c0: {  	v23 =	vadd.f32 v32, v23;
	v1 =	vmul.f32 $1.442695020e+00, v7;
	v6 =	vld [tilespmem:s23+$0x121A0];
	[tilespmem:$0x1F660] =	vst v0;
	v0 =	vadd.f32 v25, v10  }
0x3c1: {  	v24 =	vadd.f32 v31, v24;
	(erf) = vpow2.f32 v3;
	v3 =	vadd.f32 v60, v11  }
0x3c2: {  	v18 =	vadd.f32 v40, v18;
	(erf) = vpow2.f32 v1;
	v1 =	vadd.f32 v61, v23;
	[tilespmem:$0x1F670] =	vst v0  }
0x3c3: {  	v20 =	vimm.f32 $0.0e+00;
	v13 =	vimm.f32 $0.0e+00;
	v0 =	vld [tilespmem:s23+$0x121B0];
	[tilespmem:$0x1F680] =	vst v3;
	v3 =	vmul.f32 $1.442695020e+00, v8  }
0x3c4: {  	v14 =	vimm.f32 $0.0e+00;
	v7 =	vadd.f32 v62, v24;
	[tilespmem:$0x1F690] =	vst v1;
	v1 =	vmul.f32 $1.442695020e+00, v4  }
0x3c5: {  	(erf) = vpow2.f32 v3;
	v3 =	vmul.f32 $1.442695020e+00, v5;
	v5 =	vadd.f32 v16, v18  }
0x3c6: {  	v19 =	vimm.f32 $0.0e+00;
	v21 =	vimm.f32 $0.0e+00;
	v2 =	vmul.f32 $1.442695020e+00, v2;
	v4 =	vld [tilespmem:s23+$0x121C0];
	[tilespmem:$0x1F6A0] =	vst v7  }
0x3c7: {  	v15 =	vimm.f32 $0.0e+00;
	v22 =	vimm.f32 $0.0e+00;
	v17 =	vimm.f32 $0.0e+00;
	v7 =	vld [tilespmem:s23+$0x121D0];
	[tilespmem:$0x1F6B0] =	vst v5  }
0x3c8: {  	v24 =	vimm.f32 $0.0e+00;
	v23 =	vimm.f32 $0.0e+00;
	v8 =	vimm.f32 $0.0e+00;
	v5 =	vld [tilespmem:s23+$0x121E0]  }
0x3c9: {  	v6 =	vmul.f32 $1.442695020e+00, v6;
	v16 =	vimm.f32 $0.0e+00;
	(erf) = vpow2.f32 v1;
	v1 =	vpop (erf);
	v9 =	vld [tilespmem:s23+$0x121F0]  }
0x3ca: {  	v18 =	vimm.f32 $0.0e+00;
	(erf) = vpow2.f32 v2;
	v0 =	vmul.f32 $1.442695020e+00, v0;
	v2 =	vpop (erf);
	v10 =	vld [tilespmem:s23+$0x12200]  }
0x3cb: {  	v1 =	vadd.f32 v1, v8;
	(erf) = vpow2.f32 v3;
	v12 =	vld [tilespmem:s23+$0x12210];
	v2 =	vadd.f32 v2, v8;
	v3 =	vpop (erf)  }
0x3cc: {  	v11 =	vmul.f32 $1.442695020e+00, v4;
	(erf) = vpow2.f32 v6;
	v3 =	vadd.f32 v3, v8;
	v4 =	vpop (erf)  }
0x3cd: {  	v6 =	vmul.f32 $1.442695020e+00, v7;
	(erf) = vpow2.f32 v0;
	v4 =	vadd.f32 v4, v8  }
0x3ce: {  	v26 =	vld [tilespmem:s23+$0x12220];
	v0 =	vpop (erf);
	(erf) = vpow2.f32 v11;
	v11 =	vimm.f32 $0.0e+00;
	v7 =	vmul.f32 $1.442695020e+00, v5  }
0x3cf: {  	v27 =	vld [tilespmem:s23+$0x12230];
	v5 =	vadd.f32 v0, v8;
	v0 =	vpop (erf);
	v9 =	vmul.f32 $1.442695020e+00, v9;
	(erf) = vpow2.f32 v6  }
0x3d0: {  	v28 =	vld [tilespmem:s23+$0x12240];
	v32 =	vmul.f32 $1.442695020e+00, v10;
	v31 =	vmul.f32 $1.442695020e+00, v12;
	v12 =	vimm.f32 $0.0e+00  }
0x3d1: {  	v29 =	vld [tilespmem:s23+$0x12250];
	v10 =	vimm.f32 $0.0e+00;
	v6 =	vadd.f32 v0, v8;
	v0 =	vpop (erf);
	(erf) = vpow2.f32 v7  }
0x3d2: {  	s21 =	simm.s32 $0xC00;
	s16 =	simm.s32 $0x180;
	v30 =	vld [tilespmem:s23+$0x12260];
	v7 =	vadd.f32 v0, v8;
	v25 =	vpop (erf);
	(erf) = vpow2.f32 v9;
	v9 =	vimm.f32 $0.0e+00  }
.LBB2_21:
0x3d3: {  	p1 =	sne.s32 s21, $0x9600;
	v0 =	vld [tilespmem:s16+$0x12270];
	v8 =	vadd.f32 v25, v8;
	v25 =	vmul.f32 $1.442695020e+00, v26;
	v26 =	vpop (erf);
	(erf) = vpow2.f32 v32  }
0x3d4: {  	v32 =	vld [tilespmem:s16+$0x12100];
	v19 =	vadd.f32 v26, v19;
	v26 =	vmul.f32 $1.442695020e+00, v27;
	v27 =	vpop (erf);
	(erf) = vpow2.f32 v31  }
0x3d5: {  	v31 =	vld [tilespmem:s16+$0x12110];
	v20 =	vadd.f32 v27, v20;
	v27 =	vmul.f32 $1.442695020e+00, v28;
	v28 =	vpop (erf);
	(erf) = vpow2.f32 v25  }
0x3d6: {  	v25 =	vld [tilespmem:s16+$0x12120];
	v21 =	vadd.f32 v28, v21;
	v28 =	vmul.f32 $1.442695020e+00, v29;
	v29 =	vpop (erf);
	(erf) = vpow2.f32 v26  }
0x3d7: {  	v26 =	vld [tilespmem:s16+$0x12130];
	v12 =	vadd.f32 v29, v12;
	v29 =	vmul.f32 $1.442695020e+00, v30;
	v30 =	vpop (erf);
	(erf) = vpow2.f32 v27  }
0x3d8: {  	v27 =	vld [tilespmem:s16+$0x12140];
	v33 =	vmul.f32 $1.442695020e+00, v0;
	v22 =	vadd.f32 v30, v22;
	v30 =	vpop (erf);
	(erf) = vpow2.f32 v28  }
0x3d9: {  	v28 =	vmul.f32 $1.442695020e+00, v32;
	v32 =	vld [tilespmem:s16+$0x12150];
	v13 =	vadd.f32 v30, v13;
	v30 =	vpop (erf);
	(erf) = vpow2.f32 v29  }
0x3da: {  	v29 =	vmul.f32 $1.442695020e+00, v31;
	v31 =	vld [tilespmem:s16+$0x12160];
	(erf) = vpow2.f32 v33;
	v14 =	vadd.f32 v30, v14;
	v0 =	vpop (erf)  }
0x3db: {  	v25 =	vmul.f32 $1.442695020e+00, v25;
	v30 =	vld [tilespmem:s16+$0x12170];
	(erf) = vpow2.f32 v28;
	v15 =	vadd.f32 v0, v15;
	v0 =	vpop (erf)  }
0x3dc: {  	v26 =	vmul.f32 $1.442695020e+00, v26;
	v28 =	vld [tilespmem:s16+$0x12180];
	(erf) = vpow2.f32 v29;
	v16 =	vadd.f32 v0, v16;
	v0 =	vpop (erf)  }
0x3dd: {  	v27 =	vmul.f32 $1.442695020e+00, v27;
	v29 =	vld [tilespmem:s16+$0x12190];
	(erf) = vpow2.f32 v25;
	v9 =	vadd.f32 v0, v9;
	v0 =	vpop (erf)  }
0x3de: {  	v25 =	vmul.f32 $1.442695020e+00, v32;
	v32 =	vld [tilespmem:s16+$0x121A0];
	(erf) = vpow2.f32 v26;
	v17 =	vadd.f32 v0, v17;
	v0 =	vpop (erf)  }
0x3df: {  	v26 =	vmul.f32 $1.442695020e+00, v31;
	v31 =	vld [tilespmem:s16+$0x121B0];
	(erf) = vpow2.f32 v27;
	v10 =	vadd.f32 v0, v10;
	v0 =	vpop (erf)  }
0x3e0: {  	v27 =	vmul.f32 $1.442695020e+00, v30;
	v30 =	vld [tilespmem:s16+$0x121C0];
	(erf) = vpow2.f32 v25;
	v11 =	vadd.f32 v0, v11;
	v0 =	vpop (erf)  }
0x3e1: {  	v33 =	vmul.f32 $1.442695020e+00, v28;
	v28 =	vld [tilespmem:s16+$0x121D0];
	(erf) = vpow2.f32 v26;
	v23 =	vadd.f32 v0, v23;
	v0 =	vpop (erf)  }
0x3e2: {  	v34 =	vmul.f32 $1.442695020e+00, v29;
	v29 =	vld [tilespmem:s16+$0x121E0];
	(erf) = vpow2.f32 v27;
	v24 =	vadd.f32 v0, v24;
	v0 =	vpop (erf)  }
0x3e3: {  	v35 =	vmul.f32 $1.442695020e+00, v32;
	v32 =	vld [tilespmem:s16+$0x121F0];
	(erf) = vpow2.f32 v33;
	v25 =	vpop (erf);
	v18 =	vadd.f32 v0, v18  }
0x3e4: {  	v0 =	vmul.f32 $1.442695020e+00, v31;
	v31 =	vld [tilespmem:s16+$0x12200];
	v1 =	vadd.f32 v25, v1;
	v25 =	vpop (erf);
	(erf) = vpow2.f32 v34  }
0x3e5: {  	v2 =	vadd.f32 v25, v2;
	v36 =	vmul.f32 $1.442695020e+00, v30;
	v30 =	vld [tilespmem:s16+$0x12210];
	v26 =	vpop (erf);
	(erf) = vpow2.f32 v35  }
.Ltmp9:
0x3e6: {  	v3 =	vadd.f32 v26, v3;
	v33 =	vmul.f32 $1.442695020e+00, v28;
	v26 =	vld [tilespmem:s16+$0x12220];
	v27 =	vpop (erf);
	(erf) = vpow2.f32 v0;
	(pc) =	sbr.rel @p1 .LBB2_21-.Ltmp9, $4  }
0x3e7: {  	v4 =	vadd.f32 v27, v4;
	v0 =	vmul.f32 $1.442695020e+00, v29;
	v27 =	vld [tilespmem:s16+$0x12230];
	v28 =	vpop (erf);
	(erf) = vpow2.f32 v36  }
0x3e8: {  	v5 =	vadd.f32 v28, v5;
	v34 =	vmul.f32 $1.442695020e+00, v32;
	v28 =	vld [tilespmem:s16+$0x12240];
	v25 =	vpop (erf);
	(erf) = vpow2.f32 v33  }
0x3e9: {  	v6 =	vadd.f32 v25, v6;
	v32 =	vmul.f32 $1.442695020e+00, v31;
	v29 =	vld [tilespmem:s16+$0x12250];
	v25 =	vpop (erf);
	(erf) = vpow2.f32 v0  }
0x3ea: {  	v7 =	vadd.f32 v25, v7;
	v31 =	vmul.f32 $1.442695020e+00, v30;
	v30 =	vld [tilespmem:s16+$0x12260];
	s16 =	sshra.s32 s21, $0x2;
	s21 =	sadd.s32 $0x600, s21;
	v25 =	vpop (erf);
	(erf) = vpow2.f32 v34  }
0x3eb: {  	v0 =	vld [tilespmem:s16+$0x12270];
	v26 =	vmul.f32 $1.442695020e+00, v26  }
0x3ec: {  	v33 =	vpop (erf);
	(erf) = vpow2.f32 v32;
	v55 =	vld [tilespmem:s16+$0x12100];
	v27 =	vmul.f32 $1.442695020e+00, v27  }
0x3ed: {  	v34 =	vpop (erf);
	(erf) = vpow2.f32 v31;
	v31 =	vld [tilespmem:s16+$0x12110];
	v28 =	vmul.f32 $1.442695020e+00, v28  }
0x3ee: {  	v35 =	vpop (erf);
	(erf) = vpow2.f32 v26;
	v26 =	vld [tilespmem:s16+$0x12120];
	v29 =	vmul.f32 $1.442695020e+00, v29  }
0x3ef: {  	v36 =	vpop (erf);
	(erf) = vpow2.f32 v27;
	v27 =	vld [tilespmem:s16+$0x12130];
	v30 =	vmul.f32 $1.442695020e+00, v30  }
0x3f0: {  	v37 =	vpop (erf);
	(erf) = vpow2.f32 v28;
	v28 =	vld [tilespmem:s16+$0x12140];
	v0 =	vmul.f32 $1.442695020e+00, v0  }
0x3f1: {  	v56 =	vld [tilespmem:s16+$0x12150];
	v38 =	vpop (erf);
	(erf) = vpow2.f32 v29;
	v29 =	vmul.f32 $1.442695020e+00, v55  }
0x3f2: {  	v39 =	vpop (erf);
	(erf) = vpow2.f32 v30;
	v30 =	vmul.f32 $1.442695020e+00, v31;
	v31 =	vld [tilespmem:s16+$0x12160]  }
0x3f3: {  	v40 =	vld [tilespmem:s16+$0x12170];
	v26 =	vmul.f32 $1.442695020e+00, v26  }
0x3f4: {  	v41 =	vld [tilespmem:s16+$0x12180];
	(erf) = vpow2.f32 v0;
	v27 =	vmul.f32 $1.442695020e+00, v27;
	v0 =	vpop (erf)  }
0x3f5: {  	(erf) = vpow2.f32 v29;
	v28 =	vmul.f32 $1.442695020e+00, v28;
	v29 =	vpop (erf)  }
0x3f6: {  	v32 =	vmul.f32 $1.442695020e+00, v56;
	(erf) = vpow2.f32 v30;
	v30 =	vpop (erf)  }
0x3f7: {  	v42 =	vld [tilespmem:s16+$0x12190];
	(erf) = vpow2.f32 v26;
	v31 =	vmul.f32 $1.442695020e+00, v31;
	v26 =	vpop (erf)  }
0x3f8: {  	v43 =	vld [tilespmem:s16+$0x121A0];
	v40 =	vmul.f32 $1.442695020e+00, v40;
	(erf) = vpow2.f32 v27;
	v27 =	vpop (erf)  }
0x3f9: {  	v44 =	vld [tilespmem:s16+$0x121B0];
	v41 =	vmul.f32 $1.442695020e+00, v41;
	(erf) = vpow2.f32 v28;
	v28 =	vpop (erf)  }
0x3fa: {  	v45 =	vld [tilespmem:s16+$0x121C0];
	(erf) = vpow2.f32 v32;
	v32 =	vpop (erf)  }
0x3fb: {  	v46 =	vld [tilespmem:s16+$0x121D0];
	(erf) = vpow2.f32 v31;
	v31 =	vpop (erf)  }
0x3fc: {  	v47 =	vld [tilespmem:s16+$0x121E0];
	v42 =	vmul.f32 $1.442695020e+00, v42;
	(erf) = vpow2.f32 v40;
	v40 =	vpop (erf)  }
0x3fd: {  	v48 =	vld [tilespmem:s16+$0x121F0];
	v43 =	vmul.f32 $1.442695020e+00, v43;
	(erf) = vpow2.f32 v41;
	v41 =	vpop (erf)  }
0x3fe: {  	v49 =	vld [tilespmem:s16+$0x12200];
	v44 =	vmul.f32 $1.442695020e+00, v44;
	v50 =	vpop (erf);
	(erf) = vpow2.f32 v42  }
0x3ff: {  	v58 =	vld [tilespmem:s16+$0x12210];
	v57 =	vmul.f32 $1.442695020e+00, v45;
	v51 =	vpop (erf);
	(erf) = vpow2.f32 v43  }
0x400: {  	v59 =	vmul.f32 $1.442695020e+00, v46;
	v46 =	vld [tilespmem:s16+$0x12220];
	v52 =	vpop (erf);
	(erf) = vpow2.f32 v44  }
0x401: {  	v60 =	vmul.f32 $1.442695020e+00, v47;
	v47 =	vld [tilespmem:s16+$0x12230];
	v53 =	vpop (erf);
	(erf) = vpow2.f32 v57  }
0x402: {  	v61 =	vmul.f32 $1.442695020e+00, v48;
	v48 =	vld [tilespmem:s16+$0x12240];
	v54 =	vpop (erf);
	(erf) = vpow2.f32 v59  }
0x403: {  	v62 =	vmul.f32 $1.442695020e+00, v49;
	v49 =	vld [tilespmem:s16+$0x12250];
	v55 =	vpop (erf);
	(erf) = vpow2.f32 v60  }
0x404: {  	v44 =	vmul.f32 $1.442695020e+00, v58;
	v60 =	vld [tilespmem:s16+$0x12260];
	v56 =	vpop (erf);
	(erf) = vpow2.f32 v61  }
0x405: {  	v61 =	vmul.f32 $1.442695020e+00, v46;
	v46 =	vpop (erf);
	(erf) = vpow2.f32 v62  }
0x406: {  	v62 =	vmul.f32 $1.442695020e+00, v47;
	v47 =	vpop (erf);
	(erf) = vpow2.f32 v44  }
0x407: {  	v57 =	vmul.f32 $1.442695020e+00, v48;
	v48 =	vpop (erf);
	(erf) = vpow2.f32 v61  }
0x408: {  	v58 =	vmul.f32 $1.442695020e+00, v49;
	v49 =	vpop (erf);
	(erf) = vpow2.f32 v62  }
0x409: {  	v59 =	vmul.f32 $1.442695020e+00, v60;
	v45 =	vpop (erf);
	(erf) = vpow2.f32 v57  }
0x40a: {  	v44 =	vpop (erf);
	(erf) = vpow2.f32 v58  }
0x40b: {  	v42 =	vpop (erf);
	(erf) = vpow2.f32 v59  }
0x40c: {  	v43 =	vpop (erf)  }
0x40d: {  	v57 =	vpop (erf)  }
0x40e: {  	v58 =	vpop (erf)  }
0x40f: {  	v59 =	vpop (erf)  }
0x410: {  	v8 =	vadd.f32 v25, v8;
	v25 =	vpop (erf)  }
0x411: {  	v60 =	vpop (erf)  }
0x412: {  	v61 =	vpop (erf)  }
0x413: {  	v62 =	vpop (erf)  }
0x414: {  	v0 =	vadd.f32 v0, v15;
	v15 =	vadd.f32 v29, v16;
	v16 =	vpop (erf)  }
0x415: {  	v1 =	vadd.f32 v41, v1;
	_ =	swait.ge [sflag:s25], $0x2700  }
0x416: {  	v2 =	vadd.f32 v50, v2;
	[sflag:s25] =	ssyncset.done $0x0  }
0x417: {  	s23 =	simm.s32 $0x0;
	[tilespmem:$0x1F3C0] =	vst v1;
	[sflag:s25] =	ssyncadd.s32 $0xFFFFD900  }
0x418: {  	v1 =	vld [tilespmem:s23+$0x14970];
	[tilespmem:$0x1F3D0] =	vst v2;
	v2 =	vadd.f32 v51, v3  }
0x419: {  	v3 =	vadd.f32 v52, v4  }
0x41a: {  	[tilespmem:$0x1F3E0] =	vst v2  }
0x41b: {  	v2 =	vld [tilespmem:s23+$0x14800];
	[tilespmem:$0x1F3F0] =	vst v3;
	v3 =	vadd.f32 v53, v5  }
0x41c: {  	v4 =	vadd.f32 v54, v6  }
0x41d: {  	[tilespmem:$0x1F400] =	vst v3  }
0x41e: {  	v3 =	vld [tilespmem:s23+$0x14810];
	[tilespmem:$0x1F410] =	vst v4;
	v4 =	vadd.f32 v55, v7  }
0x41f: {  	v19 =	vadd.f32 v33, v19;
	v5 =	vadd.f32 v56, v8  }
0x420: {  	v20 =	vadd.f32 v34, v20;
	[tilespmem:$0x1F420] =	vst v4  }
0x421: {  	v4 =	vld [tilespmem:s23+$0x14820];
	[tilespmem:$0x1F430] =	vst v5;
	v5 =	vadd.f32 v46, v19  }
0x422: {  	v21 =	vadd.f32 v35, v21;
	v6 =	vadd.f32 v47, v20  }
0x423: {  	v12 =	vadd.f32 v36, v12;
	[tilespmem:$0x1F440] =	vst v5  }
0x424: {  	v5 =	vld [tilespmem:s23+$0x14830];
	[tilespmem:$0x1F450] =	vst v6;
	v6 =	vadd.f32 v48, v21  }
0x425: {  	v22 =	vadd.f32 v37, v22;
	v7 =	vadd.f32 v49, v12  }
0x426: {  	v13 =	vadd.f32 v38, v13;
	[tilespmem:$0x1F460] =	vst v6  }
0x427: {  	v14 =	vadd.f32 v39, v14;
	v1 =	vmul.f32 $1.442695020e+00, v1;
	v6 =	vld [tilespmem:s23+$0x14840];
	[tilespmem:$0x1F470] =	vst v7;
	v7 =	vadd.f32 v45, v22  }
0x428: {  	v8 =	vadd.f32 v44, v13  }
0x429: {  	(erf) = vpow2.f32 v1;
	v1 =	vadd.f32 v42, v14;
	v2 =	vmul.f32 $1.442695020e+00, v2;
	[tilespmem:$0x1F480] =	vst v7  }
0x42a: {  	v9 =	vadd.f32 v30, v9;
	v0 =	vadd.f32 v43, v0;
	v3 =	vmul.f32 $1.442695020e+00, v3;
	v7 =	vld [tilespmem:s23+$0x14850];
	[tilespmem:$0x1F490] =	vst v8  }
0x42b: {  	v17 =	vadd.f32 v26, v17;
	(erf) = vpow2.f32 v2;
	v8 =	vld [tilespmem:s23+$0x14860];
	[tilespmem:$0x1F4A0] =	vst v1;
	v1 =	vmul.f32 $1.442695020e+00, v4  }
0x42c: {  	(erf) = vpow2.f32 v3;
	v3 =	vadd.f32 v57, v15;
	v4 =	vld [tilespmem:s23+$0x14870];
	[tilespmem:$0x1F4B0] =	vst v0;
	v0 =	vmul.f32 $1.442695020e+00, v5  }
0x42d: {  	(erf) = vpow2.f32 v1;
	v1 =	vadd.f32 v58, v9  }
0x42e: {  	v10 =	vadd.f32 v27, v10;
	v2 =	vld [tilespmem:s23+$0x14880];
	[tilespmem:$0x1F4C0] =	vst v3;
	(erf) = vpow2.f32 v0;
	v0 =	vadd.f32 v59, v17  }
0x42f: {  	v5 =	vld [tilespmem:s23+$0x14890];
	[tilespmem:$0x1F4D0] =	vst v1  }
0x430: {  	v11 =	vadd.f32 v28, v11;
	v3 =	vmul.f32 $1.442695020e+00, v6;
	v6 =	vld [tilespmem:s23+$0x148A0];
	[tilespmem:$0x1F4E0] =	vst v0;
	v0 =	vadd.f32 v25, v10;
	_ =	sdelay $0x1  }
0x431: {  	v23 =	vadd.f32 v32, v23;
	[tilespmem:$0x1F4F0] =	vst v0;
	v0 =	vadd.f32 v60, v11;
	_ =	sdelay $0x1  }
0x432: {  	v24 =	vadd.f32 v31, v24;
	v1 =	vmul.f32 $1.442695020e+00, v7;
	v7 =	vld [tilespmem:s23+$0x148B0];
	[tilespmem:$0x1F500] =	vst v0;
	v0 =	vadd.f32 v61, v23  }
0x433: {  	v26 =	vimm.f32 $0.0e+00;
	v27 =	vimm.f32 $0.0e+00;
	v18 =	vadd.f32 v40, v18  }
0x434: {  	v20 =	vimm.f32 $0.0e+00;
	v19 =	vimm.f32 $0.0e+00;
	[tilespmem:$0x1F510] =	vst v0;
	v0 =	vadd.f32 v62, v24  }
0x435: {  	v21 =	vimm.f32 $0.0e+00;
	v15 =	vimm.f32 $0.0e+00;
	v22 =	vimm.f32 $0.0e+00  }
0x436: {  	(erf) = vpow2.f32 v3;
	v3 =	vmul.f32 $1.442695020e+00, v8;
	v8 =	vld [tilespmem:s23+$0x148C0];
	[tilespmem:$0x1F520] =	vst v0;
	v0 =	vadd.f32 v16, v18  }
0x437: {  	v17 =	vimm.f32 $0.0e+00;
	(erf) = vpow2.f32 v1;
	v1 =	vmul.f32 $1.442695020e+00, v4  }
0x438: {  	v25 =	vimm.f32 $0.0e+00;
	v4 =	vmul.f32 $1.442695020e+00, v2;
	(erf) = vpow2.f32 v3;
	v9 =	vld [tilespmem:s23+$0x148D0];
	[tilespmem:$0x1F530] =	vst v0  }
0x439: {  	v11 =	vimm.f32 $0.0e+00;
	v5 =	vmul.f32 $1.442695020e+00, v5;
	(erf) = vpow2.f32 v1;
	v10 =	vld [tilespmem:s23+$0x148E0]  }
0x43a: {  	(erf) = vpow2.f32 v4;
	v23 =	vimm.f32 $0.0e+00;
	v1 =	vmul.f32 $1.442695020e+00, v6;
	v6 =	vpop (erf);
	v12 =	vld [tilespmem:s23+$0x148F0]  }
0x43b: {  	(erf) = vpow2.f32 v5;
	v13 =	vpop (erf);
	v4 =	vadd.f32 v6, v11;
	v24 =	vimm.f32 $0.0e+00;
	v14 =	vld [tilespmem:s23+$0x14900]  }
0x43c: {  	v5 =	vadd.f32 v13, v11;
	v6 =	vpop (erf);
	(erf) = vpow2.f32 v1;
	v7 =	vmul.f32 $1.442695020e+00, v7;
	v13 =	vld [tilespmem:s23+$0x14910]  }
0x43d: {  	v6 =	vadd.f32 v6, v11;
	v16 =	vimm.f32 $0.0e+00;
	v8 =	vmul.f32 $1.442695020e+00, v8  }
0x43e: {  	v18 =	vimm.f32 $0.0e+00;
	v1 =	vpop (erf);
	(erf) = vpow2.f32 v7;
	v9 =	vmul.f32 $1.442695020e+00, v9  }
0x43f: {  	v7 =	vadd.f32 v1, v11;
	v1 =	vpop (erf);
	v28 =	vld [tilespmem:s23+$0x14920];
	(erf) = vpow2.f32 v8;
	v10 =	vmul.f32 $1.442695020e+00, v10  }
0x440: {  	v29 =	vld [tilespmem:s23+$0x14930];
	v8 =	vadd.f32 v1, v11;
	v1 =	vpop (erf);
	v12 =	vmul.f32 $1.442695020e+00, v12;
	(erf) = vpow2.f32 v9  }
0x441: {  	v30 =	vld [tilespmem:s23+$0x14940];
	v9 =	vadd.f32 v1, v11;
	v34 =	vmul.f32 $1.442695020e+00, v14;
	v33 =	vmul.f32 $1.442695020e+00, v13  }
0x442: {  	v31 =	vld [tilespmem:s23+$0x14950];
	v1 =	vpop (erf);
	v13 =	vimm.f32 $0.0e+00;
	v14 =	vimm.f32 $0.0e+00;
	(erf) = vpow2.f32 v10  }
0x443: {  	s21 =	simm.s32 $0xC00;
	s16 =	simm.s32 $0x180;
	v32 =	vld [tilespmem:s23+$0x14960];
	v10 =	vadd.f32 v1, v11;
	v1 =	vpop (erf);
	(erf) = vpow2.f32 v12;
	v12 =	vimm.f32 $0.0e+00  }
.LBB2_23:
0x444: {  	p1 =	sne.s32 s21, $0x9600;
	v35 =	vld [tilespmem:s16+$0x14970];
	v11 =	vadd.f32 v1, v11;
	v1 =	vmul.f32 $1.442695020e+00, v28;
	v28 =	vpop (erf);
	(erf) = vpow2.f32 v34  }
0x445: {  	v34 =	vld [tilespmem:s16+$0x14800];
	v22 =	vadd.f32 v28, v22;
	v28 =	vmul.f32 $1.442695020e+00, v29;
	v29 =	vpop (erf);
	(erf) = vpow2.f32 v33  }
0x446: {  	v33 =	vld [tilespmem:s16+$0x14810];
	v23 =	vadd.f32 v29, v23;
	v29 =	vmul.f32 $1.442695020e+00, v30;
	v30 =	vpop (erf);
	(erf) = vpow2.f32 v1  }
0x447: {  	v1 =	vld [tilespmem:s16+$0x14820];
	v24 =	vadd.f32 v30, v24;
	v30 =	vmul.f32 $1.442695020e+00, v31;
	v31 =	vpop (erf);
	(erf) = vpow2.f32 v28  }
0x448: {  	v28 =	vld [tilespmem:s16+$0x14830];
	v15 =	vadd.f32 v31, v15;
	v31 =	vmul.f32 $1.442695020e+00, v32;
	v32 =	vpop (erf);
	(erf) = vpow2.f32 v29  }
0x449: {  	v29 =	vld [tilespmem:s16+$0x14840];
	v35 =	vmul.f32 $1.442695020e+00, v35;
	v25 =	vadd.f32 v32, v25;
	v32 =	vpop (erf);
	(erf) = vpow2.f32 v30  }
0x44a: {  	v0 =	vmul.f32 $1.442695020e+00, v34;
	v34 =	vld [tilespmem:s16+$0x14850];
	v16 =	vadd.f32 v32, v16;
	v32 =	vpop (erf);
	(erf) = vpow2.f32 v31  }
0x44b: {  	v31 =	vmul.f32 $1.442695020e+00, v33;
	v33 =	vld [tilespmem:s16+$0x14860];
	(erf) = vpow2.f32 v35;
	v17 =	vadd.f32 v32, v17;
	v32 =	vpop (erf)  }
0x44c: {  	v2 =	vmul.f32 $1.442695020e+00, v1;
	v35 =	vld [tilespmem:s16+$0x14870];
	(erf) = vpow2.f32 v0;
	v18 =	vadd.f32 v32, v18;
	v30 =	vpop (erf)  }
0x44d: {  	v28 =	vmul.f32 $1.442695020e+00, v28;
	v32 =	vld [tilespmem:s16+$0x14880];
	(erf) = vpow2.f32 v31;
	v19 =	vadd.f32 v30, v19;
	v30 =	vpop (erf)  }
0x44e: {  	v29 =	vmul.f32 $1.442695020e+00, v29;
	v31 =	vld [tilespmem:s16+$0x14890];
	(erf) = vpow2.f32 v2;
	v12 =	vadd.f32 v30, v12;
	v1 =	vpop (erf)  }
0x44f: {  	v30 =	vmul.f32 $1.442695020e+00, v34;
	v34 =	vld [tilespmem:s16+$0x148A0];
	(erf) = vpow2.f32 v28;
	v20 =	vadd.f32 v1, v20;
	v1 =	vpop (erf)  }
0x450: {  	v28 =	vmul.f32 $1.442695020e+00, v33;
	v33 =	vld [tilespmem:s16+$0x148B0];
	(erf) = vpow2.f32 v29;
	v13 =	vadd.f32 v1, v13;
	v1 =	vpop (erf)  }
0x451: {  	v29 =	vmul.f32 $1.442695020e+00, v35;
	v35 =	vld [tilespmem:s16+$0x148C0];
	(erf) = vpow2.f32 v30;
	v14 =	vadd.f32 v1, v14;
	v1 =	vpop (erf)  }
0x452: {  	v0 =	vmul.f32 $1.442695020e+00, v32;
	v32 =	vld [tilespmem:s16+$0x148D0];
	(erf) = vpow2.f32 v28;
	v26 =	vadd.f32 v1, v26;
	v1 =	vpop (erf)  }
0x453: {  	v2 =	vmul.f32 $1.442695020e+00, v31;
	v31 =	vld [tilespmem:s16+$0x148E0];
	(erf) = vpow2.f32 v29;
	v27 =	vadd.f32 v1, v27;
	v1 =	vpop (erf)  }
0x454: {  	v3 =	vmul.f32 $1.442695020e+00, v34;
	v34 =	vld [tilespmem:s16+$0x148F0];
	(erf) = vpow2.f32 v0;
	v30 =	vpop (erf);
	v21 =	vadd.f32 v1, v21  }
0x455: {  	v1 =	vmul.f32 $1.442695020e+00, v33;
	v33 =	vld [tilespmem:s16+$0x14900];
	v4 =	vadd.f32 v30, v4;
	v30 =	vpop (erf);
	(erf) = vpow2.f32 v2  }
0x456: {  	v5 =	vadd.f32 v30, v5;
	v30 =	vmul.f32 $1.442695020e+00, v35;
	v35 =	vld [tilespmem:s16+$0x14910];
	v28 =	vpop (erf);
	(erf) = vpow2.f32 v3  }
.Ltmp10:
0x457: {  	v6 =	vadd.f32 v28, v6;
	v0 =	vmul.f32 $1.442695020e+00, v32;
	v28 =	vld [tilespmem:s16+$0x14920];
	v29 =	vpop (erf);
	(erf) = vpow2.f32 v1;
	(pc) =	sbr.rel @p1 .LBB2_23-.Ltmp10, $4  }
0x458: {  	v7 =	vadd.f32 v29, v7;
	v2 =	vmul.f32 $1.442695020e+00, v31;
	v29 =	vld [tilespmem:s16+$0x14930];
	v31 =	vpop (erf);
	(erf) = vpow2.f32 v30  }
0x459: {  	v8 =	vadd.f32 v31, v8;
	v36 =	vmul.f32 $1.442695020e+00, v34;
	v30 =	vld [tilespmem:s16+$0x14940];
	v31 =	vpop (erf);
	(erf) = vpow2.f32 v0  }
0x45a: {  	v9 =	vadd.f32 v31, v9;
	v34 =	vmul.f32 $1.442695020e+00, v33;
	v31 =	vld [tilespmem:s16+$0x14950];
	v32 =	vpop (erf);
	(erf) = vpow2.f32 v2  }
0x45b: {  	v10 =	vadd.f32 v32, v10;
	v33 =	vmul.f32 $1.442695020e+00, v35;
	v32 =	vld [tilespmem:s16+$0x14960];
	s16 =	sshra.s32 s21, $0x2;
	s21 =	sadd.s32 $0x600, s21;
	v1 =	vpop (erf);
	(erf) = vpow2.f32 v36  }
0x45c: {  	v35 =	vld [tilespmem:s16+$0x14970];
	v28 =	vmul.f32 $1.442695020e+00, v28  }
0x45d: {  	v36 =	vpop (erf);
	(erf) = vpow2.f32 v34;
	v56 =	vld [tilespmem:s16+$0x14800];
	v29 =	vmul.f32 $1.442695020e+00, v29  }
0x45e: {  	v57 =	vld [tilespmem:s16+$0x14810];
	v37 =	vpop (erf);
	(erf) = vpow2.f32 v33;
	v30 =	vmul.f32 $1.442695020e+00, v30  }
0x45f: {  	v38 =	vpop (erf);
	(erf) = vpow2.f32 v28;
	v28 =	vld [tilespmem:s16+$0x14820];
	v31 =	vmul.f32 $1.442695020e+00, v31  }
0x460: {  	v39 =	vpop (erf);
	(erf) = vpow2.f32 v29;
	v29 =	vld [tilespmem:s16+$0x14830];
	v32 =	vmul.f32 $1.442695020e+00, v32  }
0x461: {  	v40 =	vpop (erf);
	(erf) = vpow2.f32 v30;
	v30 =	vld [tilespmem:s16+$0x14840];
	v35 =	vmul.f32 $1.442695020e+00, v35  }
0x462: {  	v58 =	vld [tilespmem:s16+$0x14850];
	v41 =	vpop (erf);
	(erf) = vpow2.f32 v31;
	v31 =	vmul.f32 $1.442695020e+00, v56  }
0x463: {  	v60 =	vld [tilespmem:s16+$0x14860];
	v59 =	vmul.f32 $1.442695020e+00, v57  }
0x464: {  	v43 =	vld [tilespmem:s16+$0x14870];
	v42 =	vpop (erf);
	(erf) = vpow2.f32 v32;
	v28 =	vmul.f32 $1.442695020e+00, v28  }
0x465: {  	v44 =	vld [tilespmem:s16+$0x14880];
	(erf) = vpow2.f32 v35;
	v29 =	vmul.f32 $1.442695020e+00, v29;
	v35 =	vpop (erf)  }
0x466: {  	(erf) = vpow2.f32 v31;
	v30 =	vmul.f32 $1.442695020e+00, v30;
	v31 =	vpop (erf)  }
0x467: {  	v34 =	vmul.f32 $1.442695020e+00, v58;
	(erf) = vpow2.f32 v59;
	v32 =	vpop (erf)  }
0x468: {  	v45 =	vld [tilespmem:s16+$0x14890];
	v33 =	vmul.f32 $1.442695020e+00, v60;
	(erf) = vpow2.f32 v28;
	v28 =	vpop (erf)  }
0x469: {  	v46 =	vld [tilespmem:s16+$0x148A0];
	v43 =	vmul.f32 $1.442695020e+00, v43;
	(erf) = vpow2.f32 v29;
	v29 =	vpop (erf)  }
0x46a: {  	v47 =	vld [tilespmem:s16+$0x148B0];
	v44 =	vmul.f32 $1.442695020e+00, v44;
	(erf) = vpow2.f32 v30;
	v30 =	vpop (erf)  }
0x46b: {  	v48 =	vld [tilespmem:s16+$0x148C0];
	(erf) = vpow2.f32 v34;
	v34 =	vpop (erf)  }
0x46c: {  	v49 =	vld [tilespmem:s16+$0x148D0];
	(erf) = vpow2.f32 v33;
	v33 =	vpop (erf)  }
0x46d: {  	v50 =	vld [tilespmem:s16+$0x148E0];
	v45 =	vmul.f32 $1.442695020e+00, v45;
	(erf) = vpow2.f32 v43;
	v43 =	vpop (erf)  }
0x46e: {  	v51 =	vld [tilespmem:s16+$0x148F0];
	v46 =	vmul.f32 $1.442695020e+00, v46;
	(erf) = vpow2.f32 v44;
	v44 =	vpop (erf)  }
0x46f: {  	v52 =	vld [tilespmem:s16+$0x14900];
	v47 =	vmul.f32 $1.442695020e+00, v47;
	v53 =	vpop (erf);
	(erf) = vpow2.f32 v45  }
0x470: {  	v61 =	vmul.f32 $1.442695020e+00, v48;
	v48 =	vld [tilespmem:s16+$0x14910];
	v54 =	vpop (erf);
	(erf) = vpow2.f32 v46  }
0x471: {  	v62 =	vmul.f32 $1.442695020e+00, v49;
	v49 =	vld [tilespmem:s16+$0x14920];
	v55 =	vpop (erf);
	(erf) = vpow2.f32 v47  }
0x472: {  	v60 =	vmul.f32 $1.442695020e+00, v50;
	v50 =	vld [tilespmem:s16+$0x14930];
	v56 =	vpop (erf);
	(erf) = vpow2.f32 v61  }
0x473: {  	v61 =	vmul.f32 $1.442695020e+00, v51;
	v51 =	vld [tilespmem:s16+$0x14940];
	v57 =	vpop (erf);
	(erf) = vpow2.f32 v62  }
0x474: {  	v62 =	vmul.f32 $1.442695020e+00, v52;
	v52 =	vld [tilespmem:s16+$0x14950];
	v58 =	vpop (erf);
	(erf) = vpow2.f32 v60  }
0x475: {  	v60 =	vmul.f32 $1.442695020e+00, v48;
	v48 =	vld [tilespmem:s16+$0x14960];
	v59 =	vpop (erf);
	(erf) = vpow2.f32 v61  }
0x476: {  	v61 =	vmul.f32 $1.442695020e+00, v49;
	v49 =	vpop (erf);
	(erf) = vpow2.f32 v62  }
0x477: {  	v62 =	vmul.f32 $1.442695020e+00, v50;
	v50 =	vpop (erf);
	(erf) = vpow2.f32 v60  }
0x478: {  	v60 =	vmul.f32 $1.442695020e+00, v51;
	v51 =	vpop (erf);
	(erf) = vpow2.f32 v61  }
0x479: {  	v61 =	vmul.f32 $1.442695020e+00, v52;
	v52 =	vpop (erf);
	(erf) = vpow2.f32 v62  }
0x47a: {  	v62 =	vmul.f32 $1.442695020e+00, v48;
	v48 =	vpop (erf);
	(erf) = vpow2.f32 v60  }
0x47b: {  	v47 =	vpop (erf);
	(erf) = vpow2.f32 v61  }
0x47c: {  	v45 =	vpop (erf);
	(erf) = vpow2.f32 v62  }
0x47d: {  	v46 =	vpop (erf)  }
0x47e: {  	v60 =	vpop (erf)  }
0x47f: {  	v61 =	vpop (erf)  }
0x480: {  	v62 =	vpop (erf)  }
0x481: {  	v22 =	vadd.f32 v36, v22;
	v36 =	vpop (erf)  }
0x482: {  	v23 =	vadd.f32 v37, v23;
	v37 =	vpop (erf)  }
0x483: {  	v24 =	vadd.f32 v38, v24;
	v15 =	vadd.f32 v39, v15;
	v38 =	vpop (erf)  }
0x484: {  	v25 =	vadd.f32 v40, v25;
	v39 =	vadd.f32 v41, v16;
	v41 =	vpop (erf)  }
0x485: {  	v40 =	vadd.f32 v42, v17;
	v0 =	vadd.f32 v44, v4;
	v42 =	vpop (erf)  }
0x486: {  	_ =	swait.ge [sflag:s5], $0x2700  }
0x487: {  	[sflag:s5] =	ssyncset.done $0x0;
	[tilespmem:$0x1F240] =	vst v0;
	v0 =	vadd.f32 v53, v5  }
0x488: {  	s23 =	simm.s32 $0x0;
	[sflag:s5] =	ssyncadd.s32 $0xFFFFD900  }
0x489: {  	v4 =	vld [tilespmem:s23+$0x17070];
	[tilespmem:$0x1F250] =	vst v0;
	v0 =	vadd.f32 v54, v6;
	_ =	sdelay $0x1  }
0x48a: {  	[tilespmem:$0x1F260] =	vst v0;
	v0 =	vadd.f32 v55, v7;
	_ =	sdelay $0x1  }
0x48b: {  	v1 =	vadd.f32 v1, v11;
	v11 =	vld [tilespmem:s23+$0x16F00];
	[tilespmem:$0x1F270] =	vst v0;
	v0 =	vadd.f32 v56, v8;
	_ =	sdelay $0x1  }
0x48c: {  	[tilespmem:$0x1F280] =	vst v0;
	v0 =	vadd.f32 v57, v9;
	_ =	sdelay $0x1  }
0x48d: {  	v32 =	vadd.f32 v32, v12;
	v12 =	vld [tilespmem:s23+$0x16F10];
	[tilespmem:$0x1F290] =	vst v0;
	v0 =	vadd.f32 v58, v10;
	_ =	sdelay $0x1  }
0x48e: {  	[tilespmem:$0x1F2A0] =	vst v0;
	v0 =	vadd.f32 v59, v1;
	_ =	sdelay $0x1  }
0x48f: {  	v29 =	vadd.f32 v29, v13;
	v13 =	vld [tilespmem:s23+$0x16F20];
	[tilespmem:$0x1F2B0] =	vst v0;
	v0 =	vadd.f32 v49, v22;
	_ =	sdelay $0x1  }
0x490: {  	[tilespmem:$0x1F2C0] =	vst v0;
	v0 =	vadd.f32 v50, v23;
	_ =	sdelay $0x1  }
0x491: {  	v1 =	vld [tilespmem:s23+$0x16F30];
	[tilespmem:$0x1F2D0] =	vst v0;
	v0 =	vadd.f32 v51, v24;
	_ =	sdelay $0x1  }
0x492: {  	[tilespmem:$0x1F2E0] =	vst v0;
	v0 =	vadd.f32 v52, v15;
	_ =	sdelay $0x1  }
0x493: {  	v30 =	vadd.f32 v30, v14;
	v14 =	vld [tilespmem:s23+$0x16F40];
	[tilespmem:$0x1F2F0] =	vst v0;
	v0 =	vadd.f32 v48, v25;
	_ =	sdelay $0x1  }
0x494: {  	[tilespmem:$0x1F300] =	vst v0;
	v0 =	vadd.f32 v47, v39  }
0x495: {  	v35 =	vadd.f32 v35, v18;
	v27 =	vadd.f32 v33, v27  }
0x496: {  	v33 =	vadd.f32 v43, v21;
	v43 =	vld [tilespmem:s23+$0x16F50];
	[tilespmem:$0x1F310] =	vst v0;
	v0 =	vadd.f32 v45, v40;
	_ =	sdelay $0x1  }
0x497: {  	v31 =	vadd.f32 v31, v19;
	v47 =	vld [tilespmem:s23+$0x16F60];
	[tilespmem:$0x1F320] =	vst v0;
	v0 =	vadd.f32 v46, v35;
	_ =	sdelay $0x1  }
0x498: {  	v49 =	vld [tilespmem:s23+$0x16F70];
	[tilespmem:$0x1F330] =	vst v0;
	v0 =	vadd.f32 v60, v31;
	_ =	sdelay $0x1  }
0x499: {  	v28 =	vadd.f32 v28, v20;
	v16 =	vmul.f32 $1.442695020e+00, v4;
	v50 =	vld [tilespmem:s23+$0x16F80];
	[tilespmem:$0x1F340] =	vst v0;
	v0 =	vadd.f32 v61, v32  }
0x49a: {  	v17 =	vmul.f32 $1.442695020e+00, v11  }
0x49b: {  	(erf) = vpow2.f32 v16;
	v44 =	vmul.f32 $1.442695020e+00, v12;
	v31 =	vld [tilespmem:s23+$0x16F90];
	[tilespmem:$0x1F350] =	vst v0;
	v0 =	vadd.f32 v62, v28  }
0x49c: {  	(erf) = vpow2.f32 v17;
	v48 =	vmul.f32 $1.442695020e+00, v13  }
0x49d: {  	v26 =	vadd.f32 v34, v26;
	(erf) = vpow2.f32 v44;
	v53 =	vld [tilespmem:s23+$0x16FA0];
	[tilespmem:$0x1F360] =	vst v0;
	v0 =	vadd.f32 v36, v29  }
0x49e: {  	v44 =	vimm.f32 $0.0e+00;
	v1 =	vmul.f32 $1.442695020e+00, v1;
	(erf) = vpow2.f32 v48  }
0x49f: {  	v48 =	vimm.f32 $0.0e+00;
	v51 =	vmul.f32 $1.442695020e+00, v14;
	[tilespmem:$0x1F370] =	vst v0;
	v0 =	vadd.f32 v37, v30  }
0x4a0: {  	v39 =	vimm.f32 $0.0e+00;
	(erf) = vpow2.f32 v1;
	v45 =	vimm.f32 $0.0e+00  }
0x4a1: {  	v40 =	vimm.f32 $0.0e+00;
	(erf) = vpow2.f32 v51;
	v1 =	vld [tilespmem:s23+$0x16FB0];
	[tilespmem:$0x1F380] =	vst v0;
	v0 =	vadd.f32 v38, v26  }
0x4a2: {  	v35 =	vimm.f32 $0.0e+00;
	v46 =	vimm.f32 $0.0e+00;
	v52 =	vmul.f32 $1.442695020e+00, v43  }
0x4a3: {  	v51 =	vimm.f32 $0.0e+00;
	v28 =	vmul.f32 $1.442695020e+00, v47;
	[tilespmem:$0x1F390] =	vst v0;
	v0 =	vadd.f32 v41, v27  }
0x4a4: {  	v43 =	vimm.f32 $0.0e+00;
	(erf) = vpow2.f32 v52;
	v29 =	vmul.f32 $1.442695020e+00, v49  }
0x4a5: {  	v54 =	vmul.f32 $1.442695020e+00, v50;
	(erf) = vpow2.f32 v28;
	v30 =	vld [tilespmem:s23+$0x16FC0];
	[tilespmem:$0x1F3A0] =	vst v0;
	v0 =	vadd.f32 v42, v33  }
0x4a6: {  	v47 =	vimm.f32 $0.0e+00;
	v31 =	vmul.f32 $1.442695020e+00, v31;
	(erf) = vpow2.f32 v29  }
0x4a7: {  	v36 =	vimm.f32 $0.0e+00;
	v49 =	vimm.f32 $0.0e+00;
	(erf) = vpow2.f32 v54;
	v55 =	vld [tilespmem:s23+$0x16FD0];
	[tilespmem:$0x1F3B0] =	vst v0  }
0x4a8: {  	v50 =	vimm.f32 $0.0e+00;
	v28 =	vpop (erf);
	v34 =	vmul.f32 $1.442695020e+00, v53;
	v1 =	vmul.f32 $1.442695020e+00, v1;
	v56 =	vld [tilespmem:s23+$0x16FE0]  }
0x4a9: {  	v28 =	vadd.f32 v28, v35;
	v29 =	vpop (erf);
	(erf) = vpow2.f32 v31;
	v38 =	vimm.f32 $0.0e+00;
	v57 =	vld [tilespmem:s23+$0x16FF0]  }
0x4aa: {  	v29 =	vadd.f32 v29, v35;
	v31 =	vpop (erf);
	(erf) = vpow2.f32 v34;
	v41 =	vimm.f32 $0.0e+00;
	v58 =	vld [tilespmem:s23+$0x17000]  }
0x4ab: {  	v42 =	vimm.f32 $0.0e+00;
	v60 =	vld [tilespmem:s23+$0x17010];
	v59 =	vmul.f32 $1.442695020e+00, v30;
	v30 =	vadd.f32 v31, v35;
	v31 =	vpop (erf)  }
0x4ac: {  	v52 =	vld [tilespmem:s23+$0x17020];
	(erf) = vpow2.f32 v1;
	v31 =	vadd.f32 v31, v35;
	v1 =	vpop (erf);
	v61 =	vmul.f32 $1.442695020e+00, v55  }
0x4ad: {  	v53 =	vld [tilespmem:s23+$0x17030];
	(erf) = vpow2.f32 v59;
	v32 =	vadd.f32 v1, v35;
	v1 =	vpop (erf);
	v62 =	vmul.f32 $1.442695020e+00, v56  }
0x4ae: {  	v54 =	vld [tilespmem:s23+$0x17040];
	v33 =	vadd.f32 v1, v35;
	v1 =	vpop (erf);
	v37 =	vmul.f32 $1.442695020e+00, v57;
	(erf) = vpow2.f32 v61  }
0x4af: {  	v55 =	vld [tilespmem:s23+$0x17050];
	v58 =	vmul.f32 $1.442695020e+00, v58;
	v34 =	vadd.f32 v1, v35;
	(erf) = vpow2.f32 v62  }
0x4b0: {  	s21 =	simm.s32 $0xC00;
	s16 =	simm.s32 $0x180;
	v57 =	vmul.f32 $1.442695020e+00, v60;
	v56 =	vld [tilespmem:s23+$0x17060];
	v1 =	vpop (erf);
	(erf) = vpow2.f32 v37;
	v37 =	vimm.f32 $0.0e+00  }
.LBB2_25:
0x4b1: {  	p1 =	sne.s32 s21, $0x9600;
	v59 =	vld [tilespmem:s16+$0x17070];
	v35 =	vadd.f32 v1, v35;
	v1 =	vmul.f32 $1.442695020e+00, v52;
	v52 =	vpop (erf);
	(erf) = vpow2.f32 v58  }
0x4b2: {  	v58 =	vld [tilespmem:s16+$0x16F00];
	v45 =	vadd.f32 v52, v45;
	v52 =	vmul.f32 $1.442695020e+00, v53;
	v53 =	vpop (erf);
	(erf) = vpow2.f32 v57  }
0x4b3: {  	v57 =	vld [tilespmem:s16+$0x16F10];
	v46 =	vadd.f32 v53, v46;
	v53 =	vmul.f32 $1.442695020e+00, v54;
	v54 =	vpop (erf);
	(erf) = vpow2.f32 v1  }
0x4b4: {  	v1 =	vld [tilespmem:s16+$0x16F20];
	v47 =	vadd.f32 v54, v47;
	v54 =	vmul.f32 $1.442695020e+00, v55;
	v55 =	vpop (erf);
	(erf) = vpow2.f32 v52  }
0x4b5: {  	v52 =	vld [tilespmem:s16+$0x16F30];
	v44 =	vadd.f32 v55, v44;
	v55 =	vmul.f32 $1.442695020e+00, v56;
	v56 =	vpop (erf);
	(erf) = vpow2.f32 v53  }
0x4b6: {  	v53 =	vld [tilespmem:s16+$0x16F40];
	v59 =	vmul.f32 $1.442695020e+00, v59;
	v48 =	vadd.f32 v56, v48;
	v56 =	vpop (erf);
	(erf) = vpow2.f32 v54  }
0x4b7: {  	v0 =	vmul.f32 $1.442695020e+00, v58;
	v58 =	vld [tilespmem:s16+$0x16F50];
	v42 =	vadd.f32 v56, v42;
	v56 =	vpop (erf);
	(erf) = vpow2.f32 v55  }
0x4b8: {  	v55 =	vmul.f32 $1.442695020e+00, v57;
	v57 =	vld [tilespmem:s16+$0x16F60];
	(erf) = vpow2.f32 v59;
	v43 =	vadd.f32 v56, v43;
	v56 =	vpop (erf)  }
0x4b9: {  	v2 =	vmul.f32 $1.442695020e+00, v1;
	v59 =	vld [tilespmem:s16+$0x16F70];
	(erf) = vpow2.f32 v0;
	v37 =	vadd.f32 v56, v37;
	v54 =	vpop (erf)  }
0x4ba: {  	v52 =	vmul.f32 $1.442695020e+00, v52;
	v56 =	vld [tilespmem:s16+$0x16F80];
	(erf) = vpow2.f32 v55;
	v38 =	vadd.f32 v54, v38;
	v54 =	vpop (erf)  }
0x4bb: {  	v53 =	vmul.f32 $1.442695020e+00, v53;
	v55 =	vld [tilespmem:s16+$0x16F90];
	(erf) = vpow2.f32 v2;
	v36 =	vadd.f32 v54, v36;
	v1 =	vpop (erf)  }
0x4bc: {  	v54 =	vmul.f32 $1.442695020e+00, v58;
	v58 =	vld [tilespmem:s16+$0x16FA0];
	(erf) = vpow2.f32 v52;
	v39 =	vadd.f32 v1, v39;
	v1 =	vpop (erf)  }
0x4bd: {  	v52 =	vmul.f32 $1.442695020e+00, v57;
	v57 =	vld [tilespmem:s16+$0x16FB0];
	(erf) = vpow2.f32 v53;
	v40 =	vadd.f32 v1, v40;
	v1 =	vpop (erf)  }
0x4be: {  	v53 =	vmul.f32 $1.442695020e+00, v59;
	v59 =	vld [tilespmem:s16+$0x16FC0];
	(erf) = vpow2.f32 v54;
	v41 =	vadd.f32 v1, v41;
	v1 =	vpop (erf)  }
0x4bf: {  	v0 =	vmul.f32 $1.442695020e+00, v56;
	v56 =	vld [tilespmem:s16+$0x16FD0];
	(erf) = vpow2.f32 v52;
	v49 =	vadd.f32 v1, v49;
	v1 =	vpop (erf)  }
0x4c0: {  	v2 =	vmul.f32 $1.442695020e+00, v55;
	v55 =	vld [tilespmem:s16+$0x16FE0];
	(erf) = vpow2.f32 v53;
	v50 =	vadd.f32 v1, v50;
	v1 =	vpop (erf)  }
0x4c1: {  	v3 =	vmul.f32 $1.442695020e+00, v58;
	v58 =	vld [tilespmem:s16+$0x16FF0];
	(erf) = vpow2.f32 v0;
	v54 =	vpop (erf);
	v51 =	vadd.f32 v1, v51  }
0x4c2: {  	v1 =	vmul.f32 $1.442695020e+00, v57;
	v57 =	vld [tilespmem:s16+$0x17000];
	v28 =	vadd.f32 v54, v28;
	v54 =	vpop (erf);
	(erf) = vpow2.f32 v2  }
0x4c3: {  	v29 =	vadd.f32 v54, v29;
	v54 =	vmul.f32 $1.442695020e+00, v59;
	v59 =	vld [tilespmem:s16+$0x17010];
	v52 =	vpop (erf);
	(erf) = vpow2.f32 v3  }
.Ltmp11:
0x4c4: {  	v30 =	vadd.f32 v52, v30;
	v0 =	vmul.f32 $1.442695020e+00, v56;
	v52 =	vld [tilespmem:s16+$0x17020];
	v53 =	vpop (erf);
	(erf) = vpow2.f32 v1;
	(pc) =	sbr.rel @p1 .LBB2_25-.Ltmp11, $4  }
0x4c5: {  	v31 =	vadd.f32 v53, v31;
	v2 =	vmul.f32 $1.442695020e+00, v55;
	v53 =	vld [tilespmem:s16+$0x17030];
	v55 =	vpop (erf);
	(erf) = vpow2.f32 v54  }
0x4c6: {  	v32 =	vadd.f32 v55, v32;
	v60 =	vmul.f32 $1.442695020e+00, v58;
	v54 =	vld [tilespmem:s16+$0x17040];
	v55 =	vpop (erf);
	(erf) = vpow2.f32 v0  }
0x4c7: {  	v33 =	vadd.f32 v55, v33;
	v58 =	vmul.f32 $1.442695020e+00, v57;
	v55 =	vld [tilespmem:s16+$0x17050];
	v56 =	vpop (erf);
	(erf) = vpow2.f32 v2  }
0x4c8: {  	v34 =	vadd.f32 v56, v34;
	v57 =	vmul.f32 $1.442695020e+00, v59;
	v56 =	vld [tilespmem:s16+$0x17060];
	s16 =	sshra.s32 s21, $0x2;
	s21 =	sadd.s32 $0x600, s21;
	v1 =	vpop (erf);
	(erf) = vpow2.f32 v60  }
0x4c9: {  	v0 =	vpop (erf)  }
0x4ca: {  	v59 =	vld [tilespmem:s16+$0x17070];
	v52 =	vmul.f32 $1.442695020e+00, v52;
	[tilespmem:$0x1F230] =	vst v0  }
0x4cb: {  	(erf) = vpow2.f32 v58;
	v53 =	vmul.f32 $1.442695020e+00, v53;
	v16 =	vld [tilespmem:s16+$0x16F00]  }
0x4cc: {  	v61 =	vpop (erf);
	(erf) = vpow2.f32 v57;
	v17 =	vld [tilespmem:s16+$0x16F10];
	v54 =	vmul.f32 $1.442695020e+00, v54  }
0x4cd: {  	v62 =	vpop (erf);
	(erf) = vpow2.f32 v52;
	v18 =	vld [tilespmem:s16+$0x16F20];
	v55 =	vmul.f32 $1.442695020e+00, v55  }
0x4ce: {  	v19 =	vld [tilespmem:s16+$0x16F30];
	v60 =	vpop (erf);
	(erf) = vpow2.f32 v53;
	v56 =	vmul.f32 $1.442695020e+00, v56  }
0x4cf: {  	v20 =	vld [tilespmem:s16+$0x16F40];
	v2 =	vpop (erf);
	(erf) = vpow2.f32 v54;
	v59 =	vmul.f32 $1.442695020e+00, v59  }
0x4d0: {  	v22 =	vld [tilespmem:s16+$0x16F50];
	v3 =	vpop (erf);
	(erf) = vpow2.f32 v55  }
0x4d1: {  	v24 =	vld [tilespmem:s16+$0x16F60];
	v4 =	vpop (erf);
	(erf) = vpow2.f32 v56;
	v21 =	vmul.f32 $1.442695020e+00, v16  }
0x4d2: {  	v5 =	vld [tilespmem:s16+$0x16F70];
	v23 =	vmul.f32 $1.442695020e+00, v17;
	v52 =	vmul.f32 $1.442695020e+00, v18  }
0x4d3: {  	v6 =	vld [tilespmem:s16+$0x16F80];
	(erf) = vpow2.f32 v59;
	v53 =	vmul.f32 $1.442695020e+00, v19;
	v59 =	vpop (erf)  }
0x4d4: {  	v54 =	vmul.f32 $1.442695020e+00, v20;
	(erf) = vpow2.f32 v21;
	v55 =	vpop (erf)  }
0x4d5: {  	v7 =	vld [tilespmem:s16+$0x16F90];
	v58 =	vmul.f32 $1.442695020e+00, v22;
	(erf) = vpow2.f32 v23;
	v56 =	vpop (erf)  }
0x4d6: {  	v8 =	vld [tilespmem:s16+$0x16FA0];
	v57 =	vmul.f32 $1.442695020e+00, v24;
	(erf) = vpow2.f32 v52;
	v52 =	vpop (erf)  }
0x4d7: {  	v9 =	vld [tilespmem:s16+$0x16FB0];
	v5 =	vmul.f32 $1.442695020e+00, v5;
	(erf) = vpow2.f32 v53;
	v53 =	vpop (erf)  }
0x4d8: {  	v10 =	vld [tilespmem:s16+$0x16FC0];
	v6 =	vmul.f32 $1.442695020e+00, v6;
	(erf) = vpow2.f32 v54;
	v54 =	vpop (erf)  }
0x4d9: {  	v11 =	vld [tilespmem:s16+$0x16FD0];
	(erf) = vpow2.f32 v58;
	v58 =	vpop (erf)  }
0x4da: {  	v12 =	vld [tilespmem:s16+$0x16FE0];
	v7 =	vmul.f32 $1.442695020e+00, v7;
	(erf) = vpow2.f32 v57;
	v57 =	vpop (erf)  }
0x4db: {  	v13 =	vld [tilespmem:s16+$0x16FF0];
	v8 =	vmul.f32 $1.442695020e+00, v8;
	(erf) = vpow2.f32 v5;
	v5 =	vpop (erf)  }
0x4dc: {  	v14 =	vld [tilespmem:s16+$0x17000];
	v9 =	vmul.f32 $1.442695020e+00, v9;
	(erf) = vpow2.f32 v6;
	v6 =	vpop (erf)  }
0x4dd: {  	v15 =	vpop (erf);
	(erf) = vpow2.f32 v7;
	v7 =	vmul.f32 $1.442695020e+00, v10;
	v10 =	vld [tilespmem:s16+$0x17010]  }
0x4de: {  	v25 =	vmul.f32 $1.442695020e+00, v11;
	v11 =	vld [tilespmem:s16+$0x17020];
	v16 =	vpop (erf);
	(erf) = vpow2.f32 v8  }
0x4df: {  	v26 =	vmul.f32 $1.442695020e+00, v12;
	v12 =	vld [tilespmem:s16+$0x17030];
	v17 =	vpop (erf);
	(erf) = vpow2.f32 v9  }
0x4e0: {  	v18 =	vpop (erf);
	(erf) = vpow2.f32 v7;
	v7 =	vmul.f32 $1.442695020e+00, v13;
	v13 =	vld [tilespmem:s16+$0x17040]  }
0x4e1: {  	v24 =	vmul.f32 $1.442695020e+00, v14;
	v14 =	vld [tilespmem:s16+$0x17050];
	v19 =	vpop (erf);
	(erf) = vpow2.f32 v25  }
0x4e2: {  	v20 =	vpop (erf);
	(erf) = vpow2.f32 v26;
	v25 =	vmul.f32 $1.442695020e+00, v10  }
0x4e3: {  	v26 =	vld [tilespmem:s16+$0x17060];
	v21 =	vpop (erf);
	(erf) = vpow2.f32 v7;
	v7 =	vmul.f32 $1.442695020e+00, v11  }
0x4e4: {  	v11 =	vpop (erf);
	(erf) = vpow2.f32 v24;
	v24 =	vmul.f32 $1.442695020e+00, v12  }
0x4e5: {  	v12 =	vpop (erf);
	(erf) = vpow2.f32 v25;
	v25 =	vmul.f32 $1.442695020e+00, v13  }
0x4e6: {  	v13 =	vpop (erf);
	(erf) = vpow2.f32 v7;
	v7 =	vmul.f32 $1.442695020e+00, v14  }
0x4e7: {  	v14 =	vpop (erf);
	(erf) = vpow2.f32 v24  }
0x4e8: {  	v26 =	vmul.f32 $1.442695020e+00, v26;
	v10 =	vpop (erf);
	(erf) = vpow2.f32 v25  }
0x4e9: {  	v9 =	vpop (erf);
	(erf) = vpow2.f32 v7  }
0x4ea: {  	v7 =	vpop (erf);
	(erf) = vpow2.f32 v26  }
0x4eb: {  	v8 =	vpop (erf)  }
0x4ec: {  	v22 =	vpop (erf)  }
0x4ed: {  	v23 =	vpop (erf)  }
0x4ee: {  	v1 =	vadd.f32 v1, v35;
	v35 =	vld [tilespmem:$0x1F230];
	v24 =	vpop (erf)  }
0x4ef: {  	v25 =	vpop (erf)  }
0x4f0: {  	v26 =	vpop (erf)  }
0x4f1: {  	v27 =	vpop (erf)  }
0x4f2: {  	v0 =	vpop (erf)  }
0x4f3: {  	v35 =	vadd.f32 v35, v45;
	v45 =	vpop (erf)  }
0x4f4: {  	_ =	swait.ge [sflag:s9], $0x100  }
0x4f5: {  	s21 =	simm.s32 $0x0;
	v61 =	vadd.f32 v61, v46;
	[sflag:s9] =	ssyncset.done $0x0  }
0x4f6: {  	v62 =	vadd.f32 v62, v47;
	v60 =	vadd.f32 v60, v44;
	s16 =	sand.u32 $0xF0, s21;
	[sflag:s9] =	ssyncadd.s32 $0xFFFFFF00  }
0x4f7: {  	v44 =	vadd.f32 v2, v48;
	v42 =	vadd.f32 v3, v42;
	v2 =	vld [tilespmem:s16+$0x19600]  }
0x4f8: {  	v4 =	vadd.f32 v4, v43;
	v37 =	vadd.f32 v59, v37  }
0x4f9: {  	v55 =	vadd.f32 v55, v38;
	v56 =	vadd.f32 v56, v36  }
0x4fa: {  	v52 =	vadd.f32 v52, v39;
	v53 =	vadd.f32 v53, v40  }
0x4fb: {  	v54 =	vadd.f32 v54, v41;
	v58 =	vadd.f32 v58, v49  }
0x4fc: {  	s23 =	simm.s32 $0x10;
	v57 =	vadd.f32 v57, v50;
	v59 =	vadd.f32 v5, v51;
	v2 =	vmul.f32 $1.442695020e+00, v2  }
0x4fd: {  	v28 =	vadd.f32 v6, v28;
	v46 =	vadd.f32 v15, v29;
	s16 =	sand.u32 $0xF0, s23  }
0x4fe: {  	v47 =	vadd.f32 v16, v30;
	(erf) = vpow2.f32 v2;
	v2 =	vadd.f32 v21, v1;
	v1 =	vld [tilespmem:s16+$0x19600]  }
0x4ff: {  	v49 =	vadd.f32 v17, v31;
	v50 =	vadd.f32 v18, v32  }
0x500: {  	v51 =	vadd.f32 v19, v33;
	v48 =	vadd.f32 v20, v34  }
0x501: {  	v3 =	vadd.f32 v11, v35;
	v43 =	vadd.f32 v12, v61  }
0x502: {  	s26 =	simm.s32 $0x20;
	v5 =	vadd.f32 v13, v62;
	v41 =	vadd.f32 v14, v60  }
0x503: {  	s21 =	sand.u32 $0xF0, s26;
	v40 =	vadd.f32 v10, v44;
	v38 =	vadd.f32 v7, v4;
	v4 =	vmul.f32 $1.442695020e+00, v1  }
0x504: {  	v39 =	vadd.f32 v9, v42;
	v33 =	vadd.f32 v25, v53;
	v53 =	vld [tilespmem:s21+$0x19600]  }
0x505: {  	v37 =	vadd.f32 v8, v37;
	v36 =	vadd.f32 v22, v55;
	(erf) = vpow2.f32 v4  }
0x506: {  	v35 =	vadd.f32 v23, v56;
	v34 =	vadd.f32 v24, v52  }
0x507: {  	v31 =	vadd.f32 v26, v54;
	v32 =	vadd.f32 v27, v58  }
0x508: {  	v30 =	vadd.f32 v0, v57;
	v29 =	vadd.f32 v45, v59;
	s16 =	simm.s32 $0x30;
	v1 =	vimm.f32 $0.0e+00;
	v52 =	vpop (erf)  }
.LBB2_27:
0x509: {  	s21 =	sand.u32 $0xF0, s16;
	p1 =	sne.s32 s16, $0xF0;
	s16 =	sadd.s32 $0x10, s16;
	v0 =	vmul.f32 $1.442695020e+00, v53;
	v1 =	vadd.f32 v52, v1  }
.Ltmp12:
0x50a: {  	v53 =	vld [tilespmem:s21+$0x19600];
	(pc) =	sbr.rel @p1 .LBB2_27-.Ltmp12, $2  }
0x50b: {  	(erf) = vpow2.f32 v0;
	_ =	sdelay $0x2  }
0x50c: {  	v52 =	vpop (erf)  }
0x50d: {  	s16 =	simm.s32 $0x40  }
0x50e: {  	v0 =	vld [tilespmem:s16+$0x30]  }
0x50f: {  	v4 =	vld [tilespmem:s16+$0xFFFFFFD0]  }
0x510: {  	v6 =	vld [tilespmem:s16+$0xFFFFFFE0]  }
0x511: {  	v7 =	vld [tilespmem:s16+$0xFFFFFFF0]  }
0x512: {  	v8 =	vld [tilespmem:s16+$0x0]  }
0x513: {  	v9 =	vld [tilespmem:s16+$0x10];
	vm4 =	vgt.s32 v0, $0xC2FF  }
0x514: {  	v10 =	vld [tilespmem:s16+$0xFFFFFFC0];
	vm2 =	vgt.s32 v4, $0xC2FF;
	v0 =	vadd.s32 $0xFFFF3D00, v0  }
0x515: {  	v11 =	vld [tilespmem:s16+$0x20];
	v4 =	vadd.s32 $0xFFFF3D00, v4;
	vm5 =	vgt.s32 v6, $0xC2FF  }
0x516: {  	v12 =	vmul.f32 $1.442695020e+00, v53;
	s16 =	simm.s32 $0x19740;
	v6 =	vadd.s32 $0xFFFF3D00, v6;
	vm3 =	vgt.s32 v7, $0xC2FF  }
0x517: {  	v45 =	vld [tilespmem:s16+$0x30];
	v7 =	vadd.s32 $0xFFFF3D00, v7;
	vm6 =	vgt.s32 v8, $0xC2FF  }
0x518: {  	(erf) = vpow2.f32 v12;
	v60 =	vld [tilespmem:s16+$0xFFFFFFC0];
	v8 =	vadd.s32 $0xFFFF3D00, v8;
	vm7 =	vgt.s32 v9, $0xC2FF  }
0x519: {  	v9 =	vadd.s32 $0xFFFF3D00, v9;
	vm1 =	vgt.s32 v10, $0xC2FF;
	v0 =	vld.idx.msk [tilespmem:v0+s12+$0x0], vm4  }
0x51a: {  	vm0 =	vgt.s32 v11, $0xC2FF;
	v10 =	vadd.s32 $0xFFFF3D00, v10;
	v4 =	vld.idx.msk [tilespmem:v4+s12+$0x0], vm2  }
0x51b: {  	v11 =	vadd.s32 $0xFFFF3D00, v11;
	v6 =	vld.idx.msk [tilespmem:v6+s12+$0x0], vm5  }
0x51c: {  	v7 =	vld.idx.msk [tilespmem:v7+s12+$0x0], vm3  }
0x51d: {  	v8 =	vld.idx.msk [tilespmem:v8+s12+$0x0], vm6  }
0x51e: {  	v1 =	vadd.f32 v52, v1;
	v9 =	vld.idx.msk [tilespmem:v9+s12+$0x0], vm7  }
0x51f: {  	v57 =	vpop (erf);
	v59 =	vld.idx.msk [tilespmem:v10+s12+$0x0], vm1  }
0x520: {  	v1 =	vadd.f32 v57, v1;
	v55 =	vld.idx.msk [tilespmem:v11+s12+$0x0], vm0;
	v0 =	vnsel vm4, $0x0, v0  }
0x521: {  	v62 =	vld [tilespmem:s16+$0xFFFFFFD0];
	v58 =	vpop (erf);
	v0 =	vadd.f32 v0, v45  }
0x522: {  	v61 =	vld [tilespmem:s16+$0xFFFFFFE0];
	v52 =	vadd.f32 v58, v1;
	v57 =	vnsel vm2, $0x0, v4;
	v56 =	vnsel vm5, $0x0, v6  }
0x523: {  	s23 =	simm.s32 $0x0;
	s26 =	simm.s32 $0xC0;
	s21 =	simm.s32 $0x19740;
	v1 =	vld [tilespmem:s16+$0xFFFFFFF0];
	v58 =	vnsel vm3, $0x0, v7;
	v53 =	vnsel vm6, $0x0, v8;
	v54 =	vnsel vm7, $0x0, v9;
	[tilespmem:s16+$0x30] =	vst v0  }
.LBB2_29:
0x524: {  	v0 =	vld [tilespmem:s26+$0x30];
	s23 =	sadd.s32 $0x8, s23;
	v4 =	vnsel vm1, $0x0, v59  }
0x525: {  	v7 =	vnsel vm0, $0x0, v55;
	v6 =	vld [tilespmem:s26+$0xFFFFFFD0];
	p1 =	slt.u32 s23, $0xF8;
	v4 =	vadd.f32 v4, v60  }
0x526: {  	v8 =	vld [tilespmem:s26+$0xFFFFFFE0];
	v9 =	vadd.f32 v57, v62  }
0x527: {  	v10 =	vld [tilespmem:s26+$0xFFFFFFF0];
	[tilespmem:s16+$0xFFFFFFC0] =	vst v4;
	v4 =	vadd.f32 v56, v61  }
0x528: {  	v11 =	vld [tilespmem:s26+$0x0];
	[tilespmem:s16+$0xFFFFFFD0] =	vst v9;
	v1 =	vadd.f32 v58, v1  }
0x529: {  	v9 =	vld [tilespmem:s26+$0x10];
	vm7 =	vgt.s32 v0, $0xC2FF;
	[tilespmem:s16+$0xFFFFFFE0] =	vst v4  }
0x52a: {  	v0 =	vadd.s32 $0xFFFF3D00, v0;
	vm2 =	vgt.s32 v6, $0xC2FF;
	v4 =	vadd.s32 $0xFFFF3D00, v6;
	v6 =	vld [tilespmem:s26+$0x20];
	[tilespmem:s16+$0xFFFFFFF0] =	vst v1  }
0x52b: {  	v1 =	vld [tilespmem:s26+$0xFFFFFFC0];
	vm4 =	vgt.s32 v8, $0xC2FF;
	v8 =	vadd.s32 $0xFFFF3D00, v8  }
0x52c: {  	vm3 =	vgt.s32 v10, $0xC2FF;
	v10 =	vadd.s32 $0xFFFF3D00, v10;
	v12 =	vld [tilespmem:s16+$0x0]  }
0x52d: {  	vm5 =	vgt.s32 v11, $0xC2FF;
	v11 =	vadd.s32 $0xFFFF3D00, v11;
	v13 =	vld [tilespmem:s16+$0x10]  }
0x52e: {  	vm6 =	vgt.s32 v9, $0xC2FF;
	v9 =	vadd.s32 $0xFFFF3D00, v9;
	v14 =	vld [tilespmem:s16+$0x20]  }
0x52f: {  	vm0 =	vgt.s32 v6, $0xC2FF;
	v6 =	vadd.s32 $0xFFFF3D00, v6;
	v0 =	vld.idx.msk [tilespmem:v0+s12+$0x0], vm7  }
0x530: {  	s16 =	sadd.s32 $0x80, s16;
	vm1 =	vgt.s32 v1, $0xC2FF;
	v1 =	vadd.s32 $0xFFFF3D00, v1;
	v4 =	vld.idx.msk [tilespmem:v4+s12+$0x0], vm2  }
0x531: {  	v15 =	vld [tilespmem:s16+$0x30];
	v12 =	vadd.f32 v53, v12  }
0x532: {  	v8 =	vld.idx.msk [tilespmem:v8+s12+$0x0], vm4;
	v13 =	vadd.f32 v54, v13  }
0x533: {  	v10 =	vld.idx.msk [tilespmem:v10+s12+$0x0], vm3;
	[tilespmem:s21+$0x0] =	vst v12;
	v7 =	vadd.f32 v7, v14  }
0x534: {  	v11 =	vld.idx.msk [tilespmem:v11+s12+$0x0], vm5;
	[tilespmem:s21+$0x10] =	vst v13  }
0x535: {  	v0 =	vnsel vm7, $0x0, v0;
	v9 =	vld.idx.msk [tilespmem:v9+s12+$0x0], vm6;
	[tilespmem:s21+$0x20] =	vst v7;
	s21 =	smov.u32 s16  }
0x536: {  	v57 =	vnsel vm2, $0x0, v4;
	v59 =	vld.idx.msk [tilespmem:v1+s12+$0x0], vm1;
	v0 =	vadd.f32 v0, v15  }
.Ltmp13:
0x537: {  	v55 =	vld.idx.msk [tilespmem:v6+s12+$0x0], vm0;
	(pc) =	sbr.rel @p1 .LBB2_29-.Ltmp13, $4  }
0x538: {  	v56 =	vnsel vm4, $0x0, v8;
	v60 =	vld [tilespmem:s16+$0xFFFFFFC0];
	[tilespmem:s16+$0x30] =	vst v0  }
0x539: {  	v58 =	vnsel vm3, $0x0, v10;
	v62 =	vld [tilespmem:s16+$0xFFFFFFD0]  }
0x53a: {  	v53 =	vnsel vm5, $0x0, v11;
	v61 =	vld [tilespmem:s16+$0xFFFFFFE0]  }
0x53b: {  	s26 =	sadd.s32 $0x80, s26;
	v54 =	vnsel vm6, $0x0, v9;
	v1 =	vld [tilespmem:s16+$0xFFFFFFF0]  }
0x53c: {  	v0 =	vld [tilespmem:$0x1FE90]  }
0x53d: {  	v4 =	vld [tilespmem:$0x1FEA0];
	_ =	sdelay $0x1  }
0x53e: {  	v24 =	vld [tilespmem:$0x1FEB0];
	_ =	sdelay $0x1  }
0x53f: {  	v25 =	vld [tilespmem:$0x1FEC0]  }
0x540: {  	v0 =	vadd.f32 v4, v0  }
0x541: {  	v26 =	vld [tilespmem:$0x1FED0]  }
0x542: {  	v0 =	vadd.f32 v24, v0  }
0x543: {  	v27 =	vld [tilespmem:$0x1FEE0]  }
0x544: {  	v0 =	vadd.f32 v25, v0  }
0x545: {  	v42 =	vld [tilespmem:$0x1FEF0]  }
0x546: {  	v0 =	vadd.f32 v26, v0  }
0x547: {  	v44 =	vld [tilespmem:$0x1FF00]  }
0x548: {  	v0 =	vadd.f32 v27, v0  }
0x549: {  	v45 =	vld [tilespmem:$0x1FF10]  }
0x54a: {  	v0 =	vadd.f32 v42, v0  }
0x54b: {  	v8 =	vld [tilespmem:$0x1FF20]  }
0x54c: {  	v0 =	vadd.f32 v44, v0  }
0x54d: {  	v9 =	vld [tilespmem:$0x1FF30]  }
0x54e: {  	v0 =	vadd.f32 v45, v0  }
0x54f: {  	v10 =	vld [tilespmem:$0x1FF40]  }
0x550: {  	v0 =	vadd.f32 v8, v0  }
0x551: {  	v11 =	vld [tilespmem:$0x1FF50]  }
0x552: {  	v0 =	vadd.f32 v9, v0  }
0x553: {  	v12 =	vld [tilespmem:$0x1FF60]  }
0x554: {  	v0 =	vadd.f32 v10, v0  }
0x555: {  	v13 =	vld [tilespmem:$0x1FF70]  }
0x556: {  	v0 =	vadd.f32 v11, v0  }
0x557: {  	v14 =	vld [tilespmem:$0x1FF80]  }
0x558: {  	v0 =	vadd.f32 v12, v0  }
0x559: {  	v15 =	vld [tilespmem:$0x1FF90]  }
0x55a: {  	v0 =	vadd.f32 v13, v0  }
0x55b: {  	v16 =	vld [tilespmem:$0x1FFA0]  }
0x55c: {  	v0 =	vadd.f32 v14, v0  }
0x55d: {  	v17 =	vld [tilespmem:$0x1FFB0]  }
0x55e: {  	v0 =	vadd.f32 v15, v0  }
0x55f: {  	v18 =	vld [tilespmem:$0x1FFC0]  }
0x560: {  	v0 =	vadd.f32 v16, v0  }
0x561: {  	v19 =	vld [tilespmem:$0x1FFD0]  }
0x562: {  	v0 =	vadd.f32 v17, v0  }
0x563: {  	v20 =	vld [tilespmem:$0x1FFE0]  }
0x564: {  	v0 =	vadd.f32 v18, v0  }
0x565: {  	v21 =	vld [tilespmem:$0x1FFF0]  }
0x566: {  	v0 =	vadd.f32 v19, v0  }
0x567: {  	v22 =	vld [tilespmem:$0x1FE80]  }
0x568: {  	v0 =	vadd.f32 v20, v0  }
0x569: {  	v23 =	vld [tilespmem:$0x1FD10]  }
0x56a: {  	v0 =	vadd.f32 v21, v0  }
0x56b: {  	v24 =	vld [tilespmem:$0x1FD20]  }
0x56c: {  	v0 =	vadd.f32 v22, v0  }
0x56d: {  	v25 =	vld [tilespmem:$0x1FD30]  }
0x56e: {  	v0 =	vadd.f32 v23, v0  }
0x56f: {  	v26 =	vld [tilespmem:$0x1FD40]  }
0x570: {  	v0 =	vadd.f32 v24, v0  }
0x571: {  	v27 =	vld [tilespmem:$0x1FD50]  }
0x572: {  	v0 =	vadd.f32 v25, v0  }
0x573: {  	v42 =	vld [tilespmem:$0x1FD60]  }
0x574: {  	v0 =	vadd.f32 v26, v0  }
0x575: {  	v44 =	vld [tilespmem:$0x1FD70]  }
0x576: {  	v0 =	vadd.f32 v27, v0  }
0x577: {  	v45 =	vld [tilespmem:$0x1FD80]  }
0x578: {  	v0 =	vadd.f32 v42, v0  }
0x579: {  	v8 =	vld [tilespmem:$0x1FD90]  }
0x57a: {  	v0 =	vadd.f32 v44, v0  }
0x57b: {  	v9 =	vld [tilespmem:$0x1FDA0]  }
0x57c: {  	v0 =	vadd.f32 v45, v0  }
0x57d: {  	v10 =	vld [tilespmem:$0x1FDB0]  }
0x57e: {  	v0 =	vadd.f32 v8, v0  }
0x57f: {  	v11 =	vld [tilespmem:$0x1FDC0]  }
0x580: {  	v0 =	vadd.f32 v9, v0  }
0x581: {  	v12 =	vld [tilespmem:$0x1FDD0]  }
0x582: {  	v0 =	vadd.f32 v10, v0  }
0x583: {  	v13 =	vld [tilespmem:$0x1FDE0]  }
0x584: {  	v0 =	vadd.f32 v11, v0  }
0x585: {  	v14 =	vld [tilespmem:$0x1FDF0]  }
0x586: {  	v0 =	vadd.f32 v12, v0  }
0x587: {  	v15 =	vld [tilespmem:$0x1FE00]  }
0x588: {  	v0 =	vadd.f32 v13, v0  }
0x589: {  	v16 =	vld [tilespmem:$0x1FE10]  }
0x58a: {  	v0 =	vadd.f32 v14, v0  }
0x58b: {  	v17 =	vld [tilespmem:$0x1FE20]  }
0x58c: {  	v0 =	vadd.f32 v15, v0  }
0x58d: {  	v18 =	vld [tilespmem:$0x1FE30]  }
0x58e: {  	v0 =	vadd.f32 v16, v0  }
0x58f: {  	v19 =	vld [tilespmem:$0x1FE40]  }
0x590: {  	v0 =	vadd.f32 v17, v0  }
0x591: {  	v20 =	vld [tilespmem:$0x1FE50]  }
0x592: {  	v0 =	vadd.f32 v18, v0  }
0x593: {  	v21 =	vld [tilespmem:$0x1FE60]  }
0x594: {  	v0 =	vadd.f32 v19, v0  }
0x595: {  	v22 =	vld [tilespmem:$0x1FE70]  }
0x596: {  	v0 =	vadd.f32 v20, v0  }
0x597: {  	v23 =	vld [tilespmem:$0x1FD00]  }
0x598: {  	v0 =	vadd.f32 v21, v0  }
0x599: {  	v24 =	vld [tilespmem:$0x1FB90]  }
0x59a: {  	v0 =	vadd.f32 v22, v0  }
0x59b: {  	v25 =	vld [tilespmem:$0x1FBA0]  }
0x59c: {  	v0 =	vadd.f32 v23, v0  }
0x59d: {  	v26 =	vld [tilespmem:$0x1FBB0]  }
0x59e: {  	v0 =	vadd.f32 v24, v0  }
0x59f: {  	v27 =	vld [tilespmem:$0x1FBC0]  }
0x5a0: {  	v0 =	vadd.f32 v25, v0  }
0x5a1: {  	v42 =	vld [tilespmem:$0x1FBD0]  }
0x5a2: {  	v0 =	vadd.f32 v26, v0  }
0x5a3: {  	v44 =	vld [tilespmem:$0x1FBE0]  }
0x5a4: {  	v0 =	vadd.f32 v27, v0  }
0x5a5: {  	v45 =	vld [tilespmem:$0x1FBF0]  }
0x5a6: {  	v0 =	vadd.f32 v42, v0  }
0x5a7: {  	v8 =	vld [tilespmem:$0x1FC00]  }
0x5a8: {  	v0 =	vadd.f32 v44, v0  }
0x5a9: {  	v9 =	vld [tilespmem:$0x1FC10]  }
0x5aa: {  	v0 =	vadd.f32 v45, v0  }
0x5ab: {  	v10 =	vld [tilespmem:$0x1FC20]  }
0x5ac: {  	v0 =	vadd.f32 v8, v0  }
0x5ad: {  	v11 =	vld [tilespmem:$0x1FC30]  }
0x5ae: {  	v0 =	vadd.f32 v9, v0  }
0x5af: {  	v12 =	vld [tilespmem:$0x1FC40]  }
0x5b0: {  	v0 =	vadd.f32 v10, v0  }
0x5b1: {  	v13 =	vld [tilespmem:$0x1FC50]  }
0x5b2: {  	v0 =	vadd.f32 v11, v0  }
0x5b3: {  	v14 =	vld [tilespmem:$0x1FC60]  }
0x5b4: {  	v0 =	vadd.f32 v12, v0  }
0x5b5: {  	v15 =	vld [tilespmem:$0x1FC70]  }
0x5b6: {  	v0 =	vadd.f32 v13, v0  }
0x5b7: {  	v16 =	vld [tilespmem:$0x1FC80]  }
0x5b8: {  	v0 =	vadd.f32 v14, v0  }
0x5b9: {  	v17 =	vld [tilespmem:$0x1FC90]  }
0x5ba: {  	v0 =	vadd.f32 v15, v0  }
0x5bb: {  	v18 =	vld [tilespmem:$0x1FCA0]  }
0x5bc: {  	v0 =	vadd.f32 v16, v0  }
0x5bd: {  	v19 =	vld [tilespmem:$0x1FCB0]  }
0x5be: {  	v0 =	vadd.f32 v17, v0  }
0x5bf: {  	v20 =	vld [tilespmem:$0x1FCC0]  }
0x5c0: {  	v0 =	vadd.f32 v18, v0  }
0x5c1: {  	v21 =	vld [tilespmem:$0x1FCD0]  }
0x5c2: {  	v0 =	vadd.f32 v19, v0  }
0x5c3: {  	v22 =	vld [tilespmem:$0x1FCE0]  }
0x5c4: {  	v0 =	vadd.f32 v20, v0  }
0x5c5: {  	v23 =	vld [tilespmem:$0x1FCF0]  }
0x5c6: {  	v0 =	vadd.f32 v21, v0  }
0x5c7: {  	v24 =	vld [tilespmem:$0x1FB80]  }
0x5c8: {  	v0 =	vadd.f32 v22, v0  }
0x5c9: {  	v25 =	vld [tilespmem:$0x1FA10]  }
0x5ca: {  	v0 =	vadd.f32 v23, v0  }
0x5cb: {  	v26 =	vld [tilespmem:$0x1FA20]  }
0x5cc: {  	v0 =	vadd.f32 v24, v0  }
0x5cd: {  	v27 =	vld [tilespmem:$0x1FA30]  }
0x5ce: {  	v0 =	vadd.f32 v25, v0  }
0x5cf: {  	v42 =	vld [tilespmem:$0x1FA40]  }
0x5d0: {  	v0 =	vadd.f32 v26, v0  }
0x5d1: {  	v44 =	vld [tilespmem:$0x1FA50]  }
0x5d2: {  	v0 =	vadd.f32 v27, v0  }
0x5d3: {  	v45 =	vld [tilespmem:$0x1FA60]  }
0x5d4: {  	v0 =	vadd.f32 v42, v0  }
0x5d5: {  	v8 =	vld [tilespmem:$0x1FA70]  }
0x5d6: {  	v0 =	vadd.f32 v44, v0  }
0x5d7: {  	v9 =	vld [tilespmem:$0x1FA80]  }
0x5d8: {  	v0 =	vadd.f32 v45, v0  }
0x5d9: {  	v10 =	vld [tilespmem:$0x1FA90]  }
0x5da: {  	v0 =	vadd.f32 v8, v0  }
0x5db: {  	v11 =	vld [tilespmem:$0x1FAA0]  }
0x5dc: {  	v0 =	vadd.f32 v9, v0  }
0x5dd: {  	v12 =	vld [tilespmem:$0x1FAB0]  }
0x5de: {  	v0 =	vadd.f32 v10, v0  }
0x5df: {  	v13 =	vld [tilespmem:$0x1FAC0]  }
0x5e0: {  	v0 =	vadd.f32 v11, v0  }
0x5e1: {  	v14 =	vld [tilespmem:$0x1FAD0]  }
0x5e2: {  	v0 =	vadd.f32 v12, v0  }
0x5e3: {  	v15 =	vld [tilespmem:$0x1FAE0]  }
0x5e4: {  	v0 =	vadd.f32 v13, v0  }
0x5e5: {  	v16 =	vld [tilespmem:$0x1FAF0]  }
0x5e6: {  	v0 =	vadd.f32 v14, v0  }
0x5e7: {  	v17 =	vld [tilespmem:$0x1FB00]  }
0x5e8: {  	v0 =	vadd.f32 v15, v0  }
0x5e9: {  	v18 =	vld [tilespmem:$0x1FB10]  }
0x5ea: {  	v0 =	vadd.f32 v16, v0  }
0x5eb: {  	v19 =	vld [tilespmem:$0x1FB20]  }
0x5ec: {  	v0 =	vadd.f32 v17, v0  }
0x5ed: {  	v20 =	vld [tilespmem:$0x1FB30]  }
0x5ee: {  	v0 =	vadd.f32 v18, v0  }
0x5ef: {  	v21 =	vld [tilespmem:$0x1FB40]  }
0x5f0: {  	v0 =	vadd.f32 v19, v0  }
0x5f1: {  	v22 =	vld [tilespmem:$0x1FB50]  }
0x5f2: {  	v0 =	vadd.f32 v20, v0  }
0x5f3: {  	v23 =	vld [tilespmem:$0x1FB60]  }
0x5f4: {  	v0 =	vadd.f32 v21, v0  }
0x5f5: {  	v24 =	vld [tilespmem:$0x1FB70]  }
0x5f6: {  	v0 =	vadd.f32 v22, v0  }
0x5f7: {  	v25 =	vld [tilespmem:$0x1FA00]  }
0x5f8: {  	v0 =	vadd.f32 v23, v0  }
0x5f9: {  	v26 =	vld [tilespmem:$0x1F890]  }
0x5fa: {  	v0 =	vadd.f32 v24, v0  }
0x5fb: {  	v27 =	vld [tilespmem:$0x1F8A0]  }
0x5fc: {  	v0 =	vadd.f32 v25, v0  }
0x5fd: {  	v42 =	vld [tilespmem:$0x1F8B0]  }
0x5fe: {  	v0 =	vadd.f32 v26, v0  }
0x5ff: {  	v44 =	vld [tilespmem:$0x1F8C0]  }
0x600: {  	v0 =	vadd.f32 v27, v0  }
0x601: {  	v45 =	vld [tilespmem:$0x1F8D0]  }
0x602: {  	v0 =	vadd.f32 v42, v0  }
0x603: {  	v8 =	vld [tilespmem:$0x1F8E0]  }
0x604: {  	v0 =	vadd.f32 v44, v0  }
0x605: {  	v9 =	vld [tilespmem:$0x1F8F0]  }
0x606: {  	v0 =	vadd.f32 v45, v0  }
0x607: {  	v10 =	vld [tilespmem:$0x1F900]  }
0x608: {  	v0 =	vadd.f32 v8, v0  }
0x609: {  	v11 =	vld [tilespmem:$0x1F910]  }
0x60a: {  	v0 =	vadd.f32 v9, v0  }
0x60b: {  	v12 =	vld [tilespmem:$0x1F920]  }
0x60c: {  	v0 =	vadd.f32 v10, v0  }
0x60d: {  	v13 =	vld [tilespmem:$0x1F930]  }
0x60e: {  	v0 =	vadd.f32 v11, v0  }
0x60f: {  	v14 =	vld [tilespmem:$0x1F940]  }
0x610: {  	v0 =	vadd.f32 v12, v0  }
0x611: {  	v15 =	vld [tilespmem:$0x1F950]  }
0x612: {  	v0 =	vadd.f32 v13, v0  }
0x613: {  	v16 =	vld [tilespmem:$0x1F960]  }
0x614: {  	v0 =	vadd.f32 v14, v0  }
0x615: {  	v17 =	vld [tilespmem:$0x1F970]  }
0x616: {  	v0 =	vadd.f32 v15, v0  }
0x617: {  	v18 =	vld [tilespmem:$0x1F980]  }
0x618: {  	v0 =	vadd.f32 v16, v0  }
0x619: {  	v19 =	vld [tilespmem:$0x1F990]  }
0x61a: {  	v0 =	vadd.f32 v17, v0  }
0x61b: {  	v20 =	vld [tilespmem:$0x1F9A0]  }
0x61c: {  	v0 =	vadd.f32 v18, v0  }
0x61d: {  	v21 =	vld [tilespmem:$0x1F9B0]  }
0x61e: {  	v0 =	vadd.f32 v19, v0  }
0x61f: {  	v22 =	vld [tilespmem:$0x1F9C0]  }
0x620: {  	v0 =	vadd.f32 v20, v0  }
0x621: {  	v23 =	vld [tilespmem:$0x1F9D0]  }
0x622: {  	v0 =	vadd.f32 v21, v0  }
0x623: {  	v24 =	vld [tilespmem:$0x1F9E0]  }
0x624: {  	v0 =	vadd.f32 v22, v0  }
0x625: {  	v25 =	vld [tilespmem:$0x1F9F0]  }
0x626: {  	v0 =	vadd.f32 v23, v0  }
0x627: {  	v26 =	vld [tilespmem:$0x1F880]  }
0x628: {  	v0 =	vadd.f32 v24, v0  }
0x629: {  	v27 =	vld [tilespmem:$0x1F6D0]  }
0x62a: {  	v0 =	vadd.f32 v25, v0  }
0x62b: {  	v42 =	vld [tilespmem:$0x1F6E0]  }
0x62c: {  	v0 =	vadd.f32 v26, v0  }
0x62d: {  	v44 =	vld [tilespmem:$0x1F6F0]  }
0x62e: {  	v0 =	vadd.f32 v27, v0  }
0x62f: {  	v45 =	vld [tilespmem:$0x1F700]  }
0x630: {  	v0 =	vadd.f32 v42, v0  }
0x631: {  	v8 =	vld [tilespmem:$0x1F710]  }
0x632: {  	v0 =	vadd.f32 v44, v0  }
0x633: {  	v9 =	vld [tilespmem:$0x1F720]  }
0x634: {  	v0 =	vadd.f32 v45, v0  }
0x635: {  	v10 =	vld [tilespmem:$0x1F730]  }
0x636: {  	v0 =	vadd.f32 v8, v0  }
0x637: {  	v11 =	vld [tilespmem:$0x1F740]  }
0x638: {  	v0 =	vadd.f32 v9, v0  }
0x639: {  	v12 =	vld [tilespmem:$0x1F750]  }
0x63a: {  	v0 =	vadd.f32 v10, v0  }
0x63b: {  	v13 =	vld [tilespmem:$0x1F760]  }
0x63c: {  	v0 =	vadd.f32 v11, v0  }
0x63d: {  	v14 =	vld [tilespmem:$0x1F770]  }
0x63e: {  	v0 =	vadd.f32 v12, v0  }
0x63f: {  	v15 =	vld [tilespmem:$0x1F780]  }
0x640: {  	v0 =	vadd.f32 v13, v0  }
0x641: {  	v16 =	vld [tilespmem:$0x1F790]  }
0x642: {  	v0 =	vadd.f32 v14, v0  }
0x643: {  	v17 =	vld [tilespmem:$0x1F7A0]  }
0x644: {  	v0 =	vadd.f32 v15, v0  }
0x645: {  	v18 =	vld [tilespmem:$0x1F7B0]  }
0x646: {  	v0 =	vadd.f32 v16, v0  }
0x647: {  	v19 =	vld [tilespmem:$0x1F7C0]  }
0x648: {  	v0 =	vadd.f32 v17, v0  }
0x649: {  	v20 =	vld [tilespmem:$0x1F7D0]  }
0x64a: {  	v0 =	vadd.f32 v18, v0  }
0x64b: {  	v21 =	vld [tilespmem:$0x1F7E0]  }
0x64c: {  	v0 =	vadd.f32 v19, v0  }
0x64d: {  	v22 =	vld [tilespmem:$0x1F7F0]  }
0x64e: {  	v0 =	vadd.f32 v20, v0  }
0x64f: {  	v23 =	vld [tilespmem:$0x1F800]  }
0x650: {  	v0 =	vadd.f32 v21, v0  }
0x651: {  	v24 =	vld [tilespmem:$0x1F810]  }
0x652: {  	v0 =	vadd.f32 v22, v0  }
0x653: {  	v25 =	vld [tilespmem:$0x1F820]  }
0x654: {  	v0 =	vadd.f32 v23, v0  }
0x655: {  	v26 =	vld [tilespmem:$0x1F830]  }
0x656: {  	v0 =	vadd.f32 v24, v0  }
0x657: {  	v27 =	vld [tilespmem:$0x1F6C0]  }
0x658: {  	v0 =	vadd.f32 v25, v0  }
0x659: {  	v42 =	vld [tilespmem:$0x1F550]  }
0x65a: {  	v0 =	vadd.f32 v26, v0  }
0x65b: {  	v44 =	vld [tilespmem:$0x1F560]  }
0x65c: {  	v0 =	vadd.f32 v27, v0  }
0x65d: {  	v45 =	vld [tilespmem:$0x1F570]  }
0x65e: {  	v0 =	vadd.f32 v42, v0  }
0x65f: {  	v8 =	vld [tilespmem:$0x1F580]  }
0x660: {  	v0 =	vadd.f32 v44, v0  }
0x661: {  	v9 =	vld [tilespmem:$0x1F590]  }
0x662: {  	v0 =	vadd.f32 v45, v0  }
0x663: {  	v10 =	vld [tilespmem:$0x1F5A0]  }
0x664: {  	v0 =	vadd.f32 v8, v0  }
0x665: {  	v11 =	vld [tilespmem:$0x1F5B0]  }
0x666: {  	v0 =	vadd.f32 v9, v0  }
0x667: {  	v12 =	vld [tilespmem:$0x1F5C0]  }
0x668: {  	v0 =	vadd.f32 v10, v0  }
0x669: {  	v13 =	vld [tilespmem:$0x1F5D0]  }
0x66a: {  	v0 =	vadd.f32 v11, v0  }
0x66b: {  	v14 =	vld [tilespmem:$0x1F5E0]  }
0x66c: {  	v0 =	vadd.f32 v12, v0  }
0x66d: {  	v15 =	vld [tilespmem:$0x1F5F0]  }
0x66e: {  	v0 =	vadd.f32 v13, v0  }
0x66f: {  	v16 =	vld [tilespmem:$0x1F600]  }
0x670: {  	v0 =	vadd.f32 v14, v0  }
0x671: {  	v17 =	vld [tilespmem:$0x1F610]  }
0x672: {  	v0 =	vadd.f32 v15, v0  }
0x673: {  	v18 =	vld [tilespmem:$0x1F620]  }
0x674: {  	v0 =	vadd.f32 v16, v0  }
0x675: {  	v19 =	vld [tilespmem:$0x1F630]  }
0x676: {  	v0 =	vadd.f32 v17, v0  }
0x677: {  	v20 =	vld [tilespmem:$0x1F640]  }
0x678: {  	v0 =	vadd.f32 v18, v0  }
0x679: {  	v21 =	vld [tilespmem:$0x1F650]  }
0x67a: {  	v0 =	vadd.f32 v19, v0  }
0x67b: {  	v22 =	vld [tilespmem:$0x1F660]  }
0x67c: {  	v0 =	vadd.f32 v20, v0  }
0x67d: {  	v23 =	vld [tilespmem:$0x1F670]  }
0x67e: {  	v0 =	vadd.f32 v21, v0  }
0x67f: {  	v24 =	vld [tilespmem:$0x1F680]  }
0x680: {  	v0 =	vadd.f32 v22, v0  }
0x681: {  	v25 =	vld [tilespmem:$0x1F690]  }
0x682: {  	v0 =	vadd.f32 v23, v0  }
0x683: {  	v26 =	vld [tilespmem:$0x1F6A0]  }
0x684: {  	v0 =	vadd.f32 v24, v0  }
0x685: {  	v27 =	vld [tilespmem:$0x1F6B0]  }
0x686: {  	v0 =	vadd.f32 v25, v0  }
0x687: {  	v42 =	vld [tilespmem:$0x1F540]  }
0x688: {  	v0 =	vadd.f32 v26, v0  }
0x689: {  	v44 =	vld [tilespmem:$0x1F3D0]  }
0x68a: {  	v0 =	vadd.f32 v27, v0  }
0x68b: {  	v45 =	vld [tilespmem:$0x1F3E0]  }
0x68c: {  	v0 =	vadd.f32 v42, v0  }
0x68d: {  	v8 =	vld [tilespmem:$0x1F3F0]  }
0x68e: {  	v0 =	vadd.f32 v44, v0  }
0x68f: {  	v9 =	vld [tilespmem:$0x1F400]  }
0x690: {  	v0 =	vadd.f32 v45, v0  }
0x691: {  	v10 =	vld [tilespmem:$0x1F410]  }
0x692: {  	v0 =	vadd.f32 v8, v0  }
0x693: {  	v11 =	vld [tilespmem:$0x1F420]  }
0x694: {  	v0 =	vadd.f32 v9, v0  }
0x695: {  	v12 =	vld [tilespmem:$0x1F430]  }
0x696: {  	v0 =	vadd.f32 v10, v0  }
0x697: {  	v13 =	vld [tilespmem:$0x1F440]  }
0x698: {  	v0 =	vadd.f32 v11, v0  }
0x699: {  	v14 =	vld [tilespmem:$0x1F450]  }
0x69a: {  	v0 =	vadd.f32 v12, v0  }
0x69b: {  	v15 =	vld [tilespmem:$0x1F460]  }
0x69c: {  	v0 =	vadd.f32 v13, v0  }
0x69d: {  	v16 =	vld [tilespmem:$0x1F470]  }
0x69e: {  	v0 =	vadd.f32 v14, v0  }
0x69f: {  	v17 =	vld [tilespmem:$0x1F480]  }
0x6a0: {  	v0 =	vadd.f32 v15, v0  }
0x6a1: {  	v18 =	vld [tilespmem:$0x1F490]  }
0x6a2: {  	v0 =	vadd.f32 v16, v0  }
0x6a3: {  	v19 =	vld [tilespmem:$0x1F4A0]  }
0x6a4: {  	v0 =	vadd.f32 v17, v0  }
0x6a5: {  	v20 =	vld [tilespmem:$0x1F4B0]  }
0x6a6: {  	v0 =	vadd.f32 v18, v0  }
0x6a7: {  	v21 =	vld [tilespmem:$0x1F4C0]  }
0x6a8: {  	v0 =	vadd.f32 v19, v0  }
0x6a9: {  	v22 =	vld [tilespmem:$0x1F4D0]  }
0x6aa: {  	v0 =	vadd.f32 v20, v0  }
0x6ab: {  	v23 =	vld [tilespmem:$0x1F4E0]  }
0x6ac: {  	v0 =	vadd.f32 v21, v0  }
0x6ad: {  	v24 =	vld [tilespmem:$0x1F4F0]  }
0x6ae: {  	v0 =	vadd.f32 v22, v0  }
0x6af: {  	v25 =	vld [tilespmem:$0x1F500]  }
0x6b0: {  	v0 =	vadd.f32 v23, v0  }
0x6b1: {  	v26 =	vld [tilespmem:$0x1F510]  }
0x6b2: {  	v0 =	vadd.f32 v24, v0  }
0x6b3: {  	v27 =	vld [tilespmem:$0x1F520]  }
0x6b4: {  	v0 =	vadd.f32 v25, v0  }
0x6b5: {  	v42 =	vld [tilespmem:$0x1F530]  }
0x6b6: {  	v0 =	vadd.f32 v26, v0  }
0x6b7: {  	v44 =	vld [tilespmem:$0x1F3C0]  }
0x6b8: {  	v0 =	vadd.f32 v27, v0  }
0x6b9: {  	v45 =	vld [tilespmem:$0x1F250]  }
0x6ba: {  	v0 =	vadd.f32 v42, v0  }
0x6bb: {  	v8 =	vld [tilespmem:$0x1F260]  }
0x6bc: {  	v0 =	vadd.f32 v44, v0  }
0x6bd: {  	v9 =	vld [tilespmem:$0x1F270]  }
0x6be: {  	v0 =	vadd.f32 v45, v0  }
0x6bf: {  	v10 =	vld [tilespmem:$0x1F280]  }
0x6c0: {  	v0 =	vadd.f32 v8, v0  }
0x6c1: {  	v11 =	vld [tilespmem:$0x1F290]  }
0x6c2: {  	v0 =	vadd.f32 v9, v0  }
0x6c3: {  	v12 =	vld [tilespmem:$0x1F2A0]  }
0x6c4: {  	v0 =	vadd.f32 v10, v0  }
0x6c5: {  	v13 =	vld [tilespmem:$0x1F2B0]  }
0x6c6: {  	v0 =	vadd.f32 v11, v0  }
0x6c7: {  	v14 =	vld [tilespmem:$0x1F2C0]  }
0x6c8: {  	v0 =	vadd.f32 v12, v0  }
0x6c9: {  	v15 =	vld [tilespmem:$0x1F2D0]  }
0x6ca: {  	v0 =	vadd.f32 v13, v0  }
0x6cb: {  	v16 =	vld [tilespmem:$0x1F2E0]  }
0x6cc: {  	v0 =	vadd.f32 v14, v0  }
0x6cd: {  	v17 =	vld [tilespmem:$0x1F2F0]  }
0x6ce: {  	v0 =	vadd.f32 v15, v0  }
0x6cf: {  	v18 =	vld [tilespmem:$0x1F300]  }
0x6d0: {  	v0 =	vadd.f32 v16, v0  }
0x6d1: {  	v19 =	vld [tilespmem:$0x1F310]  }
0x6d2: {  	v0 =	vadd.f32 v17, v0  }
0x6d3: {  	v20 =	vld [tilespmem:$0x1F320]  }
0x6d4: {  	v0 =	vadd.f32 v18, v0  }
0x6d5: {  	v21 =	vld [tilespmem:$0x1F330]  }
0x6d6: {  	v0 =	vadd.f32 v19, v0  }
0x6d7: {  	v22 =	vld [tilespmem:$0x1F340]  }
0x6d8: {  	v0 =	vadd.f32 v20, v0  }
0x6d9: {  	v23 =	vld [tilespmem:$0x1F350]  }
0x6da: {  	v0 =	vadd.f32 v21, v0  }
0x6db: {  	v24 =	vld [tilespmem:$0x1F360]  }
0x6dc: {  	v0 =	vadd.f32 v22, v0  }
0x6dd: {  	v25 =	vld [tilespmem:$0x1F370]  }
0x6de: {  	v0 =	vadd.f32 v23, v0  }
0x6df: {  	v26 =	vld [tilespmem:$0x1F380]  }
0x6e0: {  	v0 =	vadd.f32 v24, v0  }
0x6e1: {  	v27 =	vld [tilespmem:$0x1F390]  }
0x6e2: {  	v0 =	vadd.f32 v25, v0  }
0x6e3: {  	v42 =	vld [tilespmem:$0x1F3A0]  }
0x6e4: {  	v0 =	vadd.f32 v26, v0  }
0x6e5: {  	v44 =	vld [tilespmem:$0x1F3B0]  }
0x6e6: {  	v0 =	vadd.f32 v27, v0  }
0x6e7: {  	v45 =	vld [tilespmem:$0x1F240]  }
0x6e8: {  	v0 =	vadd.f32 v42, v0;
	_ =	sdelay $0x1  }
0x6e9: {  	v0 =	vadd.f32 v44, v0;
	_ =	sdelay $0x1  }
0x6ea: {  	v0 =	vadd.f32 v45, v0;
	_ =	sdelay $0x1  }
0x6eb: {  	v0 =	vadd.f32 v46, v0;
	_ =	sdelay $0x1  }
0x6ec: {  	v0 =	vadd.f32 v47, v0;
	_ =	sdelay $0x1  }
0x6ed: {  	v0 =	vadd.f32 v49, v0;
	_ =	sdelay $0x1  }
0x6ee: {  	v0 =	vadd.f32 v50, v0;
	_ =	sdelay $0x1  }
0x6ef: {  	v7 =	vld [tilespmem:s16+$0x10];
	v0 =	vadd.f32 v51, v0;
	_ =	sdelay $0x1  }
0x6f0: {  	v6 =	vld [tilespmem:s16+$0x0];
	v1 =	vadd.f32 v58, v1;
	v0 =	vadd.f32 v48, v0  }
0x6f1: {  	v8 =	vadd.f32 v57, v62;
	v57 =	vld [tilespmem:s16+$0x20]  }
0x6f2: {  	[tilespmem:s16+$0xFFFFFFF0] =	vst v1;
	v51 =	vnsel vm1, $0x0, v59;
	v59 =	vadd.f32 v56, v61;
	v0 =	vadd.f32 v2, v0  }
0x6f3: {  	[tilespmem:s16+$0xFFFFFFD0] =	vst v8;
	v61 =	vadd.f32 v54, v7  }
0x6f4: {  	v4 =	vadd.f32 v51, v60;
	[tilespmem:s16+$0xFFFFFFE0] =	vst v59;
	v0 =	vadd.f32 v3, v0  }
0x6f5: {  	v62 =	vnsel vm0, $0x0, v55;
	v60 =	vadd.f32 v53, v6;
	[tilespmem:s21+$0x10] =	vst v61  }
0x6f6: {  	[tilespmem:s16+$0xFFFFFFC0] =	vst v4;
	s16 =	sadd.s32 @!p0 s30, s3;
	v2 =	vadd.f32 v62, v57;
	v0 =	vadd.f32 v43, v0  }
0x6f7: {  	s23 =	simm.s32 @!p0 $0x400;
	[tilespmem:s21+$0x0] =	vst v60;
	s16 =	sshrl.u32 @!p0 s16, $0x3  }
0x6f8: {  	s26 =	simm.s32 @!p0 $0xD300;
	s16 =	sadd.s32 @!p0 s2, s16;
	[tilespmem:s21+$0x20] =	vst v2;
	s21 =	simm.s32 @!p0 $0x80;
	v0 =	vadd.f32 v5, v0  }
0x6f9: {  	[tilespmem:s26], [sflag:$0x7] =	stream.strided.gather @!p0 [hbm4b:s16+s21], $0x2700, s23, s21, $0x38;
	[tilespmem:$0x1A800] =	vst v63  }
0x6fa: {  	s16 =	sadd.s32 @!p0 s31, s3;
	v0 =	vadd.f32 v41, v0  }
0x6fb: {  	s16 =	sshrl.u32 @!p0 s16, $0x3  }
0x6fc: {  	s26 =	simm.s32 @!p0 $0xFA00;
	s16 =	sadd.s32 @!p0 s2, s16;
	v0 =	vadd.f32 v40, v0  }
0x6fd: {  	[tilespmem:s26], [sflag:$0x8] =	stream.strided.gather @!p0 [hbm4b:s16+s21], $0x2700, s23, s21, $0x38;
	[tilespmem:$0x1A800] =	vst v63  }
0x6fe: {  	s16 =	sadd.s32 @!p0 s0, s3;
	v0 =	vadd.f32 v39, v0  }
0x6ff: {  	s16 =	sshrl.u32 @!p0 s16, $0x3  }
0x700: {  	s26 =	simm.s32 @!p0 $0x12100;
	s16 =	sadd.s32 @!p0 s2, s16;
	v0 =	vadd.f32 v38, v0  }
0x701: {  	[tilespmem:s26], [sflag:$0x9] =	stream.strided.gather @!p0 [hbm4b:s16+s21], $0x2700, s23, s21, $0x38;
	[tilespmem:$0x1A800] =	vst v63  }
0x702: {  	s16 =	sadd.s32 @!p0 s4, s3;
	v0 =	vadd.f32 v37, v0  }
0x703: {  	s3 =	sadd.s32 @!p0 s8, s3;
	s16 =	sshrl.u32 @!p0 s16, $0x3  }
0x704: {  	s26 =	simm.s32 @!p0 $0x14800;
	s3 =	sshrl.u32 @!p0 s3, $0x3;
	s16 =	sadd.s32 @!p0 s2, s16;
	v0 =	vadd.f32 v36, v0  }
0x705: {  	[tilespmem:s26], [sflag:$0xA] =	stream.strided.gather @!p0 [hbm4b:s16+s21], $0x2700, s23, s21, $0x38;
	[tilespmem:$0x1A800] =	vst v63  }
0x706: {  	s3 =	sadd.s32 @!p0 s2, s3;
	s16 =	simm.s32 @!p0 $0x16F00;
	v0 =	vadd.f32 v35, v0  }
0x707: {  	[tilespmem:s16], [sflag:$0xB] =	stream.strided.gather @!p0 [hbm4b:s3+s21], $0x2700, s23, s21, $0x38;
	[tilespmem:$0x1A800] =	vst v63  }
0x708: {  	s3 =	sshll.u32 @!p0 s1, $0xC;
	v0 =	vadd.f32 v34, v0  }
0x709: {  	s3 =	sor.u32 @!p0 s3, s7  }
0x70a: {  	s3 =	sor.u32 @!p0 s28, s3;
	v0 =	vadd.f32 v33, v0  }
0x70b: {  	s16 =	rddreg [dreg:$0x2];
	s3 =	sshrl.u32 @!p0 s3, $0x3  }
0x70c: {  	s3 =	sadd.s32 @!p0 s16, s3;
	s16 =	simm.s32 @!p0 $0x19600;
	v0 =	vadd.f32 v31, v0  }
0x70d: {  	[tilespmem:s16], [sflag:$0xC] =	stream.strided.gather @!p0 [hbm4b:s3+s21], $0x100, s23, s21, $0x38;
	[tilespmem:$0x1A800] =	vst v63  }
0x70e: {  	s3 =	sshll.u32 @!p0 s1, $0x4;
	v0 =	vadd.f32 v32, v0  }
0x70f: {  	s1 =	sshll.u32 @!p0 s1, $0x9;
	s16 =	rddreg [dreg:$0x0];
	s3 =	sand.u32 @!p0 $0x70, s3  }
0x710: {  	s1 =	sand.u32 @!p0 $0xFFFF000, s1;
	s3 =	sadd.s32 @!p0 s16, s3;
	v0 =	vadd.f32 v30, v0  }
0x711: {  	s1 =	sadd.s32 @!p0 s1, s3;
	s3 =	simm.s32 @!p0 $0x0  }
0x712: {  	[tilespmem:s3], [sflag:$0x1] =	stream.strided.gather @!p0 [hbm4b:s1+s21], $0x1000, s23, s21, $0x38;
	v0 =	vadd.f32 v29, v0;
	[tilespmem:$0x1A800] =	vst v63  }
0x713: {  	p0 =	sne.s32 s6, $0xD  }
.Ltmp14:
0x714: {  	v0 =	vadd.f32 v28, v0;
	(pc) =	sbr.rel @p0 .LBB2_4-.Ltmp14, $4  }
0x715: {  	_ = 	snop  }
0x716: {  	s26 =	sshll.u32 s10, $0x4;
	v0 =	vadd.f32 v52, v0  }
0x717: {  	s1 =	sand.u32 $0x3FFFFFF0, s26  }
0x718: {  	s10 =	smov.u32 s6;
	[tilespmem:s1+$0x1A700] =	vst v0  }
0x719: {  	s1 =	rddreg [dreg:$0x16]  }
0x71a: {  	s6 =	simm.s32 $0x80;
	s3 =	simm.s32 $0x400;
	s10 =	simm.s32 $0x19700  }
0x71b: {  	[hbm4b:s1+s6] =	stream.strided.scatter [tilespmem:s10], [sflag:$0xD], $0x1000, s3, s6, $0x38;
	[tilespmem:$0x1A800] =	vst v63  }
0x71c: {  	s10 =	simm.s32 $0xD  }
0x71d: {  	_ =	swait.ge [sflag:s10], $0x1000  }
0x71e: {  	[sflag:s10] =	ssyncset.done $0x0  }
0x71f: {  	s16 =	simm.s32 $0x1A700;
	s21 =	rddreg [dreg:$0x14];
	[sflag:s10] =	ssyncadd.s32 $0xFFFFF000  }
0x720: {  	[hbm4b:s21+s6] =	stream.strided.scatter [tilespmem:s16], [sflag:$0xD], $0x100, s3, s6, $0x38;
	[tilespmem:$0x1A800] =	vst v63  }
0x721: {  	_ =	swait.ge [sflag:s10], $0x100  }
0x722: {  	s23 =	rddreg [dreg:$0x5]  }
0x723: {  	s26 =	rddreg [dreg:$0x17];
	s1 =	sadd.s32 $0x1, s23  }
0x724: {  	p0 =	sne.s32 s1, s26  }
.Ltmp15:
0x725: {  	_ = 	snop;
	(pc) =	sbr.rel @p0 .LBB2_1-.Ltmp15, $3  }
0x726: {  	_ =	sdelay $0x1  }
0x727: {  	[sflag:s10] =	ssyncset.done $0x0  }
0x728: {  	[sflag:s10] =	ssyncadd.s32 $0xFFFFFF00;
	[dreg:$0x5] =	wrdreg s1  }
0x729: {  	_ =	sfence.sel $0x180000  }
0x72a: {  	[bflag:$0x0] =	sbarrier.arrive $0xFFFF  }
0x72b: {  	_ =	strace $0x90000047  }
0x72c: {  	s0 =	stileid.u32;
	[bflag:$0x2] =	sbarrier.arrive $0xFFFF  }
0x72d: {  	p0 =	sne.s32 s0, $0x0;
	s0 =	rddreg [dreg:$0x4]  }
0x72e: {  	s0 =	sadd.s32 @!p0 $0x100000, s0  }
0x72f: {  	[sflag:s0] =	ssyncadd.tile.s32 @!p0 $0x1;
	_ =	shalt  }
.Lfunc_end2:
_tile_overlayer_lowered:
.L_overlay_start_2:
0x730: {  	(tag) =	ssettag $0x2  }
0x731: {  	s0 =	rddreg [dreg:$0x0];
	s2 =	stileid.u32  }
0x732: {  	s1 =	rddreg [dreg:$0x1];
	p0 =	sne.s32 s2, $0x0  }
0x733: {  	s3 =	rddreg [dreg:$0x2];
	[bflag:$0x3] =	sbarrier.arrive $0xFFFF;
	s2 =	simm.s32 @!p0 $0x1C0D  }
0x734: {  	[timem:s3], [sflag:s2] =	dma.local @!p0 [hbm:s0], s1  }
0x735: {  	s0 =	simm.s32 @!p0 $0xD  }
0x736: {  	_ =	swait.ge @!p0 [sflag:s0], s1  }
0x737: {  	s1 =	ssub.s32 @!p0 $0x0, s1;
	[sflag:s0] =	ssyncset.done @!p0 $0x0  }
0x738: {  	[sflag:s0] =	ssyncadd.s32 @!p0 s1  }
0x739: {  	[bflag:$0x3] =	sbarrier.arrive $0xFFFF  }
0x73a: {  	_ =	shalt  }

</sc_bundles>
